<compile_context>
chip_gen: v7x
topology: tpu7x:2x2x1
jax: 0.10.2.dev20260603
libtpu: 0.0.44.dev20260713+nightly
codegen_flags: <defaults>
</compile_context>

<pallas_src>
import jax
import jax.numpy as jnp
from jax import lax
from jax.experimental import pallas as pl
from jax.experimental.pallas import tpu as pltpu
from jax.experimental.pallas import tpu_sc as plsc

RANGE = 15
GRANU = 16
L = RANGE * GRANU
N_TOTAL = 16 * 256 * 56 * 56
NC, NS = 2, 16
NW = NC * NS
PER_W = N_TOTAL // NW
CHUNK = 8192
NB = 3
NCH = PER_W // CHUNK
ROUNDS = NCH // NB
TAIL = NCH - ROUNDS * NB
VPC = CHUNK // 16


def _take(v, idx):
    return v.at[idx].get(mode="promise_in_bounds")


def _tec_body(x_hbm, tab_hbm, slog_hbm, out_hbm,
              tab_v, d_v, misc_v, in0, in1, in2, out0, out1, out2,
              si0, si1, si2, so0, so1, so2):
    cid = lax.axis_index("c")
    sid = lax.axis_index("s")
    wid = cid * NS + sid
    base = wid * PER_W

    ins = (in0, in1, in2)
    outs = (out0, out1, out2)
    isems = (si0, si1, si2)
    osems = (so0, so1, so2)

    def in_copy(g, b):
        return pltpu.make_async_copy(
            x_hbm.at[pl.ds(base + g * CHUNK, CHUNK)], ins[b], isems[b])

    def out_copy(g, b):
        return pltpu.make_async_copy(
            outs[b], out_hbm.at[pl.ds(base + g * CHUNK, CHUNK)], osems[b])

    for b in range(NB):
        in_copy(b, b).start()

    pltpu.sync_copy(slog_hbm, misc_v)
    pltpu.sync_copy(tab_hbm, tab_v)

    slog = misc_v[...]
    scale = jnp.exp(slog)
    inv240 = 240.0 / scale
    sc15 = scale / float(RANGE)

    zero = jnp.zeros((16,), jnp.float32)
    for r in range(16):
        d_v[pl.ds(16 * r, 16)] = zero
    iota = lax.iota(jnp.int32, 16)
    lane15 = jnp.full((16,), 15, jnp.int32)
    carry = jnp.zeros((16,), jnp.float32)
    for r in range(RANGE):
        v = tab_v[r]
        e = jnp.exp(v)
        s = e
        for k in (1, 2, 4, 8):
            s = s + _take(s, iota ^ k)
        p = e / s
        csum = p
        for k in (1, 2, 4, 8):
            shifted = _take(csum, jnp.maximum(iota - k, 0))
            csum = csum + jnp.where(iota >= k, shifted, 0.0)
        plsc.store_scatter(d_v, [iota + (16 * r + 1)], (carry + csum) * sc15)
        carry = carry + _take(csum, lane15)

    magic = jnp.full((16,), 8388608.0, jnp.float32)

    def compute(b):
        inb = ins[b]
        outb = outs[b]

        @plsc.parallel_loop(0, VPC, step=1, unroll=8)
        def _(i):
            off = i * 16
            xv = inb[pl.ds(off, 16)]
            u = xv * inv240
            u = jnp.minimum(u, 240.0)
            u = jnp.maximum(u, 0.0)
            ji = plsc.bitcast(u + magic, jnp.int32) - 0x4B000000
            outb[pl.ds(off, 16)] = plsc.load_gather(d_v, [ji])

    def outer(k, _):
        for b in range(NB):
            g = NB * k + b
            in_copy(g, b).wait()

            @pl.when(k > 0)
            def _():
                out_copy(g - NB, b).wait()

            compute(b)
            out_copy(g, b).start()

            if b < TAIL:
                in_copy(g + NB, b).start()
            else:
                @pl.when(k < ROUNDS - 1)
                def _():
                    in_copy(g + NB, b).start()

        return 0

    lax.fori_loop(0, ROUNDS, outer, 0)
    for b in range(TAIL):
        g = NB * ROUNDS + b
        in_copy(g, b).wait()
        out_copy(g - NB, b).wait()
        compute(b)
        out_copy(g, b).start()
    for i in range(NB):
        g = NCH - NB + i
        out_copy(g, g % NB).wait()


@jax.jit
def kernel(x, table, scale_log):
    mesh = plsc.VectorSubcoreMesh(core_axis_name="c", subcore_axis_name="s")
    k = pl.kernel(
        _tec_body,
        out_type=jax.ShapeDtypeStruct((N_TOTAL,), jnp.float32),
        mesh=mesh,
        compiler_params=pltpu.CompilerParams(needs_layout_passes=False),
        scratch_types=[
            pltpu.VMEM((RANGE, GRANU), jnp.float32),
            pltpu.VMEM((256,), jnp.float32),
            pltpu.VMEM((16,), jnp.float32),
        ] + [pltpu.VMEM((CHUNK,), jnp.float32)] * (2 * NB)
          + [pltpu.SemaphoreType.DMA] * (2 * NB),
    )
    slog16 = jnp.full((16,), scale_log, jnp.float32)
    x6 = x.reshape(16, 2, 128, 56, 7, 8)
    xp = x6.transpose(0, 3, 4, 1, 5, 2).reshape(-1)
    out = k(xp, table, slog16)
    o6 = out.reshape(16, 56, 7, 2, 8, 128)
    return o6.transpose(0, 3, 5, 1, 2, 4).reshape(x.shape)

# --- scband reference (transcript-rebuilt; emitter-appended) ---
"""Pipeline reference for scband-quant-lookup-4707284156810 (READ-ONLY COPY).

The authoritative reference and input builder live on the scoring server;
editing this copy changes nothing except your own understanding.
"""

import jax, jax.numpy as jnp
import numpy as np

N_BITS = 4
GRANU = 16
RANGE = 2 ** N_BITS - 1  # is_act=True -> range = 2^n_bits - 1 = 15
L = GRANU * RANGE        # 240
TAU = 1.0                # module requires _update_tau before training forward; fixed here


def setup_inputs(seed: int = 0) -> dict:
    key = jax.random.key(seed)
    k1, k2 = jax.random.split(key)
    x = jax.random.normal(k1, (16, 256, 56, 56), dtype=jnp.float32)
    # learned params: table (range, granu); torch inits zeros, small randn keeps math nontrivial
    table = jax.random.normal(k2, (RANGE, GRANU), dtype=jnp.float32) * 0.1
    # first-call scale init: scale.data = log(x.std()*3); scale = exp(scale_param)
    scale_log = jnp.log(jnp.std(x) * 3.0)
    return {"x": x, "table": table, "scale_log": scale_log}


def _forward(x, table, scale_log):
    scale = jnp.exp(scale_log)
    # _gen_table (training path, is_act=True)
    prob = jax.nn.softmax(table / TAU, axis=1).reshape(-1)  # (L,)
    # F.conv1d(prob, T, padding=L-1) with T = step kernel (ones then zeros)
    # reduces exactly to the cumulative sum (CDF) of prob: out[j] = sum_{p<=j} prob[p]
    table_q = jnp.cumsum(prob)  # (L,)
    # is_act: F.pad left by L+1 zeros along the level axis -> length 2L+1
    table_q = jnp.concatenate([jnp.zeros((L + 1,), dtype=prob.dtype), table_q])
    table_q = table_q / RANGE

    # _lookup (training path, is_act=True)
    grid = jnp.clip(x / scale, -1.0, 1.0)
    g = jax.lax.stop_gradient(grid)
    nbins = L + 1  # table_q.numel()//2 + 1
    gmin = jnp.min(g)
    gmax = jnp.max(g)
    span = jnp.where(gmax > gmin, gmax - gmin, jnp.float32(1.0))
    bin_idx = jnp.floor((g - gmin) / span * nbins).astype(jnp.int32)
    bin_idx = jnp.clip(bin_idx, 0, nbins - 1)  # torch.histc puts max value in last bin
    hist = jnp.bincount(bin_idx.reshape(-1), length=nbins).astype(jnp.float32)
    wgt = jnp.sqrt(hist)
    wgt = jnp.concatenate([jnp.zeros((L,), dtype=wgt.dtype), wgt]) + 1e-05  # pad left by L
    numel = float(np.prod(x.shape))
    tq_d = jax.lax.stop_gradient(table_q)
    table_q = tq_d + (table_q - tq_d) / wgt * (numel / nbins)  # grad-rescaling, value unchanged

    # grid_sample(nearest, border) over a (2L+1)-long table == rounded index gather
    s = L  # table_q.shape // 2
    idx = jnp.clip(jnp.round(g * s).astype(jnp.int32) + s, 0, 2 * L)
    x_q = jnp.take(table_q, idx, axis=0)
    # straight-through: (x_q + grid - grid.data) * scale
    x_q = (x_q + grid - g) * scale
    return x_q


def reference(x, table, scale_log):
    return _forward(x, table, scale_log)

if __name__ == "__main__":
    import jax
    _d = setup_inputs()
    print(jax.jit(kernel)(*tuple(_d.values())))

</pallas_src>

<mosaic_0001>
#map = affine_map<(d0, d1) -> (0)>
#map1 = affine_map<(d0, d1) -> (0, 0)>
module attributes {stable_mosaic.version = 14 : i64} {
  func.func @_tec_body(%arg0: i32, %arg1: i32, %arg2: memref<12845056xf32, #tpu.memory_space<hbm>>, %arg3: memref<15x16xf32, #tpu.memory_space<hbm>>, %arg4: memref<16xf32, #tpu.memory_space<hbm>>, %arg5: memref<12845056xf32, #tpu.memory_space<hbm>>, %arg6: memref<15x16xf32, #tpu.memory_space<vmem>>, %arg7: memref<256xf32, #tpu.memory_space<vmem>>, %arg8: memref<16xf32, #tpu.memory_space<vmem>>, %arg9: memref<8192xf32, #tpu.memory_space<vmem>>, %arg10: memref<8192xf32, #tpu.memory_space<vmem>>, %arg11: memref<8192xf32, #tpu.memory_space<vmem>>, %arg12: memref<8192xf32, #tpu.memory_space<vmem>>, %arg13: memref<8192xf32, #tpu.memory_space<vmem>>, %arg14: memref<8192xf32, #tpu.memory_space<vmem>>, %arg15: memref<!tpu.dma_semaphore, #tpu.memory_space<semaphore_mem>>, %arg16: memref<!tpu.dma_semaphore, #tpu.memory_space<semaphore_mem>>, %arg17: memref<!tpu.dma_semaphore, #tpu.memory_space<semaphore_mem>>, %arg18: memref<!tpu.dma_semaphore, #tpu.memory_space<semaphore_mem>>, %arg19: memref<!tpu.dma_semaphore, #tpu.memory_space<semaphore_mem>>, %arg20: memref<!tpu.dma_semaphore, #tpu.memory_space<semaphore_mem>>) attributes {dimension_semantics = [#tpu.dimension_semantics<core_parallel>, #tpu.dimension_semantics<subcore_parallel>], iteration_bounds = array<i64: 2, 16>, scalar_prefetch = 0 : i64, scratch_operands = 15 : i64, tpu.core_type = #tpu.core_type<sc_vector_subcore>, window_params = [{transform_indices = #map}, {transform_indices = #map1}, {transform_indices = #map}, {transform_indices = #map}]} {
    %mul3A = arith.constant 16 : i32
    %mul3A_0 = arith.muli %arg0, %mul3A : i32
    %add3A = arith.addi %mul3A_0, %arg1 : i32
    %mul3A_1 = arith.constant 401408 : i32
    %mul3A_2 = arith.muli %add3A, %mul3A_1 : i32
    %add3A_3 = arith.constant 0 : i32
    %add3A_4 = arith.addi %mul3A_2, %add3A_3 : i32
    %dma_start3A = tpu.memref_slice %arg2[%add3A_4] : memref<12845056xf32, #tpu.memory_space<hbm>> -> memref<8192xf32, #tpu.memory_space<hbm>>
    %dma_start3A_5 = tpu.memref_slice %arg2[%add3A_4] : memref<12845056xf32, #tpu.memory_space<hbm>> -> memref<8192xf32, #tpu.memory_space<hbm>>
    tpu.enqueue_dma source(%dma_start3A_5 : memref<8192xf32, #tpu.memory_space<hbm>>) target(%arg9 : memref<8192xf32, #tpu.memory_space<vmem>>) target_semaphore(%arg15 : memref<!tpu.dma_semaphore, #tpu.memory_space<semaphore_mem>>)
    %add3A_6 = arith.constant 8192 : i32
    %add3A_7 = arith.addi %mul3A_2, %add3A_6 : i32
    %dma_start3A_8 = tpu.memref_slice %arg2[%add3A_7] : memref<12845056xf32, #tpu.memory_space<hbm>> -> memref<8192xf32, #tpu.memory_space<hbm>>
    %dma_start3A_9 = tpu.memref_slice %arg2[%add3A_7] : memref<12845056xf32, #tpu.memory_space<hbm>> -> memref<8192xf32, #tpu.memory_space<hbm>>
    tpu.enqueue_dma source(%dma_start3A_9 : memref<8192xf32, #tpu.memory_space<hbm>>) target(%arg10 : memref<8192xf32, #tpu.memory_space<vmem>>) target_semaphore(%arg16 : memref<!tpu.dma_semaphore, #tpu.memory_space<semaphore_mem>>)
    %add3A_10 = arith.constant 16384 : i32
    %add3A_11 = arith.addi %mul3A_2, %add3A_10 : i32
    %dma_start3A_12 = tpu.memref_slice %arg2[%add3A_11] : memref<12845056xf32, #tpu.memory_space<hbm>> -> memref<8192xf32, #tpu.memory_space<hbm>>
    %dma_start3A_13 = tpu.memref_slice %arg2[%add3A_11] : memref<12845056xf32, #tpu.memory_space<hbm>> -> memref<8192xf32, #tpu.memory_space<hbm>>
    tpu.enqueue_dma source(%dma_start3A_13 : memref<8192xf32, #tpu.memory_space<hbm>>) target(%arg11 : memref<8192xf32, #tpu.memory_space<vmem>>) target_semaphore(%arg17 : memref<!tpu.dma_semaphore, #tpu.memory_space<semaphore_mem>>)
    "tpu.region"() ({
      %run_scoped3A = tpu.sem_alloc : memref<!tpu.dma_semaphore, #tpu.memory_space<semaphore_mem>>
      tpu.enqueue_dma source(%arg4 : memref<16xf32, #tpu.memory_space<hbm>>) target(%arg8 : memref<16xf32, #tpu.memory_space<vmem>>) target_semaphore(%run_scoped3A : memref<!tpu.dma_semaphore, #tpu.memory_space<semaphore_mem>>)
      tpu.wait_dma2 semaphore(%run_scoped3A : memref<!tpu.dma_semaphore, #tpu.memory_space<semaphore_mem>>) src(%arg4 : memref<16xf32, #tpu.memory_space<hbm>>) dst(%arg8 : memref<16xf32, #tpu.memory_space<vmem>>)
      tpu.yield
    }) : () -> ()
    "tpu.region"() ({
      %run_scoped3A = tpu.sem_alloc : memref<!tpu.dma_semaphore, #tpu.memory_space<semaphore_mem>>
      tpu.enqueue_dma source(%arg3 : memref<15x16xf32, #tpu.memory_space<hbm>>) target(%arg6 : memref<15x16xf32, #tpu.memory_space<vmem>>) target_semaphore(%run_scoped3A : memref<!tpu.dma_semaphore, #tpu.memory_space<semaphore_mem>>)
      tpu.wait_dma2 semaphore(%run_scoped3A : memref<!tpu.dma_semaphore, #tpu.memory_space<semaphore_mem>>) src(%arg3 : memref<15x16xf32, #tpu.memory_space<hbm>>) dst(%arg6 : memref<15x16xf32, #tpu.memory_space<vmem>>)
      tpu.yield
    }) : () -> ()
    %get3A = arith.constant 0 : index
    %get3A_14 = tpu.vector_load %arg8[%get3A] {strides = array<i32>} : memref<16xf32, #tpu.memory_space<vmem>>, vector<16xf32>,
    %exp3A = math.exp %get3A_14 : vector<16xf32>
    %div3A = arith.constant 2.400000e+02 : f32
    %div3A_15 = vector.broadcast %div3A : f32 to vector<16xf32>
    %div3A_16 = arith.divf %div3A_15, %exp3A : vector<16xf32>
    %div3A_17 = arith.constant 1.500000e+01 : f32
    %div3A_18 = vector.broadcast %div3A_17 : f32 to vector<16xf32>
    %div3A_19 = arith.divf %exp3A, %div3A_18 : vector<16xf32>
    %broadcast_in_dim3A = arith.constant 0.000000e+00 : f32
    %broadcast_in_dim3A_20 = vector.broadcast %broadcast_in_dim3A : f32 to vector<16xf32>
    %swap3A = arith.constant 0 : index
    %swap3A_21 = tpu.vector_load %arg7[%swap3A] {strides = array<i32>} : memref<256xf32, #tpu.memory_space<vmem>>, vector<16xf32>,
    tpu.vector_store %arg7[%swap3A], %broadcast_in_dim3A_20 {strides = array<i32>} : memref<256xf32, #tpu.memory_space<vmem>>, vector<16xf32>,
    %swap3A_22 = arith.constant 16 : index
    %swap3A_23 = tpu.vector_load %arg7[%swap3A_22] {strides = array<i32>} : memref<256xf32, #tpu.memory_space<vmem>>, vector<16xf32>,
    tpu.vector_store %arg7[%swap3A_22], %broadcast_in_dim3A_20 {strides = array<i32>} : memref<256xf32, #tpu.memory_space<vmem>>, vector<16xf32>,
    %swap3A_24 = arith.constant 32 : index
    %swap3A_25 = tpu.vector_load %arg7[%swap3A_24] {strides = array<i32>} : memref<256xf32, #tpu.memory_space<vmem>>, vector<16xf32>,
    tpu.vector_store %arg7[%swap3A_24], %broadcast_in_dim3A_20 {strides = array<i32>} : memref<256xf32, #tpu.memory_space<vmem>>, vector<16xf32>,
    %swap3A_26 = arith.constant 48 : index
    %swap3A_27 = tpu.vector_load %arg7[%swap3A_26] {strides = array<i32>} : memref<256xf32, #tpu.memory_space<vmem>>, vector<16xf32>,
    tpu.vector_store %arg7[%swap3A_26], %broadcast_in_dim3A_20 {strides = array<i32>} : memref<256xf32, #tpu.memory_space<vmem>>, vector<16xf32>,
    %swap3A_28 = arith.constant 64 : index
    %swap3A_29 = tpu.vector_load %arg7[%swap3A_28] {strides = array<i32>} : memref<256xf32, #tpu.memory_space<vmem>>, vector<16xf32>,
    tpu.vector_store %arg7[%swap3A_28], %broadcast_in_dim3A_20 {strides = array<i32>} : memref<256xf32, #tpu.memory_space<vmem>>, vector<16xf32>,
    %swap3A_30 = arith.constant 80 : index
    %swap3A_31 = tpu.vector_load %arg7[%swap3A_30] {strides = array<i32>} : memref<256xf32, #tpu.memory_space<vmem>>, vector<16xf32>,
    tpu.vector_store %arg7[%swap3A_30], %broadcast_in_dim3A_20 {strides = array<i32>} : memref<256xf32, #tpu.memory_space<vmem>>, vector<16xf32>,
    %swap3A_32 = arith.constant 96 : index
    %swap3A_33 = tpu.vector_load %arg7[%swap3A_32] {strides = array<i32>} : memref<256xf32, #tpu.memory_space<vmem>>, vector<16xf32>,
    tpu.vector_store %arg7[%swap3A_32], %broadcast_in_dim3A_20 {strides = array<i32>} : memref<256xf32, #tpu.memory_space<vmem>>, vector<16xf32>,
    %swap3A_34 = arith.constant 112 : index
    %swap3A_35 = tpu.vector_load %arg7[%swap3A_34] {strides = array<i32>} : memref<256xf32, #tpu.memory_space<vmem>>, vector<16xf32>,
    tpu.vector_store %arg7[%swap3A_34], %broadcast_in_dim3A_20 {strides = array<i32>} : memref<256xf32, #tpu.memory_space<vmem>>, vector<16xf32>,
    %swap3A_36 = arith.constant 128 : index
    %swap3A_37 = tpu.vector_load %arg7[%swap3A_36] {strides = array<i32>} : memref<256xf32, #tpu.memory_space<vmem>>, vector<16xf32>,
    tpu.vector_store %arg7[%swap3A_36], %broadcast_in_dim3A_20 {strides = array<i32>} : memref<256xf32, #tpu.memory_space<vmem>>, vector<16xf32>,
    %swap3A_38 = arith.constant 144 : index
    %swap3A_39 = tpu.vector_load %arg7[%swap3A_38] {strides = array<i32>} : memref<256xf32, #tpu.memory_space<vmem>>, vector<16xf32>,
    tpu.vector_store %arg7[%swap3A_38], %broadcast_in_dim3A_20 {strides = array<i32>} : memref<256xf32, #tpu.memory_space<vmem>>, vector<16xf32>,
    %swap3A_40 = arith.constant 160 : index
    %swap3A_41 = tpu.vector_load %arg7[%swap3A_40] {strides = array<i32>} : memref<256xf32, #tpu.memory_space<vmem>>, vector<16xf32>,
    tpu.vector_store %arg7[%swap3A_40], %broadcast_in_dim3A_20 {strides = array<i32>} : memref<256xf32, #tpu.memory_space<vmem>>, vector<16xf32>,
    %swap3A_42 = arith.constant 176 : index
    %swap3A_43 = tpu.vector_load %arg7[%swap3A_42] {strides = array<i32>} : memref<256xf32, #tpu.memory_space<vmem>>, vector<16xf32>,
    tpu.vector_store %arg7[%swap3A_42], %broadcast_in_dim3A_20 {strides = array<i32>} : memref<256xf32, #tpu.memory_space<vmem>>, vector<16xf32>,
    %swap3A_44 = arith.constant 192 : index
    %swap3A_45 = tpu.vector_load %arg7[%swap3A_44] {strides = array<i32>} : memref<256xf32, #tpu.memory_space<vmem>>, vector<16xf32>,
    tpu.vector_store %arg7[%swap3A_44], %broadcast_in_dim3A_20 {strides = array<i32>} : memref<256xf32, #tpu.memory_space<vmem>>, vector<16xf32>,
    %swap3A_46 = arith.constant 208 : index
    %swap3A_47 = tpu.vector_load %arg7[%swap3A_46] {strides = array<i32>} : memref<256xf32, #tpu.memory_space<vmem>>, vector<16xf32>,
    tpu.vector_store %arg7[%swap3A_46], %broadcast_in_dim3A_20 {strides = array<i32>} : memref<256xf32, #tpu.memory_space<vmem>>, vector<16xf32>,
    %swap3A_48 = arith.constant 224 : index
    %swap3A_49 = tpu.vector_load %arg7[%swap3A_48] {strides = array<i32>} : memref<256xf32, #tpu.memory_space<vmem>>, vector<16xf32>,
    tpu.vector_store %arg7[%swap3A_48], %broadcast_in_dim3A_20 {strides = array<i32>} : memref<256xf32, #tpu.memory_space<vmem>>, vector<16xf32>,
    %swap3A_50 = arith.constant 240 : index
    %swap3A_51 = tpu.vector_load %arg7[%swap3A_50] {strides = array<i32>} : memref<256xf32, #tpu.memory_space<vmem>>, vector<16xf32>,
    tpu.vector_store %arg7[%swap3A_50], %broadcast_in_dim3A_20 {strides = array<i32>} : memref<256xf32, #tpu.memory_space<vmem>>, vector<16xf32>,
    %iota3A = tpu.iota {dimensions = array<i32: 0>} : vector<16xi32>
    %broadcast_in_dim3A_52 = arith.constant 15 : i32
    %broadcast_in_dim3A_53 = vector.broadcast %broadcast_in_dim3A_52 : i32 to vector<16xi32>
    %broadcast_in_dim3A_54 = arith.constant 0.000000e+00 : f32
    %broadcast_in_dim3A_55 = vector.broadcast %broadcast_in_dim3A_54 : f32 to vector<16xf32>
    %get3A_56 = arith.constant 0 : i32
    %get3A_57 = arith.index_cast %get3A_56 : i32 to index
    %get3A_58 = arith.constant 0 : index
    %get3A_59 = tpu.vector_load %arg6[%get3A_57, %get3A_58] {strides = array<i32>} : memref<15x16xf32, #tpu.memory_space<vmem>>, vector<16xf32>,
    %exp3A_60 = math.exp %get3A_59 : vector<16xf32>
    %xor3A = arith.constant 1 : i32
    %xor3A_61 = vector.broadcast %xor3A : i32 to vector<16xi32>
    %xor3A_62 = arith.xori %iota3A, %xor3A_61 : vector<16xi32>
    %lt3A = arith.constant 0 : i32
    %lt3A_63 = vector.broadcast %lt3A : i32 to vector<16xi32>
    %lt3A_64 = arith.cmpi slt, %xor3A_62, %lt3A_63 : vector<16xi32>
    %add3A_65 = arith.constant 16 : i32
    %add3A_66 = vector.broadcast %add3A_65 : i32 to vector<16xi32>
    %add3A_67 = arith.addi %xor3A_62, %add3A_66 : vector<16xi32>
    %select_n3A = arith.select %lt3A_64, %add3A_67, %xor3A_62 : vector<16xi1>, vector<16xi32>
    %broadcast_in_dim3A_68 = vector.shape_cast %select_n3A : vector<16xi32> to vector<16x1xi32>
    %gather3A = vector.shape_cast %broadcast_in_dim3A_68 : vector<16x1xi32> to vector<16xi32>
    %gather3A_69 = tpu.dynamic_gather %exp3A_60[%gather3A] in [0] : vector<16xf32>, vector<16xi32> -> vector<16xf32>
    %add3A_70 = arith.addf %exp3A_60, %gather3A_69 : vector<16xf32>
    %xor3A_71 = arith.constant 2 : i32
    %xor3A_72 = vector.broadcast %xor3A_71 : i32 to vector<16xi32>
    %xor3A_73 = arith.xori %iota3A, %xor3A_72 : vector<16xi32>
    %lt3A_74 = arith.constant 0 : i32
    %lt3A_75 = vector.broadcast %lt3A_74 : i32 to vector<16xi32>
    %lt3A_76 = arith.cmpi slt, %xor3A_73, %lt3A_75 : vector<16xi32>
    %add3A_77 = arith.constant 16 : i32
    %add3A_78 = vector.broadcast %add3A_77 : i32 to vector<16xi32>
    %add3A_79 = arith.addi %xor3A_73, %add3A_78 : vector<16xi32>
    %select_n3A_80 = arith.select %lt3A_76, %add3A_79, %xor3A_73 : vector<16xi1>, vector<16xi32>
    %broadcast_in_dim3A_81 = vector.shape_cast %select_n3A_80 : vector<16xi32> to vector<16x1xi32>
    %gather3A_82 = vector.shape_cast %broadcast_in_dim3A_81 : vector<16x1xi32> to vector<16xi32>
    %gather3A_83 = tpu.dynamic_gather %add3A_70[%gather3A_82] in [0] : vector<16xf32>, vector<16xi32> -> vector<16xf32>
    %add3A_84 = arith.addf %add3A_70, %gather3A_83 : vector<16xf32>
    %xor3A_85 = arith.constant 4 : i32
    %xor3A_86 = vector.broadcast %xor3A_85 : i32 to vector<16xi32>
    %xor3A_87 = arith.xori %iota3A, %xor3A_86 : vector<16xi32>
    %lt3A_88 = arith.constant 0 : i32
    %lt3A_89 = vector.broadcast %lt3A_88 : i32 to vector<16xi32>
    %lt3A_90 = arith.cmpi slt, %xor3A_87, %lt3A_89 : vector<16xi32>
    %add3A_91 = arith.constant 16 : i32
    %add3A_92 = vector.broadcast %add3A_91 : i32 to vector<16xi32>
    %add3A_93 = arith.addi %xor3A_87, %add3A_92 : vector<16xi32>
    %select_n3A_94 = arith.select %lt3A_90, %add3A_93, %xor3A_87 : vector<16xi1>, vector<16xi32>
    %broadcast_in_dim3A_95 = vector.shape_cast %select_n3A_94 : vector<16xi32> to vector<16x1xi32>
    %gather3A_96 = vector.shape_cast %broadcast_in_dim3A_95 : vector<16x1xi32> to vector<16xi32>
    %gather3A_97 = tpu.dynamic_gather %add3A_84[%gather3A_96] in [0] : vector<16xf32>, vector<16xi32> -> vector<16xf32>
    %add3A_98 = arith.addf %add3A_84, %gather3A_97 : vector<16xf32>
    %xor3A_99 = arith.constant 8 : i32
    %xor3A_100 = vector.broadcast %xor3A_99 : i32 to vector<16xi32>
    %xor3A_101 = arith.xori %iota3A, %xor3A_100 : vector<16xi32>
    %lt3A_102 = arith.constant 0 : i32
    %lt3A_103 = vector.broadcast %lt3A_102 : i32 to vector<16xi32>
    %lt3A_104 = arith.cmpi slt, %xor3A_101, %lt3A_103 : vector<16xi32>
    %add3A_105 = arith.constant 16 : i32
    %add3A_106 = vector.broadcast %add3A_105 : i32 to vector<16xi32>
    %add3A_107 = arith.addi %xor3A_101, %add3A_106 : vector<16xi32>
    %select_n3A_108 = arith.select %lt3A_104, %add3A_107, %xor3A_101 : vector<16xi1>, vector<16xi32>
    %broadcast_in_dim3A_109 = vector.shape_cast %select_n3A_108 : vector<16xi32> to vector<16x1xi32>
    %gather3A_110 = vector.shape_cast %broadcast_in_dim3A_109 : vector<16x1xi32> to vector<16xi32>
    %gather3A_111 = tpu.dynamic_gather %add3A_98[%gather3A_110] in [0] : vector<16xf32>, vector<16xi32> -> vector<16xf32>
    %add3A_112 = arith.addf %add3A_98, %gather3A_111 : vector<16xf32>
    %div3A_113 = arith.divf %exp3A_60, %add3A_112 : vector<16xf32>
    %sub3A = arith.constant 1 : i32
    %sub3A_114 = vector.broadcast %sub3A : i32 to vector<16xi32>
    %sub3A_115 = arith.subi %iota3A, %sub3A_114 : vector<16xi32>
    %max3A = arith.constant 0 : i32
    %max3A_116 = vector.broadcast %max3A : i32 to vector<16xi32>
    %max3A_117 = arith.maxsi %sub3A_115, %max3A_116 : vector<16xi32>
    %lt3A_118 = arith.constant 0 : i32
    %lt3A_119 = vector.broadcast %lt3A_118 : i32 to vector<16xi32>
    %lt3A_120 = arith.cmpi slt, %max3A_117, %lt3A_119 : vector<16xi32>
    %add3A_121 = arith.constant 16 : i32
    %add3A_122 = vector.broadcast %add3A_121 : i32 to vector<16xi32>
    %add3A_123 = arith.addi %max3A_117, %add3A_122 : vector<16xi32>
    %select_n3A_124 = arith.select %lt3A_120, %add3A_123, %max3A_117 : vector<16xi1>, vector<16xi32>
    %broadcast_in_dim3A_125 = vector.shape_cast %select_n3A_124 : vector<16xi32> to vector<16x1xi32>
    %gather3A_126 = vector.shape_cast %broadcast_in_dim3A_125 : vector<16x1xi32> to vector<16xi32>
    %gather3A_127 = tpu.dynamic_gather %div3A_113[%gather3A_126] in [0] : vector<16xf32>, vector<16xi32> -> vector<16xf32>
    %ge3A = arith.constant 1 : i32
    %ge3A_128 = vector.broadcast %ge3A : i32 to vector<16xi32>
    %ge3A_129 = arith.cmpi sge, %iota3A, %ge3A_128 : vector<16xi32>
    %jit3A = arith.constant 0.000000e+00 : f32
    %broadcast_in_dim3A_130 = vector.broadcast %jit3A : f32 to vector<16xf32>
    %select_n3A_131 = arith.select %ge3A_129, %gather3A_127, %broadcast_in_dim3A_130 : vector<16xi1>, vector<16xf32>
    %add3A_132 = arith.addf %div3A_113, %select_n3A_131 : vector<16xf32>
    %sub3A_133 = arith.constant 2 : i32
    %sub3A_134 = vector.broadcast %sub3A_133 : i32 to vector<16xi32>
    %sub3A_135 = arith.subi %iota3A, %sub3A_134 : vector<16xi32>
    %max3A_136 = arith.constant 0 : i32
    %max3A_137 = vector.broadcast %max3A_136 : i32 to vector<16xi32>
    %max3A_138 = arith.maxsi %sub3A_135, %max3A_137 : vector<16xi32>
    %lt3A_139 = arith.constant 0 : i32
    %lt3A_140 = vector.broadcast %lt3A_139 : i32 to vector<16xi32>
    %lt3A_141 = arith.cmpi slt, %max3A_138, %lt3A_140 : vector<16xi32>
    %add3A_142 = arith.constant 16 : i32
    %add3A_143 = vector.broadcast %add3A_142 : i32 to vector<16xi32>
    %add3A_144 = arith.addi %max3A_138, %add3A_143 : vector<16xi32>
    %select_n3A_145 = arith.select %lt3A_141, %add3A_144, %max3A_138 : vector<16xi1>, vector<16xi32>
    %broadcast_in_dim3A_146 = vector.shape_cast %select_n3A_145 : vector<16xi32> to vector<16x1xi32>
    %gather3A_147 = vector.shape_cast %broadcast_in_dim3A_146 : vector<16x1xi32> to vector<16xi32>
    %gather3A_148 = tpu.dynamic_gather %add3A_132[%gather3A_147] in [0] : vector<16xf32>, vector<16xi32> -> vector<16xf32>
    %ge3A_149 = arith.constant 2 : i32
    %ge3A_150 = vector.broadcast %ge3A_149 : i32 to vector<16xi32>
    %ge3A_151 = arith.cmpi sge, %iota3A, %ge3A_150 : vector<16xi32>
    %jit3A_152 = arith.constant 0.000000e+00 : f32
    %broadcast_in_dim3A_153 = vector.broadcast %jit3A_152 : f32 to vector<16xf32>
    %select_n3A_154 = arith.select %ge3A_151, %gather3A_148, %broadcast_in_dim3A_153 : vector<16xi1>, vector<16xf32>
    %add3A_155 = arith.addf %add3A_132, %select_n3A_154 : vector<16xf32>
    %sub3A_156 = arith.constant 4 : i32
    %sub3A_157 = vector.broadcast %sub3A_156 : i32 to vector<16xi32>
    %sub3A_158 = arith.subi %iota3A, %sub3A_157 : vector<16xi32>
    %max3A_159 = arith.constant 0 : i32
    %max3A_160 = vector.broadcast %max3A_159 : i32 to vector<16xi32>
    %max3A_161 = arith.maxsi %sub3A_158, %max3A_160 : vector<16xi32>
    %lt3A_162 = arith.constant 0 : i32
    %lt3A_163 = vector.broadcast %lt3A_162 : i32 to vector<16xi32>
    %lt3A_164 = arith.cmpi slt, %max3A_161, %lt3A_163 : vector<16xi32>
    %add3A_165 = arith.constant 16 : i32
    %add3A_166 = vector.broadcast %add3A_165 : i32 to vector<16xi32>
    %add3A_167 = arith.addi %max3A_161, %add3A_166 : vector<16xi32>
    %select_n3A_168 = arith.select %lt3A_164, %add3A_167, %max3A_161 : vector<16xi1>, vector<16xi32>
    %broadcast_in_dim3A_169 = vector.shape_cast %select_n3A_168 : vector<16xi32> to vector<16x1xi32>
    %gather3A_170 = vector.shape_cast %broadcast_in_dim3A_169 : vector<16x1xi32> to vector<16xi32>
    %gather3A_171 = tpu.dynamic_gather %add3A_155[%gather3A_170] in [0] : vector<16xf32>, vector<16xi32> -> vector<16xf32>
    %ge3A_172 = arith.constant 4 : i32
    %ge3A_173 = vector.broadcast %ge3A_172 : i32 to vector<16xi32>
    %ge3A_174 = arith.cmpi sge, %iota3A, %ge3A_173 : vector<16xi32>
    %jit3A_175 = arith.constant 0.000000e+00 : f32
    %broadcast_in_dim3A_176 = vector.broadcast %jit3A_175 : f32 to vector<16xf32>
    %select_n3A_177 = arith.select %ge3A_174, %gather3A_171, %broadcast_in_dim3A_176 : vector<16xi1>, vector<16xf32>
    %add3A_178 = arith.addf %add3A_155, %select_n3A_177 : vector<16xf32>
    %sub3A_179 = arith.constant 8 : i32
    %sub3A_180 = vector.broadcast %sub3A_179 : i32 to vector<16xi32>
    %sub3A_181 = arith.subi %iota3A, %sub3A_180 : vector<16xi32>
    %max3A_182 = arith.constant 0 : i32
    %max3A_183 = vector.broadcast %max3A_182 : i32 to vector<16xi32>
    %max3A_184 = arith.maxsi %sub3A_181, %max3A_183 : vector<16xi32>
    %lt3A_185 = arith.constant 0 : i32
    %lt3A_186 = vector.broadcast %lt3A_185 : i32 to vector<16xi32>
    %lt3A_187 = arith.cmpi slt, %max3A_184, %lt3A_186 : vector<16xi32>
    %add3A_188 = arith.constant 16 : i32
    %add3A_189 = vector.broadcast %add3A_188 : i32 to vector<16xi32>
    %add3A_190 = arith.addi %max3A_184, %add3A_189 : vector<16xi32>
    %select_n3A_191 = arith.select %lt3A_187, %add3A_190, %max3A_184 : vector<16xi1>, vector<16xi32>
    %broadcast_in_dim3A_192 = vector.shape_cast %select_n3A_191 : vector<16xi32> to vector<16x1xi32>
    %gather3A_193 = vector.shape_cast %broadcast_in_dim3A_192 : vector<16x1xi32> to vector<16xi32>
    %gather3A_194 = tpu.dynamic_gather %add3A_178[%gather3A_193] in [0] : vector<16xf32>, vector<16xi32> -> vector<16xf32>
    %ge3A_195 = arith.constant 8 : i32
    %ge3A_196 = vector.broadcast %ge3A_195 : i32 to vector<16xi32>
    %ge3A_197 = arith.cmpi sge, %iota3A, %ge3A_196 : vector<16xi32>
    %jit3A_198 = arith.constant 0.000000e+00 : f32
    %broadcast_in_dim3A_199 = vector.broadcast %jit3A_198 : f32 to vector<16xf32>
    %select_n3A_200 = arith.select %ge3A_197, %gather3A_194, %broadcast_in_dim3A_199 : vector<16xi1>, vector<16xf32>
    %add3A_201 = arith.addf %add3A_178, %select_n3A_200 : vector<16xf32>
    %add3A_202 = arith.constant 1 : i32
    %add3A_203 = vector.broadcast %add3A_202 : i32 to vector<16xi32>
    %add3A_204 = arith.addi %iota3A, %add3A_203 : vector<16xi32>
    %add3A_205 = arith.addf %broadcast_in_dim3A_55, %add3A_201 : vector<16xf32>
    %mul3A_206 = arith.mulf %add3A_205, %div3A_19 : vector<16xf32>
    tpu.vector_store_idx %arg7[%add3A_204], %mul3A_206 : memref<256xf32, #tpu.memory_space<vmem>>[vector<16xi32>], vector<16xf32>,
    %lt3A_207 = arith.constant 0 : i32
    %lt3A_208 = vector.broadcast %lt3A_207 : i32 to vector<16xi32>
    %lt3A_209 = arith.cmpi slt, %broadcast_in_dim3A_53, %lt3A_208 : vector<16xi32>
    %add3A_210 = arith.constant 16 : i32
    %add3A_211 = vector.broadcast %add3A_210 : i32 to vector<16xi32>
    %add3A_212 = arith.addi %broadcast_in_dim3A_53, %add3A_211 : vector<16xi32>
    %select_n3A_213 = arith.select %lt3A_209, %add3A_212, %broadcast_in_dim3A_53 : vector<16xi1>, vector<16xi32>
    %broadcast_in_dim3A_214 = vector.shape_cast %select_n3A_213 : vector<16xi32> to vector<16x1xi32>
    %gather3A_215 = vector.shape_cast %broadcast_in_dim3A_214 : vector<16x1xi32> to vector<16xi32>
    %gather3A_216 = tpu.dynamic_gather %add3A_201[%gather3A_215] in [0] : vector<16xf32>, vector<16xi32> -> vector<16xf32>
    %add3A_217 = arith.addf %broadcast_in_dim3A_55, %gather3A_216 : vector<16xf32>
    %get3A_218 = arith.constant 1 : i32
    %get3A_219 = arith.index_cast %get3A_218 : i32 to index
    %get3A_220 = arith.constant 0 : index
    %get3A_221 = tpu.vector_load %arg6[%get3A_219, %get3A_220] {strides = array<i32>} : memref<15x16xf32, #tpu.memory_space<vmem>>, vector<16xf32>,
    %exp3A_222 = math.exp %get3A_221 : vector<16xf32>
    %xor3A_223 = arith.constant 1 : i32
    %xor3A_224 = vector.broadcast %xor3A_223 : i32 to vector<16xi32>
    %xor3A_225 = arith.xori %iota3A, %xor3A_224 : vector<16xi32>
    %lt3A_226 = arith.constant 0 : i32
    %lt3A_227 = vector.broadcast %lt3A_226 : i32 to vector<16xi32>
    %lt3A_228 = arith.cmpi slt, %xor3A_225, %lt3A_227 : vector<16xi32>
    %add3A_229 = arith.constant 16 : i32
    %add3A_230 = vector.broadcast %add3A_229 : i32 to vector<16xi32>
    %add3A_231 = arith.addi %xor3A_225, %add3A_230 : vector<16xi32>
    %select_n3A_232 = arith.select %lt3A_228, %add3A_231, %xor3A_225 : vector<16xi1>, vector<16xi32>
    %broadcast_in_dim3A_233 = vector.shape_cast %select_n3A_232 : vector<16xi32> to vector<16x1xi32>
    %gather3A_234 = vector.shape_cast %broadcast_in_dim3A_233 : vector<16x1xi32> to vector<16xi32>
    %gather3A_235 = tpu.dynamic_gather %exp3A_222[%gather3A_234] in [0] : vector<16xf32>, vector<16xi32> -> vector<16xf32>
    %add3A_236 = arith.addf %exp3A_222, %gather3A_235 : vector<16xf32>
    %xor3A_237 = arith.constant 2 : i32
    %xor3A_238 = vector.broadcast %xor3A_237 : i32 to vector<16xi32>
    %xor3A_239 = arith.xori %iota3A, %xor3A_238 : vector<16xi32>
    %lt3A_240 = arith.constant 0 : i32
    %lt3A_241 = vector.broadcast %lt3A_240 : i32 to vector<16xi32>
    %lt3A_242 = arith.cmpi slt, %xor3A_239, %lt3A_241 : vector<16xi32>
    %add3A_243 = arith.constant 16 : i32
    %add3A_244 = vector.broadcast %add3A_243 : i32 to vector<16xi32>
    %add3A_245 = arith.addi %xor3A_239, %add3A_244 : vector<16xi32>
    %select_n3A_246 = arith.select %lt3A_242, %add3A_245, %xor3A_239 : vector<16xi1>, vector<16xi32>
    %broadcast_in_dim3A_247 = vector.shape_cast %select_n3A_246 : vector<16xi32> to vector<16x1xi32>
    %gather3A_248 = vector.shape_cast %broadcast_in_dim3A_247 : vector<16x1xi32> to vector<16xi32>
    %gather3A_249 = tpu.dynamic_gather %add3A_236[%gather3A_248] in [0] : vector<16xf32>, vector<16xi32> -> vector<16xf32>
    %add3A_250 = arith.addf %add3A_236, %gather3A_249 : vector<16xf32>
    %xor3A_251 = arith.constant 4 : i32
    %xor3A_252 = vector.broadcast %xor3A_251 : i32 to vector<16xi32>
    %xor3A_253 = arith.xori %iota3A, %xor3A_252 : vector<16xi32>
    %lt3A_254 = arith.constant 0 : i32
    %lt3A_255 = vector.broadcast %lt3A_254 : i32 to vector<16xi32>
    %lt3A_256 = arith.cmpi slt, %xor3A_253, %lt3A_255 : vector<16xi32>
    %add3A_257 = arith.constant 16 : i32
    %add3A_258 = vector.broadcast %add3A_257 : i32 to vector<16xi32>
    %add3A_259 = arith.addi %xor3A_253, %add3A_258 : vector<16xi32>
    %select_n3A_260 = arith.select %lt3A_256, %add3A_259, %xor3A_253 : vector<16xi1>, vector<16xi32>
    %broadcast_in_dim3A_261 = vector.shape_cast %select_n3A_260 : vector<16xi32> to vector<16x1xi32>
    %gather3A_262 = vector.shape_cast %broadcast_in_dim3A_261 : vector<16x1xi32> to vector<16xi32>
    %gather3A_263 = tpu.dynamic_gather %add3A_250[%gather3A_262] in [0] : vector<16xf32>, vector<16xi32> -> vector<16xf32>
    %add3A_264 = arith.addf %add3A_250, %gather3A_263 : vector<16xf32>
    %xor3A_265 = arith.constant 8 : i32
    %xor3A_266 = vector.broadcast %xor3A_265 : i32 to vector<16xi32>
    %xor3A_267 = arith.xori %iota3A, %xor3A_266 : vector<16xi32>
    %lt3A_268 = arith.constant 0 : i32
    %lt3A_269 = vector.broadcast %lt3A_268 : i32 to vector<16xi32>
    %lt3A_270 = arith.cmpi slt, %xor3A_267, %lt3A_269 : vector<16xi32>
    %add3A_271 = arith.constant 16 : i32
    %add3A_272 = vector.broadcast %add3A_271 : i32 to vector<16xi32>
    %add3A_273 = arith.addi %xor3A_267, %add3A_272 : vector<16xi32>
    %select_n3A_274 = arith.select %lt3A_270, %add3A_273, %xor3A_267 : vector<16xi1>, vector<16xi32>
    %broadcast_in_dim3A_275 = vector.shape_cast %select_n3A_274 : vector<16xi32> to vector<16x1xi32>
    %gather3A_276 = vector.shape_cast %broadcast_in_dim3A_275 : vector<16x1xi32> to vector<16xi32>
    %gather3A_277 = tpu.dynamic_gather %add3A_264[%gather3A_276] in [0] : vector<16xf32>, vector<16xi32> -> vector<16xf32>
    %add3A_278 = arith.addf %add3A_264, %gather3A_277 : vector<16xf32>
    %div3A_279 = arith.divf %exp3A_222, %add3A_278 : vector<16xf32>
    %sub3A_280 = arith.constant 1 : i32
    %sub3A_281 = vector.broadcast %sub3A_280 : i32 to vector<16xi32>
    %sub3A_282 = arith.subi %iota3A, %sub3A_281 : vector<16xi32>
    %max3A_283 = arith.constant 0 : i32
    %max3A_284 = vector.broadcast %max3A_283 : i32 to vector<16xi32>
    %max3A_285 = arith.maxsi %sub3A_282, %max3A_284 : vector<16xi32>
    %lt3A_286 = arith.constant 0 : i32
    %lt3A_287 = vector.broadcast %lt3A_286 : i32 to vector<16xi32>
    %lt3A_288 = arith.cmpi slt, %max3A_285, %lt3A_287 : vector<16xi32>
    %add3A_289 = arith.constant 16 : i32
    %add3A_290 = vector.broadcast %add3A_289 : i32 to vector<16xi32>
    %add3A_291 = arith.addi %max3A_285, %add3A_290 : vector<16xi32>
    %select_n3A_292 = arith.select %lt3A_288, %add3A_291, %max3A_285 : vector<16xi1>, vector<16xi32>
    %broadcast_in_dim3A_293 = vector.shape_cast %select_n3A_292 : vector<16xi32> to vector<16x1xi32>
    %gather3A_294 = vector.shape_cast %broadcast_in_dim3A_293 : vector<16x1xi32> to vector<16xi32>
    %gather3A_295 = tpu.dynamic_gather %div3A_279[%gather3A_294] in [0] : vector<16xf32>, vector<16xi32> -> vector<16xf32>
    %ge3A_296 = arith.constant 1 : i32
    %ge3A_297 = vector.broadcast %ge3A_296 : i32 to vector<16xi32>
    %ge3A_298 = arith.cmpi sge, %iota3A, %ge3A_297 : vector<16xi32>
    %jit3A_299 = arith.constant 0.000000e+00 : f32
    %broadcast_in_dim3A_300 = vector.broadcast %jit3A_299 : f32 to vector<16xf32>
    %select_n3A_301 = arith.select %ge3A_298, %gather3A_295, %broadcast_in_dim3A_300 : vector<16xi1>, vector<16xf32>
    %add3A_302 = arith.addf %div3A_279, %select_n3A_301 : vector<16xf32>
    %sub3A_303 = arith.constant 2 : i32
    %sub3A_304 = vector.broadcast %sub3A_303 : i32 to vector<16xi32>
    %sub3A_305 = arith.subi %iota3A, %sub3A_304 : vector<16xi32>
    %max3A_306 = arith.constant 0 : i32
    %max3A_307 = vector.broadcast %max3A_306 : i32 to vector<16xi32>
    %max3A_308 = arith.maxsi %sub3A_305, %max3A_307 : vector<16xi32>
    %lt3A_309 = arith.constant 0 : i32
    %lt3A_310 = vector.broadcast %lt3A_309 : i32 to vector<16xi32>
    %lt3A_311 = arith.cmpi slt, %max3A_308, %lt3A_310 : vector<16xi32>
    %add3A_312 = arith.constant 16 : i32
    %add3A_313 = vector.broadcast %add3A_312 : i32 to vector<16xi32>
    %add3A_314 = arith.addi %max3A_308, %add3A_313 : vector<16xi32>
    %select_n3A_315 = arith.select %lt3A_311, %add3A_314, %max3A_308 : vector<16xi1>, vector<16xi32>
    %broadcast_in_dim3A_316 = vector.shape_cast %select_n3A_315 : vector<16xi32> to vector<16x1xi32>
    %gather3A_317 = vector.shape_cast %broadcast_in_dim3A_316 : vector<16x1xi32> to vector<16xi32>
    %gather3A_318 = tpu.dynamic_gather %add3A_302[%gather3A_317] in [0] : vector<16xf32>, vector<16xi32> -> vector<16xf32>
    %ge3A_319 = arith.constant 2 : i32
    %ge3A_320 = vector.broadcast %ge3A_319 : i32 to vector<16xi32>
    %ge3A_321 = arith.cmpi sge, %iota3A, %ge3A_320 : vector<16xi32>
    %jit3A_322 = arith.constant 0.000000e+00 : f32
    %broadcast_in_dim3A_323 = vector.broadcast %jit3A_322 : f32 to vector<16xf32>
    %select_n3A_324 = arith.select %ge3A_321, %gather3A_318, %broadcast_in_dim3A_323 : vector<16xi1>, vector<16xf32>
    %add3A_325 = arith.addf %add3A_302, %select_n3A_324 : vector<16xf32>
    %sub3A_326 = arith.constant 4 : i32
    %sub3A_327 = vector.broadcast %sub3A_326 : i32 to vector<16xi32>
    %sub3A_328 = arith.subi %iota3A, %sub3A_327 : vector<16xi32>
    %max3A_329 = arith.constant 0 : i32
    %max3A_330 = vector.broadcast %max3A_329 : i32 to vector<16xi32>
    %max3A_331 = arith.maxsi %sub3A_328, %max3A_330 : vector<16xi32>
    %lt3A_332 = arith.constant 0 : i32
    %lt3A_333 = vector.broadcast %lt3A_332 : i32 to vector<16xi32>
    %lt3A_334 = arith.cmpi slt, %max3A_331, %lt3A_333 : vector<16xi32>
    %add3A_335 = arith.constant 16 : i32
    %add3A_336 = vector.broadcast %add3A_335 : i32 to vector<16xi32>
    %add3A_337 = arith.addi %max3A_331, %add3A_336 : vector<16xi32>
    %select_n3A_338 = arith.select %lt3A_334, %add3A_337, %max3A_331 : vector<16xi1>, vector<16xi32>
    %broadcast_in_dim3A_339 = vector.shape_cast %select_n3A_338 : vector<16xi32> to vector<16x1xi32>
    %gather3A_340 = vector.shape_cast %broadcast_in_dim3A_339 : vector<16x1xi32> to vector<16xi32>
    %gather3A_341 = tpu.dynamic_gather %add3A_325[%gather3A_340] in [0] : vector<16xf32>, vector<16xi32> -> vector<16xf32>
    %ge3A_342 = arith.constant 4 : i32
    %ge3A_343 = vector.broadcast %ge3A_342 : i32 to vector<16xi32>
    %ge3A_344 = arith.cmpi sge, %iota3A, %ge3A_343 : vector<16xi32>
    %jit3A_345 = arith.constant 0.000000e+00 : f32
    %broadcast_in_dim3A_346 = vector.broadcast %jit3A_345 : f32 to vector<16xf32>
    %select_n3A_347 = arith.select %ge3A_344, %gather3A_341, %broadcast_in_dim3A_346 : vector<16xi1>, vector<16xf32>
    %add3A_348 = arith.addf %add3A_325, %select_n3A_347 : vector<16xf32>
    %sub3A_349 = arith.constant 8 : i32
    %sub3A_350 = vector.broadcast %sub3A_349 : i32 to vector<16xi32>
    %sub3A_351 = arith.subi %iota3A, %sub3A_350 : vector<16xi32>
    %max3A_352 = arith.constant 0 : i32
    %max3A_353 = vector.broadcast %max3A_352 : i32 to vector<16xi32>
    %max3A_354 = arith.maxsi %sub3A_351, %max3A_353 : vector<16xi32>
    %lt3A_355 = arith.constant 0 : i32
    %lt3A_356 = vector.broadcast %lt3A_355 : i32 to vector<16xi32>
    %lt3A_357 = arith.cmpi slt, %max3A_354, %lt3A_356 : vector<16xi32>
    %add3A_358 = arith.constant 16 : i32
    %add3A_359 = vector.broadcast %add3A_358 : i32 to vector<16xi32>
    %add3A_360 = arith.addi %max3A_354, %add3A_359 : vector<16xi32>
    %select_n3A_361 = arith.select %lt3A_357, %add3A_360, %max3A_354 : vector<16xi1>, vector<16xi32>
    %broadcast_in_dim3A_362 = vector.shape_cast %select_n3A_361 : vector<16xi32> to vector<16x1xi32>
    %gather3A_363 = vector.shape_cast %broadcast_in_dim3A_362 : vector<16x1xi32> to vector<16xi32>
    %gather3A_364 = tpu.dynamic_gather %add3A_348[%gather3A_363] in [0] : vector<16xf32>, vector<16xi32> -> vector<16xf32>
    %ge3A_365 = arith.constant 8 : i32
    %ge3A_366 = vector.broadcast %ge3A_365 : i32 to vector<16xi32>
    %ge3A_367 = arith.cmpi sge, %iota3A, %ge3A_366 : vector<16xi32>
    %jit3A_368 = arith.constant 0.000000e+00 : f32
    %broadcast_in_dim3A_369 = vector.broadcast %jit3A_368 : f32 to vector<16xf32>
    %select_n3A_370 = arith.select %ge3A_367, %gather3A_364, %broadcast_in_dim3A_369 : vector<16xi1>, vector<16xf32>
    %add3A_371 = arith.addf %add3A_348, %select_n3A_370 : vector<16xf32>
    %add3A_372 = arith.constant 17 : i32
    %add3A_373 = vector.broadcast %add3A_372 : i32 to vector<16xi32>
    %add3A_374 = arith.addi %iota3A, %add3A_373 : vector<16xi32>
    %add3A_375 = arith.addf %add3A_217, %add3A_371 : vector<16xf32>
    %mul3A_376 = arith.mulf %add3A_375, %div3A_19 : vector<16xf32>
    tpu.vector_store_idx %arg7[%add3A_374], %mul3A_376 : memref<256xf32, #tpu.memory_space<vmem>>[vector<16xi32>], vector<16xf32>,
    %lt3A_377 = arith.constant 0 : i32
    %lt3A_378 = vector.broadcast %lt3A_377 : i32 to vector<16xi32>
    %lt3A_379 = arith.cmpi slt, %broadcast_in_dim3A_53, %lt3A_378 : vector<16xi32>
    %add3A_380 = arith.constant 16 : i32
    %add3A_381 = vector.broadcast %add3A_380 : i32 to vector<16xi32>
    %add3A_382 = arith.addi %broadcast_in_dim3A_53, %add3A_381 : vector<16xi32>
    %select_n3A_383 = arith.select %lt3A_379, %add3A_382, %broadcast_in_dim3A_53 : vector<16xi1>, vector<16xi32>
    %broadcast_in_dim3A_384 = vector.shape_cast %select_n3A_383 : vector<16xi32> to vector<16x1xi32>
    %gather3A_385 = vector.shape_cast %broadcast_in_dim3A_384 : vector<16x1xi32> to vector<16xi32>
    %gather3A_386 = tpu.dynamic_gather %add3A_371[%gather3A_385] in [0] : vector<16xf32>, vector<16xi32> -> vector<16xf32>
    %add3A_387 = arith.addf %add3A_217, %gather3A_386 : vector<16xf32>
    %get3A_388 = arith.constant 2 : i32
    %get3A_389 = arith.index_cast %get3A_388 : i32 to index
    %get3A_390 = arith.constant 0 : index
    %get3A_391 = tpu.vector_load %arg6[%get3A_389, %get3A_390] {strides = array<i32>} : memref<15x16xf32, #tpu.memory_space<vmem>>, vector<16xf32>,
    %exp3A_392 = math.exp %get3A_391 : vector<16xf32>
    %xor3A_393 = arith.constant 1 : i32
    %xor3A_394 = vector.broadcast %xor3A_393 : i32 to vector<16xi32>
    %xor3A_395 = arith.xori %iota3A, %xor3A_394 : vector<16xi32>
    %lt3A_396 = arith.constant 0 : i32
    %lt3A_397 = vector.broadcast %lt3A_396 : i32 to vector<16xi32>
    %lt3A_398 = arith.cmpi slt, %xor3A_395, %lt3A_397 : vector<16xi32>
    %add3A_399 = arith.constant 16 : i32
    %add3A_400 = vector.broadcast %add3A_399 : i32 to vector<16xi32>
    %add3A_401 = arith.addi %xor3A_395, %add3A_400 : vector<16xi32>
    %select_n3A_402 = arith.select %lt3A_398, %add3A_401, %xor3A_395 : vector<16xi1>, vector<16xi32>
    %broadcast_in_dim3A_403 = vector.shape_cast %select_n3A_402 : vector<16xi32> to vector<16x1xi32>
    %gather3A_404 = vector.shape_cast %broadcast_in_dim3A_403 : vector<16x1xi32> to vector<16xi32>
    %gather3A_405 = tpu.dynamic_gather %exp3A_392[%gather3A_404] in [0] : vector<16xf32>, vector<16xi32> -> vector<16xf32>
    %add3A_406 = arith.addf %exp3A_392, %gather3A_405 : vector<16xf32>
    %xor3A_407 = arith.constant 2 : i32
    %xor3A_408 = vector.broadcast %xor3A_407 : i32 to vector<16xi32>
    %xor3A_409 = arith.xori %iota3A, %xor3A_408 : vector<16xi32>
    %lt3A_410 = arith.constant 0 : i32
    %lt3A_411 = vector.broadcast %lt3A_410 : i32 to vector<16xi32>
    %lt3A_412 = arith.cmpi slt, %xor3A_409, %lt3A_411 : vector<16xi32>
    %add3A_413 = arith.constant 16 : i32
    %add3A_414 = vector.broadcast %add3A_413 : i32 to vector<16xi32>
    %add3A_415 = arith.addi %xor3A_409, %add3A_414 : vector<16xi32>
    %select_n3A_416 = arith.select %lt3A_412, %add3A_415, %xor3A_409 : vector<16xi1>, vector<16xi32>
    %broadcast_in_dim3A_417 = vector.shape_cast %select_n3A_416 : vector<16xi32> to vector<16x1xi32>
    %gather3A_418 = vector.shape_cast %broadcast_in_dim3A_417 : vector<16x1xi32> to vector<16xi32>
    %gather3A_419 = tpu.dynamic_gather %add3A_406[%gather3A_418] in [0] : vector<16xf32>, vector<16xi32> -> vector<16xf32>
    %add3A_420 = arith.addf %add3A_406, %gather3A_419 : vector<16xf32>
    %xor3A_421 = arith.constant 4 : i32
    %xor3A_422 = vector.broadcast %xor3A_421 : i32 to vector<16xi32>
    %xor3A_423 = arith.xori %iota3A, %xor3A_422 : vector<16xi32>
    %lt3A_424 = arith.constant 0 : i32
    %lt3A_425 = vector.broadcast %lt3A_424 : i32 to vector<16xi32>
    %lt3A_426 = arith.cmpi slt, %xor3A_423, %lt3A_425 : vector<16xi32>
    %add3A_427 = arith.constant 16 : i32
    %add3A_428 = vector.broadcast %add3A_427 : i32 to vector<16xi32>
    %add3A_429 = arith.addi %xor3A_423, %add3A_428 : vector<16xi32>
    %select_n3A_430 = arith.select %lt3A_426, %add3A_429, %xor3A_423 : vector<16xi1>, vector<16xi32>
    %broadcast_in_dim3A_431 = vector.shape_cast %select_n3A_430 : vector<16xi32> to vector<16x1xi32>
    %gather3A_432 = vector.shape_cast %broadcast_in_dim3A_431 : vector<16x1xi32> to vector<16xi32>
    %gather3A_433 = tpu.dynamic_gather %add3A_420[%gather3A_432] in [0] : vector<16xf32>, vector<16xi32> -> vector<16xf32>
    %add3A_434 = arith.addf %add3A_420, %gather3A_433 : vector<16xf32>
    %xor3A_435 = arith.constant 8 : i32
    %xor3A_436 = vector.broadcast %xor3A_435 : i32 to vector<16xi32>
    %xor3A_437 = arith.xori %iota3A, %xor3A_436 : vector<16xi32>
    %lt3A_438 = arith.constant 0 : i32
    %lt3A_439 = vector.broadcast %lt3A_438 : i32 to vector<16xi32>
    %lt3A_440 = arith.cmpi slt, %xor3A_437, %lt3A_439 : vector<16xi32>
    %add3A_441 = arith.constant 16 : i32
    %add3A_442 = vector.broadcast %add3A_441 : i32 to vector<16xi32>
    %add3A_443 = arith.addi %xor3A_437, %add3A_442 : vector<16xi32>
    %select_n3A_444 = arith.select %lt3A_440, %add3A_443, %xor3A_437 : vector<16xi1>, vector<16xi32>
    %broadcast_in_dim3A_445 = vector.shape_cast %select_n3A_444 : vector<16xi32> to vector<16x1xi32>
    %gather3A_446 = vector.shape_cast %broadcast_in_dim3A_445 : vector<16x1xi32> to vector<16xi32>
    %gather3A_447 = tpu.dynamic_gather %add3A_434[%gather3A_446] in [0] : vector<16xf32>, vector<16xi32> -> vector<16xf32>
    %add3A_448 = arith.addf %add3A_434, %gather3A_447 : vector<16xf32>
    %div3A_449 = arith.divf %exp3A_392, %add3A_448 : vector<16xf32>
    %sub3A_450 = arith.constant 1 : i32
    %sub3A_451 = vector.broadcast %sub3A_450 : i32 to vector<16xi32>
    %sub3A_452 = arith.subi %iota3A, %sub3A_451 : vector<16xi32>
    %max3A_453 = arith.constant 0 : i32
    %max3A_454 = vector.broadcast %max3A_453 : i32 to vector<16xi32>
    %max3A_455 = arith.maxsi %sub3A_452, %max3A_454 : vector<16xi32>
    %lt3A_456 = arith.constant 0 : i32
    %lt3A_457 = vector.broadcast %lt3A_456 : i32 to vector<16xi32>
    %lt3A_458 = arith.cmpi slt, %max3A_455, %lt3A_457 : vector<16xi32>
    %add3A_459 = arith.constant 16 : i32
    %add3A_460 = vector.broadcast %add3A_459 : i32 to vector<16xi32>
    %add3A_461 = arith.addi %max3A_455, %add3A_460 : vector<16xi32>
    %select_n3A_462 = arith.select %lt3A_458, %add3A_461, %max3A_455 : vector<16xi1>, vector<16xi32>
    %broadcast_in_dim3A_463 = vector.shape_cast %select_n3A_462 : vector<16xi32> to vector<16x1xi32>
    %gather3A_464 = vector.shape_cast %broadcast_in_dim3A_463 : vector<16x1xi32> to vector<16xi32>
    %gather3A_465 = tpu.dynamic_gather %div3A_449[%gather3A_464] in [0] : vector<16xf32>, vector<16xi32> -> vector<16xf32>
    %ge3A_466 = arith.constant 1 : i32
    %ge3A_467 = vector.broadcast %ge3A_466 : i32 to vector<16xi32>
    %ge3A_468 = arith.cmpi sge, %iota3A, %ge3A_467 : vector<16xi32>
    %jit3A_469 = arith.constant 0.000000e+00 : f32
    %broadcast_in_dim3A_470 = vector.broadcast %jit3A_469 : f32 to vector<16xf32>
    %select_n3A_471 = arith.select %ge3A_468, %gather3A_465, %broadcast_in_dim3A_470 : vector<16xi1>, vector<16xf32>
    %add3A_472 = arith.addf %div3A_449, %select_n3A_471 : vector<16xf32>
    %sub3A_473 = arith.constant 2 : i32
    %sub3A_474 = vector.broadcast %sub3A_473 : i32 to vector<16xi32>
    %sub3A_475 = arith.subi %iota3A, %sub3A_474 : vector<16xi32>
    %max3A_476 = arith.constant 0 : i32
    %max3A_477 = vector.broadcast %max3A_476 : i32 to vector<16xi32>
    %max3A_478 = arith.maxsi %sub3A_475, %max3A_477 : vector<16xi32>
    %lt3A_479 = arith.constant 0 : i32
    %lt3A_480 = vector.broadcast %lt3A_479 : i32 to vector<16xi32>
    %lt3A_481 = arith.cmpi slt, %max3A_478, %lt3A_480 : vector<16xi32>
    %add3A_482 = arith.constant 16 : i32
    %add3A_483 = vector.broadcast %add3A_482 : i32 to vector<16xi32>
    %add3A_484 = arith.addi %max3A_478, %add3A_483 : vector<16xi32>
    %select_n3A_485 = arith.select %lt3A_481, %add3A_484, %max3A_478 : vector<16xi1>, vector<16xi32>
    %broadcast_in_dim3A_486 = vector.shape_cast %select_n3A_485 : vector<16xi32> to vector<16x1xi32>
    %gather3A_487 = vector.shape_cast %broadcast_in_dim3A_486 : vector<16x1xi32> to vector<16xi32>
    %gather3A_488 = tpu.dynamic_gather %add3A_472[%gather3A_487] in [0] : vector<16xf32>, vector<16xi32> -> vector<16xf32>
    %ge3A_489 = arith.constant 2 : i32
    %ge3A_490 = vector.broadcast %ge3A_489 : i32 to vector<16xi32>
    %ge3A_491 = arith.cmpi sge, %iota3A, %ge3A_490 : vector<16xi32>
    %jit3A_492 = arith.constant 0.000000e+00 : f32
    %broadcast_in_dim3A_493 = vector.broadcast %jit3A_492 : f32 to vector<16xf32>
    %select_n3A_494 = arith.select %ge3A_491, %gather3A_488, %broadcast_in_dim3A_493 : vector<16xi1>, vector<16xf32>
    %add3A_495 = arith.addf %add3A_472, %select_n3A_494 : vector<16xf32>
    %sub3A_496 = arith.constant 4 : i32
    %sub3A_497 = vector.broadcast %sub3A_496 : i32 to vector<16xi32>
    %sub3A_498 = arith.subi %iota3A, %sub3A_497 : vector<16xi32>
    %max3A_499 = arith.constant 0 : i32
    %max3A_500 = vector.broadcast %max3A_499 : i32 to vector<16xi32>
    %max3A_501 = arith.maxsi %sub3A_498, %max3A_500 : vector<16xi32>
    %lt3A_502 = arith.constant 0 : i32
    %lt3A_503 = vector.broadcast %lt3A_502 : i32 to vector<16xi32>
    %lt3A_504 = arith.cmpi slt, %max3A_501, %lt3A_503 : vector<16xi32>
    %add3A_505 = arith.constant 16 : i32
    %add3A_506 = vector.broadcast %add3A_505 : i32 to vector<16xi32>
    %add3A_507 = arith.addi %max3A_501, %add3A_506 : vector<16xi32>
    %select_n3A_508 = arith.select %lt3A_504, %add3A_507, %max3A_501 : vector<16xi1>, vector<16xi32>
    %broadcast_in_dim3A_509 = vector.shape_cast %select_n3A_508 : vector<16xi32> to vector<16x1xi32>
    %gather3A_510 = vector.shape_cast %broadcast_in_dim3A_509 : vector<16x1xi32> to vector<16xi32>
    %gather3A_511 = tpu.dynamic_gather %add3A_495[%gather3A_510] in [0] : vector<16xf32>, vector<16xi32> -> vector<16xf32>
    %ge3A_512 = arith.constant 4 : i32
    %ge3A_513 = vector.broadcast %ge3A_512 : i32 to vector<16xi32>
    %ge3A_514 = arith.cmpi sge, %iota3A, %ge3A_513 : vector<16xi32>
    %jit3A_515 = arith.constant 0.000000e+00 : f32
    %broadcast_in_dim3A_516 = vector.broadcast %jit3A_515 : f32 to vector<16xf32>
    %select_n3A_517 = arith.select %ge3A_514, %gather3A_511, %broadcast_in_dim3A_516 : vector<16xi1>, vector<16xf32>
    %add3A_518 = arith.addf %add3A_495, %select_n3A_517 : vector<16xf32>
    %sub3A_519 = arith.constant 8 : i32
    %sub3A_520 = vector.broadcast %sub3A_519 : i32 to vector<16xi32>
    %sub3A_521 = arith.subi %iota3A, %sub3A_520 : vector<16xi32>
    %max3A_522 = arith.constant 0 : i32
    %max3A_523 = vector.broadcast %max3A_522 : i32 to vector<16xi32>
    %max3A_524 = arith.maxsi %sub3A_521, %max3A_523 : vector<16xi32>
    %lt3A_525 = arith.constant 0 : i32
    %lt3A_526 = vector.broadcast %lt3A_525 : i32 to vector<16xi32>
    %lt3A_527 = arith.cmpi slt, %max3A_524, %lt3A_526 : vector<16xi32>
    %add3A_528 = arith.constant 16 : i32
    %add3A_529 = vector.broadcast %add3A_528 : i32 to vector<16xi32>
    %add3A_530 = arith.addi %max3A_524, %add3A_529 : vector<16xi32>
    %select_n3A_531 = arith.select %lt3A_527, %add3A_530, %max3A_524 : vector<16xi1>, vector<16xi32>
    %broadcast_in_dim3A_532 = vector.shape_cast %select_n3A_531 : vector<16xi32> to vector<16x1xi32>
    %gather3A_533 = vector.shape_cast %broadcast_in_dim3A_532 : vector<16x1xi32> to vector<16xi32>
    %gather3A_534 = tpu.dynamic_gather %add3A_518[%gather3A_533] in [0] : vector<16xf32>, vector<16xi32> -> vector<16xf32>
    %ge3A_535 = arith.constant 8 : i32
    %ge3A_536 = vector.broadcast %ge3A_535 : i32 to vector<16xi32>
    %ge3A_537 = arith.cmpi sge, %iota3A, %ge3A_536 : vector<16xi32>
    %jit3A_538 = arith.constant 0.000000e+00 : f32
    %broadcast_in_dim3A_539 = vector.broadcast %jit3A_538 : f32 to vector<16xf32>
    %select_n3A_540 = arith.select %ge3A_537, %gather3A_534, %broadcast_in_dim3A_539 : vector<16xi1>, vector<16xf32>
    %add3A_541 = arith.addf %add3A_518, %select_n3A_540 : vector<16xf32>
    %add3A_542 = arith.constant 33 : i32
    %add3A_543 = vector.broadcast %add3A_542 : i32 to vector<16xi32>
    %add3A_544 = arith.addi %iota3A, %add3A_543 : vector<16xi32>
    %add3A_545 = arith.addf %add3A_387, %add3A_541 : vector<16xf32>
    %mul3A_546 = arith.mulf %add3A_545, %div3A_19 : vector<16xf32>
    tpu.vector_store_idx %arg7[%add3A_544], %mul3A_546 : memref<256xf32, #tpu.memory_space<vmem>>[vector<16xi32>], vector<16xf32>,
    %lt3A_547 = arith.constant 0 : i32
    %lt3A_548 = vector.broadcast %lt3A_547 : i32 to vector<16xi32>
    %lt3A_549 = arith.cmpi slt, %broadcast_in_dim3A_53, %lt3A_548 : vector<16xi32>
    %add3A_550 = arith.constant 16 : i32
    %add3A_551 = vector.broadcast %add3A_550 : i32 to vector<16xi32>
    %add3A_552 = arith.addi %broadcast_in_dim3A_53, %add3A_551 : vector<16xi32>
    %select_n3A_553 = arith.select %lt3A_549, %add3A_552, %broadcast_in_dim3A_53 : vector<16xi1>, vector<16xi32>
    %broadcast_in_dim3A_554 = vector.shape_cast %select_n3A_553 : vector<16xi32> to vector<16x1xi32>
    %gather3A_555 = vector.shape_cast %broadcast_in_dim3A_554 : vector<16x1xi32> to vector<16xi32>
    %gather3A_556 = tpu.dynamic_gather %add3A_541[%gather3A_555] in [0] : vector<16xf32>, vector<16xi32> -> vector<16xf32>
    %add3A_557 = arith.addf %add3A_387, %gather3A_556 : vector<16xf32>
    %get3A_558 = arith.constant 3 : i32
    %get3A_559 = arith.index_cast %get3A_558 : i32 to index
    %get3A_560 = arith.constant 0 : index
    %get3A_561 = tpu.vector_load %arg6[%get3A_559, %get3A_560] {strides = array<i32>} : memref<15x16xf32, #tpu.memory_space<vmem>>, vector<16xf32>,
    %exp3A_562 = math.exp %get3A_561 : vector<16xf32>
    %xor3A_563 = arith.constant 1 : i32
    %xor3A_564 = vector.broadcast %xor3A_563 : i32 to vector<16xi32>
    %xor3A_565 = arith.xori %iota3A, %xor3A_564 : vector<16xi32>
    %lt3A_566 = arith.constant 0 : i32
    %lt3A_567 = vector.broadcast %lt3A_566 : i32 to vector<16xi32>
    %lt3A_568 = arith.cmpi slt, %xor3A_565, %lt3A_567 : vector<16xi32>
    %add3A_569 = arith.constant 16 : i32
    %add3A_570 = vector.broadcast %add3A_569 : i32 to vector<16xi32>
    %add3A_571 = arith.addi %xor3A_565, %add3A_570 : vector<16xi32>
    %select_n3A_572 = arith.select %lt3A_568, %add3A_571, %xor3A_565 : vector<16xi1>, vector<16xi32>
    %broadcast_in_dim3A_573 = vector.shape_cast %select_n3A_572 : vector<16xi32> to vector<16x1xi32>
    %gather3A_574 = vector.shape_cast %broadcast_in_dim3A_573 : vector<16x1xi32> to vector<16xi32>
    %gather3A_575 = tpu.dynamic_gather %exp3A_562[%gather3A_574] in [0] : vector<16xf32>, vector<16xi32> -> vector<16xf32>
    %add3A_576 = arith.addf %exp3A_562, %gather3A_575 : vector<16xf32>
    %xor3A_577 = arith.constant 2 : i32
    %xor3A_578 = vector.broadcast %xor3A_577 : i32 to vector<16xi32>
    %xor3A_579 = arith.xori %iota3A, %xor3A_578 : vector<16xi32>
    %lt3A_580 = arith.constant 0 : i32
    %lt3A_581 = vector.broadcast %lt3A_580 : i32 to vector<16xi32>
    %lt3A_582 = arith.cmpi slt, %xor3A_579, %lt3A_581 : vector<16xi32>
    %add3A_583 = arith.constant 16 : i32
    %add3A_584 = vector.broadcast %add3A_583 : i32 to vector<16xi32>
    %add3A_585 = arith.addi %xor3A_579, %add3A_584 : vector<16xi32>
    %select_n3A_586 = arith.select %lt3A_582, %add3A_585, %xor3A_579 : vector<16xi1>, vector<16xi32>
    %broadcast_in_dim3A_587 = vector.shape_cast %select_n3A_586 : vector<16xi32> to vector<16x1xi32>
    %gather3A_588 = vector.shape_cast %broadcast_in_dim3A_587 : vector<16x1xi32> to vector<16xi32>
    %gather3A_589 = tpu.dynamic_gather %add3A_576[%gather3A_588] in [0] : vector<16xf32>, vector<16xi32> -> vector<16xf32>
    %add3A_590 = arith.addf %add3A_576, %gather3A_589 : vector<16xf32>
    %xor3A_591 = arith.constant 4 : i32
    %xor3A_592 = vector.broadcast %xor3A_591 : i32 to vector<16xi32>
    %xor3A_593 = arith.xori %iota3A, %xor3A_592 : vector<16xi32>
    %lt3A_594 = arith.constant 0 : i32
    %lt3A_595 = vector.broadcast %lt3A_594 : i32 to vector<16xi32>
    %lt3A_596 = arith.cmpi slt, %xor3A_593, %lt3A_595 : vector<16xi32>
    %add3A_597 = arith.constant 16 : i32
    %add3A_598 = vector.broadcast %add3A_597 : i32 to vector<16xi32>
    %add3A_599 = arith.addi %xor3A_593, %add3A_598 : vector<16xi32>
    %select_n3A_600 = arith.select %lt3A_596, %add3A_599, %xor3A_593 : vector<16xi1>, vector<16xi32>
    %broadcast_in_dim3A_601 = vector.shape_cast %select_n3A_600 : vector<16xi32> to vector<16x1xi32>
    %gather3A_602 = vector.shape_cast %broadcast_in_dim3A_601 : vector<16x1xi32> to vector<16xi32>
    %gather3A_603 = tpu.dynamic_gather %add3A_590[%gather3A_602] in [0] : vector<16xf32>, vector<16xi32> -> vector<16xf32>
    %add3A_604 = arith.addf %add3A_590, %gather3A_603 : vector<16xf32>
    %xor3A_605 = arith.constant 8 : i32
    %xor3A_606 = vector.broadcast %xor3A_605 : i32 to vector<16xi32>
    %xor3A_607 = arith.xori %iota3A, %xor3A_606 : vector<16xi32>
    %lt3A_608 = arith.constant 0 : i32
    %lt3A_609 = vector.broadcast %lt3A_608 : i32 to vector<16xi32>
    %lt3A_610 = arith.cmpi slt, %xor3A_607, %lt3A_609 : vector<16xi32>
    %add3A_611 = arith.constant 16 : i32
    %add3A_612 = vector.broadcast %add3A_611 : i32 to vector<16xi32>
    %add3A_613 = arith.addi %xor3A_607, %add3A_612 : vector<16xi32>
    %select_n3A_614 = arith.select %lt3A_610, %add3A_613, %xor3A_607 : vector<16xi1>, vector<16xi32>
    %broadcast_in_dim3A_615 = vector.shape_cast %select_n3A_614 : vector<16xi32> to vector<16x1xi32>
    %gather3A_616 = vector.shape_cast %broadcast_in_dim3A_615 : vector<16x1xi32> to vector<16xi32>
    %gather3A_617 = tpu.dynamic_gather %add3A_604[%gather3A_616] in [0] : vector<16xf32>, vector<16xi32> -> vector<16xf32>
    %add3A_618 = arith.addf %add3A_604, %gather3A_617 : vector<16xf32>
    %div3A_619 = arith.divf %exp3A_562, %add3A_618 : vector<16xf32>
    %sub3A_620 = arith.constant 1 : i32
    %sub3A_621 = vector.broadcast %sub3A_620 : i32 to vector<16xi32>
    %sub3A_622 = arith.subi %iota3A, %sub3A_621 : vector<16xi32>
    %max3A_623 = arith.constant 0 : i32
    %max3A_624 = vector.broadcast %max3A_623 : i32 to vector<16xi32>
    %max3A_625 = arith.maxsi %sub3A_622, %max3A_624 : vector<16xi32>
    %lt3A_626 = arith.constant 0 : i32
    %lt3A_627 = vector.broadcast %lt3A_626 : i32 to vector<16xi32>
    %lt3A_628 = arith.cmpi slt, %max3A_625, %lt3A_627 : vector<16xi32>
    %add3A_629 = arith.constant 16 : i32
    %add3A_630 = vector.broadcast %add3A_629 : i32 to vector<16xi32>
    %add3A_631 = arith.addi %max3A_625, %add3A_630 : vector<16xi32>
    %select_n3A_632 = arith.select %lt3A_628, %add3A_631, %max3A_625 : vector<16xi1>, vector<16xi32>
    %broadcast_in_dim3A_633 = vector.shape_cast %select_n3A_632 : vector<16xi32> to vector<16x1xi32>
    %gather3A_634 = vector.shape_cast %broadcast_in_dim3A_633 : vector<16x1xi32> to vector<16xi32>
    %gather3A_635 = tpu.dynamic_gather %div3A_619[%gather3A_634] in [0] : vector<16xf32>, vector<16xi32> -> vector<16xf32>
    %ge3A_636 = arith.constant 1 : i32
    %ge3A_637 = vector.broadcast %ge3A_636 : i32 to vector<16xi32>
    %ge3A_638 = arith.cmpi sge, %iota3A, %ge3A_637 : vector<16xi32>
    %jit3A_639 = arith.constant 0.000000e+00 : f32
    %broadcast_in_dim3A_640 = vector.broadcast %jit3A_639 : f32 to vector<16xf32>
    %select_n3A_641 = arith.select %ge3A_638, %gather3A_635, %broadcast_in_dim3A_640 : vector<16xi1>, vector<16xf32>
    %add3A_642 = arith.addf %div3A_619, %select_n3A_641 : vector<16xf32>
    %sub3A_643 = arith.constant 2 : i32
    %sub3A_644 = vector.broadcast %sub3A_643 : i32 to vector<16xi32>
    %sub3A_645 = arith.subi %iota3A, %sub3A_644 : vector<16xi32>
    %max3A_646 = arith.constant 0 : i32
    %max3A_647 = vector.broadcast %max3A_646 : i32 to vector<16xi32>
    %max3A_648 = arith.maxsi %sub3A_645, %max3A_647 : vector<16xi32>
    %lt3A_649 = arith.constant 0 : i32
    %lt3A_650 = vector.broadcast %lt3A_649 : i32 to vector<16xi32>
    %lt3A_651 = arith.cmpi slt, %max3A_648, %lt3A_650 : vector<16xi32>
    %add3A_652 = arith.constant 16 : i32
    %add3A_653 = vector.broadcast %add3A_652 : i32 to vector<16xi32>
    %add3A_654 = arith.addi %max3A_648, %add3A_653 : vector<16xi32>
    %select_n3A_655 = arith.select %lt3A_651, %add3A_654, %max3A_648 : vector<16xi1>, vector<16xi32>
    %broadcast_in_dim3A_656 = vector.shape_cast %select_n3A_655 : vector<16xi32> to vector<16x1xi32>
    %gather3A_657 = vector.shape_cast %broadcast_in_dim3A_656 : vector<16x1xi32> to vector<16xi32>
    %gather3A_658 = tpu.dynamic_gather %add3A_642[%gather3A_657] in [0] : vector<16xf32>, vector<16xi32> -> vector<16xf32>
    %ge3A_659 = arith.constant 2 : i32
    %ge3A_660 = vector.broadcast %ge3A_659 : i32 to vector<16xi32>
    %ge3A_661 = arith.cmpi sge, %iota3A, %ge3A_660 : vector<16xi32>
    %jit3A_662 = arith.constant 0.000000e+00 : f32
    %broadcast_in_dim3A_663 = vector.broadcast %jit3A_662 : f32 to vector<16xf32>
    %select_n3A_664 = arith.select %ge3A_661, %gather3A_658, %broadcast_in_dim3A_663 : vector<16xi1>, vector<16xf32>
    %add3A_665 = arith.addf %add3A_642, %select_n3A_664 : vector<16xf32>
    %sub3A_666 = arith.constant 4 : i32
    %sub3A_667 = vector.broadcast %sub3A_666 : i32 to vector<16xi32>
    %sub3A_668 = arith.subi %iota3A, %sub3A_667 : vector<16xi32>
    %max3A_669 = arith.constant 0 : i32
    %max3A_670 = vector.broadcast %max3A_669 : i32 to vector<16xi32>
    %max3A_671 = arith.maxsi %sub3A_668, %max3A_670 : vector<16xi32>
    %lt3A_672 = arith.constant 0 : i32
    %lt3A_673 = vector.broadcast %lt3A_672 : i32 to vector<16xi32>
    %lt3A_674 = arith.cmpi slt, %max3A_671, %lt3A_673 : vector<16xi32>
    %add3A_675 = arith.constant 16 : i32
    %add3A_676 = vector.broadcast %add3A_675 : i32 to vector<16xi32>
    %add3A_677 = arith.addi %max3A_671, %add3A_676 : vector<16xi32>
    %select_n3A_678 = arith.select %lt3A_674, %add3A_677, %max3A_671 : vector<16xi1>, vector<16xi32>
    %broadcast_in_dim3A_679 = vector.shape_cast %select_n3A_678 : vector<16xi32> to vector<16x1xi32>
    %gather3A_680 = vector.shape_cast %broadcast_in_dim3A_679 : vector<16x1xi32> to vector<16xi32>
    %gather3A_681 = tpu.dynamic_gather %add3A_665[%gather3A_680] in [0] : vector<16xf32>, vector<16xi32> -> vector<16xf32>
    %ge3A_682 = arith.constant 4 : i32
    %ge3A_683 = vector.broadcast %ge3A_682 : i32 to vector<16xi32>
    %ge3A_684 = arith.cmpi sge, %iota3A, %ge3A_683 : vector<16xi32>
    %jit3A_685 = arith.constant 0.000000e+00 : f32
    %broadcast_in_dim3A_686 = vector.broadcast %jit3A_685 : f32 to vector<16xf32>
    %select_n3A_687 = arith.select %ge3A_684, %gather3A_681, %broadcast_in_dim3A_686 : vector<16xi1>, vector<16xf32>
    %add3A_688 = arith.addf %add3A_665, %select_n3A_687 : vector<16xf32>
    %sub3A_689 = arith.constant 8 : i32
    %sub3A_690 = vector.broadcast %sub3A_689 : i32 to vector<16xi32>
    %sub3A_691 = arith.subi %iota3A, %sub3A_690 : vector<16xi32>
    %max3A_692 = arith.constant 0 : i32
    %max3A_693 = vector.broadcast %max3A_692 : i32 to vector<16xi32>
    %max3A_694 = arith.maxsi %sub3A_691, %max3A_693 : vector<16xi32>
    %lt3A_695 = arith.constant 0 : i32
    %lt3A_696 = vector.broadcast %lt3A_695 : i32 to vector<16xi32>
    %lt3A_697 = arith.cmpi slt, %max3A_694, %lt3A_696 : vector<16xi32>
    %add3A_698 = arith.constant 16 : i32
    %add3A_699 = vector.broadcast %add3A_698 : i32 to vector<16xi32>
    %add3A_700 = arith.addi %max3A_694, %add3A_699 : vector<16xi32>
    %select_n3A_701 = arith.select %lt3A_697, %add3A_700, %max3A_694 : vector<16xi1>, vector<16xi32>
    %broadcast_in_dim3A_702 = vector.shape_cast %select_n3A_701 : vector<16xi32> to vector<16x1xi32>
    %gather3A_703 = vector.shape_cast %broadcast_in_dim3A_702 : vector<16x1xi32> to vector<16xi32>
    %gather3A_704 = tpu.dynamic_gather %add3A_688[%gather3A_703] in [0] : vector<16xf32>, vector<16xi32> -> vector<16xf32>
    %ge3A_705 = arith.constant 8 : i32
    %ge3A_706 = vector.broadcast %ge3A_705 : i32 to vector<16xi32>
    %ge3A_707 = arith.cmpi sge, %iota3A, %ge3A_706 : vector<16xi32>
    %jit3A_708 = arith.constant 0.000000e+00 : f32
    %broadcast_in_dim3A_709 = vector.broadcast %jit3A_708 : f32 to vector<16xf32>
    %select_n3A_710 = arith.select %ge3A_707, %gather3A_704, %broadcast_in_dim3A_709 : vector<16xi1>, vector<16xf32>
    %add3A_711 = arith.addf %add3A_688, %select_n3A_710 : vector<16xf32>
    %add3A_712 = arith.constant 49 : i32
    %add3A_713 = vector.broadcast %add3A_712 : i32 to vector<16xi32>
    %add3A_714 = arith.addi %iota3A, %add3A_713 : vector<16xi32>
    %add3A_715 = arith.addf %add3A_557, %add3A_711 : vector<16xf32>
    %mul3A_716 = arith.mulf %add3A_715, %div3A_19 : vector<16xf32>
    tpu.vector_store_idx %arg7[%add3A_714], %mul3A_716 : memref<256xf32, #tpu.memory_space<vmem>>[vector<16xi32>], vector<16xf32>,
    %lt3A_717 = arith.constant 0 : i32
    %lt3A_718 = vector.broadcast %lt3A_717 : i32 to vector<16xi32>
    %lt3A_719 = arith.cmpi slt, %broadcast_in_dim3A_53, %lt3A_718 : vector<16xi32>
    %add3A_720 = arith.constant 16 : i32
    %add3A_721 = vector.broadcast %add3A_720 : i32 to vector<16xi32>
    %add3A_722 = arith.addi %broadcast_in_dim3A_53, %add3A_721 : vector<16xi32>
    %select_n3A_723 = arith.select %lt3A_719, %add3A_722, %broadcast_in_dim3A_53 : vector<16xi1>, vector<16xi32>
    %broadcast_in_dim3A_724 = vector.shape_cast %select_n3A_723 : vector<16xi32> to vector<16x1xi32>
    %gather3A_725 = vector.shape_cast %broadcast_in_dim3A_724 : vector<16x1xi32> to vector<16xi32>
    %gather3A_726 = tpu.dynamic_gather %add3A_711[%gather3A_725] in [0] : vector<16xf32>, vector<16xi32> -> vector<16xf32>
    %add3A_727 = arith.addf %add3A_557, %gather3A_726 : vector<16xf32>
    %get3A_728 = arith.constant 4 : i32
    %get3A_729 = arith.index_cast %get3A_728 : i32 to index
    %get3A_730 = arith.constant 0 : index
    %get3A_731 = tpu.vector_load %arg6[%get3A_729, %get3A_730] {strides = array<i32>} : memref<15x16xf32, #tpu.memory_space<vmem>>, vector<16xf32>,
    %exp3A_732 = math.exp %get3A_731 : vector<16xf32>
    %xor3A_733 = arith.constant 1 : i32
    %xor3A_734 = vector.broadcast %xor3A_733 : i32 to vector<16xi32>
    %xor3A_735 = arith.xori %iota3A, %xor3A_734 : vector<16xi32>
    %lt3A_736 = arith.constant 0 : i32
    %lt3A_737 = vector.broadcast %lt3A_736 : i32 to vector<16xi32>
    %lt3A_738 = arith.cmpi slt, %xor3A_735, %lt3A_737 : vector<16xi32>
    %add3A_739 = arith.constant 16 : i32
    %add3A_740 = vector.broadcast %add3A_739 : i32 to vector<16xi32>
    %add3A_741 = arith.addi %xor3A_735, %add3A_740 : vector<16xi32>
    %select_n3A_742 = arith.select %lt3A_738, %add3A_741, %xor3A_735 : vector<16xi1>, vector<16xi32>
    %broadcast_in_dim3A_743 = vector.shape_cast %select_n3A_742 : vector<16xi32> to vector<16x1xi32>
    %gather3A_744 = vector.shape_cast %broadcast_in_dim3A_743 : vector<16x1xi32> to vector<16xi32>
    %gather3A_745 = tpu.dynamic_gather %exp3A_732[%gather3A_744] in [0] : vector<16xf32>, vector<16xi32> -> vector<16xf32>
    %add3A_746 = arith.addf %exp3A_732, %gather3A_745 : vector<16xf32>
    %xor3A_747 = arith.constant 2 : i32
    %xor3A_748 = vector.broadcast %xor3A_747 : i32 to vector<16xi32>
    %xor3A_749 = arith.xori %iota3A, %xor3A_748 : vector<16xi32>
    %lt3A_750 = arith.constant 0 : i32
    %lt3A_751 = vector.broadcast %lt3A_750 : i32 to vector<16xi32>
    %lt3A_752 = arith.cmpi slt, %xor3A_749, %lt3A_751 : vector<16xi32>
    %add3A_753 = arith.constant 16 : i32
    %add3A_754 = vector.broadcast %add3A_753 : i32 to vector<16xi32>
    %add3A_755 = arith.addi %xor3A_749, %add3A_754 : vector<16xi32>
    %select_n3A_756 = arith.select %lt3A_752, %add3A_755, %xor3A_749 : vector<16xi1>, vector<16xi32>
    %broadcast_in_dim3A_757 = vector.shape_cast %select_n3A_756 : vector<16xi32> to vector<16x1xi32>
    %gather3A_758 = vector.shape_cast %broadcast_in_dim3A_757 : vector<16x1xi32> to vector<16xi32>
    %gather3A_759 = tpu.dynamic_gather %add3A_746[%gather3A_758] in [0] : vector<16xf32>, vector<16xi32> -> vector<16xf32>
    %add3A_760 = arith.addf %add3A_746, %gather3A_759 : vector<16xf32>
    %xor3A_761 = arith.constant 4 : i32
    %xor3A_762 = vector.broadcast %xor3A_761 : i32 to vector<16xi32>
    %xor3A_763 = arith.xori %iota3A, %xor3A_762 : vector<16xi32>
    %lt3A_764 = arith.constant 0 : i32
    %lt3A_765 = vector.broadcast %lt3A_764 : i32 to vector<16xi32>
    %lt3A_766 = arith.cmpi slt, %xor3A_763, %lt3A_765 : vector<16xi32>
    %add3A_767 = arith.constant 16 : i32
    %add3A_768 = vector.broadcast %add3A_767 : i32 to vector<16xi32>
    %add3A_769 = arith.addi %xor3A_763, %add3A_768 : vector<16xi32>
    %select_n3A_770 = arith.select %lt3A_766, %add3A_769, %xor3A_763 : vector<16xi1>, vector<16xi32>
    %broadcast_in_dim3A_771 = vector.shape_cast %select_n3A_770 : vector<16xi32> to vector<16x1xi32>
    %gather3A_772 = vector.shape_cast %broadcast_in_dim3A_771 : vector<16x1xi32> to vector<16xi32>
    %gather3A_773 = tpu.dynamic_gather %add3A_760[%gather3A_772] in [0] : vector<16xf32>, vector<16xi32> -> vector<16xf32>
    %add3A_774 = arith.addf %add3A_760, %gather3A_773 : vector<16xf32>
    %xor3A_775 = arith.constant 8 : i32
    %xor3A_776 = vector.broadcast %xor3A_775 : i32 to vector<16xi32>
    %xor3A_777 = arith.xori %iota3A, %xor3A_776 : vector<16xi32>
    %lt3A_778 = arith.constant 0 : i32
    %lt3A_779 = vector.broadcast %lt3A_778 : i32 to vector<16xi32>
    %lt3A_780 = arith.cmpi slt, %xor3A_777, %lt3A_779 : vector<16xi32>
    %add3A_781 = arith.constant 16 : i32
    %add3A_782 = vector.broadcast %add3A_781 : i32 to vector<16xi32>
    %add3A_783 = arith.addi %xor3A_777, %add3A_782 : vector<16xi32>
    %select_n3A_784 = arith.select %lt3A_780, %add3A_783, %xor3A_777 : vector<16xi1>, vector<16xi32>
    %broadcast_in_dim3A_785 = vector.shape_cast %select_n3A_784 : vector<16xi32> to vector<16x1xi32>
    %gather3A_786 = vector.shape_cast %broadcast_in_dim3A_785 : vector<16x1xi32> to vector<16xi32>
    %gather3A_787 = tpu.dynamic_gather %add3A_774[%gather3A_786] in [0] : vector<16xf32>, vector<16xi32> -> vector<16xf32>
    %add3A_788 = arith.addf %add3A_774, %gather3A_787 : vector<16xf32>
    %div3A_789 = arith.divf %exp3A_732, %add3A_788 : vector<16xf32>
    %sub3A_790 = arith.constant 1 : i32
    %sub3A_791 = vector.broadcast %sub3A_790 : i32 to vector<16xi32>
    %sub3A_792 = arith.subi %iota3A, %sub3A_791 : vector<16xi32>
    %max3A_793 = arith.constant 0 : i32
    %max3A_794 = vector.broadcast %max3A_793 : i32 to vector<16xi32>
    %max3A_795 = arith.maxsi %sub3A_792, %max3A_794 : vector<16xi32>
    %lt3A_796 = arith.constant 0 : i32
    %lt3A_797 = vector.broadcast %lt3A_796 : i32 to vector<16xi32>
    %lt3A_798 = arith.cmpi slt, %max3A_795, %lt3A_797 : vector<16xi32>
    %add3A_799 = arith.constant 16 : i32
    %add3A_800 = vector.broadcast %add3A_799 : i32 to vector<16xi32>
    %add3A_801 = arith.addi %max3A_795, %add3A_800 : vector<16xi32>
    %select_n3A_802 = arith.select %lt3A_798, %add3A_801, %max3A_795 : vector<16xi1>, vector<16xi32>
    %broadcast_in_dim3A_803 = vector.shape_cast %select_n3A_802 : vector<16xi32> to vector<16x1xi32>
    %gather3A_804 = vector.shape_cast %broadcast_in_dim3A_803 : vector<16x1xi32> to vector<16xi32>
    %gather3A_805 = tpu.dynamic_gather %div3A_789[%gather3A_804] in [0] : vector<16xf32>, vector<16xi32> -> vector<16xf32>
    %ge3A_806 = arith.constant 1 : i32
    %ge3A_807 = vector.broadcast %ge3A_806 : i32 to vector<16xi32>
    %ge3A_808 = arith.cmpi sge, %iota3A, %ge3A_807 : vector<16xi32>
    %jit3A_809 = arith.constant 0.000000e+00 : f32
    %broadcast_in_dim3A_810 = vector.broadcast %jit3A_809 : f32 to vector<16xf32>
    %select_n3A_811 = arith.select %ge3A_808, %gather3A_805, %broadcast_in_dim3A_810 : vector<16xi1>, vector<16xf32>
    %add3A_812 = arith.addf %div3A_789, %select_n3A_811 : vector<16xf32>
    %sub3A_813 = arith.constant 2 : i32
    %sub3A_814 = vector.broadcast %sub3A_813 : i32 to vector<16xi32>
    %sub3A_815 = arith.subi %iota3A, %sub3A_814 : vector<16xi32>
    %max3A_816 = arith.constant 0 : i32
    %max3A_817 = vector.broadcast %max3A_816 : i32 to vector<16xi32>
    %max3A_818 = arith.maxsi %sub3A_815, %max3A_817 : vector<16xi32>
    %lt3A_819 = arith.constant 0 : i32
    %lt3A_820 = vector.broadcast %lt3A_819 : i32 to vector<16xi32>
    %lt3A_821 = arith.cmpi slt, %max3A_818, %lt3A_820 : vector<16xi32>
    %add3A_822 = arith.constant 16 : i32
    %add3A_823 = vector.broadcast %add3A_822 : i32 to vector<16xi32>
    %add3A_824 = arith.addi %max3A_818, %add3A_823 : vector<16xi32>
    %select_n3A_825 = arith.select %lt3A_821, %add3A_824, %max3A_818 : vector<16xi1>, vector<16xi32>
    %broadcast_in_dim3A_826 = vector.shape_cast %select_n3A_825 : vector<16xi32> to vector<16x1xi32>
    %gather3A_827 = vector.shape_cast %broadcast_in_dim3A_826 : vector<16x1xi32> to vector<16xi32>
    %gather3A_828 = tpu.dynamic_gather %add3A_812[%gather3A_827] in [0] : vector<16xf32>, vector<16xi32> -> vector<16xf32>
    %ge3A_829 = arith.constant 2 : i32
    %ge3A_830 = vector.broadcast %ge3A_829 : i32 to vector<16xi32>
    %ge3A_831 = arith.cmpi sge, %iota3A, %ge3A_830 : vector<16xi32>
    %jit3A_832 = arith.constant 0.000000e+00 : f32
    %broadcast_in_dim3A_833 = vector.broadcast %jit3A_832 : f32 to vector<16xf32>
    %select_n3A_834 = arith.select %ge3A_831, %gather3A_828, %broadcast_in_dim3A_833 : vector<16xi1>, vector<16xf32>
    %add3A_835 = arith.addf %add3A_812, %select_n3A_834 : vector<16xf32>
    %sub3A_836 = arith.constant 4 : i32
    %sub3A_837 = vector.broadcast %sub3A_836 : i32 to vector<16xi32>
    %sub3A_838 = arith.subi %iota3A, %sub3A_837 : vector<16xi32>
    %max3A_839 = arith.constant 0 : i32
    %max3A_840 = vector.broadcast %max3A_839 : i32 to vector<16xi32>
    %max3A_841 = arith.maxsi %sub3A_838, %max3A_840 : vector<16xi32>
    %lt3A_842 = arith.constant 0 : i32
    %lt3A_843 = vector.broadcast %lt3A_842 : i32 to vector<16xi32>
    %lt3A_844 = arith.cmpi slt, %max3A_841, %lt3A_843 : vector<16xi32>
    %add3A_845 = arith.constant 16 : i32
    %add3A_846 = vector.broadcast %add3A_845 : i32 to vector<16xi32>
    %add3A_847 = arith.addi %max3A_841, %add3A_846 : vector<16xi32>
    %select_n3A_848 = arith.select %lt3A_844, %add3A_847, %max3A_841 : vector<16xi1>, vector<16xi32>
    %broadcast_in_dim3A_849 = vector.shape_cast %select_n3A_848 : vector<16xi32> to vector<16x1xi32>
    %gather3A_850 = vector.shape_cast %broadcast_in_dim3A_849 : vector<16x1xi32> to vector<16xi32>
    %gather3A_851 = tpu.dynamic_gather %add3A_835[%gather3A_850] in [0] : vector<16xf32>, vector<16xi32> -> vector<16xf32>
    %ge3A_852 = arith.constant 4 : i32
    %ge3A_853 = vector.broadcast %ge3A_852 : i32 to vector<16xi32>
    %ge3A_854 = arith.cmpi sge, %iota3A, %ge3A_853 : vector<16xi32>
    %jit3A_855 = arith.constant 0.000000e+00 : f32
    %broadcast_in_dim3A_856 = vector.broadcast %jit3A_855 : f32 to vector<16xf32>
    %select_n3A_857 = arith.select %ge3A_854, %gather3A_851, %broadcast_in_dim3A_856 : vector<16xi1>, vector<16xf32>
    %add3A_858 = arith.addf %add3A_835, %select_n3A_857 : vector<16xf32>
    %sub3A_859 = arith.constant 8 : i32
    %sub3A_860 = vector.broadcast %sub3A_859 : i32 to vector<16xi32>
    %sub3A_861 = arith.subi %iota3A, %sub3A_860 : vector<16xi32>
    %max3A_862 = arith.constant 0 : i32
    %max3A_863 = vector.broadcast %max3A_862 : i32 to vector<16xi32>
    %max3A_864 = arith.maxsi %sub3A_861, %max3A_863 : vector<16xi32>
    %lt3A_865 = arith.constant 0 : i32
    %lt3A_866 = vector.broadcast %lt3A_865 : i32 to vector<16xi32>
    %lt3A_867 = arith.cmpi slt, %max3A_864, %lt3A_866 : vector<16xi32>
    %add3A_868 = arith.constant 16 : i32
    %add3A_869 = vector.broadcast %add3A_868 : i32 to vector<16xi32>
    %add3A_870 = arith.addi %max3A_864, %add3A_869 : vector<16xi32>
    %select_n3A_871 = arith.select %lt3A_867, %add3A_870, %max3A_864 : vector<16xi1>, vector<16xi32>
    %broadcast_in_dim3A_872 = vector.shape_cast %select_n3A_871 : vector<16xi32> to vector<16x1xi32>
    %gather3A_873 = vector.shape_cast %broadcast_in_dim3A_872 : vector<16x1xi32> to vector<16xi32>
    %gather3A_874 = tpu.dynamic_gather %add3A_858[%gather3A_873] in [0] : vector<16xf32>, vector<16xi32> -> vector<16xf32>
    %ge3A_875 = arith.constant 8 : i32
    %ge3A_876 = vector.broadcast %ge3A_875 : i32 to vector<16xi32>
    %ge3A_877 = arith.cmpi sge, %iota3A, %ge3A_876 : vector<16xi32>
    %jit3A_878 = arith.constant 0.000000e+00 : f32
    %broadcast_in_dim3A_879 = vector.broadcast %jit3A_878 : f32 to vector<16xf32>
    %select_n3A_880 = arith.select %ge3A_877, %gather3A_874, %broadcast_in_dim3A_879 : vector<16xi1>, vector<16xf32>
    %add3A_881 = arith.addf %add3A_858, %select_n3A_880 : vector<16xf32>
    %add3A_882 = arith.constant 65 : i32
    %add3A_883 = vector.broadcast %add3A_882 : i32 to vector<16xi32>
    %add3A_884 = arith.addi %iota3A, %add3A_883 : vector<16xi32>
    %add3A_885 = arith.addf %add3A_727, %add3A_881 : vector<16xf32>
    %mul3A_886 = arith.mulf %add3A_885, %div3A_19 : vector<16xf32>
    tpu.vector_store_idx %arg7[%add3A_884], %mul3A_886 : memref<256xf32, #tpu.memory_space<vmem>>[vector<16xi32>], vector<16xf32>,
    %lt3A_887 = arith.constant 0 : i32
    %lt3A_888 = vector.broadcast %lt3A_887 : i32 to vector<16xi32>
    %lt3A_889 = arith.cmpi slt, %broadcast_in_dim3A_53, %lt3A_888 : vector<16xi32>
    %add3A_890 = arith.constant 16 : i32
    %add3A_891 = vector.broadcast %add3A_890 : i32 to vector<16xi32>
    %add3A_892 = arith.addi %broadcast_in_dim3A_53, %add3A_891 : vector<16xi32>
    %select_n3A_893 = arith.select %lt3A_889, %add3A_892, %broadcast_in_dim3A_53 : vector<16xi1>, vector<16xi32>
    %broadcast_in_dim3A_894 = vector.shape_cast %select_n3A_893 : vector<16xi32> to vector<16x1xi32>
    %gather3A_895 = vector.shape_cast %broadcast_in_dim3A_894 : vector<16x1xi32> to vector<16xi32>
    %gather3A_896 = tpu.dynamic_gather %add3A_881[%gather3A_895] in [0] : vector<16xf32>, vector<16xi32> -> vector<16xf32>
    %add3A_897 = arith.addf %add3A_727, %gather3A_896 : vector<16xf32>
    %get3A_898 = arith.constant 5 : i32
    %get3A_899 = arith.index_cast %get3A_898 : i32 to index
    %get3A_900 = arith.constant 0 : index
    %get3A_901 = tpu.vector_load %arg6[%get3A_899, %get3A_900] {strides = array<i32>} : memref<15x16xf32, #tpu.memory_space<vmem>>, vector<16xf32>,
    %exp3A_902 = math.exp %get3A_901 : vector<16xf32>
    %xor3A_903 = arith.constant 1 : i32
    %xor3A_904 = vector.broadcast %xor3A_903 : i32 to vector<16xi32>
    %xor3A_905 = arith.xori %iota3A, %xor3A_904 : vector<16xi32>
    %lt3A_906 = arith.constant 0 : i32
    %lt3A_907 = vector.broadcast %lt3A_906 : i32 to vector<16xi32>
    %lt3A_908 = arith.cmpi slt, %xor3A_905, %lt3A_907 : vector<16xi32>
    %add3A_909 = arith.constant 16 : i32
    %add3A_910 = vector.broadcast %add3A_909 : i32 to vector<16xi32>
    %add3A_911 = arith.addi %xor3A_905, %add3A_910 : vector<16xi32>
    %select_n3A_912 = arith.select %lt3A_908, %add3A_911, %xor3A_905 : vector<16xi1>, vector<16xi32>
    %broadcast_in_dim3A_913 = vector.shape_cast %select_n3A_912 : vector<16xi32> to vector<16x1xi32>
    %gather3A_914 = vector.shape_cast %broadcast_in_dim3A_913 : vector<16x1xi32> to vector<16xi32>
    %gather3A_915 = tpu.dynamic_gather %exp3A_902[%gather3A_914] in [0] : vector<16xf32>, vector<16xi32> -> vector<16xf32>
    %add3A_916 = arith.addf %exp3A_902, %gather3A_915 : vector<16xf32>
    %xor3A_917 = arith.constant 2 : i32
    %xor3A_918 = vector.broadcast %xor3A_917 : i32 to vector<16xi32>
    %xor3A_919 = arith.xori %iota3A, %xor3A_918 : vector<16xi32>
    %lt3A_920 = arith.constant 0 : i32
    %lt3A_921 = vector.broadcast %lt3A_920 : i32 to vector<16xi32>
    %lt3A_922 = arith.cmpi slt, %xor3A_919, %lt3A_921 : vector<16xi32>
    %add3A_923 = arith.constant 16 : i32
    %add3A_924 = vector.broadcast %add3A_923 : i32 to vector<16xi32>
    %add3A_925 = arith.addi %xor3A_919, %add3A_924 : vector<16xi32>
    %select_n3A_926 = arith.select %lt3A_922, %add3A_925, %xor3A_919 : vector<16xi1>, vector<16xi32>
    %broadcast_in_dim3A_927 = vector.shape_cast %select_n3A_926 : vector<16xi32> to vector<16x1xi32>
    %gather3A_928 = vector.shape_cast %broadcast_in_dim3A_927 : vector<16x1xi32> to vector<16xi32>
    %gather3A_929 = tpu.dynamic_gather %add3A_916[%gather3A_928] in [0] : vector<16xf32>, vector<16xi32> -> vector<16xf32>
    %add3A_930 = arith.addf %add3A_916, %gather3A_929 : vector<16xf32>
    %xor3A_931 = arith.constant 4 : i32
    %xor3A_932 = vector.broadcast %xor3A_931 : i32 to vector<16xi32>
    %xor3A_933 = arith.xori %iota3A, %xor3A_932 : vector<16xi32>
    %lt3A_934 = arith.constant 0 : i32
    %lt3A_935 = vector.broadcast %lt3A_934 : i32 to vector<16xi32>
    %lt3A_936 = arith.cmpi slt, %xor3A_933, %lt3A_935 : vector<16xi32>
    %add3A_937 = arith.constant 16 : i32
    %add3A_938 = vector.broadcast %add3A_937 : i32 to vector<16xi32>
    %add3A_939 = arith.addi %xor3A_933, %add3A_938 : vector<16xi32>
    %select_n3A_940 = arith.select %lt3A_936, %add3A_939, %xor3A_933 : vector<16xi1>, vector<16xi32>
    %broadcast_in_dim3A_941 = vector.shape_cast %select_n3A_940 : vector<16xi32> to vector<16x1xi32>
    %gather3A_942 = vector.shape_cast %broadcast_in_dim3A_941 : vector<16x1xi32> to vector<16xi32>
    %gather3A_943 = tpu.dynamic_gather %add3A_930[%gather3A_942] in [0] : vector<16xf32>, vector<16xi32> -> vector<16xf32>
    %add3A_944 = arith.addf %add3A_930, %gather3A_943 : vector<16xf32>
    %xor3A_945 = arith.constant 8 : i32
    %xor3A_946 = vector.broadcast %xor3A_945 : i32 to vector<16xi32>
    %xor3A_947 = arith.xori %iota3A, %xor3A_946 : vector<16xi32>
    %lt3A_948 = arith.constant 0 : i32
    %lt3A_949 = vector.broadcast %lt3A_948 : i32 to vector<16xi32>
    %lt3A_950 = arith.cmpi slt, %xor3A_947, %lt3A_949 : vector<16xi32>
    %add3A_951 = arith.constant 16 : i32
    %add3A_952 = vector.broadcast %add3A_951 : i32 to vector<16xi32>
    %add3A_953 = arith.addi %xor3A_947, %add3A_952 : vector<16xi32>
    %select_n3A_954 = arith.select %lt3A_950, %add3A_953, %xor3A_947 : vector<16xi1>, vector<16xi32>
    %broadcast_in_dim3A_955 = vector.shape_cast %select_n3A_954 : vector<16xi32> to vector<16x1xi32>
    %gather3A_956 = vector.shape_cast %broadcast_in_dim3A_955 : vector<16x1xi32> to vector<16xi32>
    %gather3A_957 = tpu.dynamic_gather %add3A_944[%gather3A_956] in [0] : vector<16xf32>, vector<16xi32> -> vector<16xf32>
    %add3A_958 = arith.addf %add3A_944, %gather3A_957 : vector<16xf32>
    %div3A_959 = arith.divf %exp3A_902, %add3A_958 : vector<16xf32>
    %sub3A_960 = arith.constant 1 : i32
    %sub3A_961 = vector.broadcast %sub3A_960 : i32 to vector<16xi32>
    %sub3A_962 = arith.subi %iota3A, %sub3A_961 : vector<16xi32>
    %max3A_963 = arith.constant 0 : i32
    %max3A_964 = vector.broadcast %max3A_963 : i32 to vector<16xi32>
    %max3A_965 = arith.maxsi %sub3A_962, %max3A_964 : vector<16xi32>
    %lt3A_966 = arith.constant 0 : i32
    %lt3A_967 = vector.broadcast %lt3A_966 : i32 to vector<16xi32>
    %lt3A_968 = arith.cmpi slt, %max3A_965, %lt3A_967 : vector<16xi32>
    %add3A_969 = arith.constant 16 : i32
    %add3A_970 = vector.broadcast %add3A_969 : i32 to vector<16xi32>
    %add3A_971 = arith.addi %max3A_965, %add3A_970 : vector<16xi32>
    %select_n3A_972 = arith.select %lt3A_968, %add3A_971, %max3A_965 : vector<16xi1>, vector<16xi32>
    %broadcast_in_dim3A_973 = vector.shape_cast %select_n3A_972 : vector<16xi32> to vector<16x1xi32>
    %gather3A_974 = vector.shape_cast %broadcast_in_dim3A_973 : vector<16x1xi32> to vector<16xi32>
    %gather3A_975 = tpu.dynamic_gather %div3A_959[%gather3A_974] in [0] : vector<16xf32>, vector<16xi32> -> vector<16xf32>
    %ge3A_976 = arith.constant 1 : i32
    %ge3A_977 = vector.broadcast %ge3A_976 : i32 to vector<16xi32>
    %ge3A_978 = arith.cmpi sge, %iota3A, %ge3A_977 : vector<16xi32>
    %jit3A_979 = arith.constant 0.000000e+00 : f32
    %broadcast_in_dim3A_980 = vector.broadcast %jit3A_979 : f32 to vector<16xf32>
    %select_n3A_981 = arith.select %ge3A_978, %gather3A_975, %broadcast_in_dim3A_980 : vector<16xi1>, vector<16xf32>
    %add3A_982 = arith.addf %div3A_959, %select_n3A_981 : vector<16xf32>
    %sub3A_983 = arith.constant 2 : i32
    %sub3A_984 = vector.broadcast %sub3A_983 : i32 to vector<16xi32>
    %sub3A_985 = arith.subi %iota3A, %sub3A_984 : vector<16xi32>
    %max3A_986 = arith.constant 0 : i32
    %max3A_987 = vector.broadcast %max3A_986 : i32 to vector<16xi32>
    %max3A_988 = arith.maxsi %sub3A_985, %max3A_987 : vector<16xi32>
    %lt3A_989 = arith.constant 0 : i32
    %lt3A_990 = vector.broadcast %lt3A_989 : i32 to vector<16xi32>
    %lt3A_991 = arith.cmpi slt, %max3A_988, %lt3A_990 : vector<16xi32>
    %add3A_992 = arith.constant 16 : i32
    %add3A_993 = vector.broadcast %add3A_992 : i32 to vector<16xi32>
    %add3A_994 = arith.addi %max3A_988, %add3A_993 : vector<16xi32>
    %select_n3A_995 = arith.select %lt3A_991, %add3A_994, %max3A_988 : vector<16xi1>, vector<16xi32>
    %broadcast_in_dim3A_996 = vector.shape_cast %select_n3A_995 : vector<16xi32> to vector<16x1xi32>
    %gather3A_997 = vector.shape_cast %broadcast_in_dim3A_996 : vector<16x1xi32> to vector<16xi32>
    %gather3A_998 = tpu.dynamic_gather %add3A_982[%gather3A_997] in [0] : vector<16xf32>, vector<16xi32> -> vector<16xf32>
    %ge3A_999 = arith.constant 2 : i32
    %ge3A_1000 = vector.broadcast %ge3A_999 : i32 to vector<16xi32>
    %ge3A_1001 = arith.cmpi sge, %iota3A, %ge3A_1000 : vector<16xi32>
    %jit3A_1002 = arith.constant 0.000000e+00 : f32
    %broadcast_in_dim3A_1003 = vector.broadcast %jit3A_1002 : f32 to vector<16xf32>
    %select_n3A_1004 = arith.select %ge3A_1001, %gather3A_998, %broadcast_in_dim3A_1003 : vector<16xi1>, vector<16xf32>
    %add3A_1005 = arith.addf %add3A_982, %select_n3A_1004 : vector<16xf32>
    %sub3A_1006 = arith.constant 4 : i32
    %sub3A_1007 = vector.broadcast %sub3A_1006 : i32 to vector<16xi32>
    %sub3A_1008 = arith.subi %iota3A, %sub3A_1007 : vector<16xi32>
    %max3A_1009 = arith.constant 0 : i32
    %max3A_1010 = vector.broadcast %max3A_1009 : i32 to vector<16xi32>
    %max3A_1011 = arith.maxsi %sub3A_1008, %max3A_1010 : vector<16xi32>
    %lt3A_1012 = arith.constant 0 : i32
    %lt3A_1013 = vector.broadcast %lt3A_1012 : i32 to vector<16xi32>
    %lt3A_1014 = arith.cmpi slt, %max3A_1011, %lt3A_1013 : vector<16xi32>
    %add3A_1015 = arith.constant 16 : i32
    %add3A_1016 = vector.broadcast %add3A_1015 : i32 to vector<16xi32>
    %add3A_1017 = arith.addi %max3A_1011, %add3A_1016 : vector<16xi32>
    %select_n3A_1018 = arith.select %lt3A_1014, %add3A_1017, %max3A_1011 : vector<16xi1>, vector<16xi32>
    %broadcast_in_dim3A_1019 = vector.shape_cast %select_n3A_1018 : vector<16xi32> to vector<16x1xi32>
    %gather3A_1020 = vector.shape_cast %broadcast_in_dim3A_1019 : vector<16x1xi32> to vector<16xi32>
    %gather3A_1021 = tpu.dynamic_gather %add3A_1005[%gather3A_1020] in [0] : vector<16xf32>, vector<16xi32> -> vector<16xf32>
    %ge3A_1022 = arith.constant 4 : i32
    %ge3A_1023 = vector.broadcast %ge3A_1022 : i32 to vector<16xi32>
    %ge3A_1024 = arith.cmpi sge, %iota3A, %ge3A_1023 : vector<16xi32>
    %jit3A_1025 = arith.constant 0.000000e+00 : f32
    %broadcast_in_dim3A_1026 = vector.broadcast %jit3A_1025 : f32 to vector<16xf32>
    %select_n3A_1027 = arith.select %ge3A_1024, %gather3A_1021, %broadcast_in_dim3A_1026 : vector<16xi1>, vector<16xf32>
    %add3A_1028 = arith.addf %add3A_1005, %select_n3A_1027 : vector<16xf32>
    %sub3A_1029 = arith.constant 8 : i32
    %sub3A_1030 = vector.broadcast %sub3A_1029 : i32 to vector<16xi32>
    %sub3A_1031 = arith.subi %iota3A, %sub3A_1030 : vector<16xi32>
    %max3A_1032 = arith.constant 0 : i32
    %max3A_1033 = vector.broadcast %max3A_1032 : i32 to vector<16xi32>
    %max3A_1034 = arith.maxsi %sub3A_1031, %max3A_1033 : vector<16xi32>
    %lt3A_1035 = arith.constant 0 : i32
    %lt3A_1036 = vector.broadcast %lt3A_1035 : i32 to vector<16xi32>
    %lt3A_1037 = arith.cmpi slt, %max3A_1034, %lt3A_1036 : vector<16xi32>
    %add3A_1038 = arith.constant 16 : i32
    %add3A_1039 = vector.broadcast %add3A_1038 : i32 to vector<16xi32>
    %add3A_1040 = arith.addi %max3A_1034, %add3A_1039 : vector<16xi32>
    %select_n3A_1041 = arith.select %lt3A_1037, %add3A_1040, %max3A_1034 : vector<16xi1>, vector<16xi32>
    %broadcast_in_dim3A_1042 = vector.shape_cast %select_n3A_1041 : vector<16xi32> to vector<16x1xi32>
    %gather3A_1043 = vector.shape_cast %broadcast_in_dim3A_1042 : vector<16x1xi32> to vector<16xi32>
    %gather3A_1044 = tpu.dynamic_gather %add3A_1028[%gather3A_1043] in [0] : vector<16xf32>, vector<16xi32> -> vector<16xf32>
    %ge3A_1045 = arith.constant 8 : i32
    %ge3A_1046 = vector.broadcast %ge3A_1045 : i32 to vector<16xi32>
    %ge3A_1047 = arith.cmpi sge, %iota3A, %ge3A_1046 : vector<16xi32>
    %jit3A_1048 = arith.constant 0.000000e+00 : f32
    %broadcast_in_dim3A_1049 = vector.broadcast %jit3A_1048 : f32 to vector<16xf32>
    %select_n3A_1050 = arith.select %ge3A_1047, %gather3A_1044, %broadcast_in_dim3A_1049 : vector<16xi1>, vector<16xf32>
    %add3A_1051 = arith.addf %add3A_1028, %select_n3A_1050 : vector<16xf32>
    %add3A_1052 = arith.constant 81 : i32
    %add3A_1053 = vector.broadcast %add3A_1052 : i32 to vector<16xi32>
    %add3A_1054 = arith.addi %iota3A, %add3A_1053 : vector<16xi32>
    %add3A_1055 = arith.addf %add3A_897, %add3A_1051 : vector<16xf32>
    %mul3A_1056 = arith.mulf %add3A_1055, %div3A_19 : vector<16xf32>
    tpu.vector_store_idx %arg7[%add3A_1054], %mul3A_1056 : memref<256xf32, #tpu.memory_space<vmem>>[vector<16xi32>], vector<16xf32>,
    %lt3A_1057 = arith.constant 0 : i32
    %lt3A_1058 = vector.broadcast %lt3A_1057 : i32 to vector<16xi32>
    %lt3A_1059 = arith.cmpi slt, %broadcast_in_dim3A_53, %lt3A_1058 : vector<16xi32>
    %add3A_1060 = arith.constant 16 : i32
    %add3A_1061 = vector.broadcast %add3A_1060 : i32 to vector<16xi32>
    %add3A_1062 = arith.addi %broadcast_in_dim3A_53, %add3A_1061 : vector<16xi32>
    %select_n3A_1063 = arith.select %lt3A_1059, %add3A_1062, %broadcast_in_dim3A_53 : vector<16xi1>, vector<16xi32>
    %broadcast_in_dim3A_1064 = vector.shape_cast %select_n3A_1063 : vector<16xi32> to vector<16x1xi32>
    %gather3A_1065 = vector.shape_cast %broadcast_in_dim3A_1064 : vector<16x1xi32> to vector<16xi32>
    %gather3A_1066 = tpu.dynamic_gather %add3A_1051[%gather3A_1065] in [0] : vector<16xf32>, vector<16xi32> -> vector<16xf32>
    %add3A_1067 = arith.addf %add3A_897, %gather3A_1066 : vector<16xf32>
    %get3A_1068 = arith.constant 6 : i32
    %get3A_1069 = arith.index_cast %get3A_1068 : i32 to index
    %get3A_1070 = arith.constant 0 : index
    %get3A_1071 = tpu.vector_load %arg6[%get3A_1069, %get3A_1070] {strides = array<i32>} : memref<15x16xf32, #tpu.memory_space<vmem>>, vector<16xf32>,
    %exp3A_1072 = math.exp %get3A_1071 : vector<16xf32>
    %xor3A_1073 = arith.constant 1 : i32
    %xor3A_1074 = vector.broadcast %xor3A_1073 : i32 to vector<16xi32>
    %xor3A_1075 = arith.xori %iota3A, %xor3A_1074 : vector<16xi32>
    %lt3A_1076 = arith.constant 0 : i32
    %lt3A_1077 = vector.broadcast %lt3A_1076 : i32 to vector<16xi32>
    %lt3A_1078 = arith.cmpi slt, %xor3A_1075, %lt3A_1077 : vector<16xi32>
    %add3A_1079 = arith.constant 16 : i32
    %add3A_1080 = vector.broadcast %add3A_1079 : i32 to vector<16xi32>
    %add3A_1081 = arith.addi %xor3A_1075, %add3A_1080 : vector<16xi32>
    %select_n3A_1082 = arith.select %lt3A_1078, %add3A_1081, %xor3A_1075 : vector<16xi1>, vector<16xi32>
    %broadcast_in_dim3A_1083 = vector.shape_cast %select_n3A_1082 : vector<16xi32> to vector<16x1xi32>
    %gather3A_1084 = vector.shape_cast %broadcast_in_dim3A_1083 : vector<16x1xi32> to vector<16xi32>
    %gather3A_1085 = tpu.dynamic_gather %exp3A_1072[%gather3A_1084] in [0] : vector<16xf32>, vector<16xi32> -> vector<16xf32>
    %add3A_1086 = arith.addf %exp3A_1072, %gather3A_1085 : vector<16xf32>
    %xor3A_1087 = arith.constant 2 : i32
    %xor3A_1088 = vector.broadcast %xor3A_1087 : i32 to vector<16xi32>
    %xor3A_1089 = arith.xori %iota3A, %xor3A_1088 : vector<16xi32>
    %lt3A_1090 = arith.constant 0 : i32
    %lt3A_1091 = vector.broadcast %lt3A_1090 : i32 to vector<16xi32>
    %lt3A_1092 = arith.cmpi slt, %xor3A_1089, %lt3A_1091 : vector<16xi32>
    %add3A_1093 = arith.constant 16 : i32
    %add3A_1094 = vector.broadcast %add3A_1093 : i32 to vector<16xi32>
    %add3A_1095 = arith.addi %xor3A_1089, %add3A_1094 : vector<16xi32>
    %select_n3A_1096 = arith.select %lt3A_1092, %add3A_1095, %xor3A_1089 : vector<16xi1>, vector<16xi32>
    %broadcast_in_dim3A_1097 = vector.shape_cast %select_n3A_1096 : vector<16xi32> to vector<16x1xi32>
    %gather3A_1098 = vector.shape_cast %broadcast_in_dim3A_1097 : vector<16x1xi32> to vector<16xi32>
    %gather3A_1099 = tpu.dynamic_gather %add3A_1086[%gather3A_1098] in [0] : vector<16xf32>, vector<16xi32> -> vector<16xf32>
    %add3A_1100 = arith.addf %add3A_1086, %gather3A_1099 : vector<16xf32>
    %xor3A_1101 = arith.constant 4 : i32
    %xor3A_1102 = vector.broadcast %xor3A_1101 : i32 to vector<16xi32>
    %xor3A_1103 = arith.xori %iota3A, %xor3A_1102 : vector<16xi32>
    %lt3A_1104 = arith.constant 0 : i32
    %lt3A_1105 = vector.broadcast %lt3A_1104 : i32 to vector<16xi32>
    %lt3A_1106 = arith.cmpi slt, %xor3A_1103, %lt3A_1105 : vector<16xi32>
    %add3A_1107 = arith.constant 16 : i32
    %add3A_1108 = vector.broadcast %add3A_1107 : i32 to vector<16xi32>
    %add3A_1109 = arith.addi %xor3A_1103, %add3A_1108 : vector<16xi32>
    %select_n3A_1110 = arith.select %lt3A_1106, %add3A_1109, %xor3A_1103 : vector<16xi1>, vector<16xi32>
    %broadcast_in_dim3A_1111 = vector.shape_cast %select_n3A_1110 : vector<16xi32> to vector<16x1xi32>
    %gather3A_1112 = vector.shape_cast %broadcast_in_dim3A_1111 : vector<16x1xi32> to vector<16xi32>
    %gather3A_1113 = tpu.dynamic_gather %add3A_1100[%gather3A_1112] in [0] : vector<16xf32>, vector<16xi32> -> vector<16xf32>
    %add3A_1114 = arith.addf %add3A_1100, %gather3A_1113 : vector<16xf32>
    %xor3A_1115 = arith.constant 8 : i32
    %xor3A_1116 = vector.broadcast %xor3A_1115 : i32 to vector<16xi32>
    %xor3A_1117 = arith.xori %iota3A, %xor3A_1116 : vector<16xi32>
    %lt3A_1118 = arith.constant 0 : i32
    %lt3A_1119 = vector.broadcast %lt3A_1118 : i32 to vector<16xi32>
    %lt3A_1120 = arith.cmpi slt, %xor3A_1117, %lt3A_1119 : vector<16xi32>
    %add3A_1121 = arith.constant 16 : i32
    %add3A_1122 = vector.broadcast %add3A_1121 : i32 to vector<16xi32>
    %add3A_1123 = arith.addi %xor3A_1117, %add3A_1122 : vector<16xi32>
    %select_n3A_1124 = arith.select %lt3A_1120, %add3A_1123, %xor3A_1117 : vector<16xi1>, vector<16xi32>
    %broadcast_in_dim3A_1125 = vector.shape_cast %select_n3A_1124 : vector<16xi32> to vector<16x1xi32>
    %gather3A_1126 = vector.shape_cast %broadcast_in_dim3A_1125 : vector<16x1xi32> to vector<16xi32>
    %gather3A_1127 = tpu.dynamic_gather %add3A_1114[%gather3A_1126] in [0] : vector<16xf32>, vector<16xi32> -> vector<16xf32>
    %add3A_1128 = arith.addf %add3A_1114, %gather3A_1127 : vector<16xf32>
    %div3A_1129 = arith.divf %exp3A_1072, %add3A_1128 : vector<16xf32>
    %sub3A_1130 = arith.constant 1 : i32
    %sub3A_1131 = vector.broadcast %sub3A_1130 : i32 to vector<16xi32>
    %sub3A_1132 = arith.subi %iota3A, %sub3A_1131 : vector<16xi32>
    %max3A_1133 = arith.constant 0 : i32
    %max3A_1134 = vector.broadcast %max3A_1133 : i32 to vector<16xi32>
    %max3A_1135 = arith.maxsi %sub3A_1132, %max3A_1134 : vector<16xi32>
    %lt3A_1136 = arith.constant 0 : i32
    %lt3A_1137 = vector.broadcast %lt3A_1136 : i32 to vector<16xi32>
    %lt3A_1138 = arith.cmpi slt, %max3A_1135, %lt3A_1137 : vector<16xi32>
    %add3A_1139 = arith.constant 16 : i32
    %add3A_1140 = vector.broadcast %add3A_1139 : i32 to vector<16xi32>
    %add3A_1141 = arith.addi %max3A_1135, %add3A_1140 : vector<16xi32>
    %select_n3A_1142 = arith.select %lt3A_1138, %add3A_1141, %max3A_1135 : vector<16xi1>, vector<16xi32>
    %broadcast_in_dim3A_1143 = vector.shape_cast %select_n3A_1142 : vector<16xi32> to vector<16x1xi32>
    %gather3A_1144 = vector.shape_cast %broadcast_in_dim3A_1143 : vector<16x1xi32> to vector<16xi32>
    %gather3A_1145 = tpu.dynamic_gather %div3A_1129[%gather3A_1144] in [0] : vector<16xf32>, vector<16xi32> -> vector<16xf32>
    %ge3A_1146 = arith.constant 1 : i32
    %ge3A_1147 = vector.broadcast %ge3A_1146 : i32 to vector<16xi32>
    %ge3A_1148 = arith.cmpi sge, %iota3A, %ge3A_1147 : vector<16xi32>
    %jit3A_1149 = arith.constant 0.000000e+00 : f32
    %broadcast_in_dim3A_1150 = vector.broadcast %jit3A_1149 : f32 to vector<16xf32>
    %select_n3A_1151 = arith.select %ge3A_1148, %gather3A_1145, %broadcast_in_dim3A_1150 : vector<16xi1>, vector<16xf32>
    %add3A_1152 = arith.addf %div3A_1129, %select_n3A_1151 : vector<16xf32>
    %sub3A_1153 = arith.constant 2 : i32
    %sub3A_1154 = vector.broadcast %sub3A_1153 : i32 to vector<16xi32>
    %sub3A_1155 = arith.subi %iota3A, %sub3A_1154 : vector<16xi32>
    %max3A_1156 = arith.constant 0 : i32
    %max3A_1157 = vector.broadcast %max3A_1156 : i32 to vector<16xi32>
    %max3A_1158 = arith.maxsi %sub3A_1155, %max3A_1157 : vector<16xi32>
    %lt3A_1159 = arith.constant 0 : i32
    %lt3A_1160 = vector.broadcast %lt3A_1159 : i32 to vector<16xi32>
    %lt3A_1161 = arith.cmpi slt, %max3A_1158, %lt3A_1160 : vector<16xi32>
    %add3A_1162 = arith.constant 16 : i32
    %add3A_1163 = vector.broadcast %add3A_1162 : i32 to vector<16xi32>
    %add3A_1164 = arith.addi %max3A_1158, %add3A_1163 : vector<16xi32>
    %select_n3A_1165 = arith.select %lt3A_1161, %add3A_1164, %max3A_1158 : vector<16xi1>, vector<16xi32>
    %broadcast_in_dim3A_1166 = vector.shape_cast %select_n3A_1165 : vector<16xi32> to vector<16x1xi32>
    %gather3A_1167 = vector.shape_cast %broadcast_in_dim3A_1166 : vector<16x1xi32> to vector<16xi32>
    %gather3A_1168 = tpu.dynamic_gather %add3A_1152[%gather3A_1167] in [0] : vector<16xf32>, vector<16xi32> -> vector<16xf32>
    %ge3A_1169 = arith.constant 2 : i32
    %ge3A_1170 = vector.broadcast %ge3A_1169 : i32 to vector<16xi32>
    %ge3A_1171 = arith.cmpi sge, %iota3A, %ge3A_1170 : vector<16xi32>
    %jit3A_1172 = arith.constant 0.000000e+00 : f32
    %broadcast_in_dim3A_1173 = vector.broadcast %jit3A_1172 : f32 to vector<16xf32>
    %select_n3A_1174 = arith.select %ge3A_1171, %gather3A_1168, %broadcast_in_dim3A_1173 : vector<16xi1>, vector<16xf32>
    %add3A_1175 = arith.addf %add3A_1152, %select_n3A_1174 : vector<16xf32>
    %sub3A_1176 = arith.constant 4 : i32
    %sub3A_1177 = vector.broadcast %sub3A_1176 : i32 to vector<16xi32>
    %sub3A_1178 = arith.subi %iota3A, %sub3A_1177 : vector<16xi32>
    %max3A_1179 = arith.constant 0 : i32
    %max3A_1180 = vector.broadcast %max3A_1179 : i32 to vector<16xi32>
    %max3A_1181 = arith.maxsi %sub3A_1178, %max3A_1180 : vector<16xi32>
    %lt3A_1182 = arith.constant 0 : i32
    %lt3A_1183 = vector.broadcast %lt3A_1182 : i32 to vector<16xi32>
    %lt3A_1184 = arith.cmpi slt, %max3A_1181, %lt3A_1183 : vector<16xi32>
    %add3A_1185 = arith.constant 16 : i32
    %add3A_1186 = vector.broadcast %add3A_1185 : i32 to vector<16xi32>
    %add3A_1187 = arith.addi %max3A_1181, %add3A_1186 : vector<16xi32>
    %select_n3A_1188 = arith.select %lt3A_1184, %add3A_1187, %max3A_1181 : vector<16xi1>, vector<16xi32>
    %broadcast_in_dim3A_1189 = vector.shape_cast %select_n3A_1188 : vector<16xi32> to vector<16x1xi32>
    %gather3A_1190 = vector.shape_cast %broadcast_in_dim3A_1189 : vector<16x1xi32> to vector<16xi32>
    %gather3A_1191 = tpu.dynamic_gather %add3A_1175[%gather3A_1190] in [0] : vector<16xf32>, vector<16xi32> -> vector<16xf32>
    %ge3A_1192 = arith.constant 4 : i32
    %ge3A_1193 = vector.broadcast %ge3A_1192 : i32 to vector<16xi32>
    %ge3A_1194 = arith.cmpi sge, %iota3A, %ge3A_1193 : vector<16xi32>
    %jit3A_1195 = arith.constant 0.000000e+00 : f32
    %broadcast_in_dim3A_1196 = vector.broadcast %jit3A_1195 : f32 to vector<16xf32>
    %select_n3A_1197 = arith.select %ge3A_1194, %gather3A_1191, %broadcast_in_dim3A_1196 : vector<16xi1>, vector<16xf32>
    %add3A_1198 = arith.addf %add3A_1175, %select_n3A_1197 : vector<16xf32>
    %sub3A_1199 = arith.constant 8 : i32
    %sub3A_1200 = vector.broadcast %sub3A_1199 : i32 to vector<16xi32>
    %sub3A_1201 = arith.subi %iota3A, %sub3A_1200 : vector<16xi32>
    %max3A_1202 = arith.constant 0 : i32
    %max3A_1203 = vector.broadcast %max3A_1202 : i32 to vector<16xi32>
    %max3A_1204 = arith.maxsi %sub3A_1201, %max3A_1203 : vector<16xi32>
    %lt3A_1205 = arith.constant 0 : i32
    %lt3A_1206 = vector.broadcast %lt3A_1205 : i32 to vector<16xi32>
    %lt3A_1207 = arith.cmpi slt, %max3A_1204, %lt3A_1206 : vector<16xi32>
    %add3A_1208 = arith.constant 16 : i32
    %add3A_1209 = vector.broadcast %add3A_1208 : i32 to vector<16xi32>
    %add3A_1210 = arith.addi %max3A_1204, %add3A_1209 : vector<16xi32>
    %select_n3A_1211 = arith.select %lt3A_1207, %add3A_1210, %max3A_1204 : vector<16xi1>, vector<16xi32>
    %broadcast_in_dim3A_1212 = vector.shape_cast %select_n3A_1211 : vector<16xi32> to vector<16x1xi32>
    %gather3A_1213 = vector.shape_cast %broadcast_in_dim3A_1212 : vector<16x1xi32> to vector<16xi32>
    %gather3A_1214 = tpu.dynamic_gather %add3A_1198[%gather3A_1213] in [0] : vector<16xf32>, vector<16xi32> -> vector<16xf32>
    %ge3A_1215 = arith.constant 8 : i32
    %ge3A_1216 = vector.broadcast %ge3A_1215 : i32 to vector<16xi32>
    %ge3A_1217 = arith.cmpi sge, %iota3A, %ge3A_1216 : vector<16xi32>
    %jit3A_1218 = arith.constant 0.000000e+00 : f32
    %broadcast_in_dim3A_1219 = vector.broadcast %jit3A_1218 : f32 to vector<16xf32>
    %select_n3A_1220 = arith.select %ge3A_1217, %gather3A_1214, %broadcast_in_dim3A_1219 : vector<16xi1>, vector<16xf32>
    %add3A_1221 = arith.addf %add3A_1198, %select_n3A_1220 : vector<16xf32>
    %add3A_1222 = arith.constant 97 : i32
    %add3A_1223 = vector.broadcast %add3A_1222 : i32 to vector<16xi32>
    %add3A_1224 = arith.addi %iota3A, %add3A_1223 : vector<16xi32>
    %add3A_1225 = arith.addf %add3A_1067, %add3A_1221 : vector<16xf32>
    %mul3A_1226 = arith.mulf %add3A_1225, %div3A_19 : vector<16xf32>
    tpu.vector_store_idx %arg7[%add3A_1224], %mul3A_1226 : memref<256xf32, #tpu.memory_space<vmem>>[vector<16xi32>], vector<16xf32>,
    %lt3A_1227 = arith.constant 0 : i32
    %lt3A_1228 = vector.broadcast %lt3A_1227 : i32 to vector<16xi32>
    %lt3A_1229 = arith.cmpi slt, %broadcast_in_dim3A_53, %lt3A_1228 : vector<16xi32>
    %add3A_1230 = arith.constant 16 : i32
    %add3A_1231 = vector.broadcast %add3A_1230 : i32 to vector<16xi32>
    %add3A_1232 = arith.addi %broadcast_in_dim3A_53, %add3A_1231 : vector<16xi32>
    %select_n3A_1233 = arith.select %lt3A_1229, %add3A_1232, %broadcast_in_dim3A_53 : vector<16xi1>, vector<16xi32>
    %broadcast_in_dim3A_1234 = vector.shape_cast %select_n3A_1233 : vector<16xi32> to vector<16x1xi32>
    %gather3A_1235 = vector.shape_cast %broadcast_in_dim3A_1234 : vector<16x1xi32> to vector<16xi32>
    %gather3A_1236 = tpu.dynamic_gather %add3A_1221[%gather3A_1235] in [0] : vector<16xf32>, vector<16xi32> -> vector<16xf32>
    %add3A_1237 = arith.addf %add3A_1067, %gather3A_1236 : vector<16xf32>
    %get3A_1238 = arith.constant 7 : i32
    %get3A_1239 = arith.index_cast %get3A_1238 : i32 to index
    %get3A_1240 = arith.constant 0 : index
    %get3A_1241 = tpu.vector_load %arg6[%get3A_1239, %get3A_1240] {strides = array<i32>} : memref<15x16xf32, #tpu.memory_space<vmem>>, vector<16xf32>,
    %exp3A_1242 = math.exp %get3A_1241 : vector<16xf32>
    %xor3A_1243 = arith.constant 1 : i32
    %xor3A_1244 = vector.broadcast %xor3A_1243 : i32 to vector<16xi32>
    %xor3A_1245 = arith.xori %iota3A, %xor3A_1244 : vector<16xi32>
    %lt3A_1246 = arith.constant 0 : i32
    %lt3A_1247 = vector.broadcast %lt3A_1246 : i32 to vector<16xi32>
    %lt3A_1248 = arith.cmpi slt, %xor3A_1245, %lt3A_1247 : vector<16xi32>
    %add3A_1249 = arith.constant 16 : i32
    %add3A_1250 = vector.broadcast %add3A_1249 : i32 to vector<16xi32>
    %add3A_1251 = arith.addi %xor3A_1245, %add3A_1250 : vector<16xi32>
    %select_n3A_1252 = arith.select %lt3A_1248, %add3A_1251, %xor3A_1245 : vector<16xi1>, vector<16xi32>
    %broadcast_in_dim3A_1253 = vector.shape_cast %select_n3A_1252 : vector<16xi32> to vector<16x1xi32>
    %gather3A_1254 = vector.shape_cast %broadcast_in_dim3A_1253 : vector<16x1xi32> to vector<16xi32>
    %gather3A_1255 = tpu.dynamic_gather %exp3A_1242[%gather3A_1254] in [0] : vector<16xf32>, vector<16xi32> -> vector<16xf32>
    %add3A_1256 = arith.addf %exp3A_1242, %gather3A_1255 : vector<16xf32>
    %xor3A_1257 = arith.constant 2 : i32
    %xor3A_1258 = vector.broadcast %xor3A_1257 : i32 to vector<16xi32>
    %xor3A_1259 = arith.xori %iota3A, %xor3A_1258 : vector<16xi32>
    %lt3A_1260 = arith.constant 0 : i32
    %lt3A_1261 = vector.broadcast %lt3A_1260 : i32 to vector<16xi32>
    %lt3A_1262 = arith.cmpi slt, %xor3A_1259, %lt3A_1261 : vector<16xi32>
    %add3A_1263 = arith.constant 16 : i32
    %add3A_1264 = vector.broadcast %add3A_1263 : i32 to vector<16xi32>
    %add3A_1265 = arith.addi %xor3A_1259, %add3A_1264 : vector<16xi32>
    %select_n3A_1266 = arith.select %lt3A_1262, %add3A_1265, %xor3A_1259 : vector<16xi1>, vector<16xi32>
    %broadcast_in_dim3A_1267 = vector.shape_cast %select_n3A_1266 : vector<16xi32> to vector<16x1xi32>
    %gather3A_1268 = vector.shape_cast %broadcast_in_dim3A_1267 : vector<16x1xi32> to vector<16xi32>
    %gather3A_1269 = tpu.dynamic_gather %add3A_1256[%gather3A_1268] in [0] : vector<16xf32>, vector<16xi32> -> vector<16xf32>
    %add3A_1270 = arith.addf %add3A_1256, %gather3A_1269 : vector<16xf32>
    %xor3A_1271 = arith.constant 4 : i32
    %xor3A_1272 = vector.broadcast %xor3A_1271 : i32 to vector<16xi32>
    %xor3A_1273 = arith.xori %iota3A, %xor3A_1272 : vector<16xi32>
    %lt3A_1274 = arith.constant 0 : i32
    %lt3A_1275 = vector.broadcast %lt3A_1274 : i32 to vector<16xi32>
    %lt3A_1276 = arith.cmpi slt, %xor3A_1273, %lt3A_1275 : vector<16xi32>
    %add3A_1277 = arith.constant 16 : i32
    %add3A_1278 = vector.broadcast %add3A_1277 : i32 to vector<16xi32>
    %add3A_1279 = arith.addi %xor3A_1273, %add3A_1278 : vector<16xi32>
    %select_n3A_1280 = arith.select %lt3A_1276, %add3A_1279, %xor3A_1273 : vector<16xi1>, vector<16xi32>
    %broadcast_in_dim3A_1281 = vector.shape_cast %select_n3A_1280 : vector<16xi32> to vector<16x1xi32>
    %gather3A_1282 = vector.shape_cast %broadcast_in_dim3A_1281 : vector<16x1xi32> to vector<16xi32>
    %gather3A_1283 = tpu.dynamic_gather %add3A_1270[%gather3A_1282] in [0] : vector<16xf32>, vector<16xi32> -> vector<16xf32>
    %add3A_1284 = arith.addf %add3A_1270, %gather3A_1283 : vector<16xf32>
    %xor3A_1285 = arith.constant 8 : i32
    %xor3A_1286 = vector.broadcast %xor3A_1285 : i32 to vector<16xi32>
    %xor3A_1287 = arith.xori %iota3A, %xor3A_1286 : vector<16xi32>
    %lt3A_1288 = arith.constant 0 : i32
    %lt3A_1289 = vector.broadcast %lt3A_1288 : i32 to vector<16xi32>
    %lt3A_1290 = arith.cmpi slt, %xor3A_1287, %lt3A_1289 : vector<16xi32>
    %add3A_1291 = arith.constant 16 : i32
    %add3A_1292 = vector.broadcast %add3A_1291 : i32 to vector<16xi32>
    %add3A_1293 = arith.addi %xor3A_1287, %add3A_1292 : vector<16xi32>
    %select_n3A_1294 = arith.select %lt3A_1290, %add3A_1293, %xor3A_1287 : vector<16xi1>, vector<16xi32>
    %broadcast_in_dim3A_1295 = vector.shape_cast %select_n3A_1294 : vector<16xi32> to vector<16x1xi32>
    %gather3A_1296 = vector.shape_cast %broadcast_in_dim3A_1295 : vector<16x1xi32> to vector<16xi32>
    %gather3A_1297 = tpu.dynamic_gather %add3A_1284[%gather3A_1296] in [0] : vector<16xf32>, vector<16xi32> -> vector<16xf32>
    %add3A_1298 = arith.addf %add3A_1284, %gather3A_1297 : vector<16xf32>
    %div3A_1299 = arith.divf %exp3A_1242, %add3A_1298 : vector<16xf32>
    %sub3A_1300 = arith.constant 1 : i32
    %sub3A_1301 = vector.broadcast %sub3A_1300 : i32 to vector<16xi32>
    %sub3A_1302 = arith.subi %iota3A, %sub3A_1301 : vector<16xi32>
    %max3A_1303 = arith.constant 0 : i32
    %max3A_1304 = vector.broadcast %max3A_1303 : i32 to vector<16xi32>
    %max3A_1305 = arith.maxsi %sub3A_1302, %max3A_1304 : vector<16xi32>
    %lt3A_1306 = arith.constant 0 : i32
    %lt3A_1307 = vector.broadcast %lt3A_1306 : i32 to vector<16xi32>
    %lt3A_1308 = arith.cmpi slt, %max3A_1305, %lt3A_1307 : vector<16xi32>
    %add3A_1309 = arith.constant 16 : i32
    %add3A_1310 = vector.broadcast %add3A_1309 : i32 to vector<16xi32>
    %add3A_1311 = arith.addi %max3A_1305, %add3A_1310 : vector<16xi32>
    %select_n3A_1312 = arith.select %lt3A_1308, %add3A_1311, %max3A_1305 : vector<16xi1>, vector<16xi32>
    %broadcast_in_dim3A_1313 = vector.shape_cast %select_n3A_1312 : vector<16xi32> to vector<16x1xi32>
    %gather3A_1314 = vector.shape_cast %broadcast_in_dim3A_1313 : vector<16x1xi32> to vector<16xi32>
    %gather3A_1315 = tpu.dynamic_gather %div3A_1299[%gather3A_1314] in [0] : vector<16xf32>, vector<16xi32> -> vector<16xf32>
    %ge3A_1316 = arith.constant 1 : i32
    %ge3A_1317 = vector.broadcast %ge3A_1316 : i32 to vector<16xi32>
    %ge3A_1318 = arith.cmpi sge, %iota3A, %ge3A_1317 : vector<16xi32>
    %jit3A_1319 = arith.constant 0.000000e+00 : f32
    %broadcast_in_dim3A_1320 = vector.broadcast %jit3A_1319 : f32 to vector<16xf32>
    %select_n3A_1321 = arith.select %ge3A_1318, %gather3A_1315, %broadcast_in_dim3A_1320 : vector<16xi1>, vector<16xf32>
    %add3A_1322 = arith.addf %div3A_1299, %select_n3A_1321 : vector<16xf32>
    %sub3A_1323 = arith.constant 2 : i32
    %sub3A_1324 = vector.broadcast %sub3A_1323 : i32 to vector<16xi32>
    %sub3A_1325 = arith.subi %iota3A, %sub3A_1324 : vector<16xi32>
    %max3A_1326 = arith.constant 0 : i32
    %max3A_1327 = vector.broadcast %max3A_1326 : i32 to vector<16xi32>
    %max3A_1328 = arith.maxsi %sub3A_1325, %max3A_1327 : vector<16xi32>
    %lt3A_1329 = arith.constant 0 : i32
    %lt3A_1330 = vector.broadcast %lt3A_1329 : i32 to vector<16xi32>
    %lt3A_1331 = arith.cmpi slt, %max3A_1328, %lt3A_1330 : vector<16xi32>
    %add3A_1332 = arith.constant 16 : i32
    %add3A_1333 = vector.broadcast %add3A_1332 : i32 to vector<16xi32>
    %add3A_1334 = arith.addi %max3A_1328, %add3A_1333 : vector<16xi32>
    %select_n3A_1335 = arith.select %lt3A_1331, %add3A_1334, %max3A_1328 : vector<16xi1>, vector<16xi32>
    %broadcast_in_dim3A_1336 = vector.shape_cast %select_n3A_1335 : vector<16xi32> to vector<16x1xi32>
    %gather3A_1337 = vector.shape_cast %broadcast_in_dim3A_1336 : vector<16x1xi32> to vector<16xi32>
    %gather3A_1338 = tpu.dynamic_gather %add3A_1322[%gather3A_1337] in [0] : vector<16xf32>, vector<16xi32> -> vector<16xf32>
    %ge3A_1339 = arith.constant 2 : i32
    %ge3A_1340 = vector.broadcast %ge3A_1339 : i32 to vector<16xi32>
    %ge3A_1341 = arith.cmpi sge, %iota3A, %ge3A_1340 : vector<16xi32>
    %jit3A_1342 = arith.constant 0.000000e+00 : f32
    %broadcast_in_dim3A_1343 = vector.broadcast %jit3A_1342 : f32 to vector<16xf32>
    %select_n3A_1344 = arith.select %ge3A_1341, %gather3A_1338, %broadcast_in_dim3A_1343 : vector<16xi1>, vector<16xf32>
    %add3A_1345 = arith.addf %add3A_1322, %select_n3A_1344 : vector<16xf32>
    %sub3A_1346 = arith.constant 4 : i32
    %sub3A_1347 = vector.broadcast %sub3A_1346 : i32 to vector<16xi32>
    %sub3A_1348 = arith.subi %iota3A, %sub3A_1347 : vector<16xi32>
    %max3A_1349 = arith.constant 0 : i32
    %max3A_1350 = vector.broadcast %max3A_1349 : i32 to vector<16xi32>
    %max3A_1351 = arith.maxsi %sub3A_1348, %max3A_1350 : vector<16xi32>
    %lt3A_1352 = arith.constant 0 : i32
    %lt3A_1353 = vector.broadcast %lt3A_1352 : i32 to vector<16xi32>
    %lt3A_1354 = arith.cmpi slt, %max3A_1351, %lt3A_1353 : vector<16xi32>
    %add3A_1355 = arith.constant 16 : i32
    %add3A_1356 = vector.broadcast %add3A_1355 : i32 to vector<16xi32>
    %add3A_1357 = arith.addi %max3A_1351, %add3A_1356 : vector<16xi32>
    %select_n3A_1358 = arith.select %lt3A_1354, %add3A_1357, %max3A_1351 : vector<16xi1>, vector<16xi32>
    %broadcast_in_dim3A_1359 = vector.shape_cast %select_n3A_1358 : vector<16xi32> to vector<16x1xi32>
    %gather3A_1360 = vector.shape_cast %broadcast_in_dim3A_1359 : vector<16x1xi32> to vector<16xi32>
    %gather3A_1361 = tpu.dynamic_gather %add3A_1345[%gather3A_1360] in [0] : vector<16xf32>, vector<16xi32> -> vector<16xf32>
    %ge3A_1362 = arith.constant 4 : i32
    %ge3A_1363 = vector.broadcast %ge3A_1362 : i32 to vector<16xi32>
    %ge3A_1364 = arith.cmpi sge, %iota3A, %ge3A_1363 : vector<16xi32>
    %jit3A_1365 = arith.constant 0.000000e+00 : f32
    %broadcast_in_dim3A_1366 = vector.broadcast %jit3A_1365 : f32 to vector<16xf32>
    %select_n3A_1367 = arith.select %ge3A_1364, %gather3A_1361, %broadcast_in_dim3A_1366 : vector<16xi1>, vector<16xf32>
    %add3A_1368 = arith.addf %add3A_1345, %select_n3A_1367 : vector<16xf32>
    %sub3A_1369 = arith.constant 8 : i32
    %sub3A_1370 = vector.broadcast %sub3A_1369 : i32 to vector<16xi32>
    %sub3A_1371 = arith.subi %iota3A, %sub3A_1370 : vector<16xi32>
    %max3A_1372 = arith.constant 0 : i32
    %max3A_1373 = vector.broadcast %max3A_1372 : i32 to vector<16xi32>
    %max3A_1374 = arith.maxsi %sub3A_1371, %max3A_1373 : vector<16xi32>
    %lt3A_1375 = arith.constant 0 : i32
    %lt3A_1376 = vector.broadcast %lt3A_1375 : i32 to vector<16xi32>
    %lt3A_1377 = arith.cmpi slt, %max3A_1374, %lt3A_1376 : vector<16xi32>
    %add3A_1378 = arith.constant 16 : i32
    %add3A_1379 = vector.broadcast %add3A_1378 : i32 to vector<16xi32>
    %add3A_1380 = arith.addi %max3A_1374, %add3A_1379 : vector<16xi32>
    %select_n3A_1381 = arith.select %lt3A_1377, %add3A_1380, %max3A_1374 : vector<16xi1>, vector<16xi32>
    %broadcast_in_dim3A_1382 = vector.shape_cast %select_n3A_1381 : vector<16xi32> to vector<16x1xi32>
    %gather3A_1383 = vector.shape_cast %broadcast_in_dim3A_1382 : vector<16x1xi32> to vector<16xi32>
    %gather3A_1384 = tpu.dynamic_gather %add3A_1368[%gather3A_1383] in [0] : vector<16xf32>, vector<16xi32> -> vector<16xf32>
    %ge3A_1385 = arith.constant 8 : i32
    %ge3A_1386 = vector.broadcast %ge3A_1385 : i32 to vector<16xi32>
    %ge3A_1387 = arith.cmpi sge, %iota3A, %ge3A_1386 : vector<16xi32>
    %jit3A_1388 = arith.constant 0.000000e+00 : f32
    %broadcast_in_dim3A_1389 = vector.broadcast %jit3A_1388 : f32 to vector<16xf32>
    %select_n3A_1390 = arith.select %ge3A_1387, %gather3A_1384, %broadcast_in_dim3A_1389 : vector<16xi1>, vector<16xf32>
    %add3A_1391 = arith.addf %add3A_1368, %select_n3A_1390 : vector<16xf32>
    %add3A_1392 = arith.constant 113 : i32
    %add3A_1393 = vector.broadcast %add3A_1392 : i32 to vector<16xi32>
    %add3A_1394 = arith.addi %iota3A, %add3A_1393 : vector<16xi32>
    %add3A_1395 = arith.addf %add3A_1237, %add3A_1391 : vector<16xf32>
    %mul3A_1396 = arith.mulf %add3A_1395, %div3A_19 : vector<16xf32>
    tpu.vector_store_idx %arg7[%add3A_1394], %mul3A_1396 : memref<256xf32, #tpu.memory_space<vmem>>[vector<16xi32>], vector<16xf32>,
    %lt3A_1397 = arith.constant 0 : i32
    %lt3A_1398 = vector.broadcast %lt3A_1397 : i32 to vector<16xi32>
    %lt3A_1399 = arith.cmpi slt, %broadcast_in_dim3A_53, %lt3A_1398 : vector<16xi32>
    %add3A_1400 = arith.constant 16 : i32
    %add3A_1401 = vector.broadcast %add3A_1400 : i32 to vector<16xi32>
    %add3A_1402 = arith.addi %broadcast_in_dim3A_53, %add3A_1401 : vector<16xi32>
    %select_n3A_1403 = arith.select %lt3A_1399, %add3A_1402, %broadcast_in_dim3A_53 : vector<16xi1>, vector<16xi32>
    %broadcast_in_dim3A_1404 = vector.shape_cast %select_n3A_1403 : vector<16xi32> to vector<16x1xi32>
    %gather3A_1405 = vector.shape_cast %broadcast_in_dim3A_1404 : vector<16x1xi32> to vector<16xi32>
    %gather3A_1406 = tpu.dynamic_gather %add3A_1391[%gather3A_1405] in [0] : vector<16xf32>, vector<16xi32> -> vector<16xf32>
    %add3A_1407 = arith.addf %add3A_1237, %gather3A_1406 : vector<16xf32>
    %get3A_1408 = arith.constant 8 : i32
    %get3A_1409 = arith.index_cast %get3A_1408 : i32 to index
    %get3A_1410 = arith.constant 0 : index
    %get3A_1411 = tpu.vector_load %arg6[%get3A_1409, %get3A_1410] {strides = array<i32>} : memref<15x16xf32, #tpu.memory_space<vmem>>, vector<16xf32>,
    %exp3A_1412 = math.exp %get3A_1411 : vector<16xf32>
    %xor3A_1413 = arith.constant 1 : i32
    %xor3A_1414 = vector.broadcast %xor3A_1413 : i32 to vector<16xi32>
    %xor3A_1415 = arith.xori %iota3A, %xor3A_1414 : vector<16xi32>
    %lt3A_1416 = arith.constant 0 : i32
    %lt3A_1417 = vector.broadcast %lt3A_1416 : i32 to vector<16xi32>
    %lt3A_1418 = arith.cmpi slt, %xor3A_1415, %lt3A_1417 : vector<16xi32>
    %add3A_1419 = arith.constant 16 : i32
    %add3A_1420 = vector.broadcast %add3A_1419 : i32 to vector<16xi32>
    %add3A_1421 = arith.addi %xor3A_1415, %add3A_1420 : vector<16xi32>
    %select_n3A_1422 = arith.select %lt3A_1418, %add3A_1421, %xor3A_1415 : vector<16xi1>, vector<16xi32>
    %broadcast_in_dim3A_1423 = vector.shape_cast %select_n3A_1422 : vector<16xi32> to vector<16x1xi32>
    %gather3A_1424 = vector.shape_cast %broadcast_in_dim3A_1423 : vector<16x1xi32> to vector<16xi32>
    %gather3A_1425 = tpu.dynamic_gather %exp3A_1412[%gather3A_1424] in [0] : vector<16xf32>, vector<16xi32> -> vector<16xf32>
    %add3A_1426 = arith.addf %exp3A_1412, %gather3A_1425 : vector<16xf32>
    %xor3A_1427 = arith.constant 2 : i32
    %xor3A_1428 = vector.broadcast %xor3A_1427 : i32 to vector<16xi32>
    %xor3A_1429 = arith.xori %iota3A, %xor3A_1428 : vector<16xi32>
    %lt3A_1430 = arith.constant 0 : i32
    %lt3A_1431 = vector.broadcast %lt3A_1430 : i32 to vector<16xi32>
    %lt3A_1432 = arith.cmpi slt, %xor3A_1429, %lt3A_1431 : vector<16xi32>
    %add3A_1433 = arith.constant 16 : i32
    %add3A_1434 = vector.broadcast %add3A_1433 : i32 to vector<16xi32>
    %add3A_1435 = arith.addi %xor3A_1429, %add3A_1434 : vector<16xi32>
    %select_n3A_1436 = arith.select %lt3A_1432, %add3A_1435, %xor3A_1429 : vector<16xi1>, vector<16xi32>
    %broadcast_in_dim3A_1437 = vector.shape_cast %select_n3A_1436 : vector<16xi32> to vector<16x1xi32>
    %gather3A_1438 = vector.shape_cast %broadcast_in_dim3A_1437 : vector<16x1xi32> to vector<16xi32>
    %gather3A_1439 = tpu.dynamic_gather %add3A_1426[%gather3A_1438] in [0] : vector<16xf32>, vector<16xi32> -> vector<16xf32>
    %add3A_1440 = arith.addf %add3A_1426, %gather3A_1439 : vector<16xf32>
    %xor3A_1441 = arith.constant 4 : i32
    %xor3A_1442 = vector.broadcast %xor3A_1441 : i32 to vector<16xi32>
    %xor3A_1443 = arith.xori %iota3A, %xor3A_1442 : vector<16xi32>
    %lt3A_1444 = arith.constant 0 : i32
    %lt3A_1445 = vector.broadcast %lt3A_1444 : i32 to vector<16xi32>
    %lt3A_1446 = arith.cmpi slt, %xor3A_1443, %lt3A_1445 : vector<16xi32>
    %add3A_1447 = arith.constant 16 : i32
    %add3A_1448 = vector.broadcast %add3A_1447 : i32 to vector<16xi32>
    %add3A_1449 = arith.addi %xor3A_1443, %add3A_1448 : vector<16xi32>
    %select_n3A_1450 = arith.select %lt3A_1446, %add3A_1449, %xor3A_1443 : vector<16xi1>, vector<16xi32>
    %broadcast_in_dim3A_1451 = vector.shape_cast %select_n3A_1450 : vector<16xi32> to vector<16x1xi32>
    %gather3A_1452 = vector.shape_cast %broadcast_in_dim3A_1451 : vector<16x1xi32> to vector<16xi32>
    %gather3A_1453 = tpu.dynamic_gather %add3A_1440[%gather3A_1452] in [0] : vector<16xf32>, vector<16xi32> -> vector<16xf32>
    %add3A_1454 = arith.addf %add3A_1440, %gather3A_1453 : vector<16xf32>
    %xor3A_1455 = arith.constant 8 : i32
    %xor3A_1456 = vector.broadcast %xor3A_1455 : i32 to vector<16xi32>
    %xor3A_1457 = arith.xori %iota3A, %xor3A_1456 : vector<16xi32>
    %lt3A_1458 = arith.constant 0 : i32
    %lt3A_1459 = vector.broadcast %lt3A_1458 : i32 to vector<16xi32>
    %lt3A_1460 = arith.cmpi slt, %xor3A_1457, %lt3A_1459 : vector<16xi32>
    %add3A_1461 = arith.constant 16 : i32
    %add3A_1462 = vector.broadcast %add3A_1461 : i32 to vector<16xi32>
    %add3A_1463 = arith.addi %xor3A_1457, %add3A_1462 : vector<16xi32>
    %select_n3A_1464 = arith.select %lt3A_1460, %add3A_1463, %xor3A_1457 : vector<16xi1>, vector<16xi32>
    %broadcast_in_dim3A_1465 = vector.shape_cast %select_n3A_1464 : vector<16xi32> to vector<16x1xi32>
    %gather3A_1466 = vector.shape_cast %broadcast_in_dim3A_1465 : vector<16x1xi32> to vector<16xi32>
    %gather3A_1467 = tpu.dynamic_gather %add3A_1454[%gather3A_1466] in [0] : vector<16xf32>, vector<16xi32> -> vector<16xf32>
    %add3A_1468 = arith.addf %add3A_1454, %gather3A_1467 : vector<16xf32>
    %div3A_1469 = arith.divf %exp3A_1412, %add3A_1468 : vector<16xf32>
    %sub3A_1470 = arith.constant 1 : i32
    %sub3A_1471 = vector.broadcast %sub3A_1470 : i32 to vector<16xi32>
    %sub3A_1472 = arith.subi %iota3A, %sub3A_1471 : vector<16xi32>
    %max3A_1473 = arith.constant 0 : i32
    %max3A_1474 = vector.broadcast %max3A_1473 : i32 to vector<16xi32>
    %max3A_1475 = arith.maxsi %sub3A_1472, %max3A_1474 : vector<16xi32>
    %lt3A_1476 = arith.constant 0 : i32
    %lt3A_1477 = vector.broadcast %lt3A_1476 : i32 to vector<16xi32>
    %lt3A_1478 = arith.cmpi slt, %max3A_1475, %lt3A_1477 : vector<16xi32>
    %add3A_1479 = arith.constant 16 : i32
    %add3A_1480 = vector.broadcast %add3A_1479 : i32 to vector<16xi32>
    %add3A_1481 = arith.addi %max3A_1475, %add3A_1480 : vector<16xi32>
    %select_n3A_1482 = arith.select %lt3A_1478, %add3A_1481, %max3A_1475 : vector<16xi1>, vector<16xi32>
    %broadcast_in_dim3A_1483 = vector.shape_cast %select_n3A_1482 : vector<16xi32> to vector<16x1xi32>
    %gather3A_1484 = vector.shape_cast %broadcast_in_dim3A_1483 : vector<16x1xi32> to vector<16xi32>
    %gather3A_1485 = tpu.dynamic_gather %div3A_1469[%gather3A_1484] in [0] : vector<16xf32>, vector<16xi32> -> vector<16xf32>
    %ge3A_1486 = arith.constant 1 : i32
    %ge3A_1487 = vector.broadcast %ge3A_1486 : i32 to vector<16xi32>
    %ge3A_1488 = arith.cmpi sge, %iota3A, %ge3A_1487 : vector<16xi32>
    %jit3A_1489 = arith.constant 0.000000e+00 : f32
    %broadcast_in_dim3A_1490 = vector.broadcast %jit3A_1489 : f32 to vector<16xf32>
    %select_n3A_1491 = arith.select %ge3A_1488, %gather3A_1485, %broadcast_in_dim3A_1490 : vector<16xi1>, vector<16xf32>
    %add3A_1492 = arith.addf %div3A_1469, %select_n3A_1491 : vector<16xf32>
    %sub3A_1493 = arith.constant 2 : i32
    %sub3A_1494 = vector.broadcast %sub3A_1493 : i32 to vector<16xi32>
    %sub3A_1495 = arith.subi %iota3A, %sub3A_1494 : vector<16xi32>
    %max3A_1496 = arith.constant 0 : i32
    %max3A_1497 = vector.broadcast %max3A_1496 : i32 to vector<16xi32>
    %max3A_1498 = arith.maxsi %sub3A_1495, %max3A_1497 : vector<16xi32>
    %lt3A_1499 = arith.constant 0 : i32
    %lt3A_1500 = vector.broadcast %lt3A_1499 : i32 to vector<16xi32>
    %lt3A_1501 = arith.cmpi slt, %max3A_1498, %lt3A_1500 : vector<16xi32>
    %add3A_1502 = arith.constant 16 : i32
    %add3A_1503 = vector.broadcast %add3A_1502 : i32 to vector<16xi32>
    %add3A_1504 = arith.addi %max3A_1498, %add3A_1503 : vector<16xi32>
    %select_n3A_1505 = arith.select %lt3A_1501, %add3A_1504, %max3A_1498 : vector<16xi1>, vector<16xi32>
    %broadcast_in_dim3A_1506 = vector.shape_cast %select_n3A_1505 : vector<16xi32> to vector<16x1xi32>
    %gather3A_1507 = vector.shape_cast %broadcast_in_dim3A_1506 : vector<16x1xi32> to vector<16xi32>
    %gather3A_1508 = tpu.dynamic_gather %add3A_1492[%gather3A_1507] in [0] : vector<16xf32>, vector<16xi32> -> vector<16xf32>
    %ge3A_1509 = arith.constant 2 : i32
    %ge3A_1510 = vector.broadcast %ge3A_1509 : i32 to vector<16xi32>
    %ge3A_1511 = arith.cmpi sge, %iota3A, %ge3A_1510 : vector<16xi32>
    %jit3A_1512 = arith.constant 0.000000e+00 : f32
    %broadcast_in_dim3A_1513 = vector.broadcast %jit3A_1512 : f32 to vector<16xf32>
    %select_n3A_1514 = arith.select %ge3A_1511, %gather3A_1508, %broadcast_in_dim3A_1513 : vector<16xi1>, vector<16xf32>
    %add3A_1515 = arith.addf %add3A_1492, %select_n3A_1514 : vector<16xf32>
    %sub3A_1516 = arith.constant 4 : i32
    %sub3A_1517 = vector.broadcast %sub3A_1516 : i32 to vector<16xi32>
    %sub3A_1518 = arith.subi %iota3A, %sub3A_1517 : vector<16xi32>
    %max3A_1519 = arith.constant 0 : i32
    %max3A_1520 = vector.broadcast %max3A_1519 : i32 to vector<16xi32>
    %max3A_1521 = arith.maxsi %sub3A_1518, %max3A_1520 : vector<16xi32>
    %lt3A_1522 = arith.constant 0 : i32
    %lt3A_1523 = vector.broadcast %lt3A_1522 : i32 to vector<16xi32>
    %lt3A_1524 = arith.cmpi slt, %max3A_1521, %lt3A_1523 : vector<16xi32>
    %add3A_1525 = arith.constant 16 : i32
    %add3A_1526 = vector.broadcast %add3A_1525 : i32 to vector<16xi32>
    %add3A_1527 = arith.addi %max3A_1521, %add3A_1526 : vector<16xi32>
    %select_n3A_1528 = arith.select %lt3A_1524, %add3A_1527, %max3A_1521 : vector<16xi1>, vector<16xi32>
    %broadcast_in_dim3A_1529 = vector.shape_cast %select_n3A_1528 : vector<16xi32> to vector<16x1xi32>
    %gather3A_1530 = vector.shape_cast %broadcast_in_dim3A_1529 : vector<16x1xi32> to vector<16xi32>
    %gather3A_1531 = tpu.dynamic_gather %add3A_1515[%gather3A_1530] in [0] : vector<16xf32>, vector<16xi32> -> vector<16xf32>
    %ge3A_1532 = arith.constant 4 : i32
    %ge3A_1533 = vector.broadcast %ge3A_1532 : i32 to vector<16xi32>
    %ge3A_1534 = arith.cmpi sge, %iota3A, %ge3A_1533 : vector<16xi32>
    %jit3A_1535 = arith.constant 0.000000e+00 : f32
    %broadcast_in_dim3A_1536 = vector.broadcast %jit3A_1535 : f32 to vector<16xf32>
    %select_n3A_1537 = arith.select %ge3A_1534, %gather3A_1531, %broadcast_in_dim3A_1536 : vector<16xi1>, vector<16xf32>
    %add3A_1538 = arith.addf %add3A_1515, %select_n3A_1537 : vector<16xf32>
    %sub3A_1539 = arith.constant 8 : i32
    %sub3A_1540 = vector.broadcast %sub3A_1539 : i32 to vector<16xi32>
    %sub3A_1541 = arith.subi %iota3A, %sub3A_1540 : vector<16xi32>
    %max3A_1542 = arith.constant 0 : i32
    %max3A_1543 = vector.broadcast %max3A_1542 : i32 to vector<16xi32>
    %max3A_1544 = arith.maxsi %sub3A_1541, %max3A_1543 : vector<16xi32>
    %lt3A_1545 = arith.constant 0 : i32
    %lt3A_1546 = vector.broadcast %lt3A_1545 : i32 to vector<16xi32>
    %lt3A_1547 = arith.cmpi slt, %max3A_1544, %lt3A_1546 : vector<16xi32>
    %add3A_1548 = arith.constant 16 : i32
    %add3A_1549 = vector.broadcast %add3A_1548 : i32 to vector<16xi32>
    %add3A_1550 = arith.addi %max3A_1544, %add3A_1549 : vector<16xi32>
    %select_n3A_1551 = arith.select %lt3A_1547, %add3A_1550, %max3A_1544 : vector<16xi1>, vector<16xi32>
    %broadcast_in_dim3A_1552 = vector.shape_cast %select_n3A_1551 : vector<16xi32> to vector<16x1xi32>
    %gather3A_1553 = vector.shape_cast %broadcast_in_dim3A_1552 : vector<16x1xi32> to vector<16xi32>
    %gather3A_1554 = tpu.dynamic_gather %add3A_1538[%gather3A_1553] in [0] : vector<16xf32>, vector<16xi32> -> vector<16xf32>
    %ge3A_1555 = arith.constant 8 : i32
    %ge3A_1556 = vector.broadcast %ge3A_1555 : i32 to vector<16xi32>
    %ge3A_1557 = arith.cmpi sge, %iota3A, %ge3A_1556 : vector<16xi32>
    %jit3A_1558 = arith.constant 0.000000e+00 : f32
    %broadcast_in_dim3A_1559 = vector.broadcast %jit3A_1558 : f32 to vector<16xf32>
    %select_n3A_1560 = arith.select %ge3A_1557, %gather3A_1554, %broadcast_in_dim3A_1559 : vector<16xi1>, vector<16xf32>
    %add3A_1561 = arith.addf %add3A_1538, %select_n3A_1560 : vector<16xf32>
    %add3A_1562 = arith.constant 129 : i32
    %add3A_1563 = vector.broadcast %add3A_1562 : i32 to vector<16xi32>
    %add3A_1564 = arith.addi %iota3A, %add3A_1563 : vector<16xi32>
    %add3A_1565 = arith.addf %add3A_1407, %add3A_1561 : vector<16xf32>
    %mul3A_1566 = arith.mulf %add3A_1565, %div3A_19 : vector<16xf32>
    tpu.vector_store_idx %arg7[%add3A_1564], %mul3A_1566 : memref<256xf32, #tpu.memory_space<vmem>>[vector<16xi32>], vector<16xf32>,
    %lt3A_1567 = arith.constant 0 : i32
    %lt3A_1568 = vector.broadcast %lt3A_1567 : i32 to vector<16xi32>
    %lt3A_1569 = arith.cmpi slt, %broadcast_in_dim3A_53, %lt3A_1568 : vector<16xi32>
    %add3A_1570 = arith.constant 16 : i32
    %add3A_1571 = vector.broadcast %add3A_1570 : i32 to vector<16xi32>
    %add3A_1572 = arith.addi %broadcast_in_dim3A_53, %add3A_1571 : vector<16xi32>
    %select_n3A_1573 = arith.select %lt3A_1569, %add3A_1572, %broadcast_in_dim3A_53 : vector<16xi1>, vector<16xi32>
    %broadcast_in_dim3A_1574 = vector.shape_cast %select_n3A_1573 : vector<16xi32> to vector<16x1xi32>
    %gather3A_1575 = vector.shape_cast %broadcast_in_dim3A_1574 : vector<16x1xi32> to vector<16xi32>
    %gather3A_1576 = tpu.dynamic_gather %add3A_1561[%gather3A_1575] in [0] : vector<16xf32>, vector<16xi32> -> vector<16xf32>
    %add3A_1577 = arith.addf %add3A_1407, %gather3A_1576 : vector<16xf32>
    %get3A_1578 = arith.constant 9 : i32
    %get3A_1579 = arith.index_cast %get3A_1578 : i32 to index
    %get3A_1580 = arith.constant 0 : index
    %get3A_1581 = tpu.vector_load %arg6[%get3A_1579, %get3A_1580] {strides = array<i32>} : memref<15x16xf32, #tpu.memory_space<vmem>>, vector<16xf32>,
    %exp3A_1582 = math.exp %get3A_1581 : vector<16xf32>
    %xor3A_1583 = arith.constant 1 : i32
    %xor3A_1584 = vector.broadcast %xor3A_1583 : i32 to vector<16xi32>
    %xor3A_1585 = arith.xori %iota3A, %xor3A_1584 : vector<16xi32>
    %lt3A_1586 = arith.constant 0 : i32
    %lt3A_1587 = vector.broadcast %lt3A_1586 : i32 to vector<16xi32>
    %lt3A_1588 = arith.cmpi slt, %xor3A_1585, %lt3A_1587 : vector<16xi32>
    %add3A_1589 = arith.constant 16 : i32
    %add3A_1590 = vector.broadcast %add3A_1589 : i32 to vector<16xi32>
    %add3A_1591 = arith.addi %xor3A_1585, %add3A_1590 : vector<16xi32>
    %select_n3A_1592 = arith.select %lt3A_1588, %add3A_1591, %xor3A_1585 : vector<16xi1>, vector<16xi32>
    %broadcast_in_dim3A_1593 = vector.shape_cast %select_n3A_1592 : vector<16xi32> to vector<16x1xi32>
    %gather3A_1594 = vector.shape_cast %broadcast_in_dim3A_1593 : vector<16x1xi32> to vector<16xi32>
    %gather3A_1595 = tpu.dynamic_gather %exp3A_1582[%gather3A_1594] in [0] : vector<16xf32>, vector<16xi32> -> vector<16xf32>
    %add3A_1596 = arith.addf %exp3A_1582, %gather3A_1595 : vector<16xf32>
    %xor3A_1597 = arith.constant 2 : i32
    %xor3A_1598 = vector.broadcast %xor3A_1597 : i32 to vector<16xi32>
    %xor3A_1599 = arith.xori %iota3A, %xor3A_1598 : vector<16xi32>
    %lt3A_1600 = arith.constant 0 : i32
    %lt3A_1601 = vector.broadcast %lt3A_1600 : i32 to vector<16xi32>
    %lt3A_1602 = arith.cmpi slt, %xor3A_1599, %lt3A_1601 : vector<16xi32>
    %add3A_1603 = arith.constant 16 : i32
    %add3A_1604 = vector.broadcast %add3A_1603 : i32 to vector<16xi32>
    %add3A_1605 = arith.addi %xor3A_1599, %add3A_1604 : vector<16xi32>
    %select_n3A_1606 = arith.select %lt3A_1602, %add3A_1605, %xor3A_1599 : vector<16xi1>, vector<16xi32>
    %broadcast_in_dim3A_1607 = vector.shape_cast %select_n3A_1606 : vector<16xi32> to vector<16x1xi32>
    %gather3A_1608 = vector.shape_cast %broadcast_in_dim3A_1607 : vector<16x1xi32> to vector<16xi32>
    %gather3A_1609 = tpu.dynamic_gather %add3A_1596[%gather3A_1608] in [0] : vector<16xf32>, vector<16xi32> -> vector<16xf32>
    %add3A_1610 = arith.addf %add3A_1596, %gather3A_1609 : vector<16xf32>
    %xor3A_1611 = arith.constant 4 : i32
    %xor3A_1612 = vector.broadcast %xor3A_1611 : i32 to vector<16xi32>
    %xor3A_1613 = arith.xori %iota3A, %xor3A_1612 : vector<16xi32>
    %lt3A_1614 = arith.constant 0 : i32
    %lt3A_1615 = vector.broadcast %lt3A_1614 : i32 to vector<16xi32>
    %lt3A_1616 = arith.cmpi slt, %xor3A_1613, %lt3A_1615 : vector<16xi32>
    %add3A_1617 = arith.constant 16 : i32
    %add3A_1618 = vector.broadcast %add3A_1617 : i32 to vector<16xi32>
    %add3A_1619 = arith.addi %xor3A_1613, %add3A_1618 : vector<16xi32>
    %select_n3A_1620 = arith.select %lt3A_1616, %add3A_1619, %xor3A_1613 : vector<16xi1>, vector<16xi32>
    %broadcast_in_dim3A_1621 = vector.shape_cast %select_n3A_1620 : vector<16xi32> to vector<16x1xi32>
    %gather3A_1622 = vector.shape_cast %broadcast_in_dim3A_1621 : vector<16x1xi32> to vector<16xi32>
    %gather3A_1623 = tpu.dynamic_gather %add3A_1610[%gather3A_1622] in [0] : vector<16xf32>, vector<16xi32> -> vector<16xf32>
    %add3A_1624 = arith.addf %add3A_1610, %gather3A_1623 : vector<16xf32>
    %xor3A_1625 = arith.constant 8 : i32
    %xor3A_1626 = vector.broadcast %xor3A_1625 : i32 to vector<16xi32>
    %xor3A_1627 = arith.xori %iota3A, %xor3A_1626 : vector<16xi32>
    %lt3A_1628 = arith.constant 0 : i32
    %lt3A_1629 = vector.broadcast %lt3A_1628 : i32 to vector<16xi32>
    %lt3A_1630 = arith.cmpi slt, %xor3A_1627, %lt3A_1629 : vector<16xi32>
    %add3A_1631 = arith.constant 16 : i32
    %add3A_1632 = vector.broadcast %add3A_1631 : i32 to vector<16xi32>
    %add3A_1633 = arith.addi %xor3A_1627, %add3A_1632 : vector<16xi32>
    %select_n3A_1634 = arith.select %lt3A_1630, %add3A_1633, %xor3A_1627 : vector<16xi1>, vector<16xi32>
    %broadcast_in_dim3A_1635 = vector.shape_cast %select_n3A_1634 : vector<16xi32> to vector<16x1xi32>
    %gather3A_1636 = vector.shape_cast %broadcast_in_dim3A_1635 : vector<16x1xi32> to vector<16xi32>
    %gather3A_1637 = tpu.dynamic_gather %add3A_1624[%gather3A_1636] in [0] : vector<16xf32>, vector<16xi32> -> vector<16xf32>
    %add3A_1638 = arith.addf %add3A_1624, %gather3A_1637 : vector<16xf32>
    %div3A_1639 = arith.divf %exp3A_1582, %add3A_1638 : vector<16xf32>
    %sub3A_1640 = arith.constant 1 : i32
    %sub3A_1641 = vector.broadcast %sub3A_1640 : i32 to vector<16xi32>
    %sub3A_1642 = arith.subi %iota3A, %sub3A_1641 : vector<16xi32>
    %max3A_1643 = arith.constant 0 : i32
    %max3A_1644 = vector.broadcast %max3A_1643 : i32 to vector<16xi32>
    %max3A_1645 = arith.maxsi %sub3A_1642, %max3A_1644 : vector<16xi32>
    %lt3A_1646 = arith.constant 0 : i32
    %lt3A_1647 = vector.broadcast %lt3A_1646 : i32 to vector<16xi32>
    %lt3A_1648 = arith.cmpi slt, %max3A_1645, %lt3A_1647 : vector<16xi32>
    %add3A_1649 = arith.constant 16 : i32
    %add3A_1650 = vector.broadcast %add3A_1649 : i32 to vector<16xi32>
    %add3A_1651 = arith.addi %max3A_1645, %add3A_1650 : vector<16xi32>
    %select_n3A_1652 = arith.select %lt3A_1648, %add3A_1651, %max3A_1645 : vector<16xi1>, vector<16xi32>
    %broadcast_in_dim3A_1653 = vector.shape_cast %select_n3A_1652 : vector<16xi32> to vector<16x1xi32>
    %gather3A_1654 = vector.shape_cast %broadcast_in_dim3A_1653 : vector<16x1xi32> to vector<16xi32>
    %gather3A_1655 = tpu.dynamic_gather %div3A_1639[%gather3A_1654] in [0] : vector<16xf32>, vector<16xi32> -> vector<16xf32>
    %ge3A_1656 = arith.constant 1 : i32
    %ge3A_1657 = vector.broadcast %ge3A_1656 : i32 to vector<16xi32>
    %ge3A_1658 = arith.cmpi sge, %iota3A, %ge3A_1657 : vector<16xi32>
    %jit3A_1659 = arith.constant 0.000000e+00 : f32
    %broadcast_in_dim3A_1660 = vector.broadcast %jit3A_1659 : f32 to vector<16xf32>
    %select_n3A_1661 = arith.select %ge3A_1658, %gather3A_1655, %broadcast_in_dim3A_1660 : vector<16xi1>, vector<16xf32>
    %add3A_1662 = arith.addf %div3A_1639, %select_n3A_1661 : vector<16xf32>
    %sub3A_1663 = arith.constant 2 : i32
    %sub3A_1664 = vector.broadcast %sub3A_1663 : i32 to vector<16xi32>
    %sub3A_1665 = arith.subi %iota3A, %sub3A_1664 : vector<16xi32>
    %max3A_1666 = arith.constant 0 : i32
    %max3A_1667 = vector.broadcast %max3A_1666 : i32 to vector<16xi32>
    %max3A_1668 = arith.maxsi %sub3A_1665, %max3A_1667 : vector<16xi32>
    %lt3A_1669 = arith.constant 0 : i32
    %lt3A_1670 = vector.broadcast %lt3A_1669 : i32 to vector<16xi32>
    %lt3A_1671 = arith.cmpi slt, %max3A_1668, %lt3A_1670 : vector<16xi32>
    %add3A_1672 = arith.constant 16 : i32
    %add3A_1673 = vector.broadcast %add3A_1672 : i32 to vector<16xi32>
    %add3A_1674 = arith.addi %max3A_1668, %add3A_1673 : vector<16xi32>
    %select_n3A_1675 = arith.select %lt3A_1671, %add3A_1674, %max3A_1668 : vector<16xi1>, vector<16xi32>
    %broadcast_in_dim3A_1676 = vector.shape_cast %select_n3A_1675 : vector<16xi32> to vector<16x1xi32>
    %gather3A_1677 = vector.shape_cast %broadcast_in_dim3A_1676 : vector<16x1xi32> to vector<16xi32>
    %gather3A_1678 = tpu.dynamic_gather %add3A_1662[%gather3A_1677] in [0] : vector<16xf32>, vector<16xi32> -> vector<16xf32>
    %ge3A_1679 = arith.constant 2 : i32
    %ge3A_1680 = vector.broadcast %ge3A_1679 : i32 to vector<16xi32>
    %ge3A_1681 = arith.cmpi sge, %iota3A, %ge3A_1680 : vector<16xi32>
    %jit3A_1682 = arith.constant 0.000000e+00 : f32
    %broadcast_in_dim3A_1683 = vector.broadcast %jit3A_1682 : f32 to vector<16xf32>
    %select_n3A_1684 = arith.select %ge3A_1681, %gather3A_1678, %broadcast_in_dim3A_1683 : vector<16xi1>, vector<16xf32>
    %add3A_1685 = arith.addf %add3A_1662, %select_n3A_1684 : vector<16xf32>
    %sub3A_1686 = arith.constant 4 : i32
    %sub3A_1687 = vector.broadcast %sub3A_1686 : i32 to vector<16xi32>
    %sub3A_1688 = arith.subi %iota3A, %sub3A_1687 : vector<16xi32>
    %max3A_1689 = arith.constant 0 : i32
    %max3A_1690 = vector.broadcast %max3A_1689 : i32 to vector<16xi32>
    %max3A_1691 = arith.maxsi %sub3A_1688, %max3A_1690 : vector<16xi32>
    %lt3A_1692 = arith.constant 0 : i32
    %lt3A_1693 = vector.broadcast %lt3A_1692 : i32 to vector<16xi32>
    %lt3A_1694 = arith.cmpi slt, %max3A_1691, %lt3A_1693 : vector<16xi32>
    %add3A_1695 = arith.constant 16 : i32
    %add3A_1696 = vector.broadcast %add3A_1695 : i32 to vector<16xi32>
    %add3A_1697 = arith.addi %max3A_1691, %add3A_1696 : vector<16xi32>
    %select_n3A_1698 = arith.select %lt3A_1694, %add3A_1697, %max3A_1691 : vector<16xi1>, vector<16xi32>
    %broadcast_in_dim3A_1699 = vector.shape_cast %select_n3A_1698 : vector<16xi32> to vector<16x1xi32>
    %gather3A_1700 = vector.shape_cast %broadcast_in_dim3A_1699 : vector<16x1xi32> to vector<16xi32>
    %gather3A_1701 = tpu.dynamic_gather %add3A_1685[%gather3A_1700] in [0] : vector<16xf32>, vector<16xi32> -> vector<16xf32>
    %ge3A_1702 = arith.constant 4 : i32
    %ge3A_1703 = vector.broadcast %ge3A_1702 : i32 to vector<16xi32>
    %ge3A_1704 = arith.cmpi sge, %iota3A, %ge3A_1703 : vector<16xi32>
    %jit3A_1705 = arith.constant 0.000000e+00 : f32
    %broadcast_in_dim3A_1706 = vector.broadcast %jit3A_1705 : f32 to vector<16xf32>
    %select_n3A_1707 = arith.select %ge3A_1704, %gather3A_1701, %broadcast_in_dim3A_1706 : vector<16xi1>, vector<16xf32>
    %add3A_1708 = arith.addf %add3A_1685, %select_n3A_1707 : vector<16xf32>
    %sub3A_1709 = arith.constant 8 : i32
    %sub3A_1710 = vector.broadcast %sub3A_1709 : i32 to vector<16xi32>
    %sub3A_1711 = arith.subi %iota3A, %sub3A_1710 : vector<16xi32>
    %max3A_1712 = arith.constant 0 : i32
    %max3A_1713 = vector.broadcast %max3A_1712 : i32 to vector<16xi32>
    %max3A_1714 = arith.maxsi %sub3A_1711, %max3A_1713 : vector<16xi32>
    %lt3A_1715 = arith.constant 0 : i32
    %lt3A_1716 = vector.broadcast %lt3A_1715 : i32 to vector<16xi32>
    %lt3A_1717 = arith.cmpi slt, %max3A_1714, %lt3A_1716 : vector<16xi32>
    %add3A_1718 = arith.constant 16 : i32
    %add3A_1719 = vector.broadcast %add3A_1718 : i32 to vector<16xi32>
    %add3A_1720 = arith.addi %max3A_1714, %add3A_1719 : vector<16xi32>
    %select_n3A_1721 = arith.select %lt3A_1717, %add3A_1720, %max3A_1714 : vector<16xi1>, vector<16xi32>
    %broadcast_in_dim3A_1722 = vector.shape_cast %select_n3A_1721 : vector<16xi32> to vector<16x1xi32>
    %gather3A_1723 = vector.shape_cast %broadcast_in_dim3A_1722 : vector<16x1xi32> to vector<16xi32>
    %gather3A_1724 = tpu.dynamic_gather %add3A_1708[%gather3A_1723] in [0] : vector<16xf32>, vector<16xi32> -> vector<16xf32>
    %ge3A_1725 = arith.constant 8 : i32
    %ge3A_1726 = vector.broadcast %ge3A_1725 : i32 to vector<16xi32>
    %ge3A_1727 = arith.cmpi sge, %iota3A, %ge3A_1726 : vector<16xi32>
    %jit3A_1728 = arith.constant 0.000000e+00 : f32
    %broadcast_in_dim3A_1729 = vector.broadcast %jit3A_1728 : f32 to vector<16xf32>
    %select_n3A_1730 = arith.select %ge3A_1727, %gather3A_1724, %broadcast_in_dim3A_1729 : vector<16xi1>, vector<16xf32>
    %add3A_1731 = arith.addf %add3A_1708, %select_n3A_1730 : vector<16xf32>
    %add3A_1732 = arith.constant 145 : i32
    %add3A_1733 = vector.broadcast %add3A_1732 : i32 to vector<16xi32>
    %add3A_1734 = arith.addi %iota3A, %add3A_1733 : vector<16xi32>
    %add3A_1735 = arith.addf %add3A_1577, %add3A_1731 : vector<16xf32>
    %mul3A_1736 = arith.mulf %add3A_1735, %div3A_19 : vector<16xf32>
    tpu.vector_store_idx %arg7[%add3A_1734], %mul3A_1736 : memref<256xf32, #tpu.memory_space<vmem>>[vector<16xi32>], vector<16xf32>,
    %lt3A_1737 = arith.constant 0 : i32
    %lt3A_1738 = vector.broadcast %lt3A_1737 : i32 to vector<16xi32>
    %lt3A_1739 = arith.cmpi slt, %broadcast_in_dim3A_53, %lt3A_1738 : vector<16xi32>
    %add3A_1740 = arith.constant 16 : i32
    %add3A_1741 = vector.broadcast %add3A_1740 : i32 to vector<16xi32>
    %add3A_1742 = arith.addi %broadcast_in_dim3A_53, %add3A_1741 : vector<16xi32>
    %select_n3A_1743 = arith.select %lt3A_1739, %add3A_1742, %broadcast_in_dim3A_53 : vector<16xi1>, vector<16xi32>
    %broadcast_in_dim3A_1744 = vector.shape_cast %select_n3A_1743 : vector<16xi32> to vector<16x1xi32>
    %gather3A_1745 = vector.shape_cast %broadcast_in_dim3A_1744 : vector<16x1xi32> to vector<16xi32>
    %gather3A_1746 = tpu.dynamic_gather %add3A_1731[%gather3A_1745] in [0] : vector<16xf32>, vector<16xi32> -> vector<16xf32>
    %add3A_1747 = arith.addf %add3A_1577, %gather3A_1746 : vector<16xf32>
    %get3A_1748 = arith.constant 10 : i32
    %get3A_1749 = arith.index_cast %get3A_1748 : i32 to index
    %get3A_1750 = arith.constant 0 : index
    %get3A_1751 = tpu.vector_load %arg6[%get3A_1749, %get3A_1750] {strides = array<i32>} : memref<15x16xf32, #tpu.memory_space<vmem>>, vector<16xf32>,
    %exp3A_1752 = math.exp %get3A_1751 : vector<16xf32>
    %xor3A_1753 = arith.constant 1 : i32
    %xor3A_1754 = vector.broadcast %xor3A_1753 : i32 to vector<16xi32>
    %xor3A_1755 = arith.xori %iota3A, %xor3A_1754 : vector<16xi32>
    %lt3A_1756 = arith.constant 0 : i32
    %lt3A_1757 = vector.broadcast %lt3A_1756 : i32 to vector<16xi32>
    %lt3A_1758 = arith.cmpi slt, %xor3A_1755, %lt3A_1757 : vector<16xi32>
    %add3A_1759 = arith.constant 16 : i32
    %add3A_1760 = vector.broadcast %add3A_1759 : i32 to vector<16xi32>
    %add3A_1761 = arith.addi %xor3A_1755, %add3A_1760 : vector<16xi32>
    %select_n3A_1762 = arith.select %lt3A_1758, %add3A_1761, %xor3A_1755 : vector<16xi1>, vector<16xi32>
    %broadcast_in_dim3A_1763 = vector.shape_cast %select_n3A_1762 : vector<16xi32> to vector<16x1xi32>
    %gather3A_1764 = vector.shape_cast %broadcast_in_dim3A_1763 : vector<16x1xi32> to vector<16xi32>
    %gather3A_1765 = tpu.dynamic_gather %exp3A_1752[%gather3A_1764] in [0] : vector<16xf32>, vector<16xi32> -> vector<16xf32>
    %add3A_1766 = arith.addf %exp3A_1752, %gather3A_1765 : vector<16xf32>
    %xor3A_1767 = arith.constant 2 : i32
    %xor3A_1768 = vector.broadcast %xor3A_1767 : i32 to vector<16xi32>
    %xor3A_1769 = arith.xori %iota3A, %xor3A_1768 : vector<16xi32>
    %lt3A_1770 = arith.constant 0 : i32
    %lt3A_1771 = vector.broadcast %lt3A_1770 : i32 to vector<16xi32>
    %lt3A_1772 = arith.cmpi slt, %xor3A_1769, %lt3A_1771 : vector<16xi32>
    %add3A_1773 = arith.constant 16 : i32
    %add3A_1774 = vector.broadcast %add3A_1773 : i32 to vector<16xi32>
    %add3A_1775 = arith.addi %xor3A_1769, %add3A_1774 : vector<16xi32>
    %select_n3A_1776 = arith.select %lt3A_1772, %add3A_1775, %xor3A_1769 : vector<16xi1>, vector<16xi32>
    %broadcast_in_dim3A_1777 = vector.shape_cast %select_n3A_1776 : vector<16xi32> to vector<16x1xi32>
    %gather3A_1778 = vector.shape_cast %broadcast_in_dim3A_1777 : vector<16x1xi32> to vector<16xi32>
    %gather3A_1779 = tpu.dynamic_gather %add3A_1766[%gather3A_1778] in [0] : vector<16xf32>, vector<16xi32> -> vector<16xf32>
    %add3A_1780 = arith.addf %add3A_1766, %gather3A_1779 : vector<16xf32>
    %xor3A_1781 = arith.constant 4 : i32
    %xor3A_1782 = vector.broadcast %xor3A_1781 : i32 to vector<16xi32>
    %xor3A_1783 = arith.xori %iota3A, %xor3A_1782 : vector<16xi32>
    %lt3A_1784 = arith.constant 0 : i32
    %lt3A_1785 = vector.broadcast %lt3A_1784 : i32 to vector<16xi32>
    %lt3A_1786 = arith.cmpi slt, %xor3A_1783, %lt3A_1785 : vector<16xi32>
    %add3A_1787 = arith.constant 16 : i32
    %add3A_1788 = vector.broadcast %add3A_1787 : i32 to vector<16xi32>
    %add3A_1789 = arith.addi %xor3A_1783, %add3A_1788 : vector<16xi32>
    %select_n3A_1790 = arith.select %lt3A_1786, %add3A_1789, %xor3A_1783 : vector<16xi1>, vector<16xi32>
    %broadcast_in_dim3A_1791 = vector.shape_cast %select_n3A_1790 : vector<16xi32> to vector<16x1xi32>
    %gather3A_1792 = vector.shape_cast %broadcast_in_dim3A_1791 : vector<16x1xi32> to vector<16xi32>
    %gather3A_1793 = tpu.dynamic_gather %add3A_1780[%gather3A_1792] in [0] : vector<16xf32>, vector<16xi32> -> vector<16xf32>
    %add3A_1794 = arith.addf %add3A_1780, %gather3A_1793 : vector<16xf32>
    %xor3A_1795 = arith.constant 8 : i32
    %xor3A_1796 = vector.broadcast %xor3A_1795 : i32 to vector<16xi32>
    %xor3A_1797 = arith.xori %iota3A, %xor3A_1796 : vector<16xi32>
    %lt3A_1798 = arith.constant 0 : i32
    %lt3A_1799 = vector.broadcast %lt3A_1798 : i32 to vector<16xi32>
    %lt3A_1800 = arith.cmpi slt, %xor3A_1797, %lt3A_1799 : vector<16xi32>
    %add3A_1801 = arith.constant 16 : i32
    %add3A_1802 = vector.broadcast %add3A_1801 : i32 to vector<16xi32>
    %add3A_1803 = arith.addi %xor3A_1797, %add3A_1802 : vector<16xi32>
    %select_n3A_1804 = arith.select %lt3A_1800, %add3A_1803, %xor3A_1797 : vector<16xi1>, vector<16xi32>
    %broadcast_in_dim3A_1805 = vector.shape_cast %select_n3A_1804 : vector<16xi32> to vector<16x1xi32>
    %gather3A_1806 = vector.shape_cast %broadcast_in_dim3A_1805 : vector<16x1xi32> to vector<16xi32>
    %gather3A_1807 = tpu.dynamic_gather %add3A_1794[%gather3A_1806] in [0] : vector<16xf32>, vector<16xi32> -> vector<16xf32>
    %add3A_1808 = arith.addf %add3A_1794, %gather3A_1807 : vector<16xf32>
    %div3A_1809 = arith.divf %exp3A_1752, %add3A_1808 : vector<16xf32>
    %sub3A_1810 = arith.constant 1 : i32
    %sub3A_1811 = vector.broadcast %sub3A_1810 : i32 to vector<16xi32>
    %sub3A_1812 = arith.subi %iota3A, %sub3A_1811 : vector<16xi32>
    %max3A_1813 = arith.constant 0 : i32
    %max3A_1814 = vector.broadcast %max3A_1813 : i32 to vector<16xi32>
    %max3A_1815 = arith.maxsi %sub3A_1812, %max3A_1814 : vector<16xi32>
    %lt3A_1816 = arith.constant 0 : i32
    %lt3A_1817 = vector.broadcast %lt3A_1816 : i32 to vector<16xi32>
    %lt3A_1818 = arith.cmpi slt, %max3A_1815, %lt3A_1817 : vector<16xi32>
    %add3A_1819 = arith.constant 16 : i32
    %add3A_1820 = vector.broadcast %add3A_1819 : i32 to vector<16xi32>
    %add3A_1821 = arith.addi %max3A_1815, %add3A_1820 : vector<16xi32>
    %select_n3A_1822 = arith.select %lt3A_1818, %add3A_1821, %max3A_1815 : vector<16xi1>, vector<16xi32>
    %broadcast_in_dim3A_1823 = vector.shape_cast %select_n3A_1822 : vector<16xi32> to vector<16x1xi32>
    %gather3A_1824 = vector.shape_cast %broadcast_in_dim3A_1823 : vector<16x1xi32> to vector<16xi32>
    %gather3A_1825 = tpu.dynamic_gather %div3A_1809[%gather3A_1824] in [0] : vector<16xf32>, vector<16xi32> -> vector<16xf32>
    %ge3A_1826 = arith.constant 1 : i32
    %ge3A_1827 = vector.broadcast %ge3A_1826 : i32 to vector<16xi32>
    %ge3A_1828 = arith.cmpi sge, %iota3A, %ge3A_1827 : vector<16xi32>
    %jit3A_1829 = arith.constant 0.000000e+00 : f32
    %broadcast_in_dim3A_1830 = vector.broadcast %jit3A_1829 : f32 to vector<16xf32>
    %select_n3A_1831 = arith.select %ge3A_1828, %gather3A_1825, %broadcast_in_dim3A_1830 : vector<16xi1>, vector<16xf32>
    %add3A_1832 = arith.addf %div3A_1809, %select_n3A_1831 : vector<16xf32>
    %sub3A_1833 = arith.constant 2 : i32
    %sub3A_1834 = vector.broadcast %sub3A_1833 : i32 to vector<16xi32>
    %sub3A_1835 = arith.subi %iota3A, %sub3A_1834 : vector<16xi32>
    %max3A_1836 = arith.constant 0 : i32
    %max3A_1837 = vector.broadcast %max3A_1836 : i32 to vector<16xi32>
    %max3A_1838 = arith.maxsi %sub3A_1835, %max3A_1837 : vector<16xi32>
    %lt3A_1839 = arith.constant 0 : i32
    %lt3A_1840 = vector.broadcast %lt3A_1839 : i32 to vector<16xi32>
    %lt3A_1841 = arith.cmpi slt, %max3A_1838, %lt3A_1840 : vector<16xi32>
    %add3A_1842 = arith.constant 16 : i32
    %add3A_1843 = vector.broadcast %add3A_1842 : i32 to vector<16xi32>
    %add3A_1844 = arith.addi %max3A_1838, %add3A_1843 : vector<16xi32>
    %select_n3A_1845 = arith.select %lt3A_1841, %add3A_1844, %max3A_1838 : vector<16xi1>, vector<16xi32>
    %broadcast_in_dim3A_1846 = vector.shape_cast %select_n3A_1845 : vector<16xi32> to vector<16x1xi32>
    %gather3A_1847 = vector.shape_cast %broadcast_in_dim3A_1846 : vector<16x1xi32> to vector<16xi32>
    %gather3A_1848 = tpu.dynamic_gather %add3A_1832[%gather3A_1847] in [0] : vector<16xf32>, vector<16xi32> -> vector<16xf32>
    %ge3A_1849 = arith.constant 2 : i32
    %ge3A_1850 = vector.broadcast %ge3A_1849 : i32 to vector<16xi32>
    %ge3A_1851 = arith.cmpi sge, %iota3A, %ge3A_1850 : vector<16xi32>
    %jit3A_1852 = arith.constant 0.000000e+00 : f32
    %broadcast_in_dim3A_1853 = vector.broadcast %jit3A_1852 : f32 to vector<16xf32>
    %select_n3A_1854 = arith.select %ge3A_1851, %gather3A_1848, %broadcast_in_dim3A_1853 : vector<16xi1>, vector<16xf32>
    %add3A_1855 = arith.addf %add3A_1832, %select_n3A_1854 : vector<16xf32>
    %sub3A_1856 = arith.constant 4 : i32
    %sub3A_1857 = vector.broadcast %sub3A_1856 : i32 to vector<16xi32>
    %sub3A_1858 = arith.subi %iota3A, %sub3A_1857 : vector<16xi32>
    %max3A_1859 = arith.constant 0 : i32
    %max3A_1860 = vector.broadcast %max3A_1859 : i32 to vector<16xi32>
    %max3A_1861 = arith.maxsi %sub3A_1858, %max3A_1860 : vector<16xi32>
    %lt3A_1862 = arith.constant 0 : i32
    %lt3A_1863 = vector.broadcast %lt3A_1862 : i32 to vector<16xi32>
    %lt3A_1864 = arith.cmpi slt, %max3A_1861, %lt3A_1863 : vector<16xi32>
    %add3A_1865 = arith.constant 16 : i32
    %add3A_1866 = vector.broadcast %add3A_1865 : i32 to vector<16xi32>
    %add3A_1867 = arith.addi %max3A_1861, %add3A_1866 : vector<16xi32>
    %select_n3A_1868 = arith.select %lt3A_1864, %add3A_1867, %max3A_1861 : vector<16xi1>, vector<16xi32>
    %broadcast_in_dim3A_1869 = vector.shape_cast %select_n3A_1868 : vector<16xi32> to vector<16x1xi32>
    %gather3A_1870 = vector.shape_cast %broadcast_in_dim3A_1869 : vector<16x1xi32> to vector<16xi32>
    %gather3A_1871 = tpu.dynamic_gather %add3A_1855[%gather3A_1870] in [0] : vector<16xf32>, vector<16xi32> -> vector<16xf32>
    %ge3A_1872 = arith.constant 4 : i32
    %ge3A_1873 = vector.broadcast %ge3A_1872 : i32 to vector<16xi32>
    %ge3A_1874 = arith.cmpi sge, %iota3A, %ge3A_1873 : vector<16xi32>
    %jit3A_1875 = arith.constant 0.000000e+00 : f32
    %broadcast_in_dim3A_1876 = vector.broadcast %jit3A_1875 : f32 to vector<16xf32>
    %select_n3A_1877 = arith.select %ge3A_1874, %gather3A_1871, %broadcast_in_dim3A_1876 : vector<16xi1>, vector<16xf32>
    %add3A_1878 = arith.addf %add3A_1855, %select_n3A_1877 : vector<16xf32>
    %sub3A_1879 = arith.constant 8 : i32
    %sub3A_1880 = vector.broadcast %sub3A_1879 : i32 to vector<16xi32>
    %sub3A_1881 = arith.subi %iota3A, %sub3A_1880 : vector<16xi32>
    %max3A_1882 = arith.constant 0 : i32
    %max3A_1883 = vector.broadcast %max3A_1882 : i32 to vector<16xi32>
    %max3A_1884 = arith.maxsi %sub3A_1881, %max3A_1883 : vector<16xi32>
    %lt3A_1885 = arith.constant 0 : i32
    %lt3A_1886 = vector.broadcast %lt3A_1885 : i32 to vector<16xi32>
    %lt3A_1887 = arith.cmpi slt, %max3A_1884, %lt3A_1886 : vector<16xi32>
    %add3A_1888 = arith.constant 16 : i32
    %add3A_1889 = vector.broadcast %add3A_1888 : i32 to vector<16xi32>
    %add3A_1890 = arith.addi %max3A_1884, %add3A_1889 : vector<16xi32>
    %select_n3A_1891 = arith.select %lt3A_1887, %add3A_1890, %max3A_1884 : vector<16xi1>, vector<16xi32>
    %broadcast_in_dim3A_1892 = vector.shape_cast %select_n3A_1891 : vector<16xi32> to vector<16x1xi32>
    %gather3A_1893 = vector.shape_cast %broadcast_in_dim3A_1892 : vector<16x1xi32> to vector<16xi32>
    %gather3A_1894 = tpu.dynamic_gather %add3A_1878[%gather3A_1893] in [0] : vector<16xf32>, vector<16xi32> -> vector<16xf32>
    %ge3A_1895 = arith.constant 8 : i32
    %ge3A_1896 = vector.broadcast %ge3A_1895 : i32 to vector<16xi32>
    %ge3A_1897 = arith.cmpi sge, %iota3A, %ge3A_1896 : vector<16xi32>
    %jit3A_1898 = arith.constant 0.000000e+00 : f32
    %broadcast_in_dim3A_1899 = vector.broadcast %jit3A_1898 : f32 to vector<16xf32>
    %select_n3A_1900 = arith.select %ge3A_1897, %gather3A_1894, %broadcast_in_dim3A_1899 : vector<16xi1>, vector<16xf32>
    %add3A_1901 = arith.addf %add3A_1878, %select_n3A_1900 : vector<16xf32>
    %add3A_1902 = arith.constant 161 : i32
    %add3A_1903 = vector.broadcast %add3A_1902 : i32 to vector<16xi32>
    %add3A_1904 = arith.addi %iota3A, %add3A_1903 : vector<16xi32>
    %add3A_1905 = arith.addf %add3A_1747, %add3A_1901 : vector<16xf32>
    %mul3A_1906 = arith.mulf %add3A_1905, %div3A_19 : vector<16xf32>
    tpu.vector_store_idx %arg7[%add3A_1904], %mul3A_1906 : memref<256xf32, #tpu.memory_space<vmem>>[vector<16xi32>], vector<16xf32>,
    %lt3A_1907 = arith.constant 0 : i32
    %lt3A_1908 = vector.broadcast %lt3A_1907 : i32 to vector<16xi32>
    %lt3A_1909 = arith.cmpi slt, %broadcast_in_dim3A_53, %lt3A_1908 : vector<16xi32>
    %add3A_1910 = arith.constant 16 : i32
    %add3A_1911 = vector.broadcast %add3A_1910 : i32 to vector<16xi32>
    %add3A_1912 = arith.addi %broadcast_in_dim3A_53, %add3A_1911 : vector<16xi32>
    %select_n3A_1913 = arith.select %lt3A_1909, %add3A_1912, %broadcast_in_dim3A_53 : vector<16xi1>, vector<16xi32>
    %broadcast_in_dim3A_1914 = vector.shape_cast %select_n3A_1913 : vector<16xi32> to vector<16x1xi32>
    %gather3A_1915 = vector.shape_cast %broadcast_in_dim3A_1914 : vector<16x1xi32> to vector<16xi32>
    %gather3A_1916 = tpu.dynamic_gather %add3A_1901[%gather3A_1915] in [0] : vector<16xf32>, vector<16xi32> -> vector<16xf32>
    %add3A_1917 = arith.addf %add3A_1747, %gather3A_1916 : vector<16xf32>
    %get3A_1918 = arith.constant 11 : i32
    %get3A_1919 = arith.index_cast %get3A_1918 : i32 to index
    %get3A_1920 = arith.constant 0 : index
    %get3A_1921 = tpu.vector_load %arg6[%get3A_1919, %get3A_1920] {strides = array<i32>} : memref<15x16xf32, #tpu.memory_space<vmem>>, vector<16xf32>,
    %exp3A_1922 = math.exp %get3A_1921 : vector<16xf32>
    %xor3A_1923 = arith.constant 1 : i32
    %xor3A_1924 = vector.broadcast %xor3A_1923 : i32 to vector<16xi32>
    %xor3A_1925 = arith.xori %iota3A, %xor3A_1924 : vector<16xi32>
    %lt3A_1926 = arith.constant 0 : i32
    %lt3A_1927 = vector.broadcast %lt3A_1926 : i32 to vector<16xi32>
    %lt3A_1928 = arith.cmpi slt, %xor3A_1925, %lt3A_1927 : vector<16xi32>
    %add3A_1929 = arith.constant 16 : i32
    %add3A_1930 = vector.broadcast %add3A_1929 : i32 to vector<16xi32>
    %add3A_1931 = arith.addi %xor3A_1925, %add3A_1930 : vector<16xi32>
    %select_n3A_1932 = arith.select %lt3A_1928, %add3A_1931, %xor3A_1925 : vector<16xi1>, vector<16xi32>
    %broadcast_in_dim3A_1933 = vector.shape_cast %select_n3A_1932 : vector<16xi32> to vector<16x1xi32>
    %gather3A_1934 = vector.shape_cast %broadcast_in_dim3A_1933 : vector<16x1xi32> to vector<16xi32>
    %gather3A_1935 = tpu.dynamic_gather %exp3A_1922[%gather3A_1934] in [0] : vector<16xf32>, vector<16xi32> -> vector<16xf32>
    %add3A_1936 = arith.addf %exp3A_1922, %gather3A_1935 : vector<16xf32>
    %xor3A_1937 = arith.constant 2 : i32
    %xor3A_1938 = vector.broadcast %xor3A_1937 : i32 to vector<16xi32>
    %xor3A_1939 = arith.xori %iota3A, %xor3A_1938 : vector<16xi32>
    %lt3A_1940 = arith.constant 0 : i32
    %lt3A_1941 = vector.broadcast %lt3A_1940 : i32 to vector<16xi32>
    %lt3A_1942 = arith.cmpi slt, %xor3A_1939, %lt3A_1941 : vector<16xi32>
    %add3A_1943 = arith.constant 16 : i32
    %add3A_1944 = vector.broadcast %add3A_1943 : i32 to vector<16xi32>
    %add3A_1945 = arith.addi %xor3A_1939, %add3A_1944 : vector<16xi32>
    %select_n3A_1946 = arith.select %lt3A_1942, %add3A_1945, %xor3A_1939 : vector<16xi1>, vector<16xi32>
    %broadcast_in_dim3A_1947 = vector.shape_cast %select_n3A_1946 : vector<16xi32> to vector<16x1xi32>
    %gather3A_1948 = vector.shape_cast %broadcast_in_dim3A_1947 : vector<16x1xi32> to vector<16xi32>
    %gather3A_1949 = tpu.dynamic_gather %add3A_1936[%gather3A_1948] in [0] : vector<16xf32>, vector<16xi32> -> vector<16xf32>
    %add3A_1950 = arith.addf %add3A_1936, %gather3A_1949 : vector<16xf32>
    %xor3A_1951 = arith.constant 4 : i32
    %xor3A_1952 = vector.broadcast %xor3A_1951 : i32 to vector<16xi32>
    %xor3A_1953 = arith.xori %iota3A, %xor3A_1952 : vector<16xi32>
    %lt3A_1954 = arith.constant 0 : i32
    %lt3A_1955 = vector.broadcast %lt3A_1954 : i32 to vector<16xi32>
    %lt3A_1956 = arith.cmpi slt, %xor3A_1953, %lt3A_1955 : vector<16xi32>
    %add3A_1957 = arith.constant 16 : i32
    %add3A_1958 = vector.broadcast %add3A_1957 : i32 to vector<16xi32>
    %add3A_1959 = arith.addi %xor3A_1953, %add3A_1958 : vector<16xi32>
    %select_n3A_1960 = arith.select %lt3A_1956, %add3A_1959, %xor3A_1953 : vector<16xi1>, vector<16xi32>
    %broadcast_in_dim3A_1961 = vector.shape_cast %select_n3A_1960 : vector<16xi32> to vector<16x1xi32>
    %gather3A_1962 = vector.shape_cast %broadcast_in_dim3A_1961 : vector<16x1xi32> to vector<16xi32>
    %gather3A_1963 = tpu.dynamic_gather %add3A_1950[%gather3A_1962] in [0] : vector<16xf32>, vector<16xi32> -> vector<16xf32>
    %add3A_1964 = arith.addf %add3A_1950, %gather3A_1963 : vector<16xf32>
    %xor3A_1965 = arith.constant 8 : i32
    %xor3A_1966 = vector.broadcast %xor3A_1965 : i32 to vector<16xi32>
    %xor3A_1967 = arith.xori %iota3A, %xor3A_1966 : vector<16xi32>
    %lt3A_1968 = arith.constant 0 : i32
    %lt3A_1969 = vector.broadcast %lt3A_1968 : i32 to vector<16xi32>
    %lt3A_1970 = arith.cmpi slt, %xor3A_1967, %lt3A_1969 : vector<16xi32>
    %add3A_1971 = arith.constant 16 : i32
    %add3A_1972 = vector.broadcast %add3A_1971 : i32 to vector<16xi32>
    %add3A_1973 = arith.addi %xor3A_1967, %add3A_1972 : vector<16xi32>
    %select_n3A_1974 = arith.select %lt3A_1970, %add3A_1973, %xor3A_1967 : vector<16xi1>, vector<16xi32>
    %broadcast_in_dim3A_1975 = vector.shape_cast %select_n3A_1974 : vector<16xi32> to vector<16x1xi32>
    %gather3A_1976 = vector.shape_cast %broadcast_in_dim3A_1975 : vector<16x1xi32> to vector<16xi32>
    %gather3A_1977 = tpu.dynamic_gather %add3A_1964[%gather3A_1976] in [0] : vector<16xf32>, vector<16xi32> -> vector<16xf32>
    %add3A_1978 = arith.addf %add3A_1964, %gather3A_1977 : vector<16xf32>
    %div3A_1979 = arith.divf %exp3A_1922, %add3A_1978 : vector<16xf32>
    %sub3A_1980 = arith.constant 1 : i32
    %sub3A_1981 = vector.broadcast %sub3A_1980 : i32 to vector<16xi32>
    %sub3A_1982 = arith.subi %iota3A, %sub3A_1981 : vector<16xi32>
    %max3A_1983 = arith.constant 0 : i32
    %max3A_1984 = vector.broadcast %max3A_1983 : i32 to vector<16xi32>
    %max3A_1985 = arith.maxsi %sub3A_1982, %max3A_1984 : vector<16xi32>
    %lt3A_1986 = arith.constant 0 : i32
    %lt3A_1987 = vector.broadcast %lt3A_1986 : i32 to vector<16xi32>
    %lt3A_1988 = arith.cmpi slt, %max3A_1985, %lt3A_1987 : vector<16xi32>
    %add3A_1989 = arith.constant 16 : i32
    %add3A_1990 = vector.broadcast %add3A_1989 : i32 to vector<16xi32>
    %add3A_1991 = arith.addi %max3A_1985, %add3A_1990 : vector<16xi32>
    %select_n3A_1992 = arith.select %lt3A_1988, %add3A_1991, %max3A_1985 : vector<16xi1>, vector<16xi32>
    %broadcast_in_dim3A_1993 = vector.shape_cast %select_n3A_1992 : vector<16xi32> to vector<16x1xi32>
    %gather3A_1994 = vector.shape_cast %broadcast_in_dim3A_1993 : vector<16x1xi32> to vector<16xi32>
    %gather3A_1995 = tpu.dynamic_gather %div3A_1979[%gather3A_1994] in [0] : vector<16xf32>, vector<16xi32> -> vector<16xf32>
    %ge3A_1996 = arith.constant 1 : i32
    %ge3A_1997 = vector.broadcast %ge3A_1996 : i32 to vector<16xi32>
    %ge3A_1998 = arith.cmpi sge, %iota3A, %ge3A_1997 : vector<16xi32>
    %jit3A_1999 = arith.constant 0.000000e+00 : f32
    %broadcast_in_dim3A_2000 = vector.broadcast %jit3A_1999 : f32 to vector<16xf32>
    %select_n3A_2001 = arith.select %ge3A_1998, %gather3A_1995, %broadcast_in_dim3A_2000 : vector<16xi1>, vector<16xf32>
    %add3A_2002 = arith.addf %div3A_1979, %select_n3A_2001 : vector<16xf32>
    %sub3A_2003 = arith.constant 2 : i32
    %sub3A_2004 = vector.broadcast %sub3A_2003 : i32 to vector<16xi32>
    %sub3A_2005 = arith.subi %iota3A, %sub3A_2004 : vector<16xi32>
    %max3A_2006 = arith.constant 0 : i32
    %max3A_2007 = vector.broadcast %max3A_2006 : i32 to vector<16xi32>
    %max3A_2008 = arith.maxsi %sub3A_2005, %max3A_2007 : vector<16xi32>
    %lt3A_2009 = arith.constant 0 : i32
    %lt3A_2010 = vector.broadcast %lt3A_2009 : i32 to vector<16xi32>
    %lt3A_2011 = arith.cmpi slt, %max3A_2008, %lt3A_2010 : vector<16xi32>
    %add3A_2012 = arith.constant 16 : i32
    %add3A_2013 = vector.broadcast %add3A_2012 : i32 to vector<16xi32>
    %add3A_2014 = arith.addi %max3A_2008, %add3A_2013 : vector<16xi32>
    %select_n3A_2015 = arith.select %lt3A_2011, %add3A_2014, %max3A_2008 : vector<16xi1>, vector<16xi32>
    %broadcast_in_dim3A_2016 = vector.shape_cast %select_n3A_2015 : vector<16xi32> to vector<16x1xi32>
    %gather3A_2017 = vector.shape_cast %broadcast_in_dim3A_2016 : vector<16x1xi32> to vector<16xi32>
    %gather3A_2018 = tpu.dynamic_gather %add3A_2002[%gather3A_2017] in [0] : vector<16xf32>, vector<16xi32> -> vector<16xf32>
    %ge3A_2019 = arith.constant 2 : i32
    %ge3A_2020 = vector.broadcast %ge3A_2019 : i32 to vector<16xi32>
    %ge3A_2021 = arith.cmpi sge, %iota3A, %ge3A_2020 : vector<16xi32>
    %jit3A_2022 = arith.constant 0.000000e+00 : f32
    %broadcast_in_dim3A_2023 = vector.broadcast %jit3A_2022 : f32 to vector<16xf32>
    %select_n3A_2024 = arith.select %ge3A_2021, %gather3A_2018, %broadcast_in_dim3A_2023 : vector<16xi1>, vector<16xf32>
    %add3A_2025 = arith.addf %add3A_2002, %select_n3A_2024 : vector<16xf32>
    %sub3A_2026 = arith.constant 4 : i32
    %sub3A_2027 = vector.broadcast %sub3A_2026 : i32 to vector<16xi32>
    %sub3A_2028 = arith.subi %iota3A, %sub3A_2027 : vector<16xi32>
    %max3A_2029 = arith.constant 0 : i32
    %max3A_2030 = vector.broadcast %max3A_2029 : i32 to vector<16xi32>
    %max3A_2031 = arith.maxsi %sub3A_2028, %max3A_2030 : vector<16xi32>
    %lt3A_2032 = arith.constant 0 : i32
    %lt3A_2033 = vector.broadcast %lt3A_2032 : i32 to vector<16xi32>
    %lt3A_2034 = arith.cmpi slt, %max3A_2031, %lt3A_2033 : vector<16xi32>
    %add3A_2035 = arith.constant 16 : i32
    %add3A_2036 = vector.broadcast %add3A_2035 : i32 to vector<16xi32>
    %add3A_2037 = arith.addi %max3A_2031, %add3A_2036 : vector<16xi32>
    %select_n3A_2038 = arith.select %lt3A_2034, %add3A_2037, %max3A_2031 : vector<16xi1>, vector<16xi32>
    %broadcast_in_dim3A_2039 = vector.shape_cast %select_n3A_2038 : vector<16xi32> to vector<16x1xi32>
    %gather3A_2040 = vector.shape_cast %broadcast_in_dim3A_2039 : vector<16x1xi32> to vector<16xi32>
    %gather3A_2041 = tpu.dynamic_gather %add3A_2025[%gather3A_2040] in [0] : vector<16xf32>, vector<16xi32> -> vector<16xf32>
    %ge3A_2042 = arith.constant 4 : i32
    %ge3A_2043 = vector.broadcast %ge3A_2042 : i32 to vector<16xi32>
    %ge3A_2044 = arith.cmpi sge, %iota3A, %ge3A_2043 : vector<16xi32>
    %jit3A_2045 = arith.constant 0.000000e+00 : f32
    %broadcast_in_dim3A_2046 = vector.broadcast %jit3A_2045 : f32 to vector<16xf32>
    %select_n3A_2047 = arith.select %ge3A_2044, %gather3A_2041, %broadcast_in_dim3A_2046 : vector<16xi1>, vector<16xf32>
    %add3A_2048 = arith.addf %add3A_2025, %select_n3A_2047 : vector<16xf32>
    %sub3A_2049 = arith.constant 8 : i32
    %sub3A_2050 = vector.broadcast %sub3A_2049 : i32 to vector<16xi32>
    %sub3A_2051 = arith.subi %iota3A, %sub3A_2050 : vector<16xi32>
    %max3A_2052 = arith.constant 0 : i32
    %max3A_2053 = vector.broadcast %max3A_2052 : i32 to vector<16xi32>
    %max3A_2054 = arith.maxsi %sub3A_2051, %max3A_2053 : vector<16xi32>
    %lt3A_2055 = arith.constant 0 : i32
    %lt3A_2056 = vector.broadcast %lt3A_2055 : i32 to vector<16xi32>
    %lt3A_2057 = arith.cmpi slt, %max3A_2054, %lt3A_2056 : vector<16xi32>
    %add3A_2058 = arith.constant 16 : i32
    %add3A_2059 = vector.broadcast %add3A_2058 : i32 to vector<16xi32>
    %add3A_2060 = arith.addi %max3A_2054, %add3A_2059 : vector<16xi32>
    %select_n3A_2061 = arith.select %lt3A_2057, %add3A_2060, %max3A_2054 : vector<16xi1>, vector<16xi32>
    %broadcast_in_dim3A_2062 = vector.shape_cast %select_n3A_2061 : vector<16xi32> to vector<16x1xi32>
    %gather3A_2063 = vector.shape_cast %broadcast_in_dim3A_2062 : vector<16x1xi32> to vector<16xi32>
    %gather3A_2064 = tpu.dynamic_gather %add3A_2048[%gather3A_2063] in [0] : vector<16xf32>, vector<16xi32> -> vector<16xf32>
    %ge3A_2065 = arith.constant 8 : i32
    %ge3A_2066 = vector.broadcast %ge3A_2065 : i32 to vector<16xi32>
    %ge3A_2067 = arith.cmpi sge, %iota3A, %ge3A_2066 : vector<16xi32>
    %jit3A_2068 = arith.constant 0.000000e+00 : f32
    %broadcast_in_dim3A_2069 = vector.broadcast %jit3A_2068 : f32 to vector<16xf32>
    %select_n3A_2070 = arith.select %ge3A_2067, %gather3A_2064, %broadcast_in_dim3A_2069 : vector<16xi1>, vector<16xf32>
    %add3A_2071 = arith.addf %add3A_2048, %select_n3A_2070 : vector<16xf32>
    %add3A_2072 = arith.constant 177 : i32
    %add3A_2073 = vector.broadcast %add3A_2072 : i32 to vector<16xi32>
    %add3A_2074 = arith.addi %iota3A, %add3A_2073 : vector<16xi32>
    %add3A_2075 = arith.addf %add3A_1917, %add3A_2071 : vector<16xf32>
    %mul3A_2076 = arith.mulf %add3A_2075, %div3A_19 : vector<16xf32>
    tpu.vector_store_idx %arg7[%add3A_2074], %mul3A_2076 : memref<256xf32, #tpu.memory_space<vmem>>[vector<16xi32>], vector<16xf32>,
    %lt3A_2077 = arith.constant 0 : i32
    %lt3A_2078 = vector.broadcast %lt3A_2077 : i32 to vector<16xi32>
    %lt3A_2079 = arith.cmpi slt, %broadcast_in_dim3A_53, %lt3A_2078 : vector<16xi32>
    %add3A_2080 = arith.constant 16 : i32
    %add3A_2081 = vector.broadcast %add3A_2080 : i32 to vector<16xi32>
    %add3A_2082 = arith.addi %broadcast_in_dim3A_53, %add3A_2081 : vector<16xi32>
    %select_n3A_2083 = arith.select %lt3A_2079, %add3A_2082, %broadcast_in_dim3A_53 : vector<16xi1>, vector<16xi32>
    %broadcast_in_dim3A_2084 = vector.shape_cast %select_n3A_2083 : vector<16xi32> to vector<16x1xi32>
    %gather3A_2085 = vector.shape_cast %broadcast_in_dim3A_2084 : vector<16x1xi32> to vector<16xi32>
    %gather3A_2086 = tpu.dynamic_gather %add3A_2071[%gather3A_2085] in [0] : vector<16xf32>, vector<16xi32> -> vector<16xf32>
    %add3A_2087 = arith.addf %add3A_1917, %gather3A_2086 : vector<16xf32>
    %get3A_2088 = arith.constant 12 : i32
    %get3A_2089 = arith.index_cast %get3A_2088 : i32 to index
    %get3A_2090 = arith.constant 0 : index
    %get3A_2091 = tpu.vector_load %arg6[%get3A_2089, %get3A_2090] {strides = array<i32>} : memref<15x16xf32, #tpu.memory_space<vmem>>, vector<16xf32>,
    %exp3A_2092 = math.exp %get3A_2091 : vector<16xf32>
    %xor3A_2093 = arith.constant 1 : i32
    %xor3A_2094 = vector.broadcast %xor3A_2093 : i32 to vector<16xi32>
    %xor3A_2095 = arith.xori %iota3A, %xor3A_2094 : vector<16xi32>
    %lt3A_2096 = arith.constant 0 : i32
    %lt3A_2097 = vector.broadcast %lt3A_2096 : i32 to vector<16xi32>
    %lt3A_2098 = arith.cmpi slt, %xor3A_2095, %lt3A_2097 : vector<16xi32>
    %add3A_2099 = arith.constant 16 : i32
    %add3A_2100 = vector.broadcast %add3A_2099 : i32 to vector<16xi32>
    %add3A_2101 = arith.addi %xor3A_2095, %add3A_2100 : vector<16xi32>
    %select_n3A_2102 = arith.select %lt3A_2098, %add3A_2101, %xor3A_2095 : vector<16xi1>, vector<16xi32>
    %broadcast_in_dim3A_2103 = vector.shape_cast %select_n3A_2102 : vector<16xi32> to vector<16x1xi32>
    %gather3A_2104 = vector.shape_cast %broadcast_in_dim3A_2103 : vector<16x1xi32> to vector<16xi32>
    %gather3A_2105 = tpu.dynamic_gather %exp3A_2092[%gather3A_2104] in [0] : vector<16xf32>, vector<16xi32> -> vector<16xf32>
    %add3A_2106 = arith.addf %exp3A_2092, %gather3A_2105 : vector<16xf32>
    %xor3A_2107 = arith.constant 2 : i32
    %xor3A_2108 = vector.broadcast %xor3A_2107 : i32 to vector<16xi32>
    %xor3A_2109 = arith.xori %iota3A, %xor3A_2108 : vector<16xi32>
    %lt3A_2110 = arith.constant 0 : i32
    %lt3A_2111 = vector.broadcast %lt3A_2110 : i32 to vector<16xi32>
    %lt3A_2112 = arith.cmpi slt, %xor3A_2109, %lt3A_2111 : vector<16xi32>
    %add3A_2113 = arith.constant 16 : i32
    %add3A_2114 = vector.broadcast %add3A_2113 : i32 to vector<16xi32>
    %add3A_2115 = arith.addi %xor3A_2109, %add3A_2114 : vector<16xi32>
    %select_n3A_2116 = arith.select %lt3A_2112, %add3A_2115, %xor3A_2109 : vector<16xi1>, vector<16xi32>
    %broadcast_in_dim3A_2117 = vector.shape_cast %select_n3A_2116 : vector<16xi32> to vector<16x1xi32>
    %gather3A_2118 = vector.shape_cast %broadcast_in_dim3A_2117 : vector<16x1xi32> to vector<16xi32>
    %gather3A_2119 = tpu.dynamic_gather %add3A_2106[%gather3A_2118] in [0] : vector<16xf32>, vector<16xi32> -> vector<16xf32>
    %add3A_2120 = arith.addf %add3A_2106, %gather3A_2119 : vector<16xf32>
    %xor3A_2121 = arith.constant 4 : i32
    %xor3A_2122 = vector.broadcast %xor3A_2121 : i32 to vector<16xi32>
    %xor3A_2123 = arith.xori %iota3A, %xor3A_2122 : vector<16xi32>
    %lt3A_2124 = arith.constant 0 : i32
    %lt3A_2125 = vector.broadcast %lt3A_2124 : i32 to vector<16xi32>
    %lt3A_2126 = arith.cmpi slt, %xor3A_2123, %lt3A_2125 : vector<16xi32>
    %add3A_2127 = arith.constant 16 : i32
    %add3A_2128 = vector.broadcast %add3A_2127 : i32 to vector<16xi32>
    %add3A_2129 = arith.addi %xor3A_2123, %add3A_2128 : vector<16xi32>
    %select_n3A_2130 = arith.select %lt3A_2126, %add3A_2129, %xor3A_2123 : vector<16xi1>, vector<16xi32>
    %broadcast_in_dim3A_2131 = vector.shape_cast %select_n3A_2130 : vector<16xi32> to vector<16x1xi32>
    %gather3A_2132 = vector.shape_cast %broadcast_in_dim3A_2131 : vector<16x1xi32> to vector<16xi32>
    %gather3A_2133 = tpu.dynamic_gather %add3A_2120[%gather3A_2132] in [0] : vector<16xf32>, vector<16xi32> -> vector<16xf32>
    %add3A_2134 = arith.addf %add3A_2120, %gather3A_2133 : vector<16xf32>
    %xor3A_2135 = arith.constant 8 : i32
    %xor3A_2136 = vector.broadcast %xor3A_2135 : i32 to vector<16xi32>
    %xor3A_2137 = arith.xori %iota3A, %xor3A_2136 : vector<16xi32>
    %lt3A_2138 = arith.constant 0 : i32
    %lt3A_2139 = vector.broadcast %lt3A_2138 : i32 to vector<16xi32>
    %lt3A_2140 = arith.cmpi slt, %xor3A_2137, %lt3A_2139 : vector<16xi32>
    %add3A_2141 = arith.constant 16 : i32
    %add3A_2142 = vector.broadcast %add3A_2141 : i32 to vector<16xi32>
    %add3A_2143 = arith.addi %xor3A_2137, %add3A_2142 : vector<16xi32>
    %select_n3A_2144 = arith.select %lt3A_2140, %add3A_2143, %xor3A_2137 : vector<16xi1>, vector<16xi32>
    %broadcast_in_dim3A_2145 = vector.shape_cast %select_n3A_2144 : vector<16xi32> to vector<16x1xi32>
    %gather3A_2146 = vector.shape_cast %broadcast_in_dim3A_2145 : vector<16x1xi32> to vector<16xi32>
    %gather3A_2147 = tpu.dynamic_gather %add3A_2134[%gather3A_2146] in [0] : vector<16xf32>, vector<16xi32> -> vector<16xf32>
    %add3A_2148 = arith.addf %add3A_2134, %gather3A_2147 : vector<16xf32>
    %div3A_2149 = arith.divf %exp3A_2092, %add3A_2148 : vector<16xf32>
    %sub3A_2150 = arith.constant 1 : i32
    %sub3A_2151 = vector.broadcast %sub3A_2150 : i32 to vector<16xi32>
    %sub3A_2152 = arith.subi %iota3A, %sub3A_2151 : vector<16xi32>
    %max3A_2153 = arith.constant 0 : i32
    %max3A_2154 = vector.broadcast %max3A_2153 : i32 to vector<16xi32>
    %max3A_2155 = arith.maxsi %sub3A_2152, %max3A_2154 : vector<16xi32>
    %lt3A_2156 = arith.constant 0 : i32
    %lt3A_2157 = vector.broadcast %lt3A_2156 : i32 to vector<16xi32>
    %lt3A_2158 = arith.cmpi slt, %max3A_2155, %lt3A_2157 : vector<16xi32>
    %add3A_2159 = arith.constant 16 : i32
    %add3A_2160 = vector.broadcast %add3A_2159 : i32 to vector<16xi32>
    %add3A_2161 = arith.addi %max3A_2155, %add3A_2160 : vector<16xi32>
    %select_n3A_2162 = arith.select %lt3A_2158, %add3A_2161, %max3A_2155 : vector<16xi1>, vector<16xi32>
    %broadcast_in_dim3A_2163 = vector.shape_cast %select_n3A_2162 : vector<16xi32> to vector<16x1xi32>
    %gather3A_2164 = vector.shape_cast %broadcast_in_dim3A_2163 : vector<16x1xi32> to vector<16xi32>
    %gather3A_2165 = tpu.dynamic_gather %div3A_2149[%gather3A_2164] in [0] : vector<16xf32>, vector<16xi32> -> vector<16xf32>
    %ge3A_2166 = arith.constant 1 : i32
    %ge3A_2167 = vector.broadcast %ge3A_2166 : i32 to vector<16xi32>
    %ge3A_2168 = arith.cmpi sge, %iota3A, %ge3A_2167 : vector<16xi32>
    %jit3A_2169 = arith.constant 0.000000e+00 : f32
    %broadcast_in_dim3A_2170 = vector.broadcast %jit3A_2169 : f32 to vector<16xf32>
    %select_n3A_2171 = arith.select %ge3A_2168, %gather3A_2165, %broadcast_in_dim3A_2170 : vector<16xi1>, vector<16xf32>
    %add3A_2172 = arith.addf %div3A_2149, %select_n3A_2171 : vector<16xf32>
    %sub3A_2173 = arith.constant 2 : i32
    %sub3A_2174 = vector.broadcast %sub3A_2173 : i32 to vector<16xi32>
    %sub3A_2175 = arith.subi %iota3A, %sub3A_2174 : vector<16xi32>
    %max3A_2176 = arith.constant 0 : i32
    %max3A_2177 = vector.broadcast %max3A_2176 : i32 to vector<16xi32>
    %max3A_2178 = arith.maxsi %sub3A_2175, %max3A_2177 : vector<16xi32>
    %lt3A_2179 = arith.constant 0 : i32
    %lt3A_2180 = vector.broadcast %lt3A_2179 : i32 to vector<16xi32>
    %lt3A_2181 = arith.cmpi slt, %max3A_2178, %lt3A_2180 : vector<16xi32>
    %add3A_2182 = arith.constant 16 : i32
    %add3A_2183 = vector.broadcast %add3A_2182 : i32 to vector<16xi32>
    %add3A_2184 = arith.addi %max3A_2178, %add3A_2183 : vector<16xi32>
    %select_n3A_2185 = arith.select %lt3A_2181, %add3A_2184, %max3A_2178 : vector<16xi1>, vector<16xi32>
    %broadcast_in_dim3A_2186 = vector.shape_cast %select_n3A_2185 : vector<16xi32> to vector<16x1xi32>
    %gather3A_2187 = vector.shape_cast %broadcast_in_dim3A_2186 : vector<16x1xi32> to vector<16xi32>
    %gather3A_2188 = tpu.dynamic_gather %add3A_2172[%gather3A_2187] in [0] : vector<16xf32>, vector<16xi32> -> vector<16xf32>
    %ge3A_2189 = arith.constant 2 : i32
    %ge3A_2190 = vector.broadcast %ge3A_2189 : i32 to vector<16xi32>
    %ge3A_2191 = arith.cmpi sge, %iota3A, %ge3A_2190 : vector<16xi32>
    %jit3A_2192 = arith.constant 0.000000e+00 : f32
    %broadcast_in_dim3A_2193 = vector.broadcast %jit3A_2192 : f32 to vector<16xf32>
    %select_n3A_2194 = arith.select %ge3A_2191, %gather3A_2188, %broadcast_in_dim3A_2193 : vector<16xi1>, vector<16xf32>
    %add3A_2195 = arith.addf %add3A_2172, %select_n3A_2194 : vector<16xf32>
    %sub3A_2196 = arith.constant 4 : i32
    %sub3A_2197 = vector.broadcast %sub3A_2196 : i32 to vector<16xi32>
    %sub3A_2198 = arith.subi %iota3A, %sub3A_2197 : vector<16xi32>
    %max3A_2199 = arith.constant 0 : i32
    %max3A_2200 = vector.broadcast %max3A_2199 : i32 to vector<16xi32>
    %max3A_2201 = arith.maxsi %sub3A_2198, %max3A_2200 : vector<16xi32>
    %lt3A_2202 = arith.constant 0 : i32
    %lt3A_2203 = vector.broadcast %lt3A_2202 : i32 to vector<16xi32>
    %lt3A_2204 = arith.cmpi slt, %max3A_2201, %lt3A_2203 : vector<16xi32>
    %add3A_2205 = arith.constant 16 : i32
    %add3A_2206 = vector.broadcast %add3A_2205 : i32 to vector<16xi32>
    %add3A_2207 = arith.addi %max3A_2201, %add3A_2206 : vector<16xi32>
    %select_n3A_2208 = arith.select %lt3A_2204, %add3A_2207, %max3A_2201 : vector<16xi1>, vector<16xi32>
    %broadcast_in_dim3A_2209 = vector.shape_cast %select_n3A_2208 : vector<16xi32> to vector<16x1xi32>
    %gather3A_2210 = vector.shape_cast %broadcast_in_dim3A_2209 : vector<16x1xi32> to vector<16xi32>
    %gather3A_2211 = tpu.dynamic_gather %add3A_2195[%gather3A_2210] in [0] : vector<16xf32>, vector<16xi32> -> vector<16xf32>
    %ge3A_2212 = arith.constant 4 : i32
    %ge3A_2213 = vector.broadcast %ge3A_2212 : i32 to vector<16xi32>
    %ge3A_2214 = arith.cmpi sge, %iota3A, %ge3A_2213 : vector<16xi32>
    %jit3A_2215 = arith.constant 0.000000e+00 : f32
    %broadcast_in_dim3A_2216 = vector.broadcast %jit3A_2215 : f32 to vector<16xf32>
    %select_n3A_2217 = arith.select %ge3A_2214, %gather3A_2211, %broadcast_in_dim3A_2216 : vector<16xi1>, vector<16xf32>
    %add3A_2218 = arith.addf %add3A_2195, %select_n3A_2217 : vector<16xf32>
    %sub3A_2219 = arith.constant 8 : i32
    %sub3A_2220 = vector.broadcast %sub3A_2219 : i32 to vector<16xi32>
    %sub3A_2221 = arith.subi %iota3A, %sub3A_2220 : vector<16xi32>
    %max3A_2222 = arith.constant 0 : i32
    %max3A_2223 = vector.broadcast %max3A_2222 : i32 to vector<16xi32>
    %max3A_2224 = arith.maxsi %sub3A_2221, %max3A_2223 : vector<16xi32>
    %lt3A_2225 = arith.constant 0 : i32
    %lt3A_2226 = vector.broadcast %lt3A_2225 : i32 to vector<16xi32>
    %lt3A_2227 = arith.cmpi slt, %max3A_2224, %lt3A_2226 : vector<16xi32>
    %add3A_2228 = arith.constant 16 : i32
    %add3A_2229 = vector.broadcast %add3A_2228 : i32 to vector<16xi32>
    %add3A_2230 = arith.addi %max3A_2224, %add3A_2229 : vector<16xi32>
    %select_n3A_2231 = arith.select %lt3A_2227, %add3A_2230, %max3A_2224 : vector<16xi1>, vector<16xi32>
    %broadcast_in_dim3A_2232 = vector.shape_cast %select_n3A_2231 : vector<16xi32> to vector<16x1xi32>
    %gather3A_2233 = vector.shape_cast %broadcast_in_dim3A_2232 : vector<16x1xi32> to vector<16xi32>
    %gather3A_2234 = tpu.dynamic_gather %add3A_2218[%gather3A_2233] in [0] : vector<16xf32>, vector<16xi32> -> vector<16xf32>
    %ge3A_2235 = arith.constant 8 : i32
    %ge3A_2236 = vector.broadcast %ge3A_2235 : i32 to vector<16xi32>
    %ge3A_2237 = arith.cmpi sge, %iota3A, %ge3A_2236 : vector<16xi32>
    %jit3A_2238 = arith.constant 0.000000e+00 : f32
    %broadcast_in_dim3A_2239 = vector.broadcast %jit3A_2238 : f32 to vector<16xf32>
    %select_n3A_2240 = arith.select %ge3A_2237, %gather3A_2234, %broadcast_in_dim3A_2239 : vector<16xi1>, vector<16xf32>
    %add3A_2241 = arith.addf %add3A_2218, %select_n3A_2240 : vector<16xf32>
    %add3A_2242 = arith.constant 193 : i32
    %add3A_2243 = vector.broadcast %add3A_2242 : i32 to vector<16xi32>
    %add3A_2244 = arith.addi %iota3A, %add3A_2243 : vector<16xi32>
    %add3A_2245 = arith.addf %add3A_2087, %add3A_2241 : vector<16xf32>
    %mul3A_2246 = arith.mulf %add3A_2245, %div3A_19 : vector<16xf32>
    tpu.vector_store_idx %arg7[%add3A_2244], %mul3A_2246 : memref<256xf32, #tpu.memory_space<vmem>>[vector<16xi32>], vector<16xf32>,
    %lt3A_2247 = arith.constant 0 : i32
    %lt3A_2248 = vector.broadcast %lt3A_2247 : i32 to vector<16xi32>
    %lt3A_2249 = arith.cmpi slt, %broadcast_in_dim3A_53, %lt3A_2248 : vector<16xi32>
    %add3A_2250 = arith.constant 16 : i32
    %add3A_2251 = vector.broadcast %add3A_2250 : i32 to vector<16xi32>
    %add3A_2252 = arith.addi %broadcast_in_dim3A_53, %add3A_2251 : vector<16xi32>
    %select_n3A_2253 = arith.select %lt3A_2249, %add3A_2252, %broadcast_in_dim3A_53 : vector<16xi1>, vector<16xi32>
    %broadcast_in_dim3A_2254 = vector.shape_cast %select_n3A_2253 : vector<16xi32> to vector<16x1xi32>
    %gather3A_2255 = vector.shape_cast %broadcast_in_dim3A_2254 : vector<16x1xi32> to vector<16xi32>
    %gather3A_2256 = tpu.dynamic_gather %add3A_2241[%gather3A_2255] in [0] : vector<16xf32>, vector<16xi32> -> vector<16xf32>
    %add3A_2257 = arith.addf %add3A_2087, %gather3A_2256 : vector<16xf32>
    %get3A_2258 = arith.constant 13 : i32
    %get3A_2259 = arith.index_cast %get3A_2258 : i32 to index
    %get3A_2260 = arith.constant 0 : index
    %get3A_2261 = tpu.vector_load %arg6[%get3A_2259, %get3A_2260] {strides = array<i32>} : memref<15x16xf32, #tpu.memory_space<vmem>>, vector<16xf32>,
    %exp3A_2262 = math.exp %get3A_2261 : vector<16xf32>
    %xor3A_2263 = arith.constant 1 : i32
    %xor3A_2264 = vector.broadcast %xor3A_2263 : i32 to vector<16xi32>
    %xor3A_2265 = arith.xori %iota3A, %xor3A_2264 : vector<16xi32>
    %lt3A_2266 = arith.constant 0 : i32
    %lt3A_2267 = vector.broadcast %lt3A_2266 : i32 to vector<16xi32>
    %lt3A_2268 = arith.cmpi slt, %xor3A_2265, %lt3A_2267 : vector<16xi32>
    %add3A_2269 = arith.constant 16 : i32
    %add3A_2270 = vector.broadcast %add3A_2269 : i32 to vector<16xi32>
    %add3A_2271 = arith.addi %xor3A_2265, %add3A_2270 : vector<16xi32>
    %select_n3A_2272 = arith.select %lt3A_2268, %add3A_2271, %xor3A_2265 : vector<16xi1>, vector<16xi32>
    %broadcast_in_dim3A_2273 = vector.shape_cast %select_n3A_2272 : vector<16xi32> to vector<16x1xi32>
    %gather3A_2274 = vector.shape_cast %broadcast_in_dim3A_2273 : vector<16x1xi32> to vector<16xi32>
    %gather3A_2275 = tpu.dynamic_gather %exp3A_2262[%gather3A_2274] in [0] : vector<16xf32>, vector<16xi32> -> vector<16xf32>
    %add3A_2276 = arith.addf %exp3A_2262, %gather3A_2275 : vector<16xf32>
    %xor3A_2277 = arith.constant 2 : i32
    %xor3A_2278 = vector.broadcast %xor3A_2277 : i32 to vector<16xi32>
    %xor3A_2279 = arith.xori %iota3A, %xor3A_2278 : vector<16xi32>
    %lt3A_2280 = arith.constant 0 : i32
    %lt3A_2281 = vector.broadcast %lt3A_2280 : i32 to vector<16xi32>
    %lt3A_2282 = arith.cmpi slt, %xor3A_2279, %lt3A_2281 : vector<16xi32>
    %add3A_2283 = arith.constant 16 : i32
    %add3A_2284 = vector.broadcast %add3A_2283 : i32 to vector<16xi32>
    %add3A_2285 = arith.addi %xor3A_2279, %add3A_2284 : vector<16xi32>
    %select_n3A_2286 = arith.select %lt3A_2282, %add3A_2285, %xor3A_2279 : vector<16xi1>, vector<16xi32>
    %broadcast_in_dim3A_2287 = vector.shape_cast %select_n3A_2286 : vector<16xi32> to vector<16x1xi32>
    %gather3A_2288 = vector.shape_cast %broadcast_in_dim3A_2287 : vector<16x1xi32> to vector<16xi32>
    %gather3A_2289 = tpu.dynamic_gather %add3A_2276[%gather3A_2288] in [0] : vector<16xf32>, vector<16xi32> -> vector<16xf32>
    %add3A_2290 = arith.addf %add3A_2276, %gather3A_2289 : vector<16xf32>
    %xor3A_2291 = arith.constant 4 : i32
    %xor3A_2292 = vector.broadcast %xor3A_2291 : i32 to vector<16xi32>
    %xor3A_2293 = arith.xori %iota3A, %xor3A_2292 : vector<16xi32>
    %lt3A_2294 = arith.constant 0 : i32
    %lt3A_2295 = vector.broadcast %lt3A_2294 : i32 to vector<16xi32>
    %lt3A_2296 = arith.cmpi slt, %xor3A_2293, %lt3A_2295 : vector<16xi32>
    %add3A_2297 = arith.constant 16 : i32
    %add3A_2298 = vector.broadcast %add3A_2297 : i32 to vector<16xi32>
    %add3A_2299 = arith.addi %xor3A_2293, %add3A_2298 : vector<16xi32>
    %select_n3A_2300 = arith.select %lt3A_2296, %add3A_2299, %xor3A_2293 : vector<16xi1>, vector<16xi32>
    %broadcast_in_dim3A_2301 = vector.shape_cast %select_n3A_2300 : vector<16xi32> to vector<16x1xi32>
    %gather3A_2302 = vector.shape_cast %broadcast_in_dim3A_2301 : vector<16x1xi32> to vector<16xi32>
    %gather3A_2303 = tpu.dynamic_gather %add3A_2290[%gather3A_2302] in [0] : vector<16xf32>, vector<16xi32> -> vector<16xf32>
    %add3A_2304 = arith.addf %add3A_2290, %gather3A_2303 : vector<16xf32>
    %xor3A_2305 = arith.constant 8 : i32
    %xor3A_2306 = vector.broadcast %xor3A_2305 : i32 to vector<16xi32>
    %xor3A_2307 = arith.xori %iota3A, %xor3A_2306 : vector<16xi32>
    %lt3A_2308 = arith.constant 0 : i32
    %lt3A_2309 = vector.broadcast %lt3A_2308 : i32 to vector<16xi32>
    %lt3A_2310 = arith.cmpi slt, %xor3A_2307, %lt3A_2309 : vector<16xi32>
    %add3A_2311 = arith.constant 16 : i32
    %add3A_2312 = vector.broadcast %add3A_2311 : i32 to vector<16xi32>
    %add3A_2313 = arith.addi %xor3A_2307, %add3A_2312 : vector<16xi32>
    %select_n3A_2314 = arith.select %lt3A_2310, %add3A_2313, %xor3A_2307 : vector<16xi1>, vector<16xi32>
    %broadcast_in_dim3A_2315 = vector.shape_cast %select_n3A_2314 : vector<16xi32> to vector<16x1xi32>
    %gather3A_2316 = vector.shape_cast %broadcast_in_dim3A_2315 : vector<16x1xi32> to vector<16xi32>
    %gather3A_2317 = tpu.dynamic_gather %add3A_2304[%gather3A_2316] in [0] : vector<16xf32>, vector<16xi32> -> vector<16xf32>
    %add3A_2318 = arith.addf %add3A_2304, %gather3A_2317 : vector<16xf32>
    %div3A_2319 = arith.divf %exp3A_2262, %add3A_2318 : vector<16xf32>
    %sub3A_2320 = arith.constant 1 : i32
    %sub3A_2321 = vector.broadcast %sub3A_2320 : i32 to vector<16xi32>
    %sub3A_2322 = arith.subi %iota3A, %sub3A_2321 : vector<16xi32>
    %max3A_2323 = arith.constant 0 : i32
    %max3A_2324 = vector.broadcast %max3A_2323 : i32 to vector<16xi32>
    %max3A_2325 = arith.maxsi %sub3A_2322, %max3A_2324 : vector<16xi32>
    %lt3A_2326 = arith.constant 0 : i32
    %lt3A_2327 = vector.broadcast %lt3A_2326 : i32 to vector<16xi32>
    %lt3A_2328 = arith.cmpi slt, %max3A_2325, %lt3A_2327 : vector<16xi32>
    %add3A_2329 = arith.constant 16 : i32
    %add3A_2330 = vector.broadcast %add3A_2329 : i32 to vector<16xi32>
    %add3A_2331 = arith.addi %max3A_2325, %add3A_2330 : vector<16xi32>
    %select_n3A_2332 = arith.select %lt3A_2328, %add3A_2331, %max3A_2325 : vector<16xi1>, vector<16xi32>
    %broadcast_in_dim3A_2333 = vector.shape_cast %select_n3A_2332 : vector<16xi32> to vector<16x1xi32>
    %gather3A_2334 = vector.shape_cast %broadcast_in_dim3A_2333 : vector<16x1xi32> to vector<16xi32>
    %gather3A_2335 = tpu.dynamic_gather %div3A_2319[%gather3A_2334] in [0] : vector<16xf32>, vector<16xi32> -> vector<16xf32>
    %ge3A_2336 = arith.constant 1 : i32
    %ge3A_2337 = vector.broadcast %ge3A_2336 : i32 to vector<16xi32>
    %ge3A_2338 = arith.cmpi sge, %iota3A, %ge3A_2337 : vector<16xi32>
    %jit3A_2339 = arith.constant 0.000000e+00 : f32
    %broadcast_in_dim3A_2340 = vector.broadcast %jit3A_2339 : f32 to vector<16xf32>
    %select_n3A_2341 = arith.select %ge3A_2338, %gather3A_2335, %broadcast_in_dim3A_2340 : vector<16xi1>, vector<16xf32>
    %add3A_2342 = arith.addf %div3A_2319, %select_n3A_2341 : vector<16xf32>
    %sub3A_2343 = arith.constant 2 : i32
    %sub3A_2344 = vector.broadcast %sub3A_2343 : i32 to vector<16xi32>
    %sub3A_2345 = arith.subi %iota3A, %sub3A_2344 : vector<16xi32>
    %max3A_2346 = arith.constant 0 : i32
    %max3A_2347 = vector.broadcast %max3A_2346 : i32 to vector<16xi32>
    %max3A_2348 = arith.maxsi %sub3A_2345, %max3A_2347 : vector<16xi32>
    %lt3A_2349 = arith.constant 0 : i32
    %lt3A_2350 = vector.broadcast %lt3A_2349 : i32 to vector<16xi32>
    %lt3A_2351 = arith.cmpi slt, %max3A_2348, %lt3A_2350 : vector<16xi32>
    %add3A_2352 = arith.constant 16 : i32
    %add3A_2353 = vector.broadcast %add3A_2352 : i32 to vector<16xi32>
    %add3A_2354 = arith.addi %max3A_2348, %add3A_2353 : vector<16xi32>
    %select_n3A_2355 = arith.select %lt3A_2351, %add3A_2354, %max3A_2348 : vector<16xi1>, vector<16xi32>
    %broadcast_in_dim3A_2356 = vector.shape_cast %select_n3A_2355 : vector<16xi32> to vector<16x1xi32>
    %gather3A_2357 = vector.shape_cast %broadcast_in_dim3A_2356 : vector<16x1xi32> to vector<16xi32>
    %gather3A_2358 = tpu.dynamic_gather %add3A_2342[%gather3A_2357] in [0] : vector<16xf32>, vector<16xi32> -> vector<16xf32>
    %ge3A_2359 = arith.constant 2 : i32
    %ge3A_2360 = vector.broadcast %ge3A_2359 : i32 to vector<16xi32>
    %ge3A_2361 = arith.cmpi sge, %iota3A, %ge3A_2360 : vector<16xi32>
    %jit3A_2362 = arith.constant 0.000000e+00 : f32
    %broadcast_in_dim3A_2363 = vector.broadcast %jit3A_2362 : f32 to vector<16xf32>
    %select_n3A_2364 = arith.select %ge3A_2361, %gather3A_2358, %broadcast_in_dim3A_2363 : vector<16xi1>, vector<16xf32>
    %add3A_2365 = arith.addf %add3A_2342, %select_n3A_2364 : vector<16xf32>
    %sub3A_2366 = arith.constant 4 : i32
    %sub3A_2367 = vector.broadcast %sub3A_2366 : i32 to vector<16xi32>
    %sub3A_2368 = arith.subi %iota3A, %sub3A_2367 : vector<16xi32>
    %max3A_2369 = arith.constant 0 : i32
    %max3A_2370 = vector.broadcast %max3A_2369 : i32 to vector<16xi32>
    %max3A_2371 = arith.maxsi %sub3A_2368, %max3A_2370 : vector<16xi32>
    %lt3A_2372 = arith.constant 0 : i32
    %lt3A_2373 = vector.broadcast %lt3A_2372 : i32 to vector<16xi32>
    %lt3A_2374 = arith.cmpi slt, %max3A_2371, %lt3A_2373 : vector<16xi32>
    %add3A_2375 = arith.constant 16 : i32
    %add3A_2376 = vector.broadcast %add3A_2375 : i32 to vector<16xi32>
    %add3A_2377 = arith.addi %max3A_2371, %add3A_2376 : vector<16xi32>
    %select_n3A_2378 = arith.select %lt3A_2374, %add3A_2377, %max3A_2371 : vector<16xi1>, vector<16xi32>
    %broadcast_in_dim3A_2379 = vector.shape_cast %select_n3A_2378 : vector<16xi32> to vector<16x1xi32>
    %gather3A_2380 = vector.shape_cast %broadcast_in_dim3A_2379 : vector<16x1xi32> to vector<16xi32>
    %gather3A_2381 = tpu.dynamic_gather %add3A_2365[%gather3A_2380] in [0] : vector<16xf32>, vector<16xi32> -> vector<16xf32>
    %ge3A_2382 = arith.constant 4 : i32
    %ge3A_2383 = vector.broadcast %ge3A_2382 : i32 to vector<16xi32>
    %ge3A_2384 = arith.cmpi sge, %iota3A, %ge3A_2383 : vector<16xi32>
    %jit3A_2385 = arith.constant 0.000000e+00 : f32
    %broadcast_in_dim3A_2386 = vector.broadcast %jit3A_2385 : f32 to vector<16xf32>
    %select_n3A_2387 = arith.select %ge3A_2384, %gather3A_2381, %broadcast_in_dim3A_2386 : vector<16xi1>, vector<16xf32>
    %add3A_2388 = arith.addf %add3A_2365, %select_n3A_2387 : vector<16xf32>
    %sub3A_2389 = arith.constant 8 : i32
    %sub3A_2390 = vector.broadcast %sub3A_2389 : i32 to vector<16xi32>
    %sub3A_2391 = arith.subi %iota3A, %sub3A_2390 : vector<16xi32>
    %max3A_2392 = arith.constant 0 : i32
    %max3A_2393 = vector.broadcast %max3A_2392 : i32 to vector<16xi32>
    %max3A_2394 = arith.maxsi %sub3A_2391, %max3A_2393 : vector<16xi32>
    %lt3A_2395 = arith.constant 0 : i32
    %lt3A_2396 = vector.broadcast %lt3A_2395 : i32 to vector<16xi32>
    %lt3A_2397 = arith.cmpi slt, %max3A_2394, %lt3A_2396 : vector<16xi32>
    %add3A_2398 = arith.constant 16 : i32
    %add3A_2399 = vector.broadcast %add3A_2398 : i32 to vector<16xi32>
    %add3A_2400 = arith.addi %max3A_2394, %add3A_2399 : vector<16xi32>
    %select_n3A_2401 = arith.select %lt3A_2397, %add3A_2400, %max3A_2394 : vector<16xi1>, vector<16xi32>
    %broadcast_in_dim3A_2402 = vector.shape_cast %select_n3A_2401 : vector<16xi32> to vector<16x1xi32>
    %gather3A_2403 = vector.shape_cast %broadcast_in_dim3A_2402 : vector<16x1xi32> to vector<16xi32>
    %gather3A_2404 = tpu.dynamic_gather %add3A_2388[%gather3A_2403] in [0] : vector<16xf32>, vector<16xi32> -> vector<16xf32>
    %ge3A_2405 = arith.constant 8 : i32
    %ge3A_2406 = vector.broadcast %ge3A_2405 : i32 to vector<16xi32>
    %ge3A_2407 = arith.cmpi sge, %iota3A, %ge3A_2406 : vector<16xi32>
    %jit3A_2408 = arith.constant 0.000000e+00 : f32
    %broadcast_in_dim3A_2409 = vector.broadcast %jit3A_2408 : f32 to vector<16xf32>
    %select_n3A_2410 = arith.select %ge3A_2407, %gather3A_2404, %broadcast_in_dim3A_2409 : vector<16xi1>, vector<16xf32>
    %add3A_2411 = arith.addf %add3A_2388, %select_n3A_2410 : vector<16xf32>
    %add3A_2412 = arith.constant 209 : i32
    %add3A_2413 = vector.broadcast %add3A_2412 : i32 to vector<16xi32>
    %add3A_2414 = arith.addi %iota3A, %add3A_2413 : vector<16xi32>
    %add3A_2415 = arith.addf %add3A_2257, %add3A_2411 : vector<16xf32>
    %mul3A_2416 = arith.mulf %add3A_2415, %div3A_19 : vector<16xf32>
    tpu.vector_store_idx %arg7[%add3A_2414], %mul3A_2416 : memref<256xf32, #tpu.memory_space<vmem>>[vector<16xi32>], vector<16xf32>,
    %lt3A_2417 = arith.constant 0 : i32
    %lt3A_2418 = vector.broadcast %lt3A_2417 : i32 to vector<16xi32>
    %lt3A_2419 = arith.cmpi slt, %broadcast_in_dim3A_53, %lt3A_2418 : vector<16xi32>
    %add3A_2420 = arith.constant 16 : i32
    %add3A_2421 = vector.broadcast %add3A_2420 : i32 to vector<16xi32>
    %add3A_2422 = arith.addi %broadcast_in_dim3A_53, %add3A_2421 : vector<16xi32>
    %select_n3A_2423 = arith.select %lt3A_2419, %add3A_2422, %broadcast_in_dim3A_53 : vector<16xi1>, vector<16xi32>
    %broadcast_in_dim3A_2424 = vector.shape_cast %select_n3A_2423 : vector<16xi32> to vector<16x1xi32>
    %gather3A_2425 = vector.shape_cast %broadcast_in_dim3A_2424 : vector<16x1xi32> to vector<16xi32>
    %gather3A_2426 = tpu.dynamic_gather %add3A_2411[%gather3A_2425] in [0] : vector<16xf32>, vector<16xi32> -> vector<16xf32>
    %add3A_2427 = arith.addf %add3A_2257, %gather3A_2426 : vector<16xf32>
    %get3A_2428 = arith.constant 14 : i32
    %get3A_2429 = arith.index_cast %get3A_2428 : i32 to index
    %get3A_2430 = arith.constant 0 : index
    %get3A_2431 = tpu.vector_load %arg6[%get3A_2429, %get3A_2430] {strides = array<i32>} : memref<15x16xf32, #tpu.memory_space<vmem>>, vector<16xf32>,
    %exp3A_2432 = math.exp %get3A_2431 : vector<16xf32>
    %xor3A_2433 = arith.constant 1 : i32
    %xor3A_2434 = vector.broadcast %xor3A_2433 : i32 to vector<16xi32>
    %xor3A_2435 = arith.xori %iota3A, %xor3A_2434 : vector<16xi32>
    %lt3A_2436 = arith.constant 0 : i32
    %lt3A_2437 = vector.broadcast %lt3A_2436 : i32 to vector<16xi32>
    %lt3A_2438 = arith.cmpi slt, %xor3A_2435, %lt3A_2437 : vector<16xi32>
    %add3A_2439 = arith.constant 16 : i32
    %add3A_2440 = vector.broadcast %add3A_2439 : i32 to vector<16xi32>
    %add3A_2441 = arith.addi %xor3A_2435, %add3A_2440 : vector<16xi32>
    %select_n3A_2442 = arith.select %lt3A_2438, %add3A_2441, %xor3A_2435 : vector<16xi1>, vector<16xi32>
    %broadcast_in_dim3A_2443 = vector.shape_cast %select_n3A_2442 : vector<16xi32> to vector<16x1xi32>
    %gather3A_2444 = vector.shape_cast %broadcast_in_dim3A_2443 : vector<16x1xi32> to vector<16xi32>
    %gather3A_2445 = tpu.dynamic_gather %exp3A_2432[%gather3A_2444] in [0] : vector<16xf32>, vector<16xi32> -> vector<16xf32>
    %add3A_2446 = arith.addf %exp3A_2432, %gather3A_2445 : vector<16xf32>
    %xor3A_2447 = arith.constant 2 : i32
    %xor3A_2448 = vector.broadcast %xor3A_2447 : i32 to vector<16xi32>
    %xor3A_2449 = arith.xori %iota3A, %xor3A_2448 : vector<16xi32>
    %lt3A_2450 = arith.constant 0 : i32
    %lt3A_2451 = vector.broadcast %lt3A_2450 : i32 to vector<16xi32>
    %lt3A_2452 = arith.cmpi slt, %xor3A_2449, %lt3A_2451 : vector<16xi32>
    %add3A_2453 = arith.constant 16 : i32
    %add3A_2454 = vector.broadcast %add3A_2453 : i32 to vector<16xi32>
    %add3A_2455 = arith.addi %xor3A_2449, %add3A_2454 : vector<16xi32>
    %select_n3A_2456 = arith.select %lt3A_2452, %add3A_2455, %xor3A_2449 : vector<16xi1>, vector<16xi32>
    %broadcast_in_dim3A_2457 = vector.shape_cast %select_n3A_2456 : vector<16xi32> to vector<16x1xi32>
    %gather3A_2458 = vector.shape_cast %broadcast_in_dim3A_2457 : vector<16x1xi32> to vector<16xi32>
    %gather3A_2459 = tpu.dynamic_gather %add3A_2446[%gather3A_2458] in [0] : vector<16xf32>, vector<16xi32> -> vector<16xf32>
    %add3A_2460 = arith.addf %add3A_2446, %gather3A_2459 : vector<16xf32>
    %xor3A_2461 = arith.constant 4 : i32
    %xor3A_2462 = vector.broadcast %xor3A_2461 : i32 to vector<16xi32>
    %xor3A_2463 = arith.xori %iota3A, %xor3A_2462 : vector<16xi32>
    %lt3A_2464 = arith.constant 0 : i32
    %lt3A_2465 = vector.broadcast %lt3A_2464 : i32 to vector<16xi32>
    %lt3A_2466 = arith.cmpi slt, %xor3A_2463, %lt3A_2465 : vector<16xi32>
    %add3A_2467 = arith.constant 16 : i32
    %add3A_2468 = vector.broadcast %add3A_2467 : i32 to vector<16xi32>
    %add3A_2469 = arith.addi %xor3A_2463, %add3A_2468 : vector<16xi32>
    %select_n3A_2470 = arith.select %lt3A_2466, %add3A_2469, %xor3A_2463 : vector<16xi1>, vector<16xi32>
    %broadcast_in_dim3A_2471 = vector.shape_cast %select_n3A_2470 : vector<16xi32> to vector<16x1xi32>
    %gather3A_2472 = vector.shape_cast %broadcast_in_dim3A_2471 : vector<16x1xi32> to vector<16xi32>
    %gather3A_2473 = tpu.dynamic_gather %add3A_2460[%gather3A_2472] in [0] : vector<16xf32>, vector<16xi32> -> vector<16xf32>
    %add3A_2474 = arith.addf %add3A_2460, %gather3A_2473 : vector<16xf32>
    %xor3A_2475 = arith.constant 8 : i32
    %xor3A_2476 = vector.broadcast %xor3A_2475 : i32 to vector<16xi32>
    %xor3A_2477 = arith.xori %iota3A, %xor3A_2476 : vector<16xi32>
    %lt3A_2478 = arith.constant 0 : i32
    %lt3A_2479 = vector.broadcast %lt3A_2478 : i32 to vector<16xi32>
    %lt3A_2480 = arith.cmpi slt, %xor3A_2477, %lt3A_2479 : vector<16xi32>
    %add3A_2481 = arith.constant 16 : i32
    %add3A_2482 = vector.broadcast %add3A_2481 : i32 to vector<16xi32>
    %add3A_2483 = arith.addi %xor3A_2477, %add3A_2482 : vector<16xi32>
    %select_n3A_2484 = arith.select %lt3A_2480, %add3A_2483, %xor3A_2477 : vector<16xi1>, vector<16xi32>
    %broadcast_in_dim3A_2485 = vector.shape_cast %select_n3A_2484 : vector<16xi32> to vector<16x1xi32>
    %gather3A_2486 = vector.shape_cast %broadcast_in_dim3A_2485 : vector<16x1xi32> to vector<16xi32>
    %gather3A_2487 = tpu.dynamic_gather %add3A_2474[%gather3A_2486] in [0] : vector<16xf32>, vector<16xi32> -> vector<16xf32>
    %add3A_2488 = arith.addf %add3A_2474, %gather3A_2487 : vector<16xf32>
    %div3A_2489 = arith.divf %exp3A_2432, %add3A_2488 : vector<16xf32>
    %sub3A_2490 = arith.constant 1 : i32
    %sub3A_2491 = vector.broadcast %sub3A_2490 : i32 to vector<16xi32>
    %sub3A_2492 = arith.subi %iota3A, %sub3A_2491 : vector<16xi32>
    %max3A_2493 = arith.constant 0 : i32
    %max3A_2494 = vector.broadcast %max3A_2493 : i32 to vector<16xi32>
    %max3A_2495 = arith.maxsi %sub3A_2492, %max3A_2494 : vector<16xi32>
    %lt3A_2496 = arith.constant 0 : i32
    %lt3A_2497 = vector.broadcast %lt3A_2496 : i32 to vector<16xi32>
    %lt3A_2498 = arith.cmpi slt, %max3A_2495, %lt3A_2497 : vector<16xi32>
    %add3A_2499 = arith.constant 16 : i32
    %add3A_2500 = vector.broadcast %add3A_2499 : i32 to vector<16xi32>
    %add3A_2501 = arith.addi %max3A_2495, %add3A_2500 : vector<16xi32>
    %select_n3A_2502 = arith.select %lt3A_2498, %add3A_2501, %max3A_2495 : vector<16xi1>, vector<16xi32>
    %broadcast_in_dim3A_2503 = vector.shape_cast %select_n3A_2502 : vector<16xi32> to vector<16x1xi32>
    %gather3A_2504 = vector.shape_cast %broadcast_in_dim3A_2503 : vector<16x1xi32> to vector<16xi32>
    %gather3A_2505 = tpu.dynamic_gather %div3A_2489[%gather3A_2504] in [0] : vector<16xf32>, vector<16xi32> -> vector<16xf32>
    %ge3A_2506 = arith.constant 1 : i32
    %ge3A_2507 = vector.broadcast %ge3A_2506 : i32 to vector<16xi32>
    %ge3A_2508 = arith.cmpi sge, %iota3A, %ge3A_2507 : vector<16xi32>
    %jit3A_2509 = arith.constant 0.000000e+00 : f32
    %broadcast_in_dim3A_2510 = vector.broadcast %jit3A_2509 : f32 to vector<16xf32>
    %select_n3A_2511 = arith.select %ge3A_2508, %gather3A_2505, %broadcast_in_dim3A_2510 : vector<16xi1>, vector<16xf32>
    %add3A_2512 = arith.addf %div3A_2489, %select_n3A_2511 : vector<16xf32>
    %sub3A_2513 = arith.constant 2 : i32
    %sub3A_2514 = vector.broadcast %sub3A_2513 : i32 to vector<16xi32>
    %sub3A_2515 = arith.subi %iota3A, %sub3A_2514 : vector<16xi32>
    %max3A_2516 = arith.constant 0 : i32
    %max3A_2517 = vector.broadcast %max3A_2516 : i32 to vector<16xi32>
    %max3A_2518 = arith.maxsi %sub3A_2515, %max3A_2517 : vector<16xi32>
    %lt3A_2519 = arith.constant 0 : i32
    %lt3A_2520 = vector.broadcast %lt3A_2519 : i32 to vector<16xi32>
    %lt3A_2521 = arith.cmpi slt, %max3A_2518, %lt3A_2520 : vector<16xi32>
    %add3A_2522 = arith.constant 16 : i32
    %add3A_2523 = vector.broadcast %add3A_2522 : i32 to vector<16xi32>
    %add3A_2524 = arith.addi %max3A_2518, %add3A_2523 : vector<16xi32>
    %select_n3A_2525 = arith.select %lt3A_2521, %add3A_2524, %max3A_2518 : vector<16xi1>, vector<16xi32>
    %broadcast_in_dim3A_2526 = vector.shape_cast %select_n3A_2525 : vector<16xi32> to vector<16x1xi32>
    %gather3A_2527 = vector.shape_cast %broadcast_in_dim3A_2526 : vector<16x1xi32> to vector<16xi32>
    %gather3A_2528 = tpu.dynamic_gather %add3A_2512[%gather3A_2527] in [0] : vector<16xf32>, vector<16xi32> -> vector<16xf32>
    %ge3A_2529 = arith.constant 2 : i32
    %ge3A_2530 = vector.broadcast %ge3A_2529 : i32 to vector<16xi32>
    %ge3A_2531 = arith.cmpi sge, %iota3A, %ge3A_2530 : vector<16xi32>
    %jit3A_2532 = arith.constant 0.000000e+00 : f32
    %broadcast_in_dim3A_2533 = vector.broadcast %jit3A_2532 : f32 to vector<16xf32>
    %select_n3A_2534 = arith.select %ge3A_2531, %gather3A_2528, %broadcast_in_dim3A_2533 : vector<16xi1>, vector<16xf32>
    %add3A_2535 = arith.addf %add3A_2512, %select_n3A_2534 : vector<16xf32>
    %sub3A_2536 = arith.constant 4 : i32
    %sub3A_2537 = vector.broadcast %sub3A_2536 : i32 to vector<16xi32>
    %sub3A_2538 = arith.subi %iota3A, %sub3A_2537 : vector<16xi32>
    %max3A_2539 = arith.constant 0 : i32
    %max3A_2540 = vector.broadcast %max3A_2539 : i32 to vector<16xi32>
    %max3A_2541 = arith.maxsi %sub3A_2538, %max3A_2540 : vector<16xi32>
    %lt3A_2542 = arith.constant 0 : i32
    %lt3A_2543 = vector.broadcast %lt3A_2542 : i32 to vector<16xi32>
    %lt3A_2544 = arith.cmpi slt, %max3A_2541, %lt3A_2543 : vector<16xi32>
    %add3A_2545 = arith.constant 16 : i32
    %add3A_2546 = vector.broadcast %add3A_2545 : i32 to vector<16xi32>
    %add3A_2547 = arith.addi %max3A_2541, %add3A_2546 : vector<16xi32>
    %select_n3A_2548 = arith.select %lt3A_2544, %add3A_2547, %max3A_2541 : vector<16xi1>, vector<16xi32>
    %broadcast_in_dim3A_2549 = vector.shape_cast %select_n3A_2548 : vector<16xi32> to vector<16x1xi32>
    %gather3A_2550 = vector.shape_cast %broadcast_in_dim3A_2549 : vector<16x1xi32> to vector<16xi32>
    %gather3A_2551 = tpu.dynamic_gather %add3A_2535[%gather3A_2550] in [0] : vector<16xf32>, vector<16xi32> -> vector<16xf32>
    %ge3A_2552 = arith.constant 4 : i32
    %ge3A_2553 = vector.broadcast %ge3A_2552 : i32 to vector<16xi32>
    %ge3A_2554 = arith.cmpi sge, %iota3A, %ge3A_2553 : vector<16xi32>
    %jit3A_2555 = arith.constant 0.000000e+00 : f32
    %broadcast_in_dim3A_2556 = vector.broadcast %jit3A_2555 : f32 to vector<16xf32>
    %select_n3A_2557 = arith.select %ge3A_2554, %gather3A_2551, %broadcast_in_dim3A_2556 : vector<16xi1>, vector<16xf32>
    %add3A_2558 = arith.addf %add3A_2535, %select_n3A_2557 : vector<16xf32>
    %sub3A_2559 = arith.constant 8 : i32
    %sub3A_2560 = vector.broadcast %sub3A_2559 : i32 to vector<16xi32>
    %sub3A_2561 = arith.subi %iota3A, %sub3A_2560 : vector<16xi32>
    %max3A_2562 = arith.constant 0 : i32
    %max3A_2563 = vector.broadcast %max3A_2562 : i32 to vector<16xi32>
    %max3A_2564 = arith.maxsi %sub3A_2561, %max3A_2563 : vector<16xi32>
    %lt3A_2565 = arith.constant 0 : i32
    %lt3A_2566 = vector.broadcast %lt3A_2565 : i32 to vector<16xi32>
    %lt3A_2567 = arith.cmpi slt, %max3A_2564, %lt3A_2566 : vector<16xi32>
    %add3A_2568 = arith.constant 16 : i32
    %add3A_2569 = vector.broadcast %add3A_2568 : i32 to vector<16xi32>
    %add3A_2570 = arith.addi %max3A_2564, %add3A_2569 : vector<16xi32>
    %select_n3A_2571 = arith.select %lt3A_2567, %add3A_2570, %max3A_2564 : vector<16xi1>, vector<16xi32>
    %broadcast_in_dim3A_2572 = vector.shape_cast %select_n3A_2571 : vector<16xi32> to vector<16x1xi32>
    %gather3A_2573 = vector.shape_cast %broadcast_in_dim3A_2572 : vector<16x1xi32> to vector<16xi32>
    %gather3A_2574 = tpu.dynamic_gather %add3A_2558[%gather3A_2573] in [0] : vector<16xf32>, vector<16xi32> -> vector<16xf32>
    %ge3A_2575 = arith.constant 8 : i32
    %ge3A_2576 = vector.broadcast %ge3A_2575 : i32 to vector<16xi32>
    %ge3A_2577 = arith.cmpi sge, %iota3A, %ge3A_2576 : vector<16xi32>
    %jit3A_2578 = arith.constant 0.000000e+00 : f32
    %broadcast_in_dim3A_2579 = vector.broadcast %jit3A_2578 : f32 to vector<16xf32>
    %select_n3A_2580 = arith.select %ge3A_2577, %gather3A_2574, %broadcast_in_dim3A_2579 : vector<16xi1>, vector<16xf32>
    %add3A_2581 = arith.addf %add3A_2558, %select_n3A_2580 : vector<16xf32>
    %add3A_2582 = arith.constant 225 : i32
    %add3A_2583 = vector.broadcast %add3A_2582 : i32 to vector<16xi32>
    %add3A_2584 = arith.addi %iota3A, %add3A_2583 : vector<16xi32>
    %add3A_2585 = arith.addf %add3A_2427, %add3A_2581 : vector<16xf32>
    %mul3A_2586 = arith.mulf %add3A_2585, %div3A_19 : vector<16xf32>
    tpu.vector_store_idx %arg7[%add3A_2584], %mul3A_2586 : memref<256xf32, #tpu.memory_space<vmem>>[vector<16xi32>], vector<16xf32>,
    %lt3A_2587 = arith.constant 0 : i32
    %lt3A_2588 = vector.broadcast %lt3A_2587 : i32 to vector<16xi32>
    %lt3A_2589 = arith.cmpi slt, %broadcast_in_dim3A_53, %lt3A_2588 : vector<16xi32>
    %add3A_2590 = arith.constant 16 : i32
    %add3A_2591 = vector.broadcast %add3A_2590 : i32 to vector<16xi32>
    %add3A_2592 = arith.addi %broadcast_in_dim3A_53, %add3A_2591 : vector<16xi32>
    %select_n3A_2593 = arith.select %lt3A_2589, %add3A_2592, %broadcast_in_dim3A_53 : vector<16xi1>, vector<16xi32>
    %broadcast_in_dim3A_2594 = vector.shape_cast %select_n3A_2593 : vector<16xi32> to vector<16x1xi32>
    %gather3A_2595 = vector.shape_cast %broadcast_in_dim3A_2594 : vector<16x1xi32> to vector<16xi32>
    %gather3A_2596 = tpu.dynamic_gather %add3A_2581[%gather3A_2595] in [0] : vector<16xf32>, vector<16xi32> -> vector<16xf32>
    %add3A_2597 = arith.addf %add3A_2427, %gather3A_2596 : vector<16xf32>
    %broadcast_in_dim3A_2598 = arith.constant 0x4B000000 : f32
    %broadcast_in_dim3A_2599 = vector.broadcast %broadcast_in_dim3A_2598 : f32 to vector<16xf32>
    %scan3A = arith.constant 0 : i32
    %scan3A_2600 = arith.constant 0 : i32
    %scan3A_2601 = arith.constant 16 : i32
    %scan3A_2602 = arith.addi %scan3A_2600, %scan3A_2601 : i32
    %scan3A_2603 = arith.constant 1 : i32
    %scan3A_2604 = scf.for %scan3A_2631 = %scan3A_2600 to %scan3A_2602 step %scan3A_2603 iter_args(%scan3A_2632 = %scan3A) -> (i32)  : i32 {
      %mul3A_2633 = arith.constant 3 : i32
      %mul3A_2634 = arith.muli %mul3A_2633, %scan3A_2631 : i32
      %add3A_2635 = arith.constant 0 : i32
      %add3A_2636 = arith.addi %mul3A_2634, %add3A_2635 : i32
      %mul3A_2637 = arith.constant 8192 : i32
      %mul3A_2638 = arith.muli %add3A_2636, %mul3A_2637 : i32
      %add3A_2639 = arith.addi %mul3A_2, %mul3A_2638 : i32
      %dma_wait3A_2640 = tpu.memref_slice %arg2[%add3A_2639] : memref<12845056xf32, #tpu.memory_space<hbm>> -> memref<8192xf32, #tpu.memory_space<hbm>>
      %dma_wait3A_2641 = tpu.memref_slice %arg2[%add3A_2639] : memref<12845056xf32, #tpu.memory_space<hbm>> -> memref<8192xf32, #tpu.memory_space<hbm>>
      tpu.wait_dma2 semaphore(%arg15 : memref<!tpu.dma_semaphore, #tpu.memory_space<semaphore_mem>>) src(%dma_wait3A_2641 : memref<8192xf32, #tpu.memory_space<hbm>>) dst(%arg9 : memref<8192xf32, #tpu.memory_space<vmem>>)
      %gt3A = arith.constant 0 : i32
      %gt3A_2642 = arith.cmpi sgt, %scan3A_2631, %gt3A : i32
      %convert_element_type3A = arith.extui %gt3A_2642 : i1 to i32
      %cond3A = arith.constant 0 : i32
      %cond3A_2643 = arith.cmpi ne, %convert_element_type3A, %cond3A : i32
      scf.if %cond3A_2643 {
        %sub3A_2714 = arith.constant 3 : i32
        %sub3A_2715 = arith.subi %add3A_2636, %sub3A_2714 : i32
        %mul3A_2716 = arith.constant 8192 : i32
        %mul3A_2717 = arith.muli %sub3A_2715, %mul3A_2716 : i32
        %add3A_2718 = arith.addi %mul3A_2, %mul3A_2717 : i32
        %dma_wait3A_2719 = tpu.memref_slice %arg5[%add3A_2718] : memref<12845056xf32, #tpu.memory_space<hbm>> -> memref<8192xf32, #tpu.memory_space<hbm>>
        %dma_wait3A_2720 = tpu.memref_slice %arg5[%add3A_2718] : memref<12845056xf32, #tpu.memory_space<hbm>> -> memref<8192xf32, #tpu.memory_space<hbm>>
        tpu.wait_dma2 semaphore(%arg18 : memref<!tpu.dma_semaphore, #tpu.memory_space<semaphore_mem>>) src(%arg12 : memref<8192xf32, #tpu.memory_space<vmem>>) dst(%dma_wait3A_2720 : memref<8192xf32, #tpu.memory_space<hbm>>)
      } else {
      }
      %parallel_loop3A_2644 = arith.constant 0 : i32
      %parallel_loop3A_2645 = arith.constant 512 : i32
      %parallel_loop3A_2646 = arith.constant 1 : i32
      scf.for %parallel_loop3A_2714 = %parallel_loop3A_2644 to %parallel_loop3A_2645 step %parallel_loop3A_2646  : i32 {
        %parallel_loop3A_2715 = arith.constant 16 : i32
        %parallel_loop3A_2716 = arith.muli %parallel_loop3A_2714, %parallel_loop3A_2715 : i32
        %parallel_loop3A_2717 = arith.index_cast %parallel_loop3A_2716 : i32 to index
        %parallel_loop3A_2718 = tpu.vector_load %arg9[%parallel_loop3A_2717] {strides = array<i32>} : memref<8192xf32, #tpu.memory_space<vmem>>, vector<16xf32>,
        %parallel_loop3A_2719 = arith.mulf %parallel_loop3A_2718, %div3A_16 : vector<16xf32>
        %parallel_loop3A_2720 = arith.constant 2.400000e+02 : f32
        %parallel_loop3A_2721 = vector.broadcast %parallel_loop3A_2720 : f32 to vector<16xf32>
        %parallel_loop3A_2722 = arith.minimumf %parallel_loop3A_2719, %parallel_loop3A_2721 : vector<16xf32>
        %parallel_loop3A_2723 = arith.constant 0.000000e+00 : f32
        %parallel_loop3A_2724 = vector.broadcast %parallel_loop3A_2723 : f32 to vector<16xf32>
        %parallel_loop3A_2725 = arith.maximumf %parallel_loop3A_2722, %parallel_loop3A_2724 : vector<16xf32>
        %parallel_loop3A_2726 = arith.addf %parallel_loop3A_2725, %broadcast_in_dim3A_2599 : vector<16xf32>
        %parallel_loop3A_2727 = vector.bitcast %parallel_loop3A_2726 : vector<16xf32> to vector<16xi32>
        %parallel_loop3A_2728 = arith.constant 1258291200 : i32
        %parallel_loop3A_2729 = vector.broadcast %parallel_loop3A_2728 : i32 to vector<16xi32>
        %parallel_loop3A_2730 = arith.subi %parallel_loop3A_2727, %parallel_loop3A_2729 : vector<16xi32>
        %parallel_loop3A_2731 = tpu.vector_load_idx %arg7[%parallel_loop3A_2730] : memref<256xf32, #tpu.memory_space<vmem>>[vector<16xi32>], vector<16xf32>,
        %parallel_loop3A_2732 = arith.index_cast %parallel_loop3A_2716 : i32 to index
        %parallel_loop3A_2733 = tpu.vector_load %arg12[%parallel_loop3A_2732] {strides = array<i32>} : memref<8192xf32, #tpu.memory_space<vmem>>, vector<16xf32>,
        tpu.vector_store %arg12[%parallel_loop3A_2732], %parallel_loop3A_2731 {strides = array<i32>} : memref<8192xf32, #tpu.memory_space<vmem>>, vector<16xf32>,
      } {sc.loop_unroll_factor = 8 : i64, sc.parallel_access}
      %mul3A_2647 = arith.constant 8192 : i32
      %mul3A_2648 = arith.muli %add3A_2636, %mul3A_2647 : i32
      %add3A_2649 = arith.addi %mul3A_2, %mul3A_2648 : i32
      %dma_start3A_2650 = tpu.memref_slice %arg5[%add3A_2649] : memref<12845056xf32, #tpu.memory_space<hbm>> -> memref<8192xf32, #tpu.memory_space<hbm>>
      %dma_start3A_2651 = tpu.memref_slice %arg5[%add3A_2649] : memref<12845056xf32, #tpu.memory_space<hbm>> -> memref<8192xf32, #tpu.memory_space<hbm>>
      tpu.enqueue_dma source(%arg12 : memref<8192xf32, #tpu.memory_space<vmem>>) target(%dma_start3A_2651 : memref<8192xf32, #tpu.memory_space<hbm>>) target_semaphore(%arg18 : memref<!tpu.dma_semaphore, #tpu.memory_space<semaphore_mem>>)
      %add3A_2652 = arith.constant 3 : i32
      %add3A_2653 = arith.addi %add3A_2636, %add3A_2652 : i32
      %mul3A_2654 = arith.constant 8192 : i32
      %mul3A_2655 = arith.muli %add3A_2653, %mul3A_2654 : i32
      %add3A_2656 = arith.addi %mul3A_2, %mul3A_2655 : i32
      %dma_start3A_2657 = tpu.memref_slice %arg2[%add3A_2656] : memref<12845056xf32, #tpu.memory_space<hbm>> -> memref<8192xf32, #tpu.memory_space<hbm>>
      %dma_start3A_2658 = tpu.memref_slice %arg2[%add3A_2656] : memref<12845056xf32, #tpu.memory_space<hbm>> -> memref<8192xf32, #tpu.memory_space<hbm>>
      tpu.enqueue_dma source(%dma_start3A_2658 : memref<8192xf32, #tpu.memory_space<hbm>>) target(%arg9 : memref<8192xf32, #tpu.memory_space<vmem>>) target_semaphore(%arg15 : memref<!tpu.dma_semaphore, #tpu.memory_space<semaphore_mem>>)
      %mul3A_2659 = arith.constant 3 : i32
      %mul3A_2660 = arith.muli %mul3A_2659, %scan3A_2631 : i32
      %add3A_2661 = arith.constant 1 : i32
      %add3A_2662 = arith.addi %mul3A_2660, %add3A_2661 : i32
      %mul3A_2663 = arith.constant 8192 : i32
      %mul3A_2664 = arith.muli %add3A_2662, %mul3A_2663 : i32
      %add3A_2665 = arith.addi %mul3A_2, %mul3A_2664 : i32
      %dma_wait3A_2666 = tpu.memref_slice %arg2[%add3A_2665] : memref<12845056xf32, #tpu.memory_space<hbm>> -> memref<8192xf32, #tpu.memory_space<hbm>>
      %dma_wait3A_2667 = tpu.memref_slice %arg2[%add3A_2665] : memref<12845056xf32, #tpu.memory_space<hbm>> -> memref<8192xf32, #tpu.memory_space<hbm>>
      tpu.wait_dma2 semaphore(%arg16 : memref<!tpu.dma_semaphore, #tpu.memory_space<semaphore_mem>>) src(%dma_wait3A_2667 : memref<8192xf32, #tpu.memory_space<hbm>>) dst(%arg10 : memref<8192xf32, #tpu.memory_space<vmem>>)
      %gt3A_2668 = arith.constant 0 : i32
      %gt3A_2669 = arith.cmpi sgt, %scan3A_2631, %gt3A_2668 : i32
      %convert_element_type3A_2670 = arith.extui %gt3A_2669 : i1 to i32
      %cond3A_2671 = arith.constant 0 : i32
      %cond3A_2672 = arith.cmpi ne, %convert_element_type3A_2670, %cond3A_2671 : i32
      scf.if %cond3A_2672 {
        %sub3A_2714 = arith.constant 3 : i32
        %sub3A_2715 = arith.subi %add3A_2662, %sub3A_2714 : i32
        %mul3A_2716 = arith.constant 8192 : i32
        %mul3A_2717 = arith.muli %sub3A_2715, %mul3A_2716 : i32
        %add3A_2718 = arith.addi %mul3A_2, %mul3A_2717 : i32
        %dma_wait3A_2719 = tpu.memref_slice %arg5[%add3A_2718] : memref<12845056xf32, #tpu.memory_space<hbm>> -> memref<8192xf32, #tpu.memory_space<hbm>>
        %dma_wait3A_2720 = tpu.memref_slice %arg5[%add3A_2718] : memref<12845056xf32, #tpu.memory_space<hbm>> -> memref<8192xf32, #tpu.memory_space<hbm>>
        tpu.wait_dma2 semaphore(%arg19 : memref<!tpu.dma_semaphore, #tpu.memory_space<semaphore_mem>>) src(%arg13 : memref<8192xf32, #tpu.memory_space<vmem>>) dst(%dma_wait3A_2720 : memref<8192xf32, #tpu.memory_space<hbm>>)
      } else {
      }
      %parallel_loop3A_2673 = arith.constant 0 : i32
      %parallel_loop3A_2674 = arith.constant 512 : i32
      %parallel_loop3A_2675 = arith.constant 1 : i32
      scf.for %parallel_loop3A_2714 = %parallel_loop3A_2673 to %parallel_loop3A_2674 step %parallel_loop3A_2675  : i32 {
        %parallel_loop3A_2715 = arith.constant 16 : i32
        %parallel_loop3A_2716 = arith.muli %parallel_loop3A_2714, %parallel_loop3A_2715 : i32
        %parallel_loop3A_2717 = arith.index_cast %parallel_loop3A_2716 : i32 to index
        %parallel_loop3A_2718 = tpu.vector_load %arg10[%parallel_loop3A_2717] {strides = array<i32>} : memref<8192xf32, #tpu.memory_space<vmem>>, vector<16xf32>,
        %parallel_loop3A_2719 = arith.mulf %parallel_loop3A_2718, %div3A_16 : vector<16xf32>
        %parallel_loop3A_2720 = arith.constant 2.400000e+02 : f32
        %parallel_loop3A_2721 = vector.broadcast %parallel_loop3A_2720 : f32 to vector<16xf32>
        %parallel_loop3A_2722 = arith.minimumf %parallel_loop3A_2719, %parallel_loop3A_2721 : vector<16xf32>
        %parallel_loop3A_2723 = arith.constant 0.000000e+00 : f32
        %parallel_loop3A_2724 = vector.broadcast %parallel_loop3A_2723 : f32 to vector<16xf32>
        %parallel_loop3A_2725 = arith.maximumf %parallel_loop3A_2722, %parallel_loop3A_2724 : vector<16xf32>
        %parallel_loop3A_2726 = arith.addf %parallel_loop3A_2725, %broadcast_in_dim3A_2599 : vector<16xf32>
        %parallel_loop3A_2727 = vector.bitcast %parallel_loop3A_2726 : vector<16xf32> to vector<16xi32>
        %parallel_loop3A_2728 = arith.constant 1258291200 : i32
        %parallel_loop3A_2729 = vector.broadcast %parallel_loop3A_2728 : i32 to vector<16xi32>
        %parallel_loop3A_2730 = arith.subi %parallel_loop3A_2727, %parallel_loop3A_2729 : vector<16xi32>
        %parallel_loop3A_2731 = tpu.vector_load_idx %arg7[%parallel_loop3A_2730] : memref<256xf32, #tpu.memory_space<vmem>>[vector<16xi32>], vector<16xf32>,
        %parallel_loop3A_2732 = arith.index_cast %parallel_loop3A_2716 : i32 to index
        %parallel_loop3A_2733 = tpu.vector_load %arg13[%parallel_loop3A_2732] {strides = array<i32>} : memref<8192xf32, #tpu.memory_space<vmem>>, vector<16xf32>,
        tpu.vector_store %arg13[%parallel_loop3A_2732], %parallel_loop3A_2731 {strides = array<i32>} : memref<8192xf32, #tpu.memory_space<vmem>>, vector<16xf32>,
      } {sc.loop_unroll_factor = 8 : i64, sc.parallel_access}
      %mul3A_2676 = arith.constant 8192 : i32
      %mul3A_2677 = arith.muli %add3A_2662, %mul3A_2676 : i32
      %add3A_2678 = arith.addi %mul3A_2, %mul3A_2677 : i32
      %dma_start3A_2679 = tpu.memref_slice %arg5[%add3A_2678] : memref<12845056xf32, #tpu.memory_space<hbm>> -> memref<8192xf32, #tpu.memory_space<hbm>>
      %dma_start3A_2680 = tpu.memref_slice %arg5[%add3A_2678] : memref<12845056xf32, #tpu.memory_space<hbm>> -> memref<8192xf32, #tpu.memory_space<hbm>>
      tpu.enqueue_dma source(%arg13 : memref<8192xf32, #tpu.memory_space<vmem>>) target(%dma_start3A_2680 : memref<8192xf32, #tpu.memory_space<hbm>>) target_semaphore(%arg19 : memref<!tpu.dma_semaphore, #tpu.memory_space<semaphore_mem>>)
      %lt3A_2681 = arith.constant 15 : i32
      %lt3A_2682 = arith.cmpi slt, %scan3A_2631, %lt3A_2681 : i32
      %convert_element_type3A_2683 = arith.extui %lt3A_2682 : i1 to i32
      %cond3A_2684 = arith.constant 0 : i32
      %cond3A_2685 = arith.cmpi ne, %convert_element_type3A_2683, %cond3A_2684 : i32
      scf.if %cond3A_2685 {
        %add3A_2714 = arith.constant 3 : i32
        %add3A_2715 = arith.addi %add3A_2662, %add3A_2714 : i32
        %mul3A_2716 = arith.constant 8192 : i32
        %mul3A_2717 = arith.muli %add3A_2715, %mul3A_2716 : i32
        %add3A_2718 = arith.addi %mul3A_2, %mul3A_2717 : i32
        %dma_start3A_2719 = tpu.memref_slice %arg2[%add3A_2718] : memref<12845056xf32, #tpu.memory_space<hbm>> -> memref<8192xf32, #tpu.memory_space<hbm>>
        %dma_start3A_2720 = tpu.memref_slice %arg2[%add3A_2718] : memref<12845056xf32, #tpu.memory_space<hbm>> -> memref<8192xf32, #tpu.memory_space<hbm>>
        tpu.enqueue_dma source(%dma_start3A_2720 : memref<8192xf32, #tpu.memory_space<hbm>>) target(%arg10 : memref<8192xf32, #tpu.memory_space<vmem>>) target_semaphore(%arg16 : memref<!tpu.dma_semaphore, #tpu.memory_space<semaphore_mem>>)
      } else {
      }
      %mul3A_2686 = arith.constant 3 : i32
      %mul3A_2687 = arith.muli %mul3A_2686, %scan3A_2631 : i32
      %add3A_2688 = arith.constant 2 : i32
      %add3A_2689 = arith.addi %mul3A_2687, %add3A_2688 : i32
      %mul3A_2690 = arith.constant 8192 : i32
      %mul3A_2691 = arith.muli %add3A_2689, %mul3A_2690 : i32
      %add3A_2692 = arith.addi %mul3A_2, %mul3A_2691 : i32
      %dma_wait3A_2693 = tpu.memref_slice %arg2[%add3A_2692] : memref<12845056xf32, #tpu.memory_space<hbm>> -> memref<8192xf32, #tpu.memory_space<hbm>>
      %dma_wait3A_2694 = tpu.memref_slice %arg2[%add3A_2692] : memref<12845056xf32, #tpu.memory_space<hbm>> -> memref<8192xf32, #tpu.memory_space<hbm>>
      tpu.wait_dma2 semaphore(%arg17 : memref<!tpu.dma_semaphore, #tpu.memory_space<semaphore_mem>>) src(%dma_wait3A_2694 : memref<8192xf32, #tpu.memory_space<hbm>>) dst(%arg11 : memref<8192xf32, #tpu.memory_space<vmem>>)
      %gt3A_2695 = arith.constant 0 : i32
      %gt3A_2696 = arith.cmpi sgt, %scan3A_2631, %gt3A_2695 : i32
      %convert_element_type3A_2697 = arith.extui %gt3A_2696 : i1 to i32
      %cond3A_2698 = arith.constant 0 : i32
      %cond3A_2699 = arith.cmpi ne, %convert_element_type3A_2697, %cond3A_2698 : i32
      scf.if %cond3A_2699 {
        %sub3A_2714 = arith.constant 3 : i32
        %sub3A_2715 = arith.subi %add3A_2689, %sub3A_2714 : i32
        %mul3A_2716 = arith.constant 8192 : i32
        %mul3A_2717 = arith.muli %sub3A_2715, %mul3A_2716 : i32
        %add3A_2718 = arith.addi %mul3A_2, %mul3A_2717 : i32
        %dma_wait3A_2719 = tpu.memref_slice %arg5[%add3A_2718] : memref<12845056xf32, #tpu.memory_space<hbm>> -> memref<8192xf32, #tpu.memory_space<hbm>>
        %dma_wait3A_2720 = tpu.memref_slice %arg5[%add3A_2718] : memref<12845056xf32, #tpu.memory_space<hbm>> -> memref<8192xf32, #tpu.memory_space<hbm>>
        tpu.wait_dma2 semaphore(%arg20 : memref<!tpu.dma_semaphore, #tpu.memory_space<semaphore_mem>>) src(%arg14 : memref<8192xf32, #tpu.memory_space<vmem>>) dst(%dma_wait3A_2720 : memref<8192xf32, #tpu.memory_space<hbm>>)
      } else {
      }
      %parallel_loop3A_2700 = arith.constant 0 : i32
      %parallel_loop3A_2701 = arith.constant 512 : i32
      %parallel_loop3A_2702 = arith.constant 1 : i32
      scf.for %parallel_loop3A_2714 = %parallel_loop3A_2700 to %parallel_loop3A_2701 step %parallel_loop3A_2702  : i32 {
        %parallel_loop3A_2715 = arith.constant 16 : i32
        %parallel_loop3A_2716 = arith.muli %parallel_loop3A_2714, %parallel_loop3A_2715 : i32
        %parallel_loop3A_2717 = arith.index_cast %parallel_loop3A_2716 : i32 to index
        %parallel_loop3A_2718 = tpu.vector_load %arg11[%parallel_loop3A_2717] {strides = array<i32>} : memref<8192xf32, #tpu.memory_space<vmem>>, vector<16xf32>,
        %parallel_loop3A_2719 = arith.mulf %parallel_loop3A_2718, %div3A_16 : vector<16xf32>
        %parallel_loop3A_2720 = arith.constant 2.400000e+02 : f32
        %parallel_loop3A_2721 = vector.broadcast %parallel_loop3A_2720 : f32 to vector<16xf32>
        %parallel_loop3A_2722 = arith.minimumf %parallel_loop3A_2719, %parallel_loop3A_2721 : vector<16xf32>
        %parallel_loop3A_2723 = arith.constant 0.000000e+00 : f32
        %parallel_loop3A_2724 = vector.broadcast %parallel_loop3A_2723 : f32 to vector<16xf32>
        %parallel_loop3A_2725 = arith.maximumf %parallel_loop3A_2722, %parallel_loop3A_2724 : vector<16xf32>
        %parallel_loop3A_2726 = arith.addf %parallel_loop3A_2725, %broadcast_in_dim3A_2599 : vector<16xf32>
        %parallel_loop3A_2727 = vector.bitcast %parallel_loop3A_2726 : vector<16xf32> to vector<16xi32>
        %parallel_loop3A_2728 = arith.constant 1258291200 : i32
        %parallel_loop3A_2729 = vector.broadcast %parallel_loop3A_2728 : i32 to vector<16xi32>
        %parallel_loop3A_2730 = arith.subi %parallel_loop3A_2727, %parallel_loop3A_2729 : vector<16xi32>
        %parallel_loop3A_2731 = tpu.vector_load_idx %arg7[%parallel_loop3A_2730] : memref<256xf32, #tpu.memory_space<vmem>>[vector<16xi32>], vector<16xf32>,
        %parallel_loop3A_2732 = arith.index_cast %parallel_loop3A_2716 : i32 to index
        %parallel_loop3A_2733 = tpu.vector_load %arg14[%parallel_loop3A_2732] {strides = array<i32>} : memref<8192xf32, #tpu.memory_space<vmem>>, vector<16xf32>,
        tpu.vector_store %arg14[%parallel_loop3A_2732], %parallel_loop3A_2731 {strides = array<i32>} : memref<8192xf32, #tpu.memory_space<vmem>>, vector<16xf32>,
      } {sc.loop_unroll_factor = 8 : i64, sc.parallel_access}
      %mul3A_2703 = arith.constant 8192 : i32
      %mul3A_2704 = arith.muli %add3A_2689, %mul3A_2703 : i32
      %add3A_2705 = arith.addi %mul3A_2, %mul3A_2704 : i32
      %dma_start3A_2706 = tpu.memref_slice %arg5[%add3A_2705] : memref<12845056xf32, #tpu.memory_space<hbm>> -> memref<8192xf32, #tpu.memory_space<hbm>>
      %dma_start3A_2707 = tpu.memref_slice %arg5[%add3A_2705] : memref<12845056xf32, #tpu.memory_space<hbm>> -> memref<8192xf32, #tpu.memory_space<hbm>>
      tpu.enqueue_dma source(%arg14 : memref<8192xf32, #tpu.memory_space<vmem>>) target(%dma_start3A_2707 : memref<8192xf32, #tpu.memory_space<hbm>>) target_semaphore(%arg20 : memref<!tpu.dma_semaphore, #tpu.memory_space<semaphore_mem>>)
      %lt3A_2708 = arith.constant 15 : i32
      %lt3A_2709 = arith.cmpi slt, %scan3A_2631, %lt3A_2708 : i32
      %convert_element_type3A_2710 = arith.extui %lt3A_2709 : i1 to i32
      %cond3A_2711 = arith.constant 0 : i32
      %cond3A_2712 = arith.cmpi ne, %convert_element_type3A_2710, %cond3A_2711 : i32
      scf.if %cond3A_2712 {
        %add3A_2714 = arith.constant 3 : i32
        %add3A_2715 = arith.addi %add3A_2689, %add3A_2714 : i32
        %mul3A_2716 = arith.constant 8192 : i32
        %mul3A_2717 = arith.muli %add3A_2715, %mul3A_2716 : i32
        %add3A_2718 = arith.addi %mul3A_2, %mul3A_2717 : i32
        %dma_start3A_2719 = tpu.memref_slice %arg2[%add3A_2718] : memref<12845056xf32, #tpu.memory_space<hbm>> -> memref<8192xf32, #tpu.memory_space<hbm>>
        %dma_start3A_2720 = tpu.memref_slice %arg2[%add3A_2718] : memref<12845056xf32, #tpu.memory_space<hbm>> -> memref<8192xf32, #tpu.memory_space<hbm>>
        tpu.enqueue_dma source(%dma_start3A_2720 : memref<8192xf32, #tpu.memory_space<hbm>>) target(%arg11 : memref<8192xf32, #tpu.memory_space<vmem>>) target_semaphore(%arg17 : memref<!tpu.dma_semaphore, #tpu.memory_space<semaphore_mem>>)
      } else {
      }
      %scan3A_2713 = arith.constant 0 : i32
      scf.yield %scan3A_2713 : i32
    }
    %scan3A_2605 = arith.constant 16 : i32
    %add3A_2606 = arith.constant 393216 : i32
    %add3A_2607 = arith.addi %mul3A_2, %add3A_2606 : i32
    %dma_wait3A = tpu.memref_slice %arg2[%add3A_2607] : memref<12845056xf32, #tpu.memory_space<hbm>> -> memref<8192xf32, #tpu.memory_space<hbm>>
    %dma_wait3A_2608 = tpu.memref_slice %arg2[%add3A_2607] : memref<12845056xf32, #tpu.memory_space<hbm>> -> memref<8192xf32, #tpu.memory_space<hbm>>
    tpu.wait_dma2 semaphore(%arg15 : memref<!tpu.dma_semaphore, #tpu.memory_space<semaphore_mem>>) src(%dma_wait3A_2608 : memref<8192xf32, #tpu.memory_space<hbm>>) dst(%arg9 : memref<8192xf32, #tpu.memory_space<vmem>>)
    %add3A_2609 = arith.constant 368640 : i32
    %add3A_2610 = arith.addi %mul3A_2, %add3A_2609 : i32
    %dma_wait3A_2611 = tpu.memref_slice %arg5[%add3A_2610] : memref<12845056xf32, #tpu.memory_space<hbm>> -> memref<8192xf32, #tpu.memory_space<hbm>>
    %dma_wait3A_2612 = tpu.memref_slice %arg5[%add3A_2610] : memref<12845056xf32, #tpu.memory_space<hbm>> -> memref<8192xf32, #tpu.memory_space<hbm>>
    tpu.wait_dma2 semaphore(%arg18 : memref<!tpu.dma_semaphore, #tpu.memory_space<semaphore_mem>>) src(%arg12 : memref<8192xf32, #tpu.memory_space<vmem>>) dst(%dma_wait3A_2612 : memref<8192xf32, #tpu.memory_space<hbm>>)
    %parallel_loop3A = arith.constant 0 : i32
    %parallel_loop3A_2613 = arith.constant 512 : i32
    %parallel_loop3A_2614 = arith.constant 1 : i32
    scf.for %parallel_loop3A_2631 = %parallel_loop3A to %parallel_loop3A_2613 step %parallel_loop3A_2614  : i32 {
      %parallel_loop3A_2632 = arith.constant 16 : i32
      %parallel_loop3A_2633 = arith.muli %parallel_loop3A_2631, %parallel_loop3A_2632 : i32
      %parallel_loop3A_2634 = arith.index_cast %parallel_loop3A_2633 : i32 to index
      %parallel_loop3A_2635 = tpu.vector_load %arg9[%parallel_loop3A_2634] {strides = array<i32>} : memref<8192xf32, #tpu.memory_space<vmem>>, vector<16xf32>,
      %parallel_loop3A_2636 = arith.mulf %parallel_loop3A_2635, %div3A_16 : vector<16xf32>
      %parallel_loop3A_2637 = arith.constant 2.400000e+02 : f32
      %parallel_loop3A_2638 = vector.broadcast %parallel_loop3A_2637 : f32 to vector<16xf32>
      %parallel_loop3A_2639 = arith.minimumf %parallel_loop3A_2636, %parallel_loop3A_2638 : vector<16xf32>
      %parallel_loop3A_2640 = arith.constant 0.000000e+00 : f32
      %parallel_loop3A_2641 = vector.broadcast %parallel_loop3A_2640 : f32 to vector<16xf32>
      %parallel_loop3A_2642 = arith.maximumf %parallel_loop3A_2639, %parallel_loop3A_2641 : vector<16xf32>
      %parallel_loop3A_2643 = arith.addf %parallel_loop3A_2642, %broadcast_in_dim3A_2599 : vector<16xf32>
      %parallel_loop3A_2644 = vector.bitcast %parallel_loop3A_2643 : vector<16xf32> to vector<16xi32>
      %parallel_loop3A_2645 = arith.constant 1258291200 : i32
      %parallel_loop3A_2646 = vector.broadcast %parallel_loop3A_2645 : i32 to vector<16xi32>
      %parallel_loop3A_2647 = arith.subi %parallel_loop3A_2644, %parallel_loop3A_2646 : vector<16xi32>
      %parallel_loop3A_2648 = tpu.vector_load_idx %arg7[%parallel_loop3A_2647] : memref<256xf32, #tpu.memory_space<vmem>>[vector<16xi32>], vector<16xf32>,
      %parallel_loop3A_2649 = arith.index_cast %parallel_loop3A_2633 : i32 to index
      %parallel_loop3A_2650 = tpu.vector_load %arg12[%parallel_loop3A_2649] {strides = array<i32>} : memref<8192xf32, #tpu.memory_space<vmem>>, vector<16xf32>,
      tpu.vector_store %arg12[%parallel_loop3A_2649], %parallel_loop3A_2648 {strides = array<i32>} : memref<8192xf32, #tpu.memory_space<vmem>>, vector<16xf32>,
    } {sc.loop_unroll_factor = 8 : i64, sc.parallel_access}
    %add3A_2615 = arith.constant 393216 : i32
    %add3A_2616 = arith.addi %mul3A_2, %add3A_2615 : i32
    %dma_start3A_2617 = tpu.memref_slice %arg5[%add3A_2616] : memref<12845056xf32, #tpu.memory_space<hbm>> -> memref<8192xf32, #tpu.memory_space<hbm>>
    %dma_start3A_2618 = tpu.memref_slice %arg5[%add3A_2616] : memref<12845056xf32, #tpu.memory_space<hbm>> -> memref<8192xf32, #tpu.memory_space<hbm>>
    tpu.enqueue_dma source(%arg12 : memref<8192xf32, #tpu.memory_space<vmem>>) target(%dma_start3A_2618 : memref<8192xf32, #tpu.memory_space<hbm>>) target_semaphore(%arg18 : memref<!tpu.dma_semaphore, #tpu.memory_space<semaphore_mem>>)
    %add3A_2619 = arith.constant 376832 : i32
    %add3A_2620 = arith.addi %mul3A_2, %add3A_2619 : i32
    %dma_wait3A_2621 = tpu.memref_slice %arg5[%add3A_2620] : memref<12845056xf32, #tpu.memory_space<hbm>> -> memref<8192xf32, #tpu.memory_space<hbm>>
    %dma_wait3A_2622 = tpu.memref_slice %arg5[%add3A_2620] : memref<12845056xf32, #tpu.memory_space<hbm>> -> memref<8192xf32, #tpu.memory_space<hbm>>
    tpu.wait_dma2 semaphore(%arg19 : memref<!tpu.dma_semaphore, #tpu.memory_space<semaphore_mem>>) src(%arg13 : memref<8192xf32, #tpu.memory_space<vmem>>) dst(%dma_wait3A_2622 : memref<8192xf32, #tpu.memory_space<hbm>>)
    %add3A_2623 = arith.constant 385024 : i32
    %add3A_2624 = arith.addi %mul3A_2, %add3A_2623 : i32
    %dma_wait3A_2625 = tpu.memref_slice %arg5[%add3A_2624] : memref<12845056xf32, #tpu.memory_space<hbm>> -> memref<8192xf32, #tpu.memory_space<hbm>>
    %dma_wait3A_2626 = tpu.memref_slice %arg5[%add3A_2624] : memref<12845056xf32, #tpu.memory_space<hbm>> -> memref<8192xf32, #tpu.memory_space<hbm>>
    tpu.wait_dma2 semaphore(%arg20 : memref<!tpu.dma_semaphore, #tpu.memory_space<semaphore_mem>>) src(%arg14 : memref<8192xf32, #tpu.memory_space<vmem>>) dst(%dma_wait3A_2626 : memref<8192xf32, #tpu.memory_space<hbm>>)
    %add3A_2627 = arith.constant 393216 : i32
    %add3A_2628 = arith.addi %mul3A_2, %add3A_2627 : i32
    %dma_wait3A_2629 = tpu.memref_slice %arg5[%add3A_2628] : memref<12845056xf32, #tpu.memory_space<hbm>> -> memref<8192xf32, #tpu.memory_space<hbm>>
    %dma_wait3A_2630 = tpu.memref_slice %arg5[%add3A_2628] : memref<12845056xf32, #tpu.memory_space<hbm>> -> memref<8192xf32, #tpu.memory_space<hbm>>
    tpu.wait_dma2 semaphore(%arg18 : memref<!tpu.dma_semaphore, #tpu.memory_space<semaphore_mem>>) src(%arg12 : memref<8192xf32, #tpu.memory_space<vmem>>) dst(%dma_wait3A_2630 : memref<8192xf32, #tpu.memory_space<hbm>>)
    return
  }
}

</mosaic_0001>

<sc_bundles>
// kernel: kernel.3.cloned.1.call-start
scs
__scs_entry_jumppad:
0x0: {  	(pc) =	sbr.rel $0x88, $3  }
0x1: {  	(tag) =	ssettag $0x0;
	lr =	simm.s32 $0x1  }
0x2: {  	[smem:$0x3F9E] =	sst lr;
	_ =	strace $0xD0000000  }
0x3: {  	_ = 	snop  }
0x4: {  	_ = 	snop  }
0x5: {  	_ = 	snop  }
0x6: {  	_ = 	snop  }
0x7: {  	_ = 	snop  }
__scs_overlays_trampoline_lowered:
0x8: {  	[smem:$0x3FAD] =	sst s0  }
0x9: {  	[smem:$0x3FAE] =	sst s1  }
0xa: {  	[smem:$0x3FAF] =	sst s2  }
0xb: {  	[smem:$0x3FB0] =	sst s3  }
0xc: {  	[smem:$0x3FB1] =	sst s4  }
0xd: {  	[smem:$0x3FB2] =	sst s5  }
0xe: {  	[smem:$0x3FB3] =	sst s6  }
0xf: {  	[smem:$0x3FB4] =	sst s7  }
0x10: {  	[smem:$0x3FB5] =	sst s8  }
0x11: {  	[smem:$0x3FB6] =	sst s9;
	s0 =	simm.s32 @!p0 $0x0  }
0x12: {  	s1 =	sld [smem:$0x3F9C];
	s0 =	simm.s32 @p0 $0x1  }
0x13: {  	[smem:$0x3FB7] =	sst s0;
	s0 =	simm.s32 @!p1 $0x0  }
0x14: {  	s2 =	sld [smem:$0x3F9B];
	s0 =	simm.s32 @p1 $0x1  }
0x15: {  	[smem:$0x3FB8] =	sst s0;
	s0 =	simm.s32 @!p2 $0x0  }
0x16: {  	s3 =	sld [smem:$0x3FDB];
	s0 =	simm.s32 @p2 $0x1  }
0x17: {  	s4 =	simm.s32 $0x1BF5;
	[smem:$0x3FBA] =	sst s0  }
0x18: {  	s0 =	sld [smem:$0x3F9D];
	_ =	swait.ge [sflag:s4], $0x0  }
0x19: {  	s7 =	sld [smem:$0x3F9E]  }
0x1a: {  	s8 =	sadd.s32 $0xFFFFE003, lr  }
0x1b: {  	s9 =	sadd.s32 $0xFFFFFEF7, lr;
	s5 =	simm.s32 $0xFFFFFFFF;
	p2 =	slt.u32 s8, $0xFFFFF086  }
0x1c: {  	p1 =	slt.u32 s9, $0xF7A;
	s5 =	simm.s32 @!p2 $0x0  }
0x1d: {  	s5 =	simm.s32 @p1 $0x1;
	p0 =	seq.s32 s7, s2  }
0x1e: {  	s7 =	smul.u32 @!p0 $0xF7A, s2;
	p2 =	seq.s32 @!p0 s5, $0x0  }
0x1f: {  	s9 =	smul.u32 $0xF7A, s1;
	s8 =	simm.s32 @!p0 $0x1BF5;
	p2 =	por !p2, p0  }
0x20: {  	[sflag:s8] =	ssyncset.s32 @!p0 $0xFFFFF086;
	s6 =	sadd.s32 @!p0 s3, s7;
	s7 =	simm.s32 @!p0 $0x108  }
0x21: {  	s3 =	sadd.s32 s3, s9;
	s6 =	sadd.s32 @!p0 $0x88, s6;
	s7 =	simm.s32 @p2 $0x1082  }
0x22: {  	[simem:s7], [sflag:s8] =	dma.local @!p0 [hbm:s6], $0xF7A  }
0x23: {  	s9 =	sor.u32 $0xD0000000, s2;
	s6 =	simm.s32 $0x108;
	_ =	swait.ge @!p0 [sflag:s8], $0x0  }
0x24: {  	s3 =	sadd.s32 $0x88, s3;
	s6 =	simm.s32 @!p1 $0x1082;
	[sflag:s4] =	ssyncset.s32 $0xFFFFF086  }
0x25: {  	[simem:s6], [sflag:s4] =	dma.local [hbm:s3], $0xF7A  }
0x26: {  	[smem:$0x3F9E] =	sst s1;
	(tag) =	ssettag s2;
	_ =	strace s9  }
0x27: {  	s1 =	sld [smem:$0x3FAE]  }
0x28: {  	s2 =	sld [smem:$0x3FAF]  }
0x29: {  	s4 =	sld [smem:$0x3FB1]  }
0x2a: {  	p0 =	seq.s32 s5, $0x0;
	s5 =	sld [smem:$0x3FB2]  }
0x2b: {  	s6 =	sld [smem:$0x3FB3]  }
0x2c: {  	s7 =	sld [smem:$0x3FB4]  }
0x2d: {  	s3 =	simm.s32 $0x108;
	s8 =	sld [smem:$0x3FB5]  }
0x2e: {  	s3 =	simm.s32 @!p0 $0x1082;
	s9 =	sld [smem:$0x3FB6]  }
0x2f: {  	lr =	sadd.s32 s0, s3;
	s0 =	sld [smem:$0x3FAD]  }
0x30: {  	s3 =	sld [smem:$0x3FB0]  }
0x31: {  	[smem:$0x3FB9] =	sst s10  }
0x32: {  	s10 =	sld [smem:$0x3FB7];
	_ =	sdelay $0x3  }
0x33: {  	p0 =	seq.s32 s10, $0x1;
	s10 =	sld [smem:$0x3FB9];
	_ =	sdelay $0x3  }
0x34: {  	[smem:$0x3FB9] =	sst s10  }
0x35: {  	s10 =	sld [smem:$0x3FB8];
	_ =	sdelay $0x3  }
0x36: {  	p1 =	seq.s32 s10, $0x1;
	s10 =	sld [smem:$0x3FB9];
	_ =	sdelay $0x3  }
0x37: {  	[smem:$0x3FB9] =	sst s10  }
0x38: {  	s10 =	sld [smem:$0x3FBA]  }
0x39: {  	_ = 	snop;
	(pc) =	sbr.ind lr, $3  }
0x3a: {  	_ = 	snop  }
0x3b: {  	_ = 	snop  }
0x3c: {  	p2 =	seq.s32 s10, $0x1;
	s10 =	sld [smem:$0x3FB9]  }
0x3d: {  	_ =	shalt  }
0x3e: {  	_ =	shalt  }
0x3f: {  	_ =	shalt  }
0x40: {  	_ =	shalt  }
0x41: {  	_ =	shalt  }
0x42: {  	_ =	shalt  }
0x43: {  	_ =	shalt  }
0x44: {  	_ =	shalt  }
0x45: {  	_ =	shalt  }
0x46: {  	_ =	shalt  }
0x47: {  	_ =	shalt  }
0x48: {  	_ =	shalt  }
0x49: {  	_ =	shalt  }
0x4a: {  	_ =	shalt  }
0x4b: {  	_ =	shalt  }
0x4c: {  	_ =	shalt  }
0x4d: {  	_ =	shalt  }
0x4e: {  	_ =	shalt  }
0x4f: {  	_ =	shalt  }
0x50: {  	_ =	shalt  }
0x51: {  	_ =	shalt  }
0x52: {  	_ =	shalt  }
0x53: {  	_ =	shalt  }
0x54: {  	_ =	shalt  }
0x55: {  	_ =	shalt  }
0x56: {  	_ =	shalt  }
0x57: {  	_ =	shalt  }
0x58: {  	_ =	shalt  }
0x59: {  	_ =	shalt  }
0x5a: {  	_ =	shalt  }
0x5b: {  	_ =	shalt  }
0x5c: {  	_ =	shalt  }
0x5d: {  	_ =	shalt  }
0x5e: {  	_ =	shalt  }
0x5f: {  	_ =	shalt  }
0x60: {  	_ =	shalt  }
0x61: {  	_ =	shalt  }
0x62: {  	_ =	shalt  }
0x63: {  	_ =	shalt  }
0x64: {  	_ =	shalt  }
0x65: {  	_ =	shalt  }
0x66: {  	_ =	shalt  }
0x67: {  	_ =	shalt  }
0x68: {  	_ =	shalt  }
0x69: {  	_ =	shalt  }
0x6a: {  	_ =	shalt  }
0x6b: {  	_ =	shalt  }
0x6c: {  	_ =	shalt  }
0x6d: {  	_ =	shalt  }
0x6e: {  	_ =	shalt  }
0x6f: {  	_ =	shalt  }
0x70: {  	_ =	shalt  }
0x71: {  	_ =	shalt  }
0x72: {  	_ =	shalt  }
0x73: {  	_ =	shalt  }
0x74: {  	_ =	shalt  }
0x75: {  	_ =	shalt  }
0x76: {  	_ =	shalt  }
0x77: {  	_ =	shalt  }
0x78: {  	_ =	shalt  }
0x79: {  	_ =	shalt  }
0x7a: {  	_ =	shalt  }
0x7b: {  	_ =	shalt  }
0x7c: {  	_ =	shalt  }
0x7d: {  	_ =	shalt  }
0x7e: {  	_ =	shalt  }
0x7f: {  	_ =	shalt  }
0x80: {  	_ =	shalt  }
0x81: {  	_ =	shalt  }
0x82: {  	_ =	shalt  }
0x83: {  	_ =	shalt  }
0x84: {  	_ =	shalt  }
0x85: {  	_ =	shalt  }
0x86: {  	_ =	shalt  }
0x87: {  	_ =	shalt  }
.Lfunc_end0:
.L_simem_size_0:
called_computation_lowered:
.L_overlay_start_0:
0x88: {  	s2 =	sld [smem:$0x3FD9]  }
0x89: {  	s3 =	sld [smem:$0x3FFE];
	_ =	sdelay $0x1  }
0x8a: {  	s1 =	srdreg.scid  }
0x8b: {  	s0 =	sand.u32 $0x1, s1  }
0x8c: {  	s17 =	sshll.u32 s0, $0xA;
	s2 =	sadd.s32 s3, s2  }
0x8d: {  	s2 =	sadd.s32 s2, s17  }
0x8e: {  	[smem:$0x3FC5] =	sst s2  }
0x8f: {  	_ = 	snop  }
0x90: {  	s2 =	sld [smem:$0x3FC9]  }
0x91: {  	s18 =	sld [smem:$0x3FC8]  }
0x92: {  	s4 =	sld [smem:$0x3FD0];
	(tm) =	ssettm $0x1  }
0x93: {  	s5 =	sld [smem:$0x3FFB];
	_ =	sdelay $0x3  }
0x94: {  	_ =	strace s5  }
0x95: {  	s5 =	sld [smem:$0x3FFC];
	_ =	sdelay $0x3  }
0x96: {  	_ =	strace s5  }
0x97: {  	s5 =	sld [smem:$0x3FFD];
	_ =	sdelay $0x3  }
0x98: {  	_ =	strace s5  }
0x99: {  	_ =	strace $0x8FFFFFFF  }
0x9a: {  	s19 =	sld [smem:$0x3FDB];
	_ =	sdelay $0x1  }
0x9b: {  	s6 =	simm.s32 $_scs_section_size  }
0x9c: {  	s7 =	simm.s32 $_size__tile_overlayer_lowered;
	s8 =	simm.s32 $_tile_overlayer_lowered  }
0x9d: {  	s22 =	simm.s32 $0x1BFF;
	s21 =	sshll.u32 s8, $0x1;
	s5 =	sadd.s32 s6, s19  }
0x9e: {  	s9 =	simm.s32 $0x0;
	s20 =	sshll.u32 s7, $0x1;
	s7 =	sadd.s32 s21, s5  }
0x9f: {  	[timem:s9], [sflag:s22] =	dma.local [hbm:s7], s20  }
0xa0: {  	_ =	swait.ge [sflag:s22], s20  }
0xa1: {  	s6 =	ssub.s32 $0x0, s20;
	[sflag:s22] =	ssyncset.done $0x0  }
0xa2: {  	[sflag:s22] =	ssyncadd.s32 s6;
	_ =	sdelay $0x1  }
0xa3: {  	s23 =	simm.s32 $0x1B8B  }
0xa4: {  	_ =	swait.ge [sflag:s23], $0x1  }
0xa5: {  	[sflag:s23] =	ssyncset.done $0x0  }
0xa6: {  	s25 =	simm.s32 $0x1B8E;
	s24 =	sld [smem:$0x3FFE];
	[sflag:s23] =	ssyncadd.s32 $0xFFFFFFFF  }
0xa7: {  	s26 =	simm.s32 $execute0_lowered;
	[smem:$0x3FD2] =	sst s25  }
0xa8: {  	s7 =	sshll.u32 s26, $0x1;
	_ =	strace $0x80000046;
	[dreg:$0x1] =	wrdreg $0xFFFFFFFF  }
0xa9: {  	s28 =	simm.s32 $_size_execute0_lowered;
	s5 =	sadd.s32 s5, s7;
	[dreg:$0x0] =	wrdreg $0x0  }
0xaa: {  	s7 =	sshll.u32 s28, $0x1;
	[dreg:$0x2] =	wrdreg s5  }
0xab: {  	[dreg:$0x3] =	wrdreg s7  }
0xac: {  	[dreg:$0x4] =	wrdreg $0xC0  }
0xad: {  	_ =	task [dreg:s9], $0x5FFFF  }
0xae: {  	[dreg:$0x1] =	wrdreg $0xFFFFFFFF  }
0xaf: {  	[dreg:$0x0] =	wrdreg $0x60  }
0xb0: {  	[dreg:$0x2] =	wrdreg s2  }
0xb1: {  	[dreg:$0x3] =	wrdreg s18  }
0xb2: {  	[dreg:$0x4] =	wrdreg s24  }
0xb3: {  	[dreg:$0x5] =	wrdreg s4  }
0xb4: {  	[dreg:$0x6] =	wrdreg $0x9  }
0xb5: {  	_ =	task.clear_ibuf [dreg:s9], $0x7FFFF;
	_ =	strace $0x90000046  }
0xb6: {  	s29 =	simm.s32 $0x9;
	_ =	strace $0x80000048  }
0xb7: {  	_ =	swait.ge [sflag:s29], $0x1  }
0xb8: {  	[sflag:s29] =	ssyncadd.s32 $0xFFFFFFFF  }
0xb9: {  	_ =	strace $0x90000048  }
0xba: {  	_ =	sfence  }
0xbb: {  	s30 =	sld [smem:$0x0];
	_ =	sdelay $0x2  }
0xbc: {  	s31 =	sshll.u32 s1, $0xD;
	s1 =	sshrl.u32 s1, $0x2  }
0xbd: {  	s3 =	sand.u32 $0x4000, s31;
	s1 =	sadd.s32 s1, s30  }
0xbe: {  	s0 =	sor.u32 s3, s0;
	s1 =	sshll.u32 s1, $0x11  }
0xbf: {  	s0 =	sor.u32 s1, s0  }
0xc0: {  	s0 =	sadd.s32 $0x8F2B, s0  }
0xc1: {  	[sflag:s0] =	ssyncadd.remote.s32 $0x1  }
0xc2: {  	_ =	sfence.sel $0xFFFF  }
0xc3: {  	[dreg:$0x0] =	wrdreg $0xFFFFFFFF;
	(pc) =	sbr.abs _section_cstart, $3  }
0xc4: {  	[dreg:$0x1] =	wrdreg $0xFFFFFFFF  }
0xc5: {  	_ =	task.clear_ibuf [dreg:s9], $0x2FFFF;
	_ =	strace $0x9FFFFFFF  }
0xc6: {  	(tm) =	ssettm $0x7FFFFFFF  }
0xc7: {  	_ =	shalt  }
tec
execute0_lowered:
.L_overlay_start_1:
0x0: {  	(tag) =	ssettag $0x1  }
0x1: {  	v0 =	vimm.s32 $0xEFCDAB89  }
0x2: {  	v1 =	vimm.s32 $0x67452301;
	v2 =	vimm.f32 $1.500000000e+01;
	v3 =	vimm.s32 $0xDCFE98BA  }
0x3: {  	v4 =	vimm.s32 $0x54761032;
	v5 =	vimm.s32 $0xBA98FEDC;
	v6 =	vimm.s32 $0x32107654  }
0x4: {  	s0 =	rddreg [dreg:$0x0];
	v7 =	vimm.s32 $0xEDCBA987;
	v9 =	vimm.s32 $0xDCBA9876;
	v10 =	vimm.s32 $0xE40000  }
0x5: {  	s1 =	rddreg [dreg:$0x2];
	s4 =	simm.s32 $0x0;
	v11 =	vimm.s32 $0x32100000;
	vm0 =	vmmov $0x3;
	vm1 =	vmmov $0xf  }
0x6: {  	vm2 =	vcmask $0x3F30;
	v0 =	vunpack.c.l.s4.s8 v0;
	v1 =	vunpack.c.l.s4.s8 v1;
	[smem:$0x7FF] =	sst s4  }
0x7: {  	s3 =	rddreg [dreg:$0x3];
	v3 =	vunpack.c.l.s4.s8 v3;
	v4 =	vunpack.c.l.s4.s8 v4;
	v10 =	vunpack.c.l.s2.s4 v10;
	_ =	strace $0x80000047  }
0x8: {  	v0 =	vunpack.c.0.s8.s32 v0;
	v1 =	vunpack.c.0.s8.s32 v1;
	(erf) = vrcp.f32 v2  }
0x9: {  	v2 =	vunpack.c.l.s4.s8 v5;
	v5 =	vunpack.c.l.s4.s8 v6;
	v3 =	vunpack.c.0.s8.s32 v3  }
0xa: {  	v4 =	vunpack.c.0.s8.s32 v4;
	v6 =	vimm.s32 $0xFEDCBA98;
	v10 =	vunpack.c.l.s4.s8 v10  }
0xb: {  	v6 =	vunpack.c.l.s4.s8 v6;
	v2 =	vunpack.c.0.s8.s32 v2;
	v5 =	vunpack.c.0.s8.s32 v5  }
0xc: {  	v1 =	vcombine.low v1, v0;
	v0 =	vimm.f32 $0.0e+00;
	v3 =	vcombine.low v4, v3  }
0xd: {  	v10 =	vunpack.c.0.s8.s32 v10;
	v4 =	vcombine.low v5, v2;
	v2 =	vimm.s32 $0x76543210  }
0xe: {  	v6 =	vunpack.c.0.s8.s32 v6;
	v1 =	vand.u32 $0xF, v1;
	v5 =	vunpack.c.l.s4.s8 v2  }
0xf: {  	v2 =	vand.u32 $0xF, v3;
	v3 =	vand.u32 $0xF, v4;
	v4 =	vunpack.c.l.s4.s8 v7  }
0x10: {  	v10 =	vand.u32 $0x3, v10;
	v7 =	vimm.s32 $0x65432100;
	v5 =	vunpack.c.0.s8.s32 v5  }
0x11: {  	s2 =	srdreg.scid;
	s6 =	stileid.u32;
	s18 =	simm.s32 $0x980;
	v6 =	vand.u32 $0xF, v6;
	v7 =	vunpack.c.l.s4.s8 v7;
	v8 =	vunpack.c.0.s8.s32 v4  }
0x12: {  	s20 =	simm.s32 $0x4980;
	s28 =	simm.s32 $0x8980;
	s2 =	sand.u32 $0x1, s2;
	v4 =	vcombine.low v6, v5;
	v5 =	vimm.s32 $0x54321000;
	v6 =	vunpack.c.l.s4.s8 v9  }
0x13: {  	s29 =	simm.s32 $0x3;
	s30 =	simm.s32 $0xA980;
	s5 =	sshll.u32 s2, $0x4;
	v7 =	vunpack.c.0.s8.s32 v7;
	v9 =	vunpack.c.l.s4.s8 v5;
	v5 =	vimm.s32 $0xBA987654  }
0x14: {  	s31 =	simm.s32 $0x4;
	s2 =	ssub.s32 $0x2, s2;
	s5 =	sor.u32 s6, s5;
	v8 =	vand.u32 $0xF, v8;
	v6 =	vunpack.c.0.s8.s32 v6;
	v12 =	vunpack.c.l.s4.s8 v5  }
0x15: {  	s1 =	sadd.s32 $0x400, s1;
	s7 =	sshrl.u32 s2, $0x1;
	s6 =	smul.u32 $0x62000, s5;
	v5 =	vcombine.low v7, v8;
	v8 =	vunpack.c.l.s4.s8 v11;
	v7 =	vunpack.c.0.s8.s32 v9  }
0x16: {  	[dreg:$0x5] =	wrdreg s1;
	s1 =	simm.s32 $0x0;
	s21 =	ssub.s32 s2, s7;
	v9 =	vand.u32 $0xF, v6;
	v11 =	vunpack.c.0.s8.s32 v12;
	v6 =	vlaneseq.u32  }
0x17: {  	s17 =	smax.u32 s21, $0x1;
	s22 =	sshrl.u32 s6, $0x3;
	s8 =	sadd.s32 $0x2000, s6;
	v8 =	vunpack.c.0.s8.s32 v8;
	v7 =	vcombine.low v7, v9;
	v12 =	vadd.s32 $0x11, v6  }
0x18: {  	s9 =	sadd.s32 $0x4000, s6;
	s13 =	sadd.s32 $0x6000, s6;
	s14 =	sadd.s32 $0x8000, s6;
	v13 =	vadd.s32 $0x21, v6;
	v14 =	vadd.s32 $0x31, v6;
	v15 =	vadd.s32 $0x41, v6  }
0x19: {  	s15 =	sadd.s32 $0xA000, s6;
	s23 =	sadd.s32 s0, s22;
	s24 =	sshrl.u32 s8, $0x3;
	v16 =	vadd.s32 $0x51, v6;
	v17 =	vadd.s32 $0x61, v6;
	v18 =	vadd.s32 $0x71, v6  }
0x1a: {  	s25 =	sshrl.u32 s9, $0x3;
	s2 =	sadd.s32 s3, s22;
	s22 =	simm.s32 $0x7;
	v19 =	vadd.s32 $0x81, v6;
	v20 =	vadd.s32 $0x91, v6;
	v21 =	vadd.s32 $0xA1, v6  }
0x1b: {  	[dreg:$0x6] =	wrdreg s23;
	s5 =	sadd.s32 s0, s24;
	s26 =	sadd.s32 s0, s25;
	v22 =	vadd.s32 $0xB1, v6;
	v9 =	vand.u32 $0xF, v11;
	v11 =	vimm.s32 $0x7060504  }
0x1c: {  	s16 =	sadd.s32 $0xC000, s2;
	s23 =	simm.s32 $0x800;
	s24 =	simm.s32 $0x1;
	v24 =	vadd.s32 $0xC1, v6;
	v8 =	vcombine.low v8, v9;
	v9 =	vunpack.c.0.s8.s32 v11  }
0x1d: {  	s25 =	simm.s32 $0x6980;
	s2 =	simm.s32 $0x5;
	[dreg:$0x7] =	wrdreg s5;
	v25 =	vadd.s32 $0xD1, v6;
	v26 =	vadd.s32 $0xE1, v6;
	v11 =	vimm.s32 $0xF  }
0x1e: {  	[dreg:$0x8] =	wrdreg s26;
	s26 =	simm.s32 $0x2;
	s5 =	simm.s32 $0x6;
	v23 =	vpop (erf);
	v9 =	vsel vm2, v9, v10;
	vm2 =	vmmov $0xff;
	v10 =	vadd.s32 $0x1, v6  }
.LBB2_1:
0x1f: {  	s7 =	rddreg [dreg:$0x6]  }
0x20: {  	[tilespmem:s18], [sflag:$0x1] =	stream.linear.gather [hbm4b:s7+s4], $0x2000, $0x38;
	[tilespmem:$0xC980] =	vst v63  }
0x21: {  	s21 =	rddreg [dreg:$0x7];
	s10 =	simm.s32 $0x2980  }
0x22: {  	[tilespmem:s10], [sflag:$0x2] =	stream.linear.gather [hbm4b:s21+s4], $0x2000, $0x38;
	[tilespmem:$0xC980] =	vst v63  }
0x23: {  	s11 =	rddreg [dreg:$0x8]  }
0x24: {  	[tilespmem:s20], [sflag:$0x3] =	stream.linear.gather [hbm4b:s11+s4], $0x2000, $0x38;
	[tilespmem:$0xC980] =	vst v63  }
0x25: {  	s12 =	rddreg [dreg:$0x5];
	s19 =	simm.s32 $0x900  }
0x26: {  	[tilespmem:s19], [sflag:$0x7] =	stream.linear.gather [hbm4b:s12+s4], $0x80, $0x38;
	[tilespmem:$0xC980] =	vst v63  }
0x27: {  	_ =	swait.ge [sflag:s22], $0x80  }
0x28: {  	[sflag:s22] =	ssyncset.done $0x0  }
0x29: {  	[sflag:s22] =	ssyncadd.s32 $0xFFFFFF80  }
0x2a: {  	s21 =	rddreg [dreg:$0x1]  }
0x2b: {  	[tilespmem:s4], [sflag:$0x7] =	stream.linear.gather [hbm4b:s21+s4], $0x780, $0x38;
	[tilespmem:$0xC980] =	vst v63  }
0x2c: {  	_ =	swait.ge [sflag:s22], $0x780  }
0x2d: {  	[sflag:s22] =	ssyncset.done $0x0  }
0x2e: {  	[sflag:s22] =	ssyncadd.s32 $0xFFFFF880  }
0x2f: {  	v27 =	vld [tilespmem:$0x900];
	_ =	sdelay $0x4  }
0x30: {  	v27 =	vmul.f32 $1.442695020e+00, v27;
	_ =	sdelay $0x1  }
0x31: {  	(erf) = vpow2.f32 v27;
	_ =	sdelay $0x3  }
0x32: {  	v27 =	vld [tilespmem:$0x0];
	_ =	sdelay $0x4  }
0x33: {  	v27 =	vmul.f32 $1.442695020e+00, v27;
	v28 =	vpop (erf)  }
0x34: {  	(erf) = vrcp.f32 v28  }
0x35: {  	(erf) = vpow2.f32 v27;
	_ =	sdelay $0x7  }
0x36: {  	v27 =	vpop (erf)  }
0x37: {  	v29 =	vpop (erf)  }
0x38: {  	v30 =	vperm.xlane v29, v1;
	_ =	sdelay $0x1  }
0x39: {  	v30 =	vadd.f32 v29, v30;
	_ =	sdelay $0x1  }
0x3a: {  	v31 =	vperm.xlane v30, v2;
	_ =	sdelay $0x1  }
0x3b: {  	v30 =	vadd.f32 v30, v31;
	_ =	sdelay $0x1  }
0x3c: {  	v31 =	vperm.xlane v30, v3;
	_ =	sdelay $0x1  }
0x3d: {  	v30 =	vadd.f32 v30, v31;
	_ =	sdelay $0x1  }
0x3e: {  	v31 =	vperm.xlane v30, v4;
	_ =	sdelay $0x1  }
0x3f: {  	v30 =	vadd.f32 v30, v31;
	_ =	sdelay $0x1  }
0x40: {  	(erf) = vrcp.f32 v30;
	_ =	sdelay $0x8  }
0x41: {  	v30 =	vpop (erf)  }
0x42: {  	v29 =	vmul.f32 v30, v29;
	_ =	sdelay $0x1  }
0x43: {  	v30 =	vperm.xlane v29, v5  }
0x44: {  	vm3 =	veq.s32 v6, $0x0  }
0x45: {  	v30 =	vsel vm3, $0x0, v30  }
0x46: {  	v29 =	vadd.f32 v29, v30;
	_ =	sdelay $0x1  }
0x47: {  	v30 =	vperm.xlane v29, v7;
	_ =	sdelay $0x1  }
0x48: {  	v30 =	vsel vm0, $0x0, v30  }
0x49: {  	[tilespmem:$0x800] =	vst v0;
	v29 =	vadd.f32 v29, v30  }
0x4a: {  	[tilespmem:$0x810] =	vst v0  }
0x4b: {  	[tilespmem:$0x820] =	vst v0;
	v30 =	vperm.xlane v29, v8  }
0x4c: {  	[tilespmem:$0x830] =	vst v0  }
0x4d: {  	[tilespmem:$0x840] =	vst v0;
	v30 =	vsel vm1, $0x0, v30  }
0x4e: {  	[tilespmem:$0x850] =	vst v0;
	v29 =	vadd.f32 v29, v30  }
0x4f: {  	[tilespmem:$0x860] =	vst v0  }
0x50: {  	[tilespmem:$0x870] =	vst v0;
	v30 =	vperm.xlane v29, v9  }
0x51: {  	[tilespmem:$0x880] =	vst v0  }
0x52: {  	[tilespmem:$0x890] =	vst v0;
	v30 =	vsel vm2, $0x0, v30  }
0x53: {  	[tilespmem:$0x8A0] =	vst v0;
	v29 =	vadd.f32 v29, v30  }
0x54: {  	[tilespmem:$0x8B0] =	vst v0  }
0x55: {  	[tilespmem:$0x8C0] =	vst v0;
	v28 =	vmul.f32 v28, v23;
	v30 =	vadd.f32 $0.0e+00, v29  }
0x56: {  	[tilespmem:$0x8D0] =	vst v0  }
0x57: {  	[tilespmem:$0x8E0] =	vst v0;
	v30 =	vmul.f32 v30, v28  }
0x58: {  	[tilespmem:$0x8F0] =	vst v0  }
0x59: {  	[tilespmem:v10+s23+$0x0] =	vst.idx.msk $0xffff, v30  }
0x5a: {  	v30 =	vld [tilespmem:$0x80];
	_ =	sdelay $0x4  }
0x5b: {  	v30 =	vmul.f32 $1.442695020e+00, v30;
	_ =	sdelay $0x1  }
0x5c: {  	(erf) = vpow2.f32 v30;
	_ =	sdelay $0x8  }
0x5d: {  	v30 =	vpop (erf)  }
0x5e: {  	v53 =	vperm.xlane v30, v1;
	_ =	sdelay $0x1  }
0x5f: {  	v31 =	vadd.f32 v30, v53;
	_ =	sdelay $0x1  }
0x60: {  	v32 =	vperm.xlane v31, v2;
	_ =	sdelay $0x1  }
0x61: {  	v31 =	vadd.f32 v31, v32;
	_ =	sdelay $0x1  }
0x62: {  	v32 =	vperm.xlane v31, v3;
	_ =	sdelay $0x1  }
0x63: {  	v31 =	vadd.f32 v31, v32;
	_ =	sdelay $0x1  }
0x64: {  	v32 =	vperm.xlane v31, v4;
	_ =	sdelay $0x1  }
0x65: {  	v31 =	vadd.f32 v31, v32;
	_ =	sdelay $0x1  }
0x66: {  	(erf) = vrcp.f32 v31;
	_ =	sdelay $0x8  }
0x67: {  	v31 =	vpop (erf)  }
0x68: {  	v30 =	vmul.f32 v31, v30;
	_ =	sdelay $0x1  }
0x69: {  	v31 =	vperm.xlane v30, v5;
	_ =	sdelay $0x1  }
0x6a: {  	v31 =	vsel vm3, $0x0, v31  }
0x6b: {  	v30 =	vadd.f32 v30, v31;
	_ =	sdelay $0x1  }
0x6c: {  	v31 =	vperm.xlane v30, v7;
	_ =	sdelay $0x1  }
0x6d: {  	v31 =	vsel vm0, $0x0, v31  }
0x6e: {  	v30 =	vadd.f32 v30, v31;
	_ =	sdelay $0x1  }
0x6f: {  	v31 =	vperm.xlane v30, v8;
	_ =	sdelay $0x1  }
0x70: {  	v31 =	vsel vm1, $0x0, v31  }
0x71: {  	v30 =	vadd.f32 v30, v31;
	_ =	sdelay $0x1  }
0x72: {  	v31 =	vperm.xlane v30, v9  }
0x73: {  	v29 =	vperm.xlane v29, v11  }
0x74: {  	v31 =	vsel vm2, $0x0, v31  }
0x75: {  	v29 =	vadd.f32 $0.0e+00, v29;
	v30 =	vadd.f32 v30, v31;
	_ =	sdelay $0x1  }
0x76: {  	v31 =	vadd.f32 v30, v29;
	_ =	sdelay $0x1  }
0x77: {  	v31 =	vmul.f32 v31, v28;
	_ =	sdelay $0x1  }
0x78: {  	[tilespmem:v12+s23+$0x0] =	vst.idx.msk $0xffff, v31  }
0x79: {  	v31 =	vld [tilespmem:$0x100];
	_ =	sdelay $0x4  }
0x7a: {  	v31 =	vmul.f32 $1.442695020e+00, v31;
	_ =	sdelay $0x1  }
0x7b: {  	(erf) = vpow2.f32 v31;
	_ =	sdelay $0x8  }
0x7c: {  	v31 =	vpop (erf)  }
0x7d: {  	v54 =	vperm.xlane v31, v1;
	_ =	sdelay $0x1  }
0x7e: {  	v32 =	vadd.f32 v31, v54;
	_ =	sdelay $0x1  }
0x7f: {  	v33 =	vperm.xlane v32, v2;
	_ =	sdelay $0x1  }
0x80: {  	v32 =	vadd.f32 v32, v33;
	_ =	sdelay $0x1  }
0x81: {  	v33 =	vperm.xlane v32, v3;
	_ =	sdelay $0x1  }
0x82: {  	v32 =	vadd.f32 v32, v33;
	_ =	sdelay $0x1  }
0x83: {  	v33 =	vperm.xlane v32, v4;
	_ =	sdelay $0x1  }
0x84: {  	v32 =	vadd.f32 v32, v33;
	_ =	sdelay $0x1  }
0x85: {  	(erf) = vrcp.f32 v32;
	_ =	sdelay $0x8  }
0x86: {  	v32 =	vpop (erf)  }
0x87: {  	v31 =	vmul.f32 v32, v31;
	_ =	sdelay $0x1  }
0x88: {  	v32 =	vperm.xlane v31, v5;
	_ =	sdelay $0x1  }
0x89: {  	v32 =	vsel vm3, $0x0, v32  }
0x8a: {  	v31 =	vadd.f32 v31, v32;
	_ =	sdelay $0x1  }
0x8b: {  	v32 =	vperm.xlane v31, v7;
	_ =	sdelay $0x1  }
0x8c: {  	v32 =	vsel vm0, $0x0, v32  }
0x8d: {  	v31 =	vadd.f32 v31, v32;
	_ =	sdelay $0x1  }
0x8e: {  	v32 =	vperm.xlane v31, v8;
	_ =	sdelay $0x1  }
0x8f: {  	v32 =	vsel vm1, $0x0, v32  }
0x90: {  	v31 =	vadd.f32 v31, v32;
	_ =	sdelay $0x1  }
0x91: {  	v32 =	vperm.xlane v31, v9  }
0x92: {  	v30 =	vperm.xlane v30, v11  }
0x93: {  	v32 =	vsel vm2, $0x0, v32  }
0x94: {  	v29 =	vadd.f32 v30, v29;
	v55 =	vadd.f32 v31, v32;
	_ =	sdelay $0x1  }
0x95: {  	v31 =	vadd.f32 v55, v29;
	_ =	sdelay $0x1  }
0x96: {  	v31 =	vmul.f32 v31, v28;
	_ =	sdelay $0x1  }
0x97: {  	[tilespmem:v13+s23+$0x0] =	vst.idx.msk $0xffff, v31  }
0x98: {  	v31 =	vld [tilespmem:$0x180];
	_ =	sdelay $0x4  }
0x99: {  	v31 =	vmul.f32 $1.442695020e+00, v31;
	_ =	sdelay $0x1  }
0x9a: {  	(erf) = vpow2.f32 v31;
	_ =	sdelay $0x8  }
0x9b: {  	v31 =	vpop (erf)  }
0x9c: {  	v56 =	vperm.xlane v31, v1;
	_ =	sdelay $0x1  }
0x9d: {  	v32 =	vadd.f32 v31, v56;
	_ =	sdelay $0x1  }
0x9e: {  	v57 =	vperm.xlane v32, v2;
	_ =	sdelay $0x1  }
0x9f: {  	v32 =	vadd.f32 v32, v57;
	_ =	sdelay $0x1  }
0xa0: {  	v33 =	vperm.xlane v32, v3;
	_ =	sdelay $0x1  }
0xa1: {  	v32 =	vadd.f32 v32, v33;
	_ =	sdelay $0x1  }
0xa2: {  	v33 =	vperm.xlane v32, v4;
	_ =	sdelay $0x1  }
0xa3: {  	v32 =	vadd.f32 v32, v33;
	_ =	sdelay $0x1  }
0xa4: {  	(erf) = vrcp.f32 v32;
	_ =	sdelay $0x8  }
0xa5: {  	v32 =	vpop (erf)  }
0xa6: {  	v31 =	vmul.f32 v32, v31;
	_ =	sdelay $0x1  }
0xa7: {  	v32 =	vperm.xlane v31, v5;
	_ =	sdelay $0x1  }
0xa8: {  	v32 =	vsel vm3, $0x0, v32  }
0xa9: {  	v31 =	vadd.f32 v31, v32;
	_ =	sdelay $0x1  }
0xaa: {  	v32 =	vperm.xlane v31, v7;
	_ =	sdelay $0x1  }
0xab: {  	v32 =	vsel vm0, $0x0, v32  }
0xac: {  	v31 =	vadd.f32 v31, v32;
	_ =	sdelay $0x1  }
0xad: {  	v32 =	vperm.xlane v31, v8;
	_ =	sdelay $0x1  }
0xae: {  	v32 =	vsel vm1, $0x0, v32  }
0xaf: {  	v31 =	vadd.f32 v31, v32;
	_ =	sdelay $0x1  }
0xb0: {  	v32 =	vperm.xlane v31, v9  }
0xb1: {  	v30 =	vperm.xlane v55, v11  }
0xb2: {  	v32 =	vsel vm2, $0x0, v32  }
0xb3: {  	v29 =	vadd.f32 v30, v29;
	v58 =	vadd.f32 v31, v32;
	_ =	sdelay $0x1  }
0xb4: {  	v31 =	vadd.f32 v58, v29;
	_ =	sdelay $0x1  }
0xb5: {  	v31 =	vmul.f32 v31, v28;
	_ =	sdelay $0x1  }
0xb6: {  	[tilespmem:v14+s23+$0x0] =	vst.idx.msk $0xffff, v31  }
0xb7: {  	v31 =	vld [tilespmem:$0x200];
	_ =	sdelay $0x4  }
0xb8: {  	v31 =	vmul.f32 $1.442695020e+00, v31;
	_ =	sdelay $0x1  }
0xb9: {  	(erf) = vpow2.f32 v31;
	_ =	sdelay $0x8  }
0xba: {  	v31 =	vpop (erf)  }
0xbb: {  	v59 =	vperm.xlane v31, v1;
	_ =	sdelay $0x1  }
0xbc: {  	v32 =	vadd.f32 v31, v59;
	_ =	sdelay $0x1  }
0xbd: {  	v60 =	vperm.xlane v32, v2;
	_ =	sdelay $0x1  }
0xbe: {  	v32 =	vadd.f32 v32, v60;
	_ =	sdelay $0x1  }
0xbf: {  	v33 =	vperm.xlane v32, v3;
	_ =	sdelay $0x1  }
0xc0: {  	v32 =	vadd.f32 v32, v33;
	_ =	sdelay $0x1  }
0xc1: {  	v33 =	vperm.xlane v32, v4;
	_ =	sdelay $0x1  }
0xc2: {  	v32 =	vadd.f32 v32, v33;
	_ =	sdelay $0x1  }
0xc3: {  	(erf) = vrcp.f32 v32;
	_ =	sdelay $0x8  }
0xc4: {  	v32 =	vpop (erf)  }
0xc5: {  	v31 =	vmul.f32 v32, v31;
	_ =	sdelay $0x1  }
0xc6: {  	v32 =	vperm.xlane v31, v5;
	_ =	sdelay $0x1  }
0xc7: {  	v32 =	vsel vm3, $0x0, v32  }
0xc8: {  	v31 =	vadd.f32 v31, v32;
	_ =	sdelay $0x1  }
0xc9: {  	v32 =	vperm.xlane v31, v7;
	_ =	sdelay $0x1  }
0xca: {  	v32 =	vsel vm0, $0x0, v32  }
0xcb: {  	v31 =	vadd.f32 v31, v32;
	_ =	sdelay $0x1  }
0xcc: {  	v32 =	vperm.xlane v31, v8;
	_ =	sdelay $0x1  }
0xcd: {  	v32 =	vsel vm1, $0x0, v32  }
0xce: {  	v31 =	vadd.f32 v31, v32;
	_ =	sdelay $0x1  }
0xcf: {  	v32 =	vperm.xlane v31, v9  }
0xd0: {  	v30 =	vperm.xlane v58, v11  }
0xd1: {  	v32 =	vsel vm2, $0x0, v32  }
0xd2: {  	v29 =	vadd.f32 v30, v29;
	v61 =	vadd.f32 v31, v32;
	_ =	sdelay $0x1  }
0xd3: {  	v31 =	vadd.f32 v61, v29;
	_ =	sdelay $0x1  }
0xd4: {  	v31 =	vmul.f32 v31, v28;
	_ =	sdelay $0x1  }
0xd5: {  	[tilespmem:v15+s23+$0x0] =	vst.idx.msk $0xffff, v31  }
0xd6: {  	v31 =	vld [tilespmem:$0x280];
	_ =	sdelay $0x4  }
0xd7: {  	v31 =	vmul.f32 $1.442695020e+00, v31;
	_ =	sdelay $0x1  }
0xd8: {  	(erf) = vpow2.f32 v31;
	_ =	sdelay $0x8  }
0xd9: {  	v31 =	vpop (erf)  }
0xda: {  	v62 =	vperm.xlane v31, v1;
	_ =	sdelay $0x1  }
0xdb: {  	v32 =	vadd.f32 v31, v62;
	_ =	sdelay $0x1  }
0xdc: {  	v63 =	vperm.xlane v32, v2;
	_ =	sdelay $0x1  }
0xdd: {  	v32 =	vadd.f32 v32, v63;
	_ =	sdelay $0x1  }
0xde: {  	v33 =	vperm.xlane v32, v3;
	_ =	sdelay $0x1  }
0xdf: {  	v32 =	vadd.f32 v32, v33;
	_ =	sdelay $0x1  }
0xe0: {  	v33 =	vperm.xlane v32, v4;
	_ =	sdelay $0x1  }
0xe1: {  	v32 =	vadd.f32 v32, v33;
	_ =	sdelay $0x1  }
0xe2: {  	(erf) = vrcp.f32 v32;
	_ =	sdelay $0x8  }
0xe3: {  	v32 =	vpop (erf)  }
0xe4: {  	v31 =	vmul.f32 v32, v31;
	_ =	sdelay $0x1  }
0xe5: {  	v32 =	vperm.xlane v31, v5;
	_ =	sdelay $0x1  }
0xe6: {  	v32 =	vsel vm3, $0x0, v32  }
0xe7: {  	v31 =	vadd.f32 v31, v32;
	_ =	sdelay $0x1  }
0xe8: {  	v32 =	vperm.xlane v31, v7;
	_ =	sdelay $0x1  }
0xe9: {  	v32 =	vsel vm0, $0x0, v32  }
0xea: {  	v31 =	vadd.f32 v31, v32;
	_ =	sdelay $0x1  }
0xeb: {  	v32 =	vperm.xlane v31, v8;
	_ =	sdelay $0x1  }
0xec: {  	v32 =	vsel vm1, $0x0, v32  }
0xed: {  	v31 =	vadd.f32 v31, v32;
	_ =	sdelay $0x1  }
0xee: {  	v32 =	vperm.xlane v31, v9  }
0xef: {  	v30 =	vperm.xlane v61, v11  }
0xf0: {  	v32 =	vsel vm2, $0x0, v32  }
0xf1: {  	v29 =	vadd.f32 v30, v29;
	v36 =	vadd.f32 v31, v32;
	_ =	sdelay $0x1  }
0xf2: {  	v31 =	vadd.f32 v36, v29;
	_ =	sdelay $0x1  }
0xf3: {  	v31 =	vmul.f32 v31, v28;
	_ =	sdelay $0x1  }
0xf4: {  	[tilespmem:v16+s23+$0x0] =	vst.idx.msk $0xffff, v31  }
0xf5: {  	v31 =	vld [tilespmem:$0x300];
	_ =	sdelay $0x4  }
0xf6: {  	v31 =	vmul.f32 $1.442695020e+00, v31;
	_ =	sdelay $0x1  }
0xf7: {  	(erf) = vpow2.f32 v31;
	_ =	sdelay $0x8  }
0xf8: {  	v31 =	vpop (erf)  }
0xf9: {  	v37 =	vperm.xlane v31, v1;
	_ =	sdelay $0x1  }
0xfa: {  	v32 =	vadd.f32 v31, v37;
	_ =	sdelay $0x1  }
0xfb: {  	v38 =	vperm.xlane v32, v2;
	_ =	sdelay $0x1  }
0xfc: {  	v32 =	vadd.f32 v32, v38;
	_ =	sdelay $0x1  }
0xfd: {  	v33 =	vperm.xlane v32, v3;
	_ =	sdelay $0x1  }
0xfe: {  	v32 =	vadd.f32 v32, v33;
	_ =	sdelay $0x1  }
0xff: {  	v33 =	vperm.xlane v32, v4;
	_ =	sdelay $0x1  }
0x100: {  	v32 =	vadd.f32 v32, v33;
	_ =	sdelay $0x1  }
0x101: {  	(erf) = vrcp.f32 v32;
	_ =	sdelay $0x8  }
0x102: {  	v32 =	vpop (erf)  }
0x103: {  	v31 =	vmul.f32 v32, v31;
	_ =	sdelay $0x1  }
0x104: {  	v32 =	vperm.xlane v31, v5;
	_ =	sdelay $0x1  }
0x105: {  	v32 =	vsel vm3, $0x0, v32  }
0x106: {  	v31 =	vadd.f32 v31, v32;
	_ =	sdelay $0x1  }
0x107: {  	v32 =	vperm.xlane v31, v7;
	_ =	sdelay $0x1  }
0x108: {  	v32 =	vsel vm0, $0x0, v32  }
0x109: {  	v31 =	vadd.f32 v31, v32;
	_ =	sdelay $0x1  }
0x10a: {  	v32 =	vperm.xlane v31, v8;
	_ =	sdelay $0x1  }
0x10b: {  	v32 =	vsel vm1, $0x0, v32  }
0x10c: {  	v31 =	vadd.f32 v31, v32;
	_ =	sdelay $0x1  }
0x10d: {  	v32 =	vperm.xlane v31, v9  }
0x10e: {  	v30 =	vperm.xlane v36, v11  }
0x10f: {  	v32 =	vsel vm2, $0x0, v32  }
0x110: {  	v29 =	vadd.f32 v30, v29;
	v39 =	vadd.f32 v31, v32;
	_ =	sdelay $0x1  }
0x111: {  	v31 =	vadd.f32 v39, v29;
	_ =	sdelay $0x1  }
0x112: {  	v31 =	vmul.f32 v31, v28;
	_ =	sdelay $0x1  }
0x113: {  	[tilespmem:v17+s23+$0x0] =	vst.idx.msk $0xffff, v31  }
0x114: {  	v31 =	vld [tilespmem:$0x380];
	_ =	sdelay $0x4  }
0x115: {  	v31 =	vmul.f32 $1.442695020e+00, v31;
	_ =	sdelay $0x1  }
0x116: {  	(erf) = vpow2.f32 v31;
	_ =	sdelay $0x8  }
0x117: {  	v31 =	vpop (erf)  }
0x118: {  	v40 =	vperm.xlane v31, v1;
	_ =	sdelay $0x1  }
0x119: {  	v32 =	vadd.f32 v31, v40;
	_ =	sdelay $0x1  }
0x11a: {  	v41 =	vperm.xlane v32, v2;
	_ =	sdelay $0x1  }
0x11b: {  	v32 =	vadd.f32 v32, v41;
	_ =	sdelay $0x1  }
0x11c: {  	v33 =	vperm.xlane v32, v3;
	_ =	sdelay $0x1  }
0x11d: {  	v32 =	vadd.f32 v32, v33;
	_ =	sdelay $0x1  }
0x11e: {  	v33 =	vperm.xlane v32, v4;
	_ =	sdelay $0x1  }
0x11f: {  	v32 =	vadd.f32 v32, v33;
	_ =	sdelay $0x1  }
0x120: {  	(erf) = vrcp.f32 v32;
	_ =	sdelay $0x8  }
0x121: {  	v32 =	vpop (erf)  }
0x122: {  	v31 =	vmul.f32 v32, v31;
	_ =	sdelay $0x1  }
0x123: {  	v32 =	vperm.xlane v31, v5;
	_ =	sdelay $0x1  }
0x124: {  	v32 =	vsel vm3, $0x0, v32  }
0x125: {  	v31 =	vadd.f32 v31, v32;
	_ =	sdelay $0x1  }
0x126: {  	v32 =	vperm.xlane v31, v7;
	_ =	sdelay $0x1  }
0x127: {  	v32 =	vsel vm0, $0x0, v32  }
0x128: {  	v31 =	vadd.f32 v31, v32;
	_ =	sdelay $0x1  }
0x129: {  	v32 =	vperm.xlane v31, v8;
	_ =	sdelay $0x1  }
0x12a: {  	v32 =	vsel vm1, $0x0, v32  }
0x12b: {  	v31 =	vadd.f32 v31, v32;
	_ =	sdelay $0x1  }
0x12c: {  	v32 =	vperm.xlane v31, v9  }
0x12d: {  	v30 =	vperm.xlane v39, v11  }
0x12e: {  	v32 =	vsel vm2, $0x0, v32  }
0x12f: {  	v29 =	vadd.f32 v30, v29;
	v42 =	vadd.f32 v31, v32;
	_ =	sdelay $0x1  }
0x130: {  	v31 =	vadd.f32 v42, v29;
	_ =	sdelay $0x1  }
0x131: {  	v31 =	vmul.f32 v31, v28;
	_ =	sdelay $0x1  }
0x132: {  	[tilespmem:v18+s23+$0x0] =	vst.idx.msk $0xffff, v31  }
0x133: {  	v31 =	vld [tilespmem:$0x400];
	_ =	sdelay $0x4  }
0x134: {  	v31 =	vmul.f32 $1.442695020e+00, v31;
	_ =	sdelay $0x1  }
0x135: {  	(erf) = vpow2.f32 v31;
	_ =	sdelay $0x8  }
0x136: {  	v31 =	vpop (erf)  }
0x137: {  	v43 =	vperm.xlane v31, v1;
	_ =	sdelay $0x1  }
0x138: {  	v32 =	vadd.f32 v31, v43;
	_ =	sdelay $0x1  }
0x139: {  	v44 =	vperm.xlane v32, v2;
	_ =	sdelay $0x1  }
0x13a: {  	v32 =	vadd.f32 v32, v44;
	_ =	sdelay $0x1  }
0x13b: {  	v33 =	vperm.xlane v32, v3;
	_ =	sdelay $0x1  }
0x13c: {  	v32 =	vadd.f32 v32, v33;
	_ =	sdelay $0x1  }
0x13d: {  	v33 =	vperm.xlane v32, v4;
	_ =	sdelay $0x1  }
0x13e: {  	v32 =	vadd.f32 v32, v33;
	_ =	sdelay $0x1  }
0x13f: {  	(erf) = vrcp.f32 v32;
	_ =	sdelay $0x8  }
0x140: {  	v32 =	vpop (erf)  }
0x141: {  	v31 =	vmul.f32 v32, v31;
	_ =	sdelay $0x1  }
0x142: {  	v32 =	vperm.xlane v31, v5;
	_ =	sdelay $0x1  }
0x143: {  	v32 =	vsel vm3, $0x0, v32  }
0x144: {  	v31 =	vadd.f32 v31, v32;
	_ =	sdelay $0x1  }
0x145: {  	v32 =	vperm.xlane v31, v7;
	_ =	sdelay $0x1  }
0x146: {  	v32 =	vsel vm0, $0x0, v32  }
0x147: {  	v31 =	vadd.f32 v31, v32;
	_ =	sdelay $0x1  }
0x148: {  	v32 =	vperm.xlane v31, v8;
	_ =	sdelay $0x1  }
0x149: {  	v32 =	vsel vm1, $0x0, v32  }
0x14a: {  	v31 =	vadd.f32 v31, v32;
	_ =	sdelay $0x1  }
0x14b: {  	v32 =	vperm.xlane v31, v9  }
0x14c: {  	v30 =	vperm.xlane v42, v11  }
0x14d: {  	v32 =	vsel vm2, $0x0, v32  }
0x14e: {  	v29 =	vadd.f32 v30, v29;
	v45 =	vadd.f32 v31, v32;
	_ =	sdelay $0x1  }
0x14f: {  	v31 =	vadd.f32 v45, v29;
	_ =	sdelay $0x1  }
0x150: {  	v31 =	vmul.f32 v31, v28;
	_ =	sdelay $0x1  }
0x151: {  	[tilespmem:v19+s23+$0x0] =	vst.idx.msk $0xffff, v31  }
0x152: {  	v31 =	vld [tilespmem:$0x480];
	_ =	sdelay $0x4  }
0x153: {  	v31 =	vmul.f32 $1.442695020e+00, v31;
	_ =	sdelay $0x1  }
0x154: {  	(erf) = vpow2.f32 v31;
	_ =	sdelay $0x8  }
0x155: {  	v31 =	vpop (erf)  }
0x156: {  	v46 =	vperm.xlane v31, v1;
	_ =	sdelay $0x1  }
0x157: {  	v32 =	vadd.f32 v31, v46;
	_ =	sdelay $0x1  }
0x158: {  	v47 =	vperm.xlane v32, v2;
	_ =	sdelay $0x1  }
0x159: {  	v32 =	vadd.f32 v32, v47;
	_ =	sdelay $0x1  }
0x15a: {  	v33 =	vperm.xlane v32, v3;
	_ =	sdelay $0x1  }
0x15b: {  	v32 =	vadd.f32 v32, v33;
	_ =	sdelay $0x1  }
0x15c: {  	v33 =	vperm.xlane v32, v4;
	_ =	sdelay $0x1  }
0x15d: {  	v32 =	vadd.f32 v32, v33;
	_ =	sdelay $0x1  }
0x15e: {  	(erf) = vrcp.f32 v32;
	_ =	sdelay $0x8  }
0x15f: {  	v32 =	vpop (erf)  }
0x160: {  	v31 =	vmul.f32 v32, v31;
	_ =	sdelay $0x1  }
0x161: {  	v32 =	vperm.xlane v31, v5;
	_ =	sdelay $0x1  }
0x162: {  	v32 =	vsel vm3, $0x0, v32  }
0x163: {  	v31 =	vadd.f32 v31, v32;
	_ =	sdelay $0x1  }
0x164: {  	v32 =	vperm.xlane v31, v7;
	_ =	sdelay $0x1  }
0x165: {  	v32 =	vsel vm0, $0x0, v32  }
0x166: {  	v31 =	vadd.f32 v31, v32;
	_ =	sdelay $0x1  }
0x167: {  	v32 =	vperm.xlane v31, v8;
	_ =	sdelay $0x1  }
0x168: {  	v32 =	vsel vm1, $0x0, v32  }
0x169: {  	v31 =	vadd.f32 v31, v32;
	_ =	sdelay $0x1  }
0x16a: {  	v32 =	vperm.xlane v31, v9  }
0x16b: {  	v30 =	vperm.xlane v45, v11  }
0x16c: {  	v32 =	vsel vm2, $0x0, v32  }
0x16d: {  	v29 =	vadd.f32 v30, v29;
	v48 =	vadd.f32 v31, v32;
	_ =	sdelay $0x1  }
0x16e: {  	v31 =	vadd.f32 v48, v29;
	_ =	sdelay $0x1  }
0x16f: {  	v31 =	vmul.f32 v31, v28;
	_ =	sdelay $0x1  }
0x170: {  	[tilespmem:v20+s23+$0x0] =	vst.idx.msk $0xffff, v31  }
0x171: {  	v31 =	vld [tilespmem:$0x500];
	_ =	sdelay $0x4  }
0x172: {  	v31 =	vmul.f32 $1.442695020e+00, v31;
	_ =	sdelay $0x1  }
0x173: {  	(erf) = vpow2.f32 v31;
	_ =	sdelay $0x8  }
0x174: {  	v31 =	vpop (erf)  }
0x175: {  	v49 =	vperm.xlane v31, v1;
	_ =	sdelay $0x1  }
0x176: {  	v32 =	vadd.f32 v31, v49;
	_ =	sdelay $0x1  }
0x177: {  	v50 =	vperm.xlane v32, v2;
	_ =	sdelay $0x1  }
0x178: {  	v32 =	vadd.f32 v32, v50;
	_ =	sdelay $0x1  }
0x179: {  	v33 =	vperm.xlane v32, v3;
	_ =	sdelay $0x1  }
0x17a: {  	v32 =	vadd.f32 v32, v33;
	_ =	sdelay $0x1  }
0x17b: {  	v33 =	vperm.xlane v32, v4;
	_ =	sdelay $0x1  }
0x17c: {  	v32 =	vadd.f32 v32, v33;
	_ =	sdelay $0x1  }
0x17d: {  	(erf) = vrcp.f32 v32;
	_ =	sdelay $0x8  }
0x17e: {  	v32 =	vpop (erf)  }
0x17f: {  	v31 =	vmul.f32 v32, v31;
	_ =	sdelay $0x1  }
0x180: {  	v32 =	vperm.xlane v31, v5;
	_ =	sdelay $0x1  }
0x181: {  	v32 =	vsel vm3, $0x0, v32  }
0x182: {  	v31 =	vadd.f32 v31, v32;
	_ =	sdelay $0x1  }
0x183: {  	v32 =	vperm.xlane v31, v7;
	_ =	sdelay $0x1  }
0x184: {  	v32 =	vsel vm0, $0x0, v32  }
0x185: {  	v31 =	vadd.f32 v31, v32;
	_ =	sdelay $0x1  }
0x186: {  	v32 =	vperm.xlane v31, v8;
	_ =	sdelay $0x1  }
0x187: {  	v32 =	vsel vm1, $0x0, v32  }
0x188: {  	v31 =	vadd.f32 v31, v32;
	_ =	sdelay $0x1  }
0x189: {  	v32 =	vperm.xlane v31, v9  }
0x18a: {  	v30 =	vperm.xlane v48, v11  }
0x18b: {  	v32 =	vsel vm2, $0x0, v32  }
0x18c: {  	v29 =	vadd.f32 v30, v29;
	v51 =	vadd.f32 v31, v32;
	_ =	sdelay $0x1  }
0x18d: {  	v31 =	vadd.f32 v51, v29;
	_ =	sdelay $0x1  }
0x18e: {  	v31 =	vmul.f32 v31, v28;
	_ =	sdelay $0x1  }
0x18f: {  	[tilespmem:v21+s23+$0x0] =	vst.idx.msk $0xffff, v31  }
0x190: {  	v31 =	vld [tilespmem:$0x580];
	_ =	sdelay $0x4  }
0x191: {  	v31 =	vmul.f32 $1.442695020e+00, v31;
	_ =	sdelay $0x1  }
0x192: {  	(erf) = vpow2.f32 v31;
	_ =	sdelay $0x8  }
0x193: {  	v31 =	vpop (erf)  }
0x194: {  	v52 =	vperm.xlane v31, v1;
	_ =	sdelay $0x1  }
0x195: {  	v32 =	vadd.f32 v31, v52;
	_ =	sdelay $0x1  }
0x196: {  	v53 =	vperm.xlane v32, v2;
	_ =	sdelay $0x1  }
0x197: {  	v32 =	vadd.f32 v32, v53;
	_ =	sdelay $0x1  }
0x198: {  	v33 =	vperm.xlane v32, v3;
	_ =	sdelay $0x1  }
0x199: {  	v32 =	vadd.f32 v32, v33;
	_ =	sdelay $0x1  }
0x19a: {  	v33 =	vperm.xlane v32, v4;
	_ =	sdelay $0x1  }
0x19b: {  	v32 =	vadd.f32 v32, v33;
	_ =	sdelay $0x1  }
0x19c: {  	(erf) = vrcp.f32 v32;
	_ =	sdelay $0x8  }
0x19d: {  	v32 =	vpop (erf)  }
0x19e: {  	v31 =	vmul.f32 v32, v31;
	_ =	sdelay $0x1  }
0x19f: {  	v32 =	vperm.xlane v31, v5;
	_ =	sdelay $0x1  }
0x1a0: {  	v32 =	vsel vm3, $0x0, v32  }
0x1a1: {  	v31 =	vadd.f32 v31, v32;
	_ =	sdelay $0x1  }
0x1a2: {  	v32 =	vperm.xlane v31, v7;
	_ =	sdelay $0x1  }
0x1a3: {  	v32 =	vsel vm0, $0x0, v32  }
0x1a4: {  	v31 =	vadd.f32 v31, v32;
	_ =	sdelay $0x1  }
0x1a5: {  	v32 =	vperm.xlane v31, v8;
	_ =	sdelay $0x1  }
0x1a6: {  	v32 =	vsel vm1, $0x0, v32  }
0x1a7: {  	v31 =	vadd.f32 v31, v32;
	_ =	sdelay $0x1  }
0x1a8: {  	v32 =	vperm.xlane v31, v9  }
0x1a9: {  	v30 =	vperm.xlane v51, v11  }
0x1aa: {  	v32 =	vsel vm2, $0x0, v32  }
0x1ab: {  	v29 =	vadd.f32 v30, v29;
	v54 =	vadd.f32 v31, v32;
	_ =	sdelay $0x1  }
0x1ac: {  	v31 =	vadd.f32 v54, v29;
	_ =	sdelay $0x1  }
0x1ad: {  	v31 =	vmul.f32 v31, v28;
	_ =	sdelay $0x1  }
0x1ae: {  	[tilespmem:v22+s23+$0x0] =	vst.idx.msk $0xffff, v31  }
0x1af: {  	v31 =	vld [tilespmem:$0x600];
	_ =	sdelay $0x4  }
0x1b0: {  	v31 =	vmul.f32 $1.442695020e+00, v31;
	_ =	sdelay $0x1  }
0x1b1: {  	(erf) = vpow2.f32 v31;
	_ =	sdelay $0x8  }
0x1b2: {  	v31 =	vpop (erf)  }
0x1b3: {  	v55 =	vperm.xlane v31, v1;
	_ =	sdelay $0x1  }
0x1b4: {  	v32 =	vadd.f32 v31, v55;
	_ =	sdelay $0x1  }
0x1b5: {  	v56 =	vperm.xlane v32, v2;
	_ =	sdelay $0x1  }
0x1b6: {  	v32 =	vadd.f32 v32, v56;
	_ =	sdelay $0x1  }
0x1b7: {  	v33 =	vperm.xlane v32, v3;
	_ =	sdelay $0x1  }
0x1b8: {  	v32 =	vadd.f32 v32, v33;
	_ =	sdelay $0x1  }
0x1b9: {  	v33 =	vperm.xlane v32, v4;
	_ =	sdelay $0x1  }
0x1ba: {  	v32 =	vadd.f32 v32, v33;
	_ =	sdelay $0x1  }
0x1bb: {  	(erf) = vrcp.f32 v32;
	_ =	sdelay $0x8  }
0x1bc: {  	v32 =	vpop (erf)  }
0x1bd: {  	v31 =	vmul.f32 v32, v31;
	_ =	sdelay $0x1  }
0x1be: {  	v32 =	vperm.xlane v31, v5;
	_ =	sdelay $0x1  }
0x1bf: {  	v32 =	vsel vm3, $0x0, v32  }
0x1c0: {  	v31 =	vadd.f32 v31, v32;
	_ =	sdelay $0x1  }
0x1c1: {  	v32 =	vperm.xlane v31, v7;
	_ =	sdelay $0x1  }
0x1c2: {  	v32 =	vsel vm0, $0x0, v32  }
0x1c3: {  	v31 =	vadd.f32 v31, v32;
	_ =	sdelay $0x1  }
0x1c4: {  	v32 =	vperm.xlane v31, v8;
	_ =	sdelay $0x1  }
0x1c5: {  	v32 =	vsel vm1, $0x0, v32  }
0x1c6: {  	v31 =	vadd.f32 v31, v32;
	_ =	sdelay $0x1  }
0x1c7: {  	v32 =	vperm.xlane v31, v9  }
0x1c8: {  	v30 =	vperm.xlane v54, v11  }
0x1c9: {  	v32 =	vsel vm2, $0x0, v32  }
0x1ca: {  	v29 =	vadd.f32 v30, v29;
	v57 =	vadd.f32 v31, v32;
	_ =	sdelay $0x1  }
0x1cb: {  	v31 =	vadd.f32 v57, v29;
	_ =	sdelay $0x1  }
0x1cc: {  	v31 =	vmul.f32 v31, v28;
	_ =	sdelay $0x1  }
0x1cd: {  	[tilespmem:v24+s23+$0x0] =	vst.idx.msk $0xffff, v31  }
0x1ce: {  	v31 =	vld [tilespmem:$0x680];
	_ =	sdelay $0x4  }
0x1cf: {  	v31 =	vmul.f32 $1.442695020e+00, v31;
	_ =	sdelay $0x1  }
0x1d0: {  	(erf) = vpow2.f32 v31;
	_ =	sdelay $0x8  }
0x1d1: {  	v31 =	vpop (erf)  }
0x1d2: {  	v58 =	vperm.xlane v31, v1;
	_ =	sdelay $0x1  }
0x1d3: {  	v32 =	vadd.f32 v31, v58;
	_ =	sdelay $0x1  }
0x1d4: {  	v59 =	vperm.xlane v32, v2;
	_ =	sdelay $0x1  }
0x1d5: {  	v32 =	vadd.f32 v32, v59;
	_ =	sdelay $0x1  }
0x1d6: {  	v33 =	vperm.xlane v32, v3;
	_ =	sdelay $0x1  }
0x1d7: {  	v32 =	vadd.f32 v32, v33;
	_ =	sdelay $0x1  }
0x1d8: {  	v33 =	vperm.xlane v32, v4;
	_ =	sdelay $0x1  }
0x1d9: {  	v32 =	vadd.f32 v32, v33;
	_ =	sdelay $0x1  }
0x1da: {  	(erf) = vrcp.f32 v32;
	_ =	sdelay $0x8  }
0x1db: {  	v32 =	vpop (erf)  }
0x1dc: {  	v31 =	vmul.f32 v32, v31;
	_ =	sdelay $0x1  }
0x1dd: {  	v32 =	vperm.xlane v31, v5;
	_ =	sdelay $0x1  }
0x1de: {  	v32 =	vsel vm3, $0x0, v32  }
0x1df: {  	v31 =	vadd.f32 v31, v32;
	_ =	sdelay $0x1  }
0x1e0: {  	v32 =	vperm.xlane v31, v7;
	_ =	sdelay $0x1  }
0x1e1: {  	v32 =	vsel vm0, $0x0, v32  }
0x1e2: {  	v31 =	vadd.f32 v31, v32;
	_ =	sdelay $0x1  }
0x1e3: {  	v32 =	vperm.xlane v31, v8;
	_ =	sdelay $0x1  }
0x1e4: {  	v32 =	vsel vm1, $0x0, v32  }
0x1e5: {  	v31 =	vadd.f32 v31, v32;
	_ =	sdelay $0x1  }
0x1e6: {  	v32 =	vperm.xlane v31, v9  }
0x1e7: {  	v30 =	vperm.xlane v57, v11  }
0x1e8: {  	v32 =	vsel vm2, $0x0, v32  }
0x1e9: {  	v29 =	vadd.f32 v30, v29;
	v60 =	vadd.f32 v31, v32;
	_ =	sdelay $0x1  }
0x1ea: {  	v31 =	vadd.f32 v60, v29;
	_ =	sdelay $0x1  }
0x1eb: {  	v31 =	vmul.f32 v31, v28;
	_ =	sdelay $0x1  }
0x1ec: {  	[tilespmem:v25+s23+$0x0] =	vst.idx.msk $0xffff, v31  }
0x1ed: {  	v31 =	vld [tilespmem:$0x700];
	_ =	sdelay $0x4  }
0x1ee: {  	v31 =	vmul.f32 $1.442695020e+00, v31;
	_ =	sdelay $0x1  }
0x1ef: {  	(erf) = vpow2.f32 v31;
	_ =	sdelay $0x8  }
0x1f0: {  	v31 =	vpop (erf)  }
0x1f1: {  	v61 =	vperm.xlane v31, v1;
	_ =	sdelay $0x1  }
0x1f2: {  	v32 =	vadd.f32 v31, v61;
	_ =	sdelay $0x1  }
0x1f3: {  	v62 =	vperm.xlane v32, v2;
	_ =	sdelay $0x1  }
0x1f4: {  	v32 =	vadd.f32 v32, v62;
	_ =	sdelay $0x1  }
0x1f5: {  	v33 =	vperm.xlane v32, v3;
	_ =	sdelay $0x1  }
0x1f6: {  	v32 =	vadd.f32 v32, v33;
	_ =	sdelay $0x1  }
0x1f7: {  	v33 =	vperm.xlane v32, v4;
	_ =	sdelay $0x1  }
0x1f8: {  	v32 =	vadd.f32 v32, v33;
	_ =	sdelay $0x1  }
0x1f9: {  	(erf) = vrcp.f32 v32;
	_ =	sdelay $0x8  }
0x1fa: {  	v32 =	vpop (erf)  }
0x1fb: {  	v31 =	vmul.f32 v32, v31;
	_ =	sdelay $0x1  }
0x1fc: {  	v32 =	vperm.xlane v31, v5;
	_ =	sdelay $0x1  }
0x1fd: {  	v32 =	vsel vm3, $0x0, v32  }
0x1fe: {  	v31 =	vadd.f32 v31, v32;
	_ =	sdelay $0x1  }
0x1ff: {  	v32 =	vperm.xlane v31, v7;
	_ =	sdelay $0x1  }
0x200: {  	v32 =	vsel vm0, $0x0, v32  }
0x201: {  	v31 =	vadd.f32 v31, v32;
	_ =	sdelay $0x1  }
0x202: {  	v32 =	vperm.xlane v31, v8;
	_ =	sdelay $0x1  }
0x203: {  	v32 =	vsel vm1, $0x0, v32  }
0x204: {  	v31 =	vadd.f32 v31, v32;
	_ =	sdelay $0x1  }
0x205: {  	v32 =	vperm.xlane v31, v9  }
0x206: {  	v30 =	vperm.xlane v60, v11  }
0x207: {  	v32 =	vsel vm2, $0x0, v32  }
0x208: {  	v29 =	vadd.f32 v30, v29;
	v63 =	vadd.f32 v31, v32;
	_ =	sdelay $0x1  }
0x209: {  	v29 =	vadd.f32 v63, v29;
	_ =	sdelay $0x1  }
0x20a: {  	v28 =	vmul.f32 v29, v28;
	_ =	sdelay $0x1  }
0x20b: {  	s19 =	simm.s32 $0x0;
	v27 =	vmul.f32 $2.400000000e+02, v27;
	[tilespmem:v26+s23+$0x0] =	vst.idx.msk $0xffff, v28  }
.LBB2_2:
0x20c: {  	_ =	swait.ge [sflag:s24], $0x2000  }
0x20d: {  	p0 =	seq.s32 s19, $0x0;
	[sflag:s24] =	ssyncset.done $0x0  }
0x20e: {  	s7 =	simm.s32 @!p0 $0x4;
	[sflag:s24] =	ssyncadd.s32 $0xFFFFE000  }
0x20f: {  	_ =	swait.ge @!p0 [sflag:s7], $0x2000  }
0x210: {  	[sflag:s7] =	ssyncset.done @!p0 $0x0  }
0x211: {  	s12 =	simm.s32 $0x9C0;
	[sflag:s7] =	ssyncadd.s32 @!p0 $0xFFFFE000  }
0x212: {  	v28 =	vld [tilespmem:s12+$0x30]  }
0x213: {  	v29 =	vld [tilespmem:s12+$0xFFFFFFD0]  }
0x214: {  	v30 =	vld [tilespmem:s12+$0xFFFFFFE0]  }
0x215: {  	v31 =	vld [tilespmem:s12+$0xFFFFFFF0]  }
0x216: {  	v32 =	vld [tilespmem:s12+$0xFFFFFFC0]  }
0x217: {  	v33 =	vld [tilespmem:s12+$0x0]  }
0x218: {  	v34 =	vld [tilespmem:s12+$0x10]  }
0x219: {  	s21 =	simm.s32 $0xA40;
	v35 =	vld [tilespmem:s12+$0x20]  }
0x21a: {  	v36 =	vld [tilespmem:s21+$0x30]  }
0x21b: {  	v37 =	vld [tilespmem:s21+$0xFFFFFFD0]  }
0x21c: {  	v38 =	vld [tilespmem:s21+$0xFFFFFFE0];
	v28 =	vmul.f32 v28, v27  }
0x21d: {  	v39 =	vld [tilespmem:s21+$0xFFFFFFF0];
	v29 =	vmul.f32 v29, v27;
	v30 =	vmul.f32 v30, v27  }
0x21e: {  	v40 =	vld [tilespmem:s21+$0x0];
	v31 =	vmul.f32 v31, v27;
	v32 =	vmul.f32 v32, v27  }
0x21f: {  	v33 =	vmul.f32 v33, v27;
	v34 =	vmul.f32 v34, v27  }
0x220: {  	v35 =	vmul.f32 v35, v27;
	v36 =	vmul.f32 v36, v27  }
0x221: {  	v37 =	vmul.f32 v37, v27;
	v38 =	vmul.f32 v38, v27  }
0x222: {  	v39 =	vmul.f32 v39, v27;
	v28 =	vclamp.gez.f32 v28, $2.400000000e+02  }
0x223: {  	v59 =	vmul.f32 v40, v27;
	v32 =	vclamp.gez.f32 v32, $2.400000000e+02;
	v28 =	vadd.f32 $8.388608000e+06, v28  }
0x224: {  	v42 =	vld [tilespmem:s21+$0x20];
	v29 =	vclamp.gez.f32 v29, $2.400000000e+02;
	v30 =	vclamp.gez.f32 v30, $2.400000000e+02;
	v32 =	vadd.f32 $8.388608000e+06, v32  }
0x225: {  	v31 =	vclamp.gez.f32 v31, $2.400000000e+02;
	v29 =	vadd.f32 $8.388608000e+06, v29;
	v28 =	vadd.s32 $0xB5000000, v28  }
0x226: {  	v43 =	vld [tilespmem:s21+$0xFFFFFFC0];
	v30 =	vadd.f32 $8.388608000e+06, v30;
	v31 =	vadd.f32 $8.388608000e+06, v31;
	v32 =	vadd.s32 $0xB5000000, v32  }
0x227: {  	v33 =	vclamp.gez.f32 v33, $2.400000000e+02;
	v34 =	vclamp.gez.f32 v34, $2.400000000e+02;
	v29 =	vadd.s32 $0xB5000000, v29  }
0x228: {  	v33 =	vadd.f32 $8.388608000e+06, v33;
	v30 =	vadd.s32 $0xB5000000, v30;
	v41 =	vadd.s32 $0xB5000000, v31;
	v31 =	vld [tilespmem:s21+$0x10]  }
0x229: {  	v61 =	vmul.f32 v42, v27;
	v35 =	vclamp.gez.f32 v35, $2.400000000e+02;
	v34 =	vadd.f32 $8.388608000e+06, v34  }
0x22a: {  	v36 =	vclamp.gez.f32 v36, $2.400000000e+02;
	v35 =	vadd.f32 $8.388608000e+06, v35;
	v33 =	vadd.s32 $0xB5000000, v33;
	v28 =	vld.idx.msk [tilespmem:v28+s23+$0x0], $0xffff  }
0x22b: {  	v62 =	vmul.f32 v43, v27;
	v36 =	vadd.f32 $8.388608000e+06, v36;
	v34 =	vadd.s32 $0xB5000000, v34;
	v44 =	vld.idx.msk [tilespmem:v32+s23+$0x0], $0xffff  }
0x22c: {  	v37 =	vclamp.gez.f32 v37, $2.400000000e+02;
	v58 =	vclamp.gez.f32 v38, $2.400000000e+02;
	v35 =	vadd.s32 $0xB5000000, v35;
	v46 =	vld.idx.msk [tilespmem:v29+s23+$0x0], $0xffff  }
0x22d: {  	v40 =	vclamp.gez.f32 v62, $2.400000000e+02;
	v36 =	vadd.s32 $0xB5000000, v36;
	v60 =	vmul.f32 v31, v27;
	v31 =	vld.idx.msk [tilespmem:v30+s23+$0x0], $0xffff  }
0x22e: {  	v45 =	vadd.f32 $8.388608000e+06, v37;
	v37 =	vclamp.gez.f32 v59, $2.400000000e+02;
	v40 =	vadd.f32 $8.388608000e+06, v40;
	v32 =	vld.idx.msk [tilespmem:v41+s23+$0x0], $0xffff  }
0x22f: {  	s7 =	simm.s32 $0x69C0;
	v38 =	vadd.f32 $8.388608000e+06, v37;
	v29 =	vclamp.gez.f32 v39, $2.400000000e+02;
	v30 =	vadd.f32 $8.388608000e+06, v58;
	v33 =	vld.idx.msk [tilespmem:v33+s23+$0x0], $0xffff  }
0x230: {  	s21 =	smul.u32 $0x6000, s19;
	v39 =	vclamp.gez.f32 v61, $2.400000000e+02;
	v34 =	vld.idx.msk [tilespmem:v34+s23+$0x0], $0xffff;
	v29 =	vadd.f32 $8.388608000e+06, v29;
	v63 =	vclamp.gez.f32 v60, $2.400000000e+02;
	[tilespmem:s7+$0x30] =	vst v28  }
0x231: {  	v35 =	vld.idx.msk [tilespmem:v35+s23+$0x0], $0xffff;
	v39 =	vadd.f32 $8.388608000e+06, v39;
	v37 =	vadd.f32 $8.388608000e+06, v63;
	[tilespmem:s7+$0xFFFFFFC0] =	vst v44  }
0x232: {  	s11 =	simm.s32 $0x8;
	s12 =	simm.s32 $0xAC0;
	s10 =	sadd.s32 s6, s21;
	v36 =	vld.idx.msk [tilespmem:v36+s23+$0x0], $0xffff;
	v30 =	vadd.s32 $0xB5000000, v30;
	v29 =	vadd.s32 $0xB5000000, v29;
	v28 =	vadd.s32 $0xB5000000, v45;
	[tilespmem:s7+$0xFFFFFFD0] =	vst v46  }
.LBB2_3:
0x233: {  	v41 =	vld [tilespmem:s12+$0x30];
	s11 =	sadd.s32 $0x8, s11;
	v38 =	vadd.s32 $0xB5000000, v38;
	v42 =	vadd.s32 $0xB5000000, v37;
	v43 =	vadd.s32 $0xB5000000, v39;
	[tilespmem:s7+$0xFFFFFFE0] =	vst v31  }
0x234: {  	v31 =	vld [tilespmem:s12+$0xFFFFFFD0];
	p1 =	slt.u32 s11, $0x1F8;
	v37 =	vadd.s32 $0xB5000000, v40;
	[tilespmem:s7+$0xFFFFFFF0] =	vst v32  }
0x235: {  	v32 =	vld [tilespmem:s12+$0xFFFFFFE0];
	[tilespmem:s7+$0x0] =	vst v33  }
0x236: {  	v33 =	vld [tilespmem:s12+$0xFFFFFFF0];
	[tilespmem:s7+$0x10] =	vst v34  }
0x237: {  	v34 =	vld [tilespmem:s12+$0x0];
	[tilespmem:s7+$0x20] =	vst v35;
	s7 =	sadd.s32 $0x80, s7  }
0x238: {  	v35 =	vld [tilespmem:s12+$0x10];
	v39 =	vmul.f32 v41, v27;
	[tilespmem:s7+$0x30] =	vst v36  }
0x239: {  	v31 =	vmul.f32 v31, v27;
	v36 =	vld [tilespmem:s12+$0x20]  }
0x23a: {  	v40 =	vld [tilespmem:s12+$0xFFFFFFC0];
	v32 =	vmul.f32 v32, v27;
	v39 =	vclamp.gez.f32 v39, $2.400000000e+02  }
0x23b: {  	v31 =	vclamp.gez.f32 v31, $2.400000000e+02;
	v33 =	vmul.f32 v33, v27;
	v39 =	vadd.f32 $8.388608000e+06, v39;
	v41 =	vld.idx.msk [tilespmem:v37+s23+$0x0], $0xffff  }
0x23c: {  	v44 =	vadd.f32 $8.388608000e+06, v31;
	v32 =	vclamp.gez.f32 v32, $2.400000000e+02;
	v34 =	vmul.f32 v34, v27;
	v45 =	vld.idx.msk [tilespmem:v28+s23+$0x0], $0xffff  }
0x23d: {  	v28 =	vclamp.gez.f32 v33, $2.400000000e+02;
	v33 =	vmul.f32 v35, v27;
	v46 =	vadd.s32 $0xB5000000, v39;
	v31 =	vld.idx.msk [tilespmem:v30+s23+$0x0], $0xffff  }
.Ltmp0:
0x23e: {  	v30 =	vadd.f32 $8.388608000e+06, v32;
	v34 =	vclamp.gez.f32 v34, $2.400000000e+02;
	v35 =	vmul.f32 v36, v27;
	v32 =	vld.idx.msk [tilespmem:v29+s23+$0x0], $0xffff;
	(pc) =	sbr.rel @p1 .LBB2_3-.Ltmp0, $4  }
0x23f: {  	v36 =	vadd.f32 $8.388608000e+06, v28;
	v29 =	vmul.f32 v40, v27;
	v28 =	vclamp.gez.f32 v33, $2.400000000e+02;
	v33 =	vld.idx.msk [tilespmem:v38+s23+$0x0], $0xffff  }
0x240: {  	v38 =	vadd.f32 $8.388608000e+06, v34;
	v37 =	vadd.f32 $8.388608000e+06, v28;
	v35 =	vclamp.gez.f32 v35, $2.400000000e+02;
	v34 =	vld.idx.msk [tilespmem:v42+s23+$0x0], $0xffff  }
0x241: {  	v28 =	vadd.s32 $0xB5000000, v44;
	v29 =	vclamp.gez.f32 v29, $2.400000000e+02;
	v39 =	vadd.f32 $8.388608000e+06, v35;
	[tilespmem:s7+$0xFFFFFFC0] =	vst v41;
	v35 =	vld.idx.msk [tilespmem:v43+s23+$0x0], $0xffff  }
0x242: {  	s12 =	sadd.s32 $0x80, s12;
	v30 =	vadd.s32 $0xB5000000, v30;
	v40 =	vadd.f32 $8.388608000e+06, v29;
	v29 =	vadd.s32 $0xB5000000, v36;
	v36 =	vld.idx.msk [tilespmem:v46+s23+$0x0], $0xffff;
	[tilespmem:s7+$0xFFFFFFD0] =	vst v45  }
0x243: {  	_ =	sdelay $0x1  }
0x244: {  	v38 =	vadd.s32 $0xB5000000, v38  }
0x245: {  	[tilespmem:s7+$0xFFFFFFE0] =	vst v31;
	v31 =	vadd.s32 $0xB5000000, v37  }
0x246: {  	[tilespmem:s7+$0xFFFFFFF0] =	vst v32;
	v46 =	vadd.s32 $0xB5000000, v39;
	v28 =	vld.idx.msk [tilespmem:v28+s23+$0x0], $0xffff  }
0x247: {  	v30 =	vld.idx.msk [tilespmem:v30+s23+$0x0], $0xffff;
	v40 =	vadd.s32 $0xB5000000, v40;
	[tilespmem:s7+$0x0] =	vst v33  }
0x248: {  	v29 =	vld.idx.msk [tilespmem:v29+s23+$0x0], $0xffff;
	[tilespmem:s7+$0x10] =	vst v34  }
0x249: {  	s11 =	sadd.s32 $0x80, s7;
	[tilespmem:s7+$0x20] =	vst v35;
	v47 =	vld.idx.msk [tilespmem:v38+s23+$0x0], $0xffff  }
0x24a: {  	[tilespmem:s11+$0x30] =	vst v36;
	v31 =	vld.idx.msk [tilespmem:v31+s23+$0x0], $0xffff  }
0x24b: {  	v48 =	vld.idx.msk [tilespmem:v46+s23+$0x0], $0xffff;
	[tilespmem:s11+$0xFFFFFFD0] =	vst v28  }
0x24c: {  	[tilespmem:s11+$0xFFFFFFE0] =	vst v30;
	v45 =	vld.idx.msk [tilespmem:v40+s23+$0x0], $0xffff  }
0x24d: {  	[tilespmem:s11+$0xFFFFFFF0] =	vst v29  }
0x24e: {  	[tilespmem:s11+$0x0] =	vst v47  }
0x24f: {  	s10 =	sshrl.u32 s10, $0x3;
	[tilespmem:s11+$0x10] =	vst v31  }
0x250: {  	s12 =	sadd.s32 s3, s10;
	s10 =	sadd.s32 s21, s13;
	[tilespmem:s11+$0x20] =	vst v48  }
0x251: {  	s7 =	sshrl.u32 s10, $0x3;
	[tilespmem:s11+$0xFFFFFFC0] =	vst v45  }
0x252: {  	[hbm4b:s12+s4] =	stream.linear.scatter [tilespmem:s25], [sflag:$0x4], $0x2000, $0x38;
	[tilespmem:$0xC980] =	vst v63  }
0x253: {  	s7 =	sadd.s32 s0, s7  }
0x254: {  	[tilespmem:s18], [sflag:$0x1] =	stream.linear.gather [hbm4b:s7+s4], $0x2000, $0x38;
	[tilespmem:$0xC980] =	vst v63  }
0x255: {  	_ =	swait.ge [sflag:s26], $0x2000  }
0x256: {  	[sflag:s26] =	ssyncset.done $0x0  }
0x257: {  	s7 =	simm.s32 @!p0 $0x5;
	[sflag:s26] =	ssyncadd.s32 $0xFFFFE000  }
0x258: {  	_ =	swait.ge @!p0 [sflag:s7], $0x2000  }
0x259: {  	[sflag:s7] =	ssyncset.done @!p0 $0x0  }
0x25a: {  	s11 =	simm.s32 $0x29C0;
	[sflag:s7] =	ssyncadd.s32 @!p0 $0xFFFFE000  }
0x25b: {  	v28 =	vld [tilespmem:s11+$0x30]  }
0x25c: {  	v29 =	vld [tilespmem:s11+$0xFFFFFFD0]  }
0x25d: {  	v30 =	vld [tilespmem:s11+$0xFFFFFFE0]  }
0x25e: {  	v31 =	vld [tilespmem:s11+$0xFFFFFFF0]  }
0x25f: {  	v49 =	vld [tilespmem:s11+$0xFFFFFFC0]  }
0x260: {  	v50 =	vld [tilespmem:s11+$0x0]  }
0x261: {  	v51 =	vld [tilespmem:s11+$0x10]  }
0x262: {  	s12 =	simm.s32 $0x2A40;
	v52 =	vld [tilespmem:s11+$0x20]  }
0x263: {  	v53 =	vld [tilespmem:s12+$0x30]  }
0x264: {  	v54 =	vld [tilespmem:s12+$0xFFFFFFD0]  }
0x265: {  	v55 =	vld [tilespmem:s12+$0xFFFFFFE0];
	v28 =	vmul.f32 v28, v27  }
0x266: {  	v56 =	vld [tilespmem:s12+$0xFFFFFFF0];
	v29 =	vmul.f32 v29, v27;
	v30 =	vmul.f32 v30, v27  }
0x267: {  	v57 =	vld [tilespmem:s12+$0x0];
	v31 =	vmul.f32 v31, v27;
	v32 =	vmul.f32 v49, v27  }
0x268: {  	v33 =	vmul.f32 v50, v27;
	v34 =	vmul.f32 v51, v27  }
0x269: {  	v35 =	vmul.f32 v52, v27;
	v36 =	vmul.f32 v53, v27  }
0x26a: {  	v37 =	vmul.f32 v54, v27;
	v38 =	vmul.f32 v55, v27  }
0x26b: {  	v39 =	vmul.f32 v56, v27;
	v28 =	vclamp.gez.f32 v28, $2.400000000e+02  }
0x26c: {  	v59 =	vmul.f32 v57, v27;
	v32 =	vclamp.gez.f32 v32, $2.400000000e+02;
	v28 =	vadd.f32 $8.388608000e+06, v28  }
0x26d: {  	v42 =	vld [tilespmem:s12+$0x20];
	v29 =	vclamp.gez.f32 v29, $2.400000000e+02;
	v30 =	vclamp.gez.f32 v30, $2.400000000e+02;
	v32 =	vadd.f32 $8.388608000e+06, v32  }
0x26e: {  	v31 =	vclamp.gez.f32 v31, $2.400000000e+02;
	v29 =	vadd.f32 $8.388608000e+06, v29;
	v28 =	vadd.s32 $0xB5000000, v28  }
0x26f: {  	v43 =	vld [tilespmem:s12+$0xFFFFFFC0];
	v30 =	vadd.f32 $8.388608000e+06, v30;
	v31 =	vadd.f32 $8.388608000e+06, v31;
	v32 =	vadd.s32 $0xB5000000, v32  }
0x270: {  	v33 =	vclamp.gez.f32 v33, $2.400000000e+02;
	v34 =	vclamp.gez.f32 v34, $2.400000000e+02;
	v29 =	vadd.s32 $0xB5000000, v29  }
0x271: {  	v33 =	vadd.f32 $8.388608000e+06, v33;
	v30 =	vadd.s32 $0xB5000000, v30;
	v41 =	vadd.s32 $0xB5000000, v31;
	v31 =	vld [tilespmem:s12+$0x10]  }
0x272: {  	v61 =	vmul.f32 v42, v27;
	v35 =	vclamp.gez.f32 v35, $2.400000000e+02;
	v34 =	vadd.f32 $8.388608000e+06, v34  }
0x273: {  	v36 =	vclamp.gez.f32 v36, $2.400000000e+02;
	v35 =	vadd.f32 $8.388608000e+06, v35;
	v33 =	vadd.s32 $0xB5000000, v33;
	v28 =	vld.idx.msk [tilespmem:v28+s23+$0x0], $0xffff  }
0x274: {  	v62 =	vmul.f32 v43, v27;
	v36 =	vadd.f32 $8.388608000e+06, v36;
	v34 =	vadd.s32 $0xB5000000, v34;
	v44 =	vld.idx.msk [tilespmem:v32+s23+$0x0], $0xffff  }
0x275: {  	v37 =	vclamp.gez.f32 v37, $2.400000000e+02;
	v58 =	vclamp.gez.f32 v38, $2.400000000e+02;
	v35 =	vadd.s32 $0xB5000000, v35;
	v46 =	vld.idx.msk [tilespmem:v29+s23+$0x0], $0xffff  }
0x276: {  	v40 =	vclamp.gez.f32 v62, $2.400000000e+02;
	v36 =	vadd.s32 $0xB5000000, v36;
	v60 =	vmul.f32 v31, v27;
	v31 =	vld.idx.msk [tilespmem:v30+s23+$0x0], $0xffff  }
0x277: {  	v45 =	vadd.f32 $8.388608000e+06, v37;
	v37 =	vclamp.gez.f32 v59, $2.400000000e+02;
	v40 =	vadd.f32 $8.388608000e+06, v40;
	v32 =	vld.idx.msk [tilespmem:v41+s23+$0x0], $0xffff  }
0x278: {  	s7 =	simm.s32 $0x89C0;
	v38 =	vadd.f32 $8.388608000e+06, v37;
	v29 =	vclamp.gez.f32 v39, $2.400000000e+02;
	v30 =	vadd.f32 $8.388608000e+06, v58;
	v33 =	vld.idx.msk [tilespmem:v33+s23+$0x0], $0xffff  }
0x279: {  	v39 =	vclamp.gez.f32 v61, $2.400000000e+02;
	v34 =	vld.idx.msk [tilespmem:v34+s23+$0x0], $0xffff;
	v29 =	vadd.f32 $8.388608000e+06, v29;
	v63 =	vclamp.gez.f32 v60, $2.400000000e+02;
	[tilespmem:s7+$0x30] =	vst v28  }
0x27a: {  	v35 =	vld.idx.msk [tilespmem:v35+s23+$0x0], $0xffff;
	v39 =	vadd.f32 $8.388608000e+06, v39;
	v37 =	vadd.f32 $8.388608000e+06, v63;
	[tilespmem:s7+$0xFFFFFFC0] =	vst v44  }
0x27b: {  	s10 =	sadd.s32 s21, s8;
	s11 =	simm.s32 $0x8;
	s12 =	simm.s32 $0x2AC0;
	v36 =	vld.idx.msk [tilespmem:v36+s23+$0x0], $0xffff;
	v30 =	vadd.s32 $0xB5000000, v30;
	v29 =	vadd.s32 $0xB5000000, v29;
	v28 =	vadd.s32 $0xB5000000, v45;
	[tilespmem:s7+$0xFFFFFFD0] =	vst v46  }
.LBB2_5:
0x27c: {  	v41 =	vld [tilespmem:s12+$0x30];
	s11 =	sadd.s32 $0x8, s11;
	v38 =	vadd.s32 $0xB5000000, v38;
	v42 =	vadd.s32 $0xB5000000, v37;
	v43 =	vadd.s32 $0xB5000000, v39;
	[tilespmem:s7+$0xFFFFFFE0] =	vst v31  }
0x27d: {  	v31 =	vld [tilespmem:s12+$0xFFFFFFD0];
	p1 =	slt.u32 s11, $0x1F8;
	v37 =	vadd.s32 $0xB5000000, v40;
	[tilespmem:s7+$0xFFFFFFF0] =	vst v32  }
0x27e: {  	v32 =	vld [tilespmem:s12+$0xFFFFFFE0];
	[tilespmem:s7+$0x0] =	vst v33  }
0x27f: {  	v33 =	vld [tilespmem:s12+$0xFFFFFFF0];
	[tilespmem:s7+$0x10] =	vst v34  }
0x280: {  	v34 =	vld [tilespmem:s12+$0x0];
	[tilespmem:s7+$0x20] =	vst v35;
	s7 =	sadd.s32 $0x80, s7  }
0x281: {  	v35 =	vld [tilespmem:s12+$0x10];
	v39 =	vmul.f32 v41, v27;
	[tilespmem:s7+$0x30] =	vst v36  }
0x282: {  	v31 =	vmul.f32 v31, v27;
	v36 =	vld [tilespmem:s12+$0x20]  }
0x283: {  	v40 =	vld [tilespmem:s12+$0xFFFFFFC0];
	v32 =	vmul.f32 v32, v27;
	v39 =	vclamp.gez.f32 v39, $2.400000000e+02  }
0x284: {  	v31 =	vclamp.gez.f32 v31, $2.400000000e+02;
	v33 =	vmul.f32 v33, v27;
	v39 =	vadd.f32 $8.388608000e+06, v39;
	v41 =	vld.idx.msk [tilespmem:v37+s23+$0x0], $0xffff  }
0x285: {  	v44 =	vadd.f32 $8.388608000e+06, v31;
	v32 =	vclamp.gez.f32 v32, $2.400000000e+02;
	v34 =	vmul.f32 v34, v27;
	v45 =	vld.idx.msk [tilespmem:v28+s23+$0x0], $0xffff  }
0x286: {  	v28 =	vclamp.gez.f32 v33, $2.400000000e+02;
	v33 =	vmul.f32 v35, v27;
	v46 =	vadd.s32 $0xB5000000, v39;
	v31 =	vld.idx.msk [tilespmem:v30+s23+$0x0], $0xffff  }
.Ltmp1:
0x287: {  	v30 =	vadd.f32 $8.388608000e+06, v32;
	v34 =	vclamp.gez.f32 v34, $2.400000000e+02;
	v35 =	vmul.f32 v36, v27;
	v32 =	vld.idx.msk [tilespmem:v29+s23+$0x0], $0xffff;
	(pc) =	sbr.rel @p1 .LBB2_5-.Ltmp1, $4  }
0x288: {  	v36 =	vadd.f32 $8.388608000e+06, v28;
	v29 =	vmul.f32 v40, v27;
	v28 =	vclamp.gez.f32 v33, $2.400000000e+02;
	v33 =	vld.idx.msk [tilespmem:v38+s23+$0x0], $0xffff  }
0x289: {  	v38 =	vadd.f32 $8.388608000e+06, v34;
	v37 =	vadd.f32 $8.388608000e+06, v28;
	v35 =	vclamp.gez.f32 v35, $2.400000000e+02;
	v34 =	vld.idx.msk [tilespmem:v42+s23+$0x0], $0xffff  }
0x28a: {  	v28 =	vadd.s32 $0xB5000000, v44;
	v29 =	vclamp.gez.f32 v29, $2.400000000e+02;
	v39 =	vadd.f32 $8.388608000e+06, v35;
	[tilespmem:s7+$0xFFFFFFC0] =	vst v41;
	v35 =	vld.idx.msk [tilespmem:v43+s23+$0x0], $0xffff  }
0x28b: {  	s12 =	sadd.s32 $0x80, s12;
	v30 =	vadd.s32 $0xB5000000, v30;
	v40 =	vadd.f32 $8.388608000e+06, v29;
	v29 =	vadd.s32 $0xB5000000, v36;
	v36 =	vld.idx.msk [tilespmem:v46+s23+$0x0], $0xffff;
	[tilespmem:s7+$0xFFFFFFD0] =	vst v45  }
0x28c: {  	_ =	sdelay $0x1  }
0x28d: {  	v38 =	vadd.s32 $0xB5000000, v38  }
0x28e: {  	[tilespmem:s7+$0xFFFFFFE0] =	vst v31;
	v31 =	vadd.s32 $0xB5000000, v37  }
0x28f: {  	[tilespmem:s7+$0xFFFFFFF0] =	vst v32;
	v46 =	vadd.s32 $0xB5000000, v39;
	v28 =	vld.idx.msk [tilespmem:v28+s23+$0x0], $0xffff  }
0x290: {  	v30 =	vld.idx.msk [tilespmem:v30+s23+$0x0], $0xffff;
	v40 =	vadd.s32 $0xB5000000, v40;
	[tilespmem:s7+$0x0] =	vst v33  }
0x291: {  	v29 =	vld.idx.msk [tilespmem:v29+s23+$0x0], $0xffff;
	[tilespmem:s7+$0x10] =	vst v34  }
0x292: {  	s12 =	sadd.s32 $0x80, s7;
	[tilespmem:s7+$0x20] =	vst v35;
	v47 =	vld.idx.msk [tilespmem:v38+s23+$0x0], $0xffff  }
0x293: {  	[tilespmem:s12+$0x30] =	vst v36;
	v31 =	vld.idx.msk [tilespmem:v31+s23+$0x0], $0xffff  }
0x294: {  	v48 =	vld.idx.msk [tilespmem:v46+s23+$0x0], $0xffff;
	[tilespmem:s12+$0xFFFFFFD0] =	vst v28  }
0x295: {  	[tilespmem:s12+$0xFFFFFFE0] =	vst v30;
	v45 =	vld.idx.msk [tilespmem:v40+s23+$0x0], $0xffff  }
0x296: {  	[tilespmem:s12+$0xFFFFFFF0] =	vst v29  }
0x297: {  	[tilespmem:s12+$0x0] =	vst v47  }
0x298: {  	p1 =	seq.s32 s19, $0xF;
	[tilespmem:s12+$0x10] =	vst v31  }
0x299: {  	s10 =	sshrl.u32 s10, $0x3;
	s7 =	sadd.s32 @!p1 s21, s14;
	[tilespmem:s12+$0x20] =	vst v48  }
0x29a: {  	s10 =	sadd.s32 s3, s10;
	s7 =	sshrl.u32 @!p1 s7, $0x3;
	[tilespmem:s12+$0xFFFFFFC0] =	vst v45  }
0x29b: {  	[hbm4b:s10+s4] =	stream.linear.scatter [tilespmem:s28], [sflag:$0x5], $0x2000, $0x38;
	[tilespmem:$0xC980] =	vst v63  }
0x29c: {  	s11 =	simm.s32 @!p1 $0x2980;
	s7 =	sadd.s32 @!p1 s0, s7;
	s10 =	simm.s32 @!p1 $0x0  }
0x29d: {  	[tilespmem:s11], [sflag:$0x2] =	stream.linear.gather @!p1 [hbm4b:s7+s10], $0x2000, $0x38;
	[tilespmem:$0xC980] =	vst v63  }
0x29e: {  	_ =	swait.ge [sflag:s29], $0x2000  }
0x29f: {  	[sflag:s29] =	ssyncset.done $0x0  }
0x2a0: {  	s7 =	simm.s32 @!p0 $0x6;
	[sflag:s29] =	ssyncadd.s32 $0xFFFFE000  }
0x2a1: {  	_ =	swait.ge @!p0 [sflag:s7], $0x2000  }
0x2a2: {  	[sflag:s7] =	ssyncset.done @!p0 $0x0  }
0x2a3: {  	s11 =	simm.s32 $0x49C0;
	[sflag:s7] =	ssyncadd.s32 @!p0 $0xFFFFE000  }
0x2a4: {  	v28 =	vld [tilespmem:s11+$0x30]  }
0x2a5: {  	v29 =	vld [tilespmem:s11+$0xFFFFFFD0]  }
0x2a6: {  	v30 =	vld [tilespmem:s11+$0xFFFFFFE0]  }
0x2a7: {  	v31 =	vld [tilespmem:s11+$0xFFFFFFF0]  }
0x2a8: {  	v49 =	vld [tilespmem:s11+$0xFFFFFFC0]  }
0x2a9: {  	v50 =	vld [tilespmem:s11+$0x0]  }
0x2aa: {  	v51 =	vld [tilespmem:s11+$0x10]  }
0x2ab: {  	s12 =	simm.s32 $0x4A40;
	v52 =	vld [tilespmem:s11+$0x20]  }
0x2ac: {  	v53 =	vld [tilespmem:s12+$0x30]  }
0x2ad: {  	v54 =	vld [tilespmem:s12+$0xFFFFFFD0]  }
0x2ae: {  	v55 =	vld [tilespmem:s12+$0xFFFFFFE0];
	v28 =	vmul.f32 v28, v27  }
0x2af: {  	v56 =	vld [tilespmem:s12+$0xFFFFFFF0];
	v29 =	vmul.f32 v29, v27;
	v30 =	vmul.f32 v30, v27  }
0x2b0: {  	v57 =	vld [tilespmem:s12+$0x0];
	v31 =	vmul.f32 v31, v27;
	v32 =	vmul.f32 v49, v27  }
0x2b1: {  	v33 =	vmul.f32 v50, v27;
	v34 =	vmul.f32 v51, v27  }
0x2b2: {  	v35 =	vmul.f32 v52, v27;
	v36 =	vmul.f32 v53, v27  }
0x2b3: {  	v37 =	vmul.f32 v54, v27;
	v38 =	vmul.f32 v55, v27  }
0x2b4: {  	v39 =	vmul.f32 v56, v27;
	v28 =	vclamp.gez.f32 v28, $2.400000000e+02  }
0x2b5: {  	v59 =	vmul.f32 v57, v27;
	v32 =	vclamp.gez.f32 v32, $2.400000000e+02;
	v28 =	vadd.f32 $8.388608000e+06, v28  }
0x2b6: {  	v42 =	vld [tilespmem:s12+$0x20];
	v29 =	vclamp.gez.f32 v29, $2.400000000e+02;
	v30 =	vclamp.gez.f32 v30, $2.400000000e+02;
	v32 =	vadd.f32 $8.388608000e+06, v32  }
0x2b7: {  	v31 =	vclamp.gez.f32 v31, $2.400000000e+02;
	v29 =	vadd.f32 $8.388608000e+06, v29;
	v28 =	vadd.s32 $0xB5000000, v28  }
0x2b8: {  	v43 =	vld [tilespmem:s12+$0xFFFFFFC0];
	v30 =	vadd.f32 $8.388608000e+06, v30;
	v31 =	vadd.f32 $8.388608000e+06, v31;
	v32 =	vadd.s32 $0xB5000000, v32  }
0x2b9: {  	v33 =	vclamp.gez.f32 v33, $2.400000000e+02;
	v34 =	vclamp.gez.f32 v34, $2.400000000e+02;
	v29 =	vadd.s32 $0xB5000000, v29  }
0x2ba: {  	v33 =	vadd.f32 $8.388608000e+06, v33;
	v30 =	vadd.s32 $0xB5000000, v30;
	v41 =	vadd.s32 $0xB5000000, v31;
	v31 =	vld [tilespmem:s12+$0x10]  }
0x2bb: {  	v61 =	vmul.f32 v42, v27;
	v35 =	vclamp.gez.f32 v35, $2.400000000e+02;
	v34 =	vadd.f32 $8.388608000e+06, v34  }
0x2bc: {  	v36 =	vclamp.gez.f32 v36, $2.400000000e+02;
	v35 =	vadd.f32 $8.388608000e+06, v35;
	v33 =	vadd.s32 $0xB5000000, v33;
	v28 =	vld.idx.msk [tilespmem:v28+s23+$0x0], $0xffff  }
0x2bd: {  	v62 =	vmul.f32 v43, v27;
	v36 =	vadd.f32 $8.388608000e+06, v36;
	v34 =	vadd.s32 $0xB5000000, v34;
	v44 =	vld.idx.msk [tilespmem:v32+s23+$0x0], $0xffff  }
0x2be: {  	v37 =	vclamp.gez.f32 v37, $2.400000000e+02;
	v58 =	vclamp.gez.f32 v38, $2.400000000e+02;
	v35 =	vadd.s32 $0xB5000000, v35;
	v46 =	vld.idx.msk [tilespmem:v29+s23+$0x0], $0xffff  }
0x2bf: {  	v40 =	vclamp.gez.f32 v62, $2.400000000e+02;
	v36 =	vadd.s32 $0xB5000000, v36;
	v60 =	vmul.f32 v31, v27;
	v31 =	vld.idx.msk [tilespmem:v30+s23+$0x0], $0xffff  }
0x2c0: {  	v45 =	vadd.f32 $8.388608000e+06, v37;
	v37 =	vclamp.gez.f32 v59, $2.400000000e+02;
	v40 =	vadd.f32 $8.388608000e+06, v40;
	v32 =	vld.idx.msk [tilespmem:v41+s23+$0x0], $0xffff  }
0x2c1: {  	s7 =	simm.s32 $0xA9C0;
	v38 =	vadd.f32 $8.388608000e+06, v37;
	v29 =	vclamp.gez.f32 v39, $2.400000000e+02;
	v30 =	vadd.f32 $8.388608000e+06, v58;
	v33 =	vld.idx.msk [tilespmem:v33+s23+$0x0], $0xffff  }
0x2c2: {  	v39 =	vclamp.gez.f32 v61, $2.400000000e+02;
	v34 =	vld.idx.msk [tilespmem:v34+s23+$0x0], $0xffff;
	v29 =	vadd.f32 $8.388608000e+06, v29;
	v63 =	vclamp.gez.f32 v60, $2.400000000e+02;
	[tilespmem:s7+$0x30] =	vst v28  }
0x2c3: {  	v35 =	vld.idx.msk [tilespmem:v35+s23+$0x0], $0xffff;
	v39 =	vadd.f32 $8.388608000e+06, v39;
	v37 =	vadd.f32 $8.388608000e+06, v63;
	[tilespmem:s7+$0xFFFFFFC0] =	vst v44  }
0x2c4: {  	s10 =	sadd.s32 s21, s9;
	s11 =	simm.s32 $0x8;
	s12 =	simm.s32 $0x4AC0;
	v36 =	vld.idx.msk [tilespmem:v36+s23+$0x0], $0xffff;
	v30 =	vadd.s32 $0xB5000000, v30;
	v29 =	vadd.s32 $0xB5000000, v29;
	v28 =	vadd.s32 $0xB5000000, v45;
	[tilespmem:s7+$0xFFFFFFD0] =	vst v46  }
.LBB2_7:
0x2c5: {  	v41 =	vld [tilespmem:s12+$0x30];
	s11 =	sadd.s32 $0x8, s11;
	v38 =	vadd.s32 $0xB5000000, v38;
	v42 =	vadd.s32 $0xB5000000, v37;
	v43 =	vadd.s32 $0xB5000000, v39;
	[tilespmem:s7+$0xFFFFFFE0] =	vst v31  }
0x2c6: {  	v31 =	vld [tilespmem:s12+$0xFFFFFFD0];
	p0 =	slt.u32 s11, $0x1F8;
	v37 =	vadd.s32 $0xB5000000, v40;
	[tilespmem:s7+$0xFFFFFFF0] =	vst v32  }
0x2c7: {  	v32 =	vld [tilespmem:s12+$0xFFFFFFE0];
	[tilespmem:s7+$0x0] =	vst v33  }
0x2c8: {  	v33 =	vld [tilespmem:s12+$0xFFFFFFF0];
	[tilespmem:s7+$0x10] =	vst v34  }
0x2c9: {  	v34 =	vld [tilespmem:s12+$0x0];
	[tilespmem:s7+$0x20] =	vst v35;
	s7 =	sadd.s32 $0x80, s7  }
0x2ca: {  	v35 =	vld [tilespmem:s12+$0x10];
	v39 =	vmul.f32 v41, v27;
	[tilespmem:s7+$0x30] =	vst v36  }
0x2cb: {  	v31 =	vmul.f32 v31, v27;
	v36 =	vld [tilespmem:s12+$0x20]  }
0x2cc: {  	v40 =	vld [tilespmem:s12+$0xFFFFFFC0];
	v32 =	vmul.f32 v32, v27;
	v39 =	vclamp.gez.f32 v39, $2.400000000e+02  }
0x2cd: {  	v31 =	vclamp.gez.f32 v31, $2.400000000e+02;
	v33 =	vmul.f32 v33, v27;
	v39 =	vadd.f32 $8.388608000e+06, v39;
	v41 =	vld.idx.msk [tilespmem:v37+s23+$0x0], $0xffff  }
0x2ce: {  	v44 =	vadd.f32 $8.388608000e+06, v31;
	v32 =	vclamp.gez.f32 v32, $2.400000000e+02;
	v34 =	vmul.f32 v34, v27;
	v45 =	vld.idx.msk [tilespmem:v28+s23+$0x0], $0xffff  }
0x2cf: {  	v28 =	vclamp.gez.f32 v33, $2.400000000e+02;
	v33 =	vmul.f32 v35, v27;
	v46 =	vadd.s32 $0xB5000000, v39;
	v31 =	vld.idx.msk [tilespmem:v30+s23+$0x0], $0xffff  }
.Ltmp2:
0x2d0: {  	v30 =	vadd.f32 $8.388608000e+06, v32;
	v34 =	vclamp.gez.f32 v34, $2.400000000e+02;
	v35 =	vmul.f32 v36, v27;
	v32 =	vld.idx.msk [tilespmem:v29+s23+$0x0], $0xffff;
	(pc) =	sbr.rel @p0 .LBB2_7-.Ltmp2, $4  }
0x2d1: {  	v36 =	vadd.f32 $8.388608000e+06, v28;
	v29 =	vmul.f32 v40, v27;
	v28 =	vclamp.gez.f32 v33, $2.400000000e+02;
	v33 =	vld.idx.msk [tilespmem:v38+s23+$0x0], $0xffff  }
0x2d2: {  	v38 =	vadd.f32 $8.388608000e+06, v34;
	v37 =	vadd.f32 $8.388608000e+06, v28;
	v35 =	vclamp.gez.f32 v35, $2.400000000e+02;
	v34 =	vld.idx.msk [tilespmem:v42+s23+$0x0], $0xffff  }
0x2d3: {  	v28 =	vadd.s32 $0xB5000000, v44;
	v29 =	vclamp.gez.f32 v29, $2.400000000e+02;
	v39 =	vadd.f32 $8.388608000e+06, v35;
	[tilespmem:s7+$0xFFFFFFC0] =	vst v41;
	v35 =	vld.idx.msk [tilespmem:v43+s23+$0x0], $0xffff  }
0x2d4: {  	s12 =	sadd.s32 $0x80, s12;
	v30 =	vadd.s32 $0xB5000000, v30;
	v40 =	vadd.f32 $8.388608000e+06, v29;
	v29 =	vadd.s32 $0xB5000000, v36;
	v36 =	vld.idx.msk [tilespmem:v46+s23+$0x0], $0xffff;
	[tilespmem:s7+$0xFFFFFFD0] =	vst v45  }
0x2d5: {  	_ =	sdelay $0x1  }
0x2d6: {  	v38 =	vadd.s32 $0xB5000000, v38  }
0x2d7: {  	[tilespmem:s7+$0xFFFFFFE0] =	vst v31;
	v59 =	vadd.s32 $0xB5000000, v37  }
0x2d8: {  	[tilespmem:s7+$0xFFFFFFF0] =	vst v32;
	v61 =	vadd.s32 $0xB5000000, v39;
	v28 =	vld.idx.msk [tilespmem:v28+s23+$0x0], $0xffff  }
0x2d9: {  	v30 =	vld.idx.msk [tilespmem:v30+s23+$0x0], $0xffff;
	v40 =	vadd.s32 $0xB5000000, v40;
	[tilespmem:s7+$0x0] =	vst v33  }
0x2da: {  	v29 =	vld.idx.msk [tilespmem:v29+s23+$0x0], $0xffff;
	[tilespmem:s7+$0x10] =	vst v34  }
0x2db: {  	s11 =	sadd.s32 $0x80, s7;
	[tilespmem:s7+$0x20] =	vst v35;
	v62 =	vld.idx.msk [tilespmem:v38+s23+$0x0], $0xffff  }
0x2dc: {  	[tilespmem:s11+$0x30] =	vst v36;
	v31 =	vld.idx.msk [tilespmem:v59+s23+$0x0], $0xffff  }
0x2dd: {  	v63 =	vld.idx.msk [tilespmem:v61+s23+$0x0], $0xffff;
	[tilespmem:s11+$0xFFFFFFD0] =	vst v28  }
0x2de: {  	[tilespmem:s11+$0xFFFFFFE0] =	vst v30;
	v60 =	vld.idx.msk [tilespmem:v40+s23+$0x0], $0xffff  }
0x2df: {  	[tilespmem:s11+$0xFFFFFFF0] =	vst v29  }
.Ltmp3:
0x2e0: {  	[tilespmem:s11+$0x0] =	vst v62;
	(pc) =	sbr.rel @p1 .LBB2_10-.Ltmp3, $4  }
0x2e1: {  	[tilespmem:s11+$0x10] =	vst v31  }
0x2e2: {  	s10 =	sshrl.u32 s10, $0x3;
	[tilespmem:s11+$0x20] =	vst v63  }
0x2e3: {  	s12 =	sadd.s32 s3, s10;
	[tilespmem:s11+$0xFFFFFFC0] =	vst v60  }
0x2e4: {  	[hbm4b:s12+s4] =	stream.linear.scatter [tilespmem:s30], [sflag:$0x6], $0x2000, $0x38;
	[tilespmem:$0xC980] =	vst v63  }
.Ltmp4:
0x2e5: {  	(pc) =	sbr.rel .LBB2_2-.Ltmp4, $4  }
0x2e6: {  	s7 =	sadd.s32 s21, s15  }
0x2e7: {  	s7 =	sshrl.u32 s7, $0x3  }
0x2e8: {  	s19 =	sadd.s32 $0x1, s19;
	s7 =	sadd.s32 s0, s7  }
0x2e9: {  	[tilespmem:s20], [sflag:$0x3] =	stream.linear.gather [hbm4b:s7+s4], $0x2000, $0x38;
	[tilespmem:$0xC980] =	vst v63  }
.LBB2_10:
0x2ea: {  	_ =	swait.ge [sflag:s24], $0x2000  }
0x2eb: {  	[sflag:s24] =	ssyncset.done $0x0  }
0x2ec: {  	[sflag:s24] =	ssyncadd.s32 $0xFFFFE000  }
0x2ed: {  	_ =	swait.ge [sflag:s31], $0x2000  }
0x2ee: {  	[sflag:s31] =	ssyncset.done $0x0  }
0x2ef: {  	s7 =	simm.s32 $0x9C0;
	[sflag:s31] =	ssyncadd.s32 $0xFFFFE000  }
0x2f0: {  	v28 =	vld [tilespmem:s7+$0x30]  }
0x2f1: {  	v29 =	vld [tilespmem:s7+$0xFFFFFFD0]  }
0x2f2: {  	v30 =	vld [tilespmem:s7+$0xFFFFFFE0]  }
0x2f3: {  	v31 =	vld [tilespmem:s7+$0xFFFFFFF0]  }
0x2f4: {  	v32 =	vld [tilespmem:s7+$0xFFFFFFC0]  }
0x2f5: {  	v33 =	vld [tilespmem:s7+$0x0]  }
0x2f6: {  	v34 =	vld [tilespmem:s7+$0x10]  }
0x2f7: {  	s21 =	simm.s32 $0xA40;
	v35 =	vld [tilespmem:s7+$0x20]  }
0x2f8: {  	v36 =	vld [tilespmem:s21+$0x30]  }
0x2f9: {  	v37 =	vld [tilespmem:s21+$0xFFFFFFD0]  }
0x2fa: {  	v38 =	vld [tilespmem:s21+$0xFFFFFFE0];
	v28 =	vmul.f32 v28, v27  }
0x2fb: {  	v39 =	vld [tilespmem:s21+$0xFFFFFFF0];
	v29 =	vmul.f32 v29, v27;
	v30 =	vmul.f32 v30, v27  }
0x2fc: {  	v40 =	vld [tilespmem:s21+$0x0];
	v31 =	vmul.f32 v31, v27;
	v32 =	vmul.f32 v32, v27  }
0x2fd: {  	v33 =	vmul.f32 v33, v27;
	v34 =	vmul.f32 v34, v27  }
0x2fe: {  	v35 =	vmul.f32 v35, v27;
	v36 =	vmul.f32 v36, v27  }
0x2ff: {  	v37 =	vmul.f32 v37, v27;
	v38 =	vmul.f32 v38, v27  }
0x300: {  	v39 =	vmul.f32 v39, v27;
	v28 =	vclamp.gez.f32 v28, $2.400000000e+02  }
0x301: {  	v59 =	vmul.f32 v40, v27;
	v32 =	vclamp.gez.f32 v32, $2.400000000e+02;
	v28 =	vadd.f32 $8.388608000e+06, v28  }
0x302: {  	v42 =	vld [tilespmem:s21+$0x20];
	v29 =	vclamp.gez.f32 v29, $2.400000000e+02;
	v30 =	vclamp.gez.f32 v30, $2.400000000e+02;
	v32 =	vadd.f32 $8.388608000e+06, v32  }
0x303: {  	v31 =	vclamp.gez.f32 v31, $2.400000000e+02;
	v29 =	vadd.f32 $8.388608000e+06, v29;
	v28 =	vadd.s32 $0xB5000000, v28  }
0x304: {  	v43 =	vld [tilespmem:s21+$0xFFFFFFC0];
	v30 =	vadd.f32 $8.388608000e+06, v30;
	v31 =	vadd.f32 $8.388608000e+06, v31;
	v32 =	vadd.s32 $0xB5000000, v32  }
0x305: {  	v33 =	vclamp.gez.f32 v33, $2.400000000e+02;
	v34 =	vclamp.gez.f32 v34, $2.400000000e+02;
	v29 =	vadd.s32 $0xB5000000, v29  }
0x306: {  	v33 =	vadd.f32 $8.388608000e+06, v33;
	v30 =	vadd.s32 $0xB5000000, v30;
	v41 =	vadd.s32 $0xB5000000, v31;
	v31 =	vld [tilespmem:s21+$0x10]  }
0x307: {  	v61 =	vmul.f32 v42, v27;
	v35 =	vclamp.gez.f32 v35, $2.400000000e+02;
	v34 =	vadd.f32 $8.388608000e+06, v34  }
0x308: {  	v36 =	vclamp.gez.f32 v36, $2.400000000e+02;
	v35 =	vadd.f32 $8.388608000e+06, v35;
	v33 =	vadd.s32 $0xB5000000, v33;
	v28 =	vld.idx.msk [tilespmem:v28+s23+$0x0], $0xffff  }
0x309: {  	v62 =	vmul.f32 v43, v27;
	v36 =	vadd.f32 $8.388608000e+06, v36;
	v34 =	vadd.s32 $0xB5000000, v34;
	v44 =	vld.idx.msk [tilespmem:v32+s23+$0x0], $0xffff  }
0x30a: {  	v37 =	vclamp.gez.f32 v37, $2.400000000e+02;
	v58 =	vclamp.gez.f32 v38, $2.400000000e+02;
	v35 =	vadd.s32 $0xB5000000, v35;
	v46 =	vld.idx.msk [tilespmem:v29+s23+$0x0], $0xffff  }
0x30b: {  	v40 =	vclamp.gez.f32 v62, $2.400000000e+02;
	v36 =	vadd.s32 $0xB5000000, v36;
	v60 =	vmul.f32 v31, v27;
	v31 =	vld.idx.msk [tilespmem:v30+s23+$0x0], $0xffff  }
0x30c: {  	v45 =	vadd.f32 $8.388608000e+06, v37;
	v37 =	vclamp.gez.f32 v59, $2.400000000e+02;
	v40 =	vadd.f32 $8.388608000e+06, v40;
	v32 =	vld.idx.msk [tilespmem:v41+s23+$0x0], $0xffff  }
0x30d: {  	s7 =	simm.s32 $0x69C0;
	v38 =	vadd.f32 $8.388608000e+06, v37;
	v29 =	vclamp.gez.f32 v39, $2.400000000e+02;
	v30 =	vadd.f32 $8.388608000e+06, v58;
	v33 =	vld.idx.msk [tilespmem:v33+s23+$0x0], $0xffff  }
0x30e: {  	v34 =	vld.idx.msk [tilespmem:v34+s23+$0x0], $0xffff;
	v63 =	vadd.f32 $8.388608000e+06, v29;
	v29 =	vclamp.gez.f32 v60, $2.400000000e+02;
	[tilespmem:s7+$0x30] =	vst v28;
	v28 =	vclamp.gez.f32 v61, $2.400000000e+02  }
0x30f: {  	v35 =	vld.idx.msk [tilespmem:v35+s23+$0x0], $0xffff;
	v37 =	vadd.f32 $8.388608000e+06, v29;
	[tilespmem:s7+$0xFFFFFFC0] =	vst v44;
	v39 =	vadd.f32 $8.388608000e+06, v28  }
0x310: {  	s10 =	simm.s32 $0x8;
	s11 =	simm.s32 $0xAC0;
	v36 =	vld.idx.msk [tilespmem:v36+s23+$0x0], $0xffff;
	v30 =	vadd.s32 $0xB5000000, v30;
	v29 =	vadd.s32 $0xB5000000, v45;
	[tilespmem:s7+$0xFFFFFFD0] =	vst v46;
	v28 =	vadd.s32 $0xB5000000, v63  }
.LBB2_11:
0x311: {  	v41 =	vld [tilespmem:s11+$0x30];
	s10 =	sadd.s32 $0x8, s10;
	v38 =	vadd.s32 $0xB5000000, v38;
	v42 =	vadd.s32 $0xB5000000, v37;
	v43 =	vadd.s32 $0xB5000000, v39;
	[tilespmem:s7+$0xFFFFFFE0] =	vst v31  }
0x312: {  	v31 =	vld [tilespmem:s11+$0xFFFFFFD0];
	p0 =	slt.u32 s10, $0x1F8;
	v37 =	vadd.s32 $0xB5000000, v40;
	[tilespmem:s7+$0xFFFFFFF0] =	vst v32  }
0x313: {  	v32 =	vld [tilespmem:s11+$0xFFFFFFE0];
	[tilespmem:s7+$0x0] =	vst v33  }
0x314: {  	v33 =	vld [tilespmem:s11+$0xFFFFFFF0];
	[tilespmem:s7+$0x10] =	vst v34  }
0x315: {  	v34 =	vld [tilespmem:s11+$0x0];
	[tilespmem:s7+$0x20] =	vst v35;
	s7 =	sadd.s32 $0x80, s7  }
0x316: {  	v35 =	vld [tilespmem:s11+$0x10];
	v39 =	vmul.f32 v41, v27;
	[tilespmem:s7+$0x30] =	vst v36  }
0x317: {  	v31 =	vmul.f32 v31, v27;
	v36 =	vld [tilespmem:s11+$0x20]  }
0x318: {  	v40 =	vld [tilespmem:s11+$0xFFFFFFC0];
	v32 =	vmul.f32 v32, v27;
	v39 =	vclamp.gez.f32 v39, $2.400000000e+02  }
0x319: {  	v31 =	vclamp.gez.f32 v31, $2.400000000e+02;
	v33 =	vmul.f32 v33, v27;
	v39 =	vadd.f32 $8.388608000e+06, v39;
	v41 =	vld.idx.msk [tilespmem:v37+s23+$0x0], $0xffff  }
0x31a: {  	v44 =	vadd.f32 $8.388608000e+06, v31;
	v32 =	vclamp.gez.f32 v32, $2.400000000e+02;
	v34 =	vmul.f32 v34, v27;
	v45 =	vld.idx.msk [tilespmem:v29+s23+$0x0], $0xffff  }
0x31b: {  	v29 =	vclamp.gez.f32 v33, $2.400000000e+02;
	v33 =	vmul.f32 v35, v27;
	v46 =	vadd.s32 $0xB5000000, v39;
	v31 =	vld.idx.msk [tilespmem:v30+s23+$0x0], $0xffff  }
.Ltmp5:
0x31c: {  	v30 =	vadd.f32 $8.388608000e+06, v32;
	v34 =	vclamp.gez.f32 v34, $2.400000000e+02;
	v35 =	vmul.f32 v36, v27;
	v32 =	vld.idx.msk [tilespmem:v28+s23+$0x0], $0xffff;
	(pc) =	sbr.rel @p0 .LBB2_11-.Ltmp5, $4  }
0x31d: {  	v36 =	vadd.f32 $8.388608000e+06, v29;
	v28 =	vmul.f32 v40, v27;
	v29 =	vclamp.gez.f32 v33, $2.400000000e+02;
	v33 =	vld.idx.msk [tilespmem:v38+s23+$0x0], $0xffff  }
0x31e: {  	v38 =	vadd.f32 $8.388608000e+06, v34;
	v37 =	vadd.f32 $8.388608000e+06, v29;
	v35 =	vclamp.gez.f32 v35, $2.400000000e+02;
	v34 =	vld.idx.msk [tilespmem:v42+s23+$0x0], $0xffff  }
0x31f: {  	v29 =	vadd.s32 $0xB5000000, v44;
	v28 =	vclamp.gez.f32 v28, $2.400000000e+02;
	v39 =	vadd.f32 $8.388608000e+06, v35;
	[tilespmem:s7+$0xFFFFFFC0] =	vst v41;
	v35 =	vld.idx.msk [tilespmem:v43+s23+$0x0], $0xffff  }
0x320: {  	s11 =	sadd.s32 $0x80, s11;
	v30 =	vadd.s32 $0xB5000000, v30;
	v40 =	vadd.f32 $8.388608000e+06, v28;
	v28 =	vadd.s32 $0xB5000000, v36;
	v36 =	vld.idx.msk [tilespmem:v46+s23+$0x0], $0xffff;
	[tilespmem:s7+$0xFFFFFFD0] =	vst v45  }
0x321: {  	_ = 	snop  }
0x322: {  	v27 =	vadd.s32 $0xB5000000, v40;
	_ =	sdelay $0x2  }
0x323: {  	v38 =	vadd.s32 $0xB5000000, v38;
	[tilespmem:s7+$0xFFFFFFE0] =	vst v31  }
0x324: {  	v61 =	vadd.s32 $0xB5000000, v37;
	[tilespmem:s7+$0xFFFFFFF0] =	vst v32;
	v29 =	vld.idx.msk [tilespmem:v29+s23+$0x0], $0xffff  }
0x325: {  	v62 =	vadd.s32 $0xB5000000, v39;
	[tilespmem:s7+$0x0] =	vst v33;
	v27 =	vld.idx.msk [tilespmem:v27+s23+$0x0], $0xffff  }
0x326: {  	v30 =	vld.idx.msk [tilespmem:v30+s23+$0x0], $0xffff;
	[tilespmem:s7+$0x10] =	vst v34  }
0x327: {  	s21 =	sadd.s32 $0x80, s7;
	v28 =	vld.idx.msk [tilespmem:v28+s23+$0x0], $0xffff;
	[tilespmem:s7+$0x20] =	vst v35  }
0x328: {  	[tilespmem:s21+$0x30] =	vst v36;
	v63 =	vld.idx.msk [tilespmem:v38+s23+$0x0], $0xffff  }
0x329: {  	v31 =	vld.idx.msk [tilespmem:v61+s23+$0x0], $0xffff;
	[tilespmem:s21+$0xFFFFFFD0] =	vst v29  }
0x32a: {  	[tilespmem:s21+$0xFFFFFFC0] =	vst v27;
	v27 =	vld.idx.msk [tilespmem:v62+s23+$0x0], $0xffff  }
0x32b: {  	[tilespmem:s21+$0xFFFFFFE0] =	vst v30  }
0x32c: {  	[tilespmem:s21+$0xFFFFFFF0] =	vst v28  }
0x32d: {  	[tilespmem:s21+$0x0] =	vst v63  }
0x32e: {  	[tilespmem:s21+$0x10] =	vst v31  }
0x32f: {  	[tilespmem:s21+$0x20] =	vst v27  }
0x330: {  	[hbm4b:s16+s4] =	stream.linear.scatter [tilespmem:s25], [sflag:$0x4], $0x2000, $0x38;
	[tilespmem:$0xC980] =	vst v63  }
0x331: {  	_ =	swait.ge [sflag:s2], $0x2000  }
0x332: {  	[sflag:s2] =	ssyncset.done $0x0  }
0x333: {  	s1 =	sadd.s32 $0x1, s1;
	[sflag:s2] =	ssyncadd.s32 $0xFFFFE000  }
0x334: {  	p0 =	sne.s32 s1, s17;
	_ =	swait.ge [sflag:s5], $0x2000  }
.Ltmp6:
0x335: {  	[sflag:s5] =	ssyncset.done $0x0;
	(pc) =	sbr.rel @p0 .LBB2_1-.Ltmp6, $4  }
0x336: {  	[sflag:s5] =	ssyncadd.s32 $0xFFFFE000  }
0x337: {  	_ =	swait.ge [sflag:s31], $0x2000  }
0x338: {  	[sflag:s31] =	ssyncset.done $0x0  }
0x339: {  	[sflag:s31] =	ssyncadd.s32 $0xFFFFE000  }
0x33a: {  	_ =	sfence.sel $0x180000  }
0x33b: {  	[bflag:$0x0] =	sbarrier.arrive $0xFFFF  }
0x33c: {  	_ =	strace $0x90000047  }
0x33d: {  	s0 =	stileid.u32;
	[bflag:$0x2] =	sbarrier.arrive $0xFFFF  }
0x33e: {  	p0 =	sne.s32 s0, $0x0;
	s0 =	rddreg [dreg:$0x4]  }
0x33f: {  	s0 =	sadd.s32 @!p0 $0x100000, s0  }
0x340: {  	[sflag:s0] =	ssyncadd.tile.s32 @!p0 $0x1;
	_ =	shalt  }
.Lfunc_end2:
_tile_overlayer_lowered:
.L_overlay_start_2:
0x341: {  	(tag) =	ssettag $0x2  }
0x342: {  	s0 =	rddreg [dreg:$0x0];
	s2 =	stileid.u32  }
0x343: {  	s1 =	rddreg [dreg:$0x1];
	p0 =	sne.s32 s2, $0x0  }
0x344: {  	s3 =	rddreg [dreg:$0x2];
	[bflag:$0x3] =	sbarrier.arrive $0xFFFF;
	s2 =	simm.s32 @!p0 $0x1C07  }
0x345: {  	[timem:s3], [sflag:s2] =	dma.local @!p0 [hbm:s0], s1  }
0x346: {  	s0 =	simm.s32 @!p0 $0x7  }
0x347: {  	_ =	swait.ge @!p0 [sflag:s0], s1  }
0x348: {  	s1 =	ssub.s32 @!p0 $0x0, s1;
	[sflag:s0] =	ssyncset.done @!p0 $0x0  }
0x349: {  	[sflag:s0] =	ssyncadd.s32 @!p0 s1  }
0x34a: {  	[bflag:$0x3] =	sbarrier.arrive $0xFFFF  }
0x34b: {  	_ =	shalt  }

</sc_bundles>
